<compile_context>
chip_gen: v7x
topology: tpu7x:2x2x1
jax: 0.10.2.dev20260603
libtpu: 0.0.44.dev20260713+nightly
codegen_flags: <defaults>
</compile_context>

<pallas_src>
import functools
import math

import jax
import jax.numpy as jnp
from jax import lax
from jax.experimental import pallas as pl
from jax.experimental.pallas import tpu as pltpu
from jax.experimental.pallas import tpu_sc as plsc

_BINS = 64
_EDGES = 65
_HW = 384 * 384
_LANES = 128
_ROWS = _HW // _LANES
_PLANES = 6
_NT = 2 * _PLANES
_HALF_SD = 100.0 / (2 * _BINS)

_NSC = 2
_NTC = _NT - _NSC

_EPAD_TC = 72
_UNROLL = 8


def _tc_acc_kernel(x_ref, acc_ref):
    dvec = _HALF_SD * lax.broadcasted_iota(jnp.int32, (_EPAD_TC, 1), 0).astype(jnp.float32)

    def body(k, accs):
        tile = x_ref[0, pl.ds(k * _UNROLL, _UNROLL), :] * 50.0
        new = []
        for u in range(_UNROLL):
            row = tile[u:u + 1, :]
            t = jnp.tanh(jnp.broadcast_to(row, (_EPAD_TC, _LANES)) - dvec)
            new.append(accs[u % 2] + t if u < 2 else new[u - 2] + t)
        return (new[_UNROLL - 2], new[_UNROLL - 1])

    zero = jnp.zeros((_EPAD_TC, _LANES), jnp.float32)
    accs = lax.fori_loop(0, _ROWS // _UNROLL, body, (zero, zero))
    acc_ref[0] = accs[0] + accs[1]


_NW = 32
_SLICE = _HW // _NW
_VREGS = _SLICE // 16
_ECHUNK = 13
_EPAD_SC = 80
_CEDGE = [math.exp(0.78125 * j) for j in range(_EDGES)]


def _sc_hist_kernel(x_hbm, out_hbm, xbuf, vbuf, accbuf):
    c = lax.axis_index("c")
    s = lax.axis_index("s")
    wid = s * 2 + c

    zero16 = jnp.zeros((16,), jnp.float32)
    for pt in range(_NSC):
        pltpu.sync_copy(x_hbm.at[pt, pl.ds(wid * _SLICE, _SLICE)], xbuf)

        def expbody(i, carry):
            xv = xbuf[pl.ds(i * 16, 16)]
            vbuf[pl.ds(i * 16, 16)] = jnp.exp(xv * -50.0)
            return carry

        lax.fori_loop(0, _VREGS, expbody, 0)

        for chunk in range(5):
            base = chunk * _ECHUNK

            def body(i, accs):
                v = vbuf[pl.ds(i * 16, 16)]
                out = []
                for k in range(_ECHUNK):
                    q = v * _CEDGE[base + k]
                    out.append(accs[k] + 1.0 / (1.0 + q * q))
                return tuple(out)

            accs = lax.fori_loop(0, _VREGS, body,
                                 tuple(zero16 for _ in range(_ECHUNK)))
            for k in range(_ECHUNK):
                accbuf[pl.ds((pt * _EPAD_SC + base + k) * 16, 16)] = accs[k]
        for j in range(_EDGES, _EPAD_SC):
            accbuf[pl.ds((pt * _EPAD_SC + j) * 16, 16)] = zero16

    pltpu.sync_copy(accbuf, out_hbm.at[wid])


_sc_hist = functools.partial(
    pl.kernel,
    out_type=jax.ShapeDtypeStruct((_NW, _NSC * _EPAD_SC * 16), jnp.float32),
    mesh=plsc.VectorSubcoreMesh(core_axis_name="c", subcore_axis_name="s"),
    scratch_types=[
        pltpu.VMEM((_SLICE,), jnp.float32),
        pltpu.VMEM((_SLICE,), jnp.float32),
        pltpu.VMEM((_NSC * _EPAD_SC * 16,), jnp.float32),
    ],
)(_sc_hist_kernel)


def _loss_kernel(sc_ref, tc_ref, loss_ref):
    def sc_col(i):
        blk = sc_ref[pl.ds(i * _EPAD_SC, _EPAD_SC), :]
        return jnp.sum(blk, axis=1, keepdims=True)

    def tc_col(i):
        blk = tc_ref[pl.ds(i * _EPAD_TC, _EPAD_TC), :]
        return 0.5 * jnp.sum(blk, axis=1, keepdims=True)

    total = jnp.zeros((1, 1), jnp.float32)
    for p in range(_PLANES):
        t_o = sc_col(p) if p < _NSC else tc_col(p - _NSC)
        t_t = tc_col(_PLANES - _NSC + p)
        d_o = t_o[0:_BINS] - t_o[1:_EDGES]
        d_t = t_t[0:_BINS] - t_t[1:_EDGES]
        total = total + jnp.full((1, 1), jnp.sum(jnp.abs(d_o - d_t)))
    loss_ref[...] = total * (1.0 / (_PLANES * _BINS * _HW))


@jax.jit
def kernel(output, target):
    o = output.reshape(_PLANES, _ROWS, _LANES)
    t = target.reshape(_PLANES, _ROWS, _LANES)
    x_sc = output.reshape(_PLANES, _HW)[:_NSC]
    x_tc = jnp.concatenate([o[_NSC:], t], axis=0)

    parts = _sc_hist(x_sc).reshape(_NW, _NSC, _EPAD_SC, 16)
    acc_sc = jnp.transpose(parts, (1, 2, 0, 3)).reshape(_NSC, _EPAD_SC, _NW * 16)

    acc_tc = pl.pallas_call(
        _tc_acc_kernel,
        grid=(_NTC,),
        in_specs=[pl.BlockSpec((1, _ROWS, _LANES), lambda p: (p, 0, 0))],
        out_specs=pl.BlockSpec((1, _EPAD_TC, _LANES), lambda p: (p, 0, 0)),
        out_shape=jax.ShapeDtypeStruct((_NTC, _EPAD_TC, _LANES), jnp.float32),
    )(x_tc)

    loss = pl.pallas_call(
        _loss_kernel,
        out_shape=jax.ShapeDtypeStruct((1, 1), jnp.float32),
    )(acc_sc.reshape(_NSC * _EPAD_SC, _NW * 16),
      acc_tc.reshape(_NTC * _EPAD_TC, _LANES))
    return loss[0, 0]

# --- scband reference (transcript-rebuilt; emitter-appended) ---
"""Pipeline reference for scband-histogram-loss-26079041421745 (READ-ONLY COPY).

The authoritative reference and input builder live on the scoring server;
editing this copy changes nothing except your own understanding.
"""

import jax, jax.numpy as jnp
import numpy as np

BINS = 64
MIN_V = 0.0
MAX_V = 1.0
SIGMA = 100.0


def soft_histogram(x, bins, min_value, max_value, sigma):
    # x: [N, H, W] -> hist: [N, bins]
    delta = (max_value - min_value) / bins
    centers = min_value + delta * (jnp.arange(bins, dtype=x.dtype) + 0.5)  # [bins]
    xf = x.reshape(x.shape[0], 1, -1)  # [N, 1, HW]
    diff = xf - centers[None, :, None]  # [N, bins, HW]
    hist = jax.nn.sigmoid(sigma * (diff + delta / 2)) - jax.nn.sigmoid(sigma * (diff - delta / 2))
    return hist.sum(axis=-1)  # [N, bins]


def setup_inputs(seed: int = 0) -> dict:
    key = jax.random.key(seed)
    k1, k2 = jax.random.split(key)
    output = jax.random.uniform(k1, (2, 3, 384, 384), dtype=jnp.float32)
    target = jax.random.uniform(k2, (2, 3, 384, 384), dtype=jnp.float32)
    return {"output": output, "target": target}


def reference(output, target):
    B, C, H, W = output.shape
    o = output.reshape(B * C, H, W)
    t = target.reshape(B * C, H, W)
    output_hist = soft_histogram(o, BINS, MIN_V, MAX_V, SIGMA).reshape(B, C, BINS)
    target_hist = soft_histogram(t, BINS, MIN_V, MAX_V, SIGMA).reshape(B, C, BINS)
    # normalize is True -> factor = max(1, H*W)
    factor = max(1, H * W)
    output_hist = output_hist / factor
    target_hist = target_hist / factor
    # l1 loss with default mean reduction
    return jnp.mean(jnp.abs(output_hist - target_hist))

if __name__ == "__main__":
    import jax
    _d = setup_inputs()
    print(jax.jit(kernel)(*tuple(_d.values())))

</pallas_src>

<mosaic_0001>
#map = affine_map<(d0, d1) -> (0, 0)>
module attributes {stable_mosaic.version = 14 : i64} {
  func.func @_sc_hist_kernel(%arg0: i32, %arg1: i32, %arg2: memref<2x147456xf32, #tpu.memory_space<hbm>>, %arg3: memref<32x2560xf32, #tpu.memory_space<hbm>>, %arg4: memref<4608xf32, #tpu.memory_space<vmem>>, %arg5: memref<4608xf32, #tpu.memory_space<vmem>>, %arg6: memref<2560xf32, #tpu.memory_space<vmem>>) attributes {dimension_semantics = [#tpu.dimension_semantics<core_parallel>, #tpu.dimension_semantics<subcore_parallel>], iteration_bounds = array<i64: 2, 16>, scalar_prefetch = 0 : i64, scratch_operands = 3 : i64, tpu.core_type = #tpu.core_type<sc_vector_subcore>, window_params = [{transform_indices = #map}, {transform_indices = #map}]} {
    %mul3A = arith.constant 2 : i32
    %mul3A_0 = arith.muli %arg1, %mul3A : i32
    %add3A = arith.addi %mul3A_0, %arg0 : i32
    %broadcast_in_dim3A = arith.constant 0.000000e+00 : f32
    %broadcast_in_dim3A_1 = vector.broadcast %broadcast_in_dim3A : f32 to vector<16xf32>
    %mul3A_2 = arith.constant 4608 : i32
    %mul3A_3 = arith.muli %add3A, %mul3A_2 : i32
    %run_scoped3A = arith.constant 0 : i32
    "tpu.region"() ({
      %run_scoped3A_717 = tpu.sem_alloc : memref<!tpu.dma_semaphore, #tpu.memory_space<semaphore_mem>>
      %dma_start3A = tpu.memref_slice %arg2[%run_scoped3A, %mul3A_3] : memref<2x147456xf32, #tpu.memory_space<hbm>> -> memref<1x4608xf32, #tpu.memory_space<hbm>>
      %dma_start3A_718 = tpu.memref_squeeze %dma_start3A : memref<1x4608xf32, #tpu.memory_space<hbm>> -> memref<4608xf32, #tpu.memory_space<hbm>>
      %dma_start3A_719 = tpu.memref_slice %arg2[%run_scoped3A, %mul3A_3] : memref<2x147456xf32, #tpu.memory_space<hbm>> -> memref<1x4608xf32, #tpu.memory_space<hbm>>
      %dma_start3A_720 = tpu.memref_squeeze %dma_start3A_719 : memref<1x4608xf32, #tpu.memory_space<hbm>> -> memref<4608xf32, #tpu.memory_space<hbm>>
      tpu.enqueue_dma source(%dma_start3A_720 : memref<4608xf32, #tpu.memory_space<hbm>>) target(%arg4 : memref<4608xf32, #tpu.memory_space<vmem>>) target_semaphore(%run_scoped3A_717 : memref<!tpu.dma_semaphore, #tpu.memory_space<semaphore_mem>>)
      %dma_wait3A = tpu.memref_slice %arg2[%run_scoped3A, %mul3A_3] : memref<2x147456xf32, #tpu.memory_space<hbm>> -> memref<1x4608xf32, #tpu.memory_space<hbm>>
      %dma_wait3A_721 = tpu.memref_squeeze %dma_wait3A : memref<1x4608xf32, #tpu.memory_space<hbm>> -> memref<4608xf32, #tpu.memory_space<hbm>>
      %dma_wait3A_722 = tpu.memref_slice %arg2[%run_scoped3A, %mul3A_3] : memref<2x147456xf32, #tpu.memory_space<hbm>> -> memref<1x4608xf32, #tpu.memory_space<hbm>>
      %dma_wait3A_723 = tpu.memref_squeeze %dma_wait3A_722 : memref<1x4608xf32, #tpu.memory_space<hbm>> -> memref<4608xf32, #tpu.memory_space<hbm>>
      tpu.wait_dma2 semaphore(%run_scoped3A_717 : memref<!tpu.dma_semaphore, #tpu.memory_space<semaphore_mem>>) src(%dma_wait3A_723 : memref<4608xf32, #tpu.memory_space<hbm>>) dst(%arg4 : memref<4608xf32, #tpu.memory_space<vmem>>)
      tpu.yield
    }) : () -> ()
    %scan3A = arith.constant 0 : i32
    %scan3A_4 = arith.constant 0 : i32
    %scan3A_5 = arith.constant 288 : i32
    %scan3A_6 = arith.addi %scan3A_4, %scan3A_5 : i32
    %scan3A_7 = arith.constant 1 : i32
    scf.for %scan3A_717 = %scan3A_4 to %scan3A_6 step %scan3A_7  : i32 {
      %mul3A_718 = arith.constant 16 : i32
      %mul3A_719 = arith.muli %scan3A_717, %mul3A_718 : i32
      %get3A = arith.index_cast %mul3A_719 : i32 to index
      %get3A_720 = tpu.vector_load %arg4[%get3A] {strides = array<i32>} : memref<4608xf32, #tpu.memory_space<vmem>>, vector<16xf32>,
      %get3A_721 = vector.shape_cast %get3A_720 : vector<16xf32> to vector<16xf32>
      %mul3A_722 = arith.constant -5.000000e+01 : f32
      %mul3A_723 = vector.broadcast %mul3A_722 : f32 to vector<16xf32>
      %mul3A_724 = arith.mulf %get3A_721, %mul3A_723 : vector<16xf32>
      %exp3A = math.exp %mul3A_724 : vector<16xf32>
      %mul3A_725 = arith.constant 16 : i32
      %mul3A_726 = arith.muli %scan3A_717, %mul3A_725 : i32
      %swap3A_727 = arith.index_cast %mul3A_726 : i32 to index
      %swap3A_728 = tpu.vector_load %arg5[%swap3A_727] {strides = array<i32>} : memref<4608xf32, #tpu.memory_space<vmem>>, vector<16xf32>,
      %swap3A_729 = vector.shape_cast %swap3A_728 : vector<16xf32> to vector<16xf32>
      %swap3A_730 = vector.shape_cast %exp3A : vector<16xf32> to vector<16xf32>
      tpu.vector_store %arg5[%swap3A_727], %swap3A_730 {strides = array<i32>} : memref<4608xf32, #tpu.memory_space<vmem>>, vector<16xf32>,
    }
    %scan3A_8 = arith.constant 288 : i32
    %scan3A_9 = arith.constant 0 : i32
    %scan3A_10 = arith.constant 288 : i32
    %scan3A_11 = arith.addi %scan3A_9, %scan3A_10 : i32
    %scan3A_12 = arith.constant 1 : i32
    %scan3A_13:13 = scf.for %scan3A_717 = %scan3A_9 to %scan3A_11 step %scan3A_12 iter_args(%scan3A_718 = %broadcast_in_dim3A_1, %scan3A_719 = %broadcast_in_dim3A_1, %scan3A_720 = %broadcast_in_dim3A_1, %scan3A_721 = %broadcast_in_dim3A_1, %scan3A_722 = %broadcast_in_dim3A_1, %scan3A_723 = %broadcast_in_dim3A_1, %scan3A_724 = %broadcast_in_dim3A_1, %scan3A_725 = %broadcast_in_dim3A_1, %scan3A_726 = %broadcast_in_dim3A_1, %scan3A_727 = %broadcast_in_dim3A_1, %scan3A_728 = %broadcast_in_dim3A_1, %scan3A_729 = %broadcast_in_dim3A_1, %scan3A_730 = %broadcast_in_dim3A_1) -> (vector<16xf32>, vector<16xf32>, vector<16xf32>, vector<16xf32>, vector<16xf32>, vector<16xf32>, vector<16xf32>, vector<16xf32>, vector<16xf32>, vector<16xf32>, vector<16xf32>, vector<16xf32>, vector<16xf32>)  : i32 {
      %mul3A_731 = arith.constant 16 : i32
      %mul3A_732 = arith.muli %scan3A_717, %mul3A_731 : i32
      %get3A = arith.index_cast %mul3A_732 : i32 to index
      %get3A_733 = tpu.vector_load %arg5[%get3A] {strides = array<i32>} : memref<4608xf32, #tpu.memory_space<vmem>>, vector<16xf32>,
      %get3A_734 = vector.shape_cast %get3A_733 : vector<16xf32> to vector<16xf32>
      %mul3A_735 = arith.constant 1.000000e+00 : f32
      %mul3A_736 = vector.broadcast %mul3A_735 : f32 to vector<16xf32>
      %mul3A_737 = arith.mulf %get3A_734, %mul3A_736 : vector<16xf32>
      %mul3A_738 = arith.mulf %mul3A_737, %mul3A_737 : vector<16xf32>
      %add3A_739 = arith.constant 1.000000e+00 : f32
      %add3A_740 = vector.broadcast %add3A_739 : f32 to vector<16xf32>
      %add3A_741 = arith.addf %add3A_740, %mul3A_738 : vector<16xf32>
      %div3A = arith.constant 1.000000e+00 : f32
      %div3A_742 = vector.broadcast %div3A : f32 to vector<16xf32>
      %div3A_743 = arith.divf %div3A_742, %add3A_741 : vector<16xf32>
      %add3A_744 = arith.addf %scan3A_718, %div3A_743 : vector<16xf32>
      %mul3A_745 = arith.constant 2.18420076 : f32
      %mul3A_746 = vector.broadcast %mul3A_745 : f32 to vector<16xf32>
      %mul3A_747 = arith.mulf %get3A_734, %mul3A_746 : vector<16xf32>
      %mul3A_748 = arith.mulf %mul3A_747, %mul3A_747 : vector<16xf32>
      %add3A_749 = arith.constant 1.000000e+00 : f32
      %add3A_750 = vector.broadcast %add3A_749 : f32 to vector<16xf32>
      %add3A_751 = arith.addf %add3A_750, %mul3A_748 : vector<16xf32>
      %div3A_752 = arith.constant 1.000000e+00 : f32
      %div3A_753 = vector.broadcast %div3A_752 : f32 to vector<16xf32>
      %div3A_754 = arith.divf %div3A_753, %add3A_751 : vector<16xf32>
      %add3A_755 = arith.addf %scan3A_719, %div3A_754 : vector<16xf32>
      %mul3A_756 = arith.constant 4.77073336 : f32
      %mul3A_757 = vector.broadcast %mul3A_756 : f32 to vector<16xf32>
      %mul3A_758 = arith.mulf %get3A_734, %mul3A_757 : vector<16xf32>
      %mul3A_759 = arith.mulf %mul3A_758, %mul3A_758 : vector<16xf32>
      %add3A_760 = arith.constant 1.000000e+00 : f32
      %add3A_761 = vector.broadcast %add3A_760 : f32 to vector<16xf32>
      %add3A_762 = arith.addf %add3A_761, %mul3A_759 : vector<16xf32>
      %div3A_763 = arith.constant 1.000000e+00 : f32
      %div3A_764 = vector.broadcast %div3A_763 : f32 to vector<16xf32>
      %div3A_765 = arith.divf %div3A_764, %add3A_762 : vector<16xf32>
      %add3A_766 = arith.addf %scan3A_720, %div3A_765 : vector<16xf32>
      %mul3A_767 = arith.constant 10.4202394 : f32
      %mul3A_768 = vector.broadcast %mul3A_767 : f32 to vector<16xf32>
      %mul3A_769 = arith.mulf %get3A_734, %mul3A_768 : vector<16xf32>
      %mul3A_770 = arith.mulf %mul3A_769, %mul3A_769 : vector<16xf32>
      %add3A_771 = arith.constant 1.000000e+00 : f32
      %add3A_772 = vector.broadcast %add3A_771 : f32 to vector<16xf32>
      %add3A_773 = arith.addf %add3A_772, %mul3A_770 : vector<16xf32>
      %div3A_774 = arith.constant 1.000000e+00 : f32
      %div3A_775 = vector.broadcast %div3A_774 : f32 to vector<16xf32>
      %div3A_776 = arith.divf %div3A_775, %add3A_773 : vector<16xf32>
      %add3A_777 = arith.addf %scan3A_721, %div3A_776 : vector<16xf32>
      %mul3A_778 = arith.constant 22.7598953 : f32
      %mul3A_779 = vector.broadcast %mul3A_778 : f32 to vector<16xf32>
      %mul3A_780 = arith.mulf %get3A_734, %mul3A_779 : vector<16xf32>
      %mul3A_781 = arith.mulf %mul3A_780, %mul3A_780 : vector<16xf32>
      %add3A_782 = arith.constant 1.000000e+00 : f32
      %add3A_783 = vector.broadcast %add3A_782 : f32 to vector<16xf32>
      %add3A_784 = arith.addf %add3A_783, %mul3A_781 : vector<16xf32>
      %div3A_785 = arith.constant 1.000000e+00 : f32
      %div3A_786 = vector.broadcast %div3A_785 : f32 to vector<16xf32>
      %div3A_787 = arith.divf %div3A_786, %add3A_784 : vector<16xf32>
      %add3A_788 = arith.addf %scan3A_722, %div3A_787 : vector<16xf32>
      %mul3A_789 = arith.constant 49.7121811 : f32
      %mul3A_790 = vector.broadcast %mul3A_789 : f32 to vector<16xf32>
      %mul3A_791 = arith.mulf %get3A_734, %mul3A_790 : vector<16xf32>
      %mul3A_792 = arith.mulf %mul3A_791, %mul3A_791 : vector<16xf32>
      %add3A_793 = arith.constant 1.000000e+00 : f32
      %add3A_794 = vector.broadcast %add3A_793 : f32 to vector<16xf32>
      %add3A_795 = arith.addf %add3A_794, %mul3A_792 : vector<16xf32>
      %div3A_796 = arith.constant 1.000000e+00 : f32
      %div3A_797 = vector.broadcast %div3A_796 : f32 to vector<16xf32>
      %div3A_798 = arith.divf %div3A_797, %add3A_795 : vector<16xf32>
      %add3A_799 = arith.addf %scan3A_723, %div3A_798 : vector<16xf32>
      %mul3A_800 = arith.constant 108.58139 : f32
      %mul3A_801 = vector.broadcast %mul3A_800 : f32 to vector<16xf32>
      %mul3A_802 = arith.mulf %get3A_734, %mul3A_801 : vector<16xf32>
      %mul3A_803 = arith.mulf %mul3A_802, %mul3A_802 : vector<16xf32>
      %add3A_804 = arith.constant 1.000000e+00 : f32
      %add3A_805 = vector.broadcast %add3A_804 : f32 to vector<16xf32>
      %add3A_806 = arith.addf %add3A_805, %mul3A_803 : vector<16xf32>
      %div3A_807 = arith.constant 1.000000e+00 : f32
      %div3A_808 = vector.broadcast %div3A_807 : f32 to vector<16xf32>
      %div3A_809 = arith.divf %div3A_808, %add3A_806 : vector<16xf32>
      %add3A_810 = arith.addf %scan3A_724, %div3A_809 : vector<16xf32>
      %mul3A_811 = arith.constant 237.163559 : f32
      %mul3A_812 = vector.broadcast %mul3A_811 : f32 to vector<16xf32>
      %mul3A_813 = arith.mulf %get3A_734, %mul3A_812 : vector<16xf32>
      %mul3A_814 = arith.mulf %mul3A_813, %mul3A_813 : vector<16xf32>
      %add3A_815 = arith.constant 1.000000e+00 : f32
      %add3A_816 = vector.broadcast %add3A_815 : f32 to vector<16xf32>
      %add3A_817 = arith.addf %add3A_816, %mul3A_814 : vector<16xf32>
      %div3A_818 = arith.constant 1.000000e+00 : f32
      %div3A_819 = vector.broadcast %div3A_818 : f32 to vector<16xf32>
      %div3A_820 = arith.divf %div3A_819, %add3A_817 : vector<16xf32>
      %add3A_821 = arith.addf %scan3A_725, %div3A_820 : vector<16xf32>
      %mul3A_822 = arith.constant 518.012817 : f32
      %mul3A_823 = vector.broadcast %mul3A_822 : f32 to vector<16xf32>
      %mul3A_824 = arith.mulf %get3A_734, %mul3A_823 : vector<16xf32>
      %mul3A_825 = arith.mulf %mul3A_824, %mul3A_824 : vector<16xf32>
      %add3A_826 = arith.constant 1.000000e+00 : f32
      %add3A_827 = vector.broadcast %add3A_826 : f32 to vector<16xf32>
      %add3A_828 = arith.addf %add3A_827, %mul3A_825 : vector<16xf32>
      %div3A_829 = arith.constant 1.000000e+00 : f32
      %div3A_830 = vector.broadcast %div3A_829 : f32 to vector<16xf32>
      %div3A_831 = arith.divf %div3A_830, %add3A_828 : vector<16xf32>
      %add3A_832 = arith.addf %scan3A_726, %div3A_831 : vector<16xf32>
      %mul3A_833 = arith.constant 1131.44409 : f32
      %mul3A_834 = vector.broadcast %mul3A_833 : f32 to vector<16xf32>
      %mul3A_835 = arith.mulf %get3A_734, %mul3A_834 : vector<16xf32>
      %mul3A_836 = arith.mulf %mul3A_835, %mul3A_835 : vector<16xf32>
      %add3A_837 = arith.constant 1.000000e+00 : f32
      %add3A_838 = vector.broadcast %add3A_837 : f32 to vector<16xf32>
      %add3A_839 = arith.addf %add3A_838, %mul3A_836 : vector<16xf32>
      %div3A_840 = arith.constant 1.000000e+00 : f32
      %div3A_841 = vector.broadcast %div3A_840 : f32 to vector<16xf32>
      %div3A_842 = arith.divf %div3A_841, %add3A_839 : vector<16xf32>
      %add3A_843 = arith.addf %scan3A_727, %div3A_842 : vector<16xf32>
      %mul3A_844 = arith.constant 2471.30103 : f32
      %mul3A_845 = vector.broadcast %mul3A_844 : f32 to vector<16xf32>
      %mul3A_846 = arith.mulf %get3A_734, %mul3A_845 : vector<16xf32>
      %mul3A_847 = arith.mulf %mul3A_846, %mul3A_846 : vector<16xf32>
      %add3A_848 = arith.constant 1.000000e+00 : f32
      %add3A_849 = vector.broadcast %add3A_848 : f32 to vector<16xf32>
      %add3A_850 = arith.addf %add3A_849, %mul3A_847 : vector<16xf32>
      %div3A_851 = arith.constant 1.000000e+00 : f32
      %div3A_852 = vector.broadcast %div3A_851 : f32 to vector<16xf32>
      %div3A_853 = arith.divf %div3A_852, %add3A_850 : vector<16xf32>
      %add3A_854 = arith.addf %scan3A_728, %div3A_853 : vector<16xf32>
      %mul3A_855 = arith.constant 5397.81738 : f32
      %mul3A_856 = vector.broadcast %mul3A_855 : f32 to vector<16xf32>
      %mul3A_857 = arith.mulf %get3A_734, %mul3A_856 : vector<16xf32>
      %mul3A_858 = arith.mulf %mul3A_857, %mul3A_857 : vector<16xf32>
      %add3A_859 = arith.constant 1.000000e+00 : f32
      %add3A_860 = vector.broadcast %add3A_859 : f32 to vector<16xf32>
      %add3A_861 = arith.addf %add3A_860, %mul3A_858 : vector<16xf32>
      %div3A_862 = arith.constant 1.000000e+00 : f32
      %div3A_863 = vector.broadcast %div3A_862 : f32 to vector<16xf32>
      %div3A_864 = arith.divf %div3A_863, %add3A_861 : vector<16xf32>
      %add3A_865 = arith.addf %scan3A_729, %div3A_864 : vector<16xf32>
      %mul3A_866 = arith.constant 11789.918 : f32
      %mul3A_867 = vector.broadcast %mul3A_866 : f32 to vector<16xf32>
      %mul3A_868 = arith.mulf %get3A_734, %mul3A_867 : vector<16xf32>
      %mul3A_869 = arith.mulf %mul3A_868, %mul3A_868 : vector<16xf32>
      %add3A_870 = arith.constant 1.000000e+00 : f32
      %add3A_871 = vector.broadcast %add3A_870 : f32 to vector<16xf32>
      %add3A_872 = arith.addf %add3A_871, %mul3A_869 : vector<16xf32>
      %div3A_873 = arith.constant 1.000000e+00 : f32
      %div3A_874 = vector.broadcast %div3A_873 : f32 to vector<16xf32>
      %div3A_875 = arith.divf %div3A_874, %add3A_872 : vector<16xf32>
      %add3A_876 = arith.addf %scan3A_730, %div3A_875 : vector<16xf32>
      scf.yield %add3A_744, %add3A_755, %add3A_766, %add3A_777, %add3A_788, %add3A_799, %add3A_810, %add3A_821, %add3A_832, %add3A_843, %add3A_854, %add3A_865, %add3A_876 : vector<16xf32>, vector<16xf32>, vector<16xf32>, vector<16xf32>, vector<16xf32>, vector<16xf32>, vector<16xf32>, vector<16xf32>, vector<16xf32>, vector<16xf32>, vector<16xf32>, vector<16xf32>, vector<16xf32>
    }
    %scan3A_14 = arith.constant 288 : i32
    %swap3A = arith.constant 0 : index
    %swap3A_15 = tpu.vector_load %arg6[%swap3A] {strides = array<i32>} : memref<2560xf32, #tpu.memory_space<vmem>>, vector<16xf32>,
    %swap3A_16 = vector.shape_cast %swap3A_15 : vector<16xf32> to vector<16xf32>
    %swap3A_17 = vector.shape_cast %scan3A_13#0 : vector<16xf32> to vector<16xf32>
    tpu.vector_store %arg6[%swap3A], %swap3A_17 {strides = array<i32>} : memref<2560xf32, #tpu.memory_space<vmem>>, vector<16xf32>,
    %swap3A_18 = arith.constant 16 : index
    %swap3A_19 = tpu.vector_load %arg6[%swap3A_18] {strides = array<i32>} : memref<2560xf32, #tpu.memory_space<vmem>>, vector<16xf32>,
    %swap3A_20 = vector.shape_cast %swap3A_19 : vector<16xf32> to vector<16xf32>
    %swap3A_21 = vector.shape_cast %scan3A_13#1 : vector<16xf32> to vector<16xf32>
    tpu.vector_store %arg6[%swap3A_18], %swap3A_21 {strides = array<i32>} : memref<2560xf32, #tpu.memory_space<vmem>>, vector<16xf32>,
    %swap3A_22 = arith.constant 32 : index
    %swap3A_23 = tpu.vector_load %arg6[%swap3A_22] {strides = array<i32>} : memref<2560xf32, #tpu.memory_space<vmem>>, vector<16xf32>,
    %swap3A_24 = vector.shape_cast %swap3A_23 : vector<16xf32> to vector<16xf32>
    %swap3A_25 = vector.shape_cast %scan3A_13#2 : vector<16xf32> to vector<16xf32>
    tpu.vector_store %arg6[%swap3A_22], %swap3A_25 {strides = array<i32>} : memref<2560xf32, #tpu.memory_space<vmem>>, vector<16xf32>,
    %swap3A_26 = arith.constant 48 : index
    %swap3A_27 = tpu.vector_load %arg6[%swap3A_26] {strides = array<i32>} : memref<2560xf32, #tpu.memory_space<vmem>>, vector<16xf32>,
    %swap3A_28 = vector.shape_cast %swap3A_27 : vector<16xf32> to vector<16xf32>
    %swap3A_29 = vector.shape_cast %scan3A_13#3 : vector<16xf32> to vector<16xf32>
    tpu.vector_store %arg6[%swap3A_26], %swap3A_29 {strides = array<i32>} : memref<2560xf32, #tpu.memory_space<vmem>>, vector<16xf32>,
    %swap3A_30 = arith.constant 64 : index
    %swap3A_31 = tpu.vector_load %arg6[%swap3A_30] {strides = array<i32>} : memref<2560xf32, #tpu.memory_space<vmem>>, vector<16xf32>,
    %swap3A_32 = vector.shape_cast %swap3A_31 : vector<16xf32> to vector<16xf32>
    %swap3A_33 = vector.shape_cast %scan3A_13#4 : vector<16xf32> to vector<16xf32>
    tpu.vector_store %arg6[%swap3A_30], %swap3A_33 {strides = array<i32>} : memref<2560xf32, #tpu.memory_space<vmem>>, vector<16xf32>,
    %swap3A_34 = arith.constant 80 : index
    %swap3A_35 = tpu.vector_load %arg6[%swap3A_34] {strides = array<i32>} : memref<2560xf32, #tpu.memory_space<vmem>>, vector<16xf32>,
    %swap3A_36 = vector.shape_cast %swap3A_35 : vector<16xf32> to vector<16xf32>
    %swap3A_37 = vector.shape_cast %scan3A_13#5 : vector<16xf32> to vector<16xf32>
    tpu.vector_store %arg6[%swap3A_34], %swap3A_37 {strides = array<i32>} : memref<2560xf32, #tpu.memory_space<vmem>>, vector<16xf32>,
    %swap3A_38 = arith.constant 96 : index
    %swap3A_39 = tpu.vector_load %arg6[%swap3A_38] {strides = array<i32>} : memref<2560xf32, #tpu.memory_space<vmem>>, vector<16xf32>,
    %swap3A_40 = vector.shape_cast %swap3A_39 : vector<16xf32> to vector<16xf32>
    %swap3A_41 = vector.shape_cast %scan3A_13#6 : vector<16xf32> to vector<16xf32>
    tpu.vector_store %arg6[%swap3A_38], %swap3A_41 {strides = array<i32>} : memref<2560xf32, #tpu.memory_space<vmem>>, vector<16xf32>,
    %swap3A_42 = arith.constant 112 : index
    %swap3A_43 = tpu.vector_load %arg6[%swap3A_42] {strides = array<i32>} : memref<2560xf32, #tpu.memory_space<vmem>>, vector<16xf32>,
    %swap3A_44 = vector.shape_cast %swap3A_43 : vector<16xf32> to vector<16xf32>
    %swap3A_45 = vector.shape_cast %scan3A_13#7 : vector<16xf32> to vector<16xf32>
    tpu.vector_store %arg6[%swap3A_42], %swap3A_45 {strides = array<i32>} : memref<2560xf32, #tpu.memory_space<vmem>>, vector<16xf32>,
    %swap3A_46 = arith.constant 128 : index
    %swap3A_47 = tpu.vector_load %arg6[%swap3A_46] {strides = array<i32>} : memref<2560xf32, #tpu.memory_space<vmem>>, vector<16xf32>,
    %swap3A_48 = vector.shape_cast %swap3A_47 : vector<16xf32> to vector<16xf32>
    %swap3A_49 = vector.shape_cast %scan3A_13#8 : vector<16xf32> to vector<16xf32>
    tpu.vector_store %arg6[%swap3A_46], %swap3A_49 {strides = array<i32>} : memref<2560xf32, #tpu.memory_space<vmem>>, vector<16xf32>,
    %swap3A_50 = arith.constant 144 : index
    %swap3A_51 = tpu.vector_load %arg6[%swap3A_50] {strides = array<i32>} : memref<2560xf32, #tpu.memory_space<vmem>>, vector<16xf32>,
    %swap3A_52 = vector.shape_cast %swap3A_51 : vector<16xf32> to vector<16xf32>
    %swap3A_53 = vector.shape_cast %scan3A_13#9 : vector<16xf32> to vector<16xf32>
    tpu.vector_store %arg6[%swap3A_50], %swap3A_53 {strides = array<i32>} : memref<2560xf32, #tpu.memory_space<vmem>>, vector<16xf32>,
    %swap3A_54 = arith.constant 160 : index
    %swap3A_55 = tpu.vector_load %arg6[%swap3A_54] {strides = array<i32>} : memref<2560xf32, #tpu.memory_space<vmem>>, vector<16xf32>,
    %swap3A_56 = vector.shape_cast %swap3A_55 : vector<16xf32> to vector<16xf32>
    %swap3A_57 = vector.shape_cast %scan3A_13#10 : vector<16xf32> to vector<16xf32>
    tpu.vector_store %arg6[%swap3A_54], %swap3A_57 {strides = array<i32>} : memref<2560xf32, #tpu.memory_space<vmem>>, vector<16xf32>,
    %swap3A_58 = arith.constant 176 : index
    %swap3A_59 = tpu.vector_load %arg6[%swap3A_58] {strides = array<i32>} : memref<2560xf32, #tpu.memory_space<vmem>>, vector<16xf32>,
    %swap3A_60 = vector.shape_cast %swap3A_59 : vector<16xf32> to vector<16xf32>
    %swap3A_61 = vector.shape_cast %scan3A_13#11 : vector<16xf32> to vector<16xf32>
    tpu.vector_store %arg6[%swap3A_58], %swap3A_61 {strides = array<i32>} : memref<2560xf32, #tpu.memory_space<vmem>>, vector<16xf32>,
    %swap3A_62 = arith.constant 192 : index
    %swap3A_63 = tpu.vector_load %arg6[%swap3A_62] {strides = array<i32>} : memref<2560xf32, #tpu.memory_space<vmem>>, vector<16xf32>,
    %swap3A_64 = vector.shape_cast %swap3A_63 : vector<16xf32> to vector<16xf32>
    %swap3A_65 = vector.shape_cast %scan3A_13#12 : vector<16xf32> to vector<16xf32>
    tpu.vector_store %arg6[%swap3A_62], %swap3A_65 {strides = array<i32>} : memref<2560xf32, #tpu.memory_space<vmem>>, vector<16xf32>,
    %scan3A_66 = arith.constant 0 : i32
    %scan3A_67 = arith.constant 288 : i32
    %scan3A_68 = arith.addi %scan3A_66, %scan3A_67 : i32
    %scan3A_69 = arith.constant 1 : i32
    %scan3A_70:13 = scf.for %scan3A_717 = %scan3A_66 to %scan3A_68 step %scan3A_69 iter_args(%scan3A_718 = %broadcast_in_dim3A_1, %scan3A_719 = %broadcast_in_dim3A_1, %scan3A_720 = %broadcast_in_dim3A_1, %scan3A_721 = %broadcast_in_dim3A_1, %scan3A_722 = %broadcast_in_dim3A_1, %scan3A_723 = %broadcast_in_dim3A_1, %scan3A_724 = %broadcast_in_dim3A_1, %scan3A_725 = %broadcast_in_dim3A_1, %scan3A_726 = %broadcast_in_dim3A_1, %scan3A_727 = %broadcast_in_dim3A_1, %scan3A_728 = %broadcast_in_dim3A_1, %scan3A_729 = %broadcast_in_dim3A_1, %scan3A_730 = %broadcast_in_dim3A_1) -> (vector<16xf32>, vector<16xf32>, vector<16xf32>, vector<16xf32>, vector<16xf32>, vector<16xf32>, vector<16xf32>, vector<16xf32>, vector<16xf32>, vector<16xf32>, vector<16xf32>, vector<16xf32>, vector<16xf32>)  : i32 {
      %mul3A_731 = arith.constant 16 : i32
      %mul3A_732 = arith.muli %scan3A_717, %mul3A_731 : i32
      %get3A = arith.index_cast %mul3A_732 : i32 to index
      %get3A_733 = tpu.vector_load %arg5[%get3A] {strides = array<i32>} : memref<4608xf32, #tpu.memory_space<vmem>>, vector<16xf32>,
      %get3A_734 = vector.shape_cast %get3A_733 : vector<16xf32> to vector<16xf32>
      %mul3A_735 = arith.constant 25751.5469 : f32
      %mul3A_736 = vector.broadcast %mul3A_735 : f32 to vector<16xf32>
      %mul3A_737 = arith.mulf %get3A_734, %mul3A_736 : vector<16xf32>
      %mul3A_738 = arith.mulf %mul3A_737, %mul3A_737 : vector<16xf32>
      %add3A_739 = arith.constant 1.000000e+00 : f32
      %add3A_740 = vector.broadcast %add3A_739 : f32 to vector<16xf32>
      %add3A_741 = arith.addf %add3A_740, %mul3A_738 : vector<16xf32>
      %div3A = arith.constant 1.000000e+00 : f32
      %div3A_742 = vector.broadcast %div3A : f32 to vector<16xf32>
      %div3A_743 = arith.divf %div3A_742, %add3A_741 : vector<16xf32>
      %add3A_744 = arith.addf %scan3A_718, %div3A_743 : vector<16xf32>
      %mul3A_745 = arith.constant 56246.5508 : f32
      %mul3A_746 = vector.broadcast %mul3A_745 : f32 to vector<16xf32>
      %mul3A_747 = arith.mulf %get3A_734, %mul3A_746 : vector<16xf32>
      %mul3A_748 = arith.mulf %mul3A_747, %mul3A_747 : vector<16xf32>
      %add3A_749 = arith.constant 1.000000e+00 : f32
      %add3A_750 = vector.broadcast %add3A_749 : f32 to vector<16xf32>
      %add3A_751 = arith.addf %add3A_750, %mul3A_748 : vector<16xf32>
      %div3A_752 = arith.constant 1.000000e+00 : f32
      %div3A_753 = vector.broadcast %div3A_752 : f32 to vector<16xf32>
      %div3A_754 = arith.divf %div3A_753, %add3A_751 : vector<16xf32>
      %add3A_755 = arith.addf %scan3A_719, %div3A_754 : vector<16xf32>
      %mul3A_756 = arith.constant 122853.766 : f32
      %mul3A_757 = vector.broadcast %mul3A_756 : f32 to vector<16xf32>
      %mul3A_758 = arith.mulf %get3A_734, %mul3A_757 : vector<16xf32>
      %mul3A_759 = arith.mulf %mul3A_758, %mul3A_758 : vector<16xf32>
      %add3A_760 = arith.constant 1.000000e+00 : f32
      %add3A_761 = vector.broadcast %add3A_760 : f32 to vector<16xf32>
      %add3A_762 = arith.addf %add3A_761, %mul3A_759 : vector<16xf32>
      %div3A_763 = arith.constant 1.000000e+00 : f32
      %div3A_764 = vector.broadcast %div3A_763 : f32 to vector<16xf32>
      %div3A_765 = arith.divf %div3A_764, %add3A_762 : vector<16xf32>
      %add3A_766 = arith.addf %scan3A_720, %div3A_765 : vector<16xf32>
      %mul3A_767 = arith.constant 268337.281 : f32
      %mul3A_768 = vector.broadcast %mul3A_767 : f32 to vector<16xf32>
      %mul3A_769 = arith.mulf %get3A_734, %mul3A_768 : vector<16xf32>
      %mul3A_770 = arith.mulf %mul3A_769, %mul3A_769 : vector<16xf32>
      %add3A_771 = arith.constant 1.000000e+00 : f32
      %add3A_772 = vector.broadcast %add3A_771 : f32 to vector<16xf32>
      %add3A_773 = arith.addf %add3A_772, %mul3A_770 : vector<16xf32>
      %div3A_774 = arith.constant 1.000000e+00 : f32
      %div3A_775 = vector.broadcast %div3A_774 : f32 to vector<16xf32>
      %div3A_776 = arith.divf %div3A_775, %add3A_773 : vector<16xf32>
      %add3A_777 = arith.addf %scan3A_721, %div3A_776 : vector<16xf32>
      %mul3A_778 = arith.constant 586102.5 : f32
      %mul3A_779 = vector.broadcast %mul3A_778 : f32 to vector<16xf32>
      %mul3A_780 = arith.mulf %get3A_734, %mul3A_779 : vector<16xf32>
      %mul3A_781 = arith.mulf %mul3A_780, %mul3A_780 : vector<16xf32>
      %add3A_782 = arith.constant 1.000000e+00 : f32
      %add3A_783 = vector.broadcast %add3A_782 : f32 to vector<16xf32>
      %add3A_784 = arith.addf %add3A_783, %mul3A_781 : vector<16xf32>
      %div3A_785 = arith.constant 1.000000e+00 : f32
      %div3A_786 = vector.broadcast %div3A_785 : f32 to vector<16xf32>
      %div3A_787 = arith.divf %div3A_786, %add3A_784 : vector<16xf32>
      %add3A_788 = arith.addf %scan3A_722, %div3A_787 : vector<16xf32>
      %mul3A_789 = arith.constant 1280165.63 : f32
      %mul3A_790 = vector.broadcast %mul3A_789 : f32 to vector<16xf32>
      %mul3A_791 = arith.mulf %get3A_734, %mul3A_790 : vector<16xf32>
      %mul3A_792 = arith.mulf %mul3A_791, %mul3A_791 : vector<16xf32>
      %add3A_793 = arith.constant 1.000000e+00 : f32
      %add3A_794 = vector.broadcast %add3A_793 : f32 to vector<16xf32>
      %add3A_795 = arith.addf %add3A_794, %mul3A_792 : vector<16xf32>
      %div3A_796 = arith.constant 1.000000e+00 : f32
      %div3A_797 = vector.broadcast %div3A_796 : f32 to vector<16xf32>
      %div3A_798 = arith.divf %div3A_797, %add3A_795 : vector<16xf32>
      %add3A_799 = arith.addf %scan3A_723, %div3A_798 : vector<16xf32>
      %mul3A_800 = arith.constant 2796138.75 : f32
      %mul3A_801 = vector.broadcast %mul3A_800 : f32 to vector<16xf32>
      %mul3A_802 = arith.mulf %get3A_734, %mul3A_801 : vector<16xf32>
      %mul3A_803 = arith.mulf %mul3A_802, %mul3A_802 : vector<16xf32>
      %add3A_804 = arith.constant 1.000000e+00 : f32
      %add3A_805 = vector.broadcast %add3A_804 : f32 to vector<16xf32>
      %add3A_806 = arith.addf %add3A_805, %mul3A_803 : vector<16xf32>
      %div3A_807 = arith.constant 1.000000e+00 : f32
      %div3A_808 = vector.broadcast %div3A_807 : f32 to vector<16xf32>
      %div3A_809 = arith.divf %div3A_808, %add3A_806 : vector<16xf32>
      %add3A_810 = arith.addf %scan3A_724, %div3A_809 : vector<16xf32>
      %mul3A_811 = arith.constant 6107328.5 : f32
      %mul3A_812 = vector.broadcast %mul3A_811 : f32 to vector<16xf32>
      %mul3A_813 = arith.mulf %get3A_734, %mul3A_812 : vector<16xf32>
      %mul3A_814 = arith.mulf %mul3A_813, %mul3A_813 : vector<16xf32>
      %add3A_815 = arith.constant 1.000000e+00 : f32
      %add3A_816 = vector.broadcast %add3A_815 : f32 to vector<16xf32>
      %add3A_817 = arith.addf %add3A_816, %mul3A_814 : vector<16xf32>
      %div3A_818 = arith.constant 1.000000e+00 : f32
      %div3A_819 = vector.broadcast %div3A_818 : f32 to vector<16xf32>
      %div3A_820 = arith.divf %div3A_819, %add3A_817 : vector<16xf32>
      %add3A_821 = arith.addf %scan3A_725, %div3A_820 : vector<16xf32>
      %mul3A_822 = arith.constant 0x4B4B8BF0 : f32
      %mul3A_823 = vector.broadcast %mul3A_822 : f32 to vector<16xf32>
      %mul3A_824 = arith.mulf %get3A_734, %mul3A_823 : vector<16xf32>
      %mul3A_825 = arith.mulf %mul3A_824, %mul3A_824 : vector<16xf32>
      %add3A_826 = arith.constant 1.000000e+00 : f32
      %add3A_827 = vector.broadcast %add3A_826 : f32 to vector<16xf32>
      %add3A_828 = arith.addf %add3A_827, %mul3A_825 : vector<16xf32>
      %div3A_829 = arith.constant 1.000000e+00 : f32
      %div3A_830 = vector.broadcast %div3A_829 : f32 to vector<16xf32>
      %div3A_831 = arith.divf %div3A_830, %add3A_828 : vector<16xf32>
      %add3A_832 = arith.addf %scan3A_726, %div3A_831 : vector<16xf32>
      %mul3A_833 = arith.constant 0x4BDE4B19 : f32
      %mul3A_834 = vector.broadcast %mul3A_833 : f32 to vector<16xf32>
      %mul3A_835 = arith.mulf %get3A_734, %mul3A_834 : vector<16xf32>
      %mul3A_836 = arith.mulf %mul3A_835, %mul3A_835 : vector<16xf32>
      %add3A_837 = arith.constant 1.000000e+00 : f32
      %add3A_838 = vector.broadcast %add3A_837 : f32 to vector<16xf32>
      %add3A_839 = arith.addf %add3A_838, %mul3A_836 : vector<16xf32>
      %div3A_840 = arith.constant 1.000000e+00 : f32
      %div3A_841 = vector.broadcast %div3A_840 : f32 to vector<16xf32>
      %div3A_842 = arith.divf %div3A_841, %add3A_839 : vector<16xf32>
      %add3A_843 = arith.addf %scan3A_727, %div3A_842 : vector<16xf32>
      %mul3A_844 = arith.constant 0x4C72C444 : f32
      %mul3A_845 = vector.broadcast %mul3A_844 : f32 to vector<16xf32>
      %mul3A_846 = arith.mulf %get3A_734, %mul3A_845 : vector<16xf32>
      %mul3A_847 = arith.mulf %mul3A_846, %mul3A_846 : vector<16xf32>
      %add3A_848 = arith.constant 1.000000e+00 : f32
      %add3A_849 = vector.broadcast %add3A_848 : f32 to vector<16xf32>
      %add3A_850 = arith.addf %add3A_849, %mul3A_847 : vector<16xf32>
      %div3A_851 = arith.constant 1.000000e+00 : f32
      %div3A_852 = vector.broadcast %div3A_851 : f32 to vector<16xf32>
      %div3A_853 = arith.divf %div3A_852, %add3A_850 : vector<16xf32>
      %add3A_854 = arith.addf %scan3A_728, %div3A_853 : vector<16xf32>
      %mul3A_855 = arith.constant 0x4D049013 : f32
      %mul3A_856 = vector.broadcast %mul3A_855 : f32 to vector<16xf32>
      %mul3A_857 = arith.mulf %get3A_734, %mul3A_856 : vector<16xf32>
      %mul3A_858 = arith.mulf %mul3A_857, %mul3A_857 : vector<16xf32>
      %add3A_859 = arith.constant 1.000000e+00 : f32
      %add3A_860 = vector.broadcast %add3A_859 : f32 to vector<16xf32>
      %add3A_861 = arith.addf %add3A_860, %mul3A_858 : vector<16xf32>
      %div3A_862 = arith.constant 1.000000e+00 : f32
      %div3A_863 = vector.broadcast %div3A_862 : f32 to vector<16xf32>
      %div3A_864 = arith.divf %div3A_863, %add3A_861 : vector<16xf32>
      %add3A_865 = arith.addf %scan3A_729, %div3A_864 : vector<16xf32>
      %mul3A_866 = arith.constant 0x4D90C599 : f32
      %mul3A_867 = vector.broadcast %mul3A_866 : f32 to vector<16xf32>
      %mul3A_868 = arith.mulf %get3A_734, %mul3A_867 : vector<16xf32>
      %mul3A_869 = arith.mulf %mul3A_868, %mul3A_868 : vector<16xf32>
      %add3A_870 = arith.constant 1.000000e+00 : f32
      %add3A_871 = vector.broadcast %add3A_870 : f32 to vector<16xf32>
      %add3A_872 = arith.addf %add3A_871, %mul3A_869 : vector<16xf32>
      %div3A_873 = arith.constant 1.000000e+00 : f32
      %div3A_874 = vector.broadcast %div3A_873 : f32 to vector<16xf32>
      %div3A_875 = arith.divf %div3A_874, %add3A_872 : vector<16xf32>
      %add3A_876 = arith.addf %scan3A_730, %div3A_875 : vector<16xf32>
      scf.yield %add3A_744, %add3A_755, %add3A_766, %add3A_777, %add3A_788, %add3A_799, %add3A_810, %add3A_821, %add3A_832, %add3A_843, %add3A_854, %add3A_865, %add3A_876 : vector<16xf32>, vector<16xf32>, vector<16xf32>, vector<16xf32>, vector<16xf32>, vector<16xf32>, vector<16xf32>, vector<16xf32>, vector<16xf32>, vector<16xf32>, vector<16xf32>, vector<16xf32>, vector<16xf32>
    }
    %scan3A_71 = arith.constant 288 : i32
    %swap3A_72 = arith.constant 208 : index
    %swap3A_73 = tpu.vector_load %arg6[%swap3A_72] {strides = array<i32>} : memref<2560xf32, #tpu.memory_space<vmem>>, vector<16xf32>,
    %swap3A_74 = vector.shape_cast %swap3A_73 : vector<16xf32> to vector<16xf32>
    %swap3A_75 = vector.shape_cast %scan3A_70#0 : vector<16xf32> to vector<16xf32>
    tpu.vector_store %arg6[%swap3A_72], %swap3A_75 {strides = array<i32>} : memref<2560xf32, #tpu.memory_space<vmem>>, vector<16xf32>,
    %swap3A_76 = arith.constant 224 : index
    %swap3A_77 = tpu.vector_load %arg6[%swap3A_76] {strides = array<i32>} : memref<2560xf32, #tpu.memory_space<vmem>>, vector<16xf32>,
    %swap3A_78 = vector.shape_cast %swap3A_77 : vector<16xf32> to vector<16xf32>
    %swap3A_79 = vector.shape_cast %scan3A_70#1 : vector<16xf32> to vector<16xf32>
    tpu.vector_store %arg6[%swap3A_76], %swap3A_79 {strides = array<i32>} : memref<2560xf32, #tpu.memory_space<vmem>>, vector<16xf32>,
    %swap3A_80 = arith.constant 240 : index
    %swap3A_81 = tpu.vector_load %arg6[%swap3A_80] {strides = array<i32>} : memref<2560xf32, #tpu.memory_space<vmem>>, vector<16xf32>,
    %swap3A_82 = vector.shape_cast %swap3A_81 : vector<16xf32> to vector<16xf32>
    %swap3A_83 = vector.shape_cast %scan3A_70#2 : vector<16xf32> to vector<16xf32>
    tpu.vector_store %arg6[%swap3A_80], %swap3A_83 {strides = array<i32>} : memref<2560xf32, #tpu.memory_space<vmem>>, vector<16xf32>,
    %swap3A_84 = arith.constant 256 : index
    %swap3A_85 = tpu.vector_load %arg6[%swap3A_84] {strides = array<i32>} : memref<2560xf32, #tpu.memory_space<vmem>>, vector<16xf32>,
    %swap3A_86 = vector.shape_cast %swap3A_85 : vector<16xf32> to vector<16xf32>
    %swap3A_87 = vector.shape_cast %scan3A_70#3 : vector<16xf32> to vector<16xf32>
    tpu.vector_store %arg6[%swap3A_84], %swap3A_87 {strides = array<i32>} : memref<2560xf32, #tpu.memory_space<vmem>>, vector<16xf32>,
    %swap3A_88 = arith.constant 272 : index
    %swap3A_89 = tpu.vector_load %arg6[%swap3A_88] {strides = array<i32>} : memref<2560xf32, #tpu.memory_space<vmem>>, vector<16xf32>,
    %swap3A_90 = vector.shape_cast %swap3A_89 : vector<16xf32> to vector<16xf32>
    %swap3A_91 = vector.shape_cast %scan3A_70#4 : vector<16xf32> to vector<16xf32>
    tpu.vector_store %arg6[%swap3A_88], %swap3A_91 {strides = array<i32>} : memref<2560xf32, #tpu.memory_space<vmem>>, vector<16xf32>,
    %swap3A_92 = arith.constant 288 : index
    %swap3A_93 = tpu.vector_load %arg6[%swap3A_92] {strides = array<i32>} : memref<2560xf32, #tpu.memory_space<vmem>>, vector<16xf32>,
    %swap3A_94 = vector.shape_cast %swap3A_93 : vector<16xf32> to vector<16xf32>
    %swap3A_95 = vector.shape_cast %scan3A_70#5 : vector<16xf32> to vector<16xf32>
    tpu.vector_store %arg6[%swap3A_92], %swap3A_95 {strides = array<i32>} : memref<2560xf32, #tpu.memory_space<vmem>>, vector<16xf32>,
    %swap3A_96 = arith.constant 304 : index
    %swap3A_97 = tpu.vector_load %arg6[%swap3A_96] {strides = array<i32>} : memref<2560xf32, #tpu.memory_space<vmem>>, vector<16xf32>,
    %swap3A_98 = vector.shape_cast %swap3A_97 : vector<16xf32> to vector<16xf32>
    %swap3A_99 = vector.shape_cast %scan3A_70#6 : vector<16xf32> to vector<16xf32>
    tpu.vector_store %arg6[%swap3A_96], %swap3A_99 {strides = array<i32>} : memref<2560xf32, #tpu.memory_space<vmem>>, vector<16xf32>,
    %swap3A_100 = arith.constant 320 : index
    %swap3A_101 = tpu.vector_load %arg6[%swap3A_100] {strides = array<i32>} : memref<2560xf32, #tpu.memory_space<vmem>>, vector<16xf32>,
    %swap3A_102 = vector.shape_cast %swap3A_101 : vector<16xf32> to vector<16xf32>
    %swap3A_103 = vector.shape_cast %scan3A_70#7 : vector<16xf32> to vector<16xf32>
    tpu.vector_store %arg6[%swap3A_100], %swap3A_103 {strides = array<i32>} : memref<2560xf32, #tpu.memory_space<vmem>>, vector<16xf32>,
    %swap3A_104 = arith.constant 336 : index
    %swap3A_105 = tpu.vector_load %arg6[%swap3A_104] {strides = array<i32>} : memref<2560xf32, #tpu.memory_space<vmem>>, vector<16xf32>,
    %swap3A_106 = vector.shape_cast %swap3A_105 : vector<16xf32> to vector<16xf32>
    %swap3A_107 = vector.shape_cast %scan3A_70#8 : vector<16xf32> to vector<16xf32>
    tpu.vector_store %arg6[%swap3A_104], %swap3A_107 {strides = array<i32>} : memref<2560xf32, #tpu.memory_space<vmem>>, vector<16xf32>,
    %swap3A_108 = arith.constant 352 : index
    %swap3A_109 = tpu.vector_load %arg6[%swap3A_108] {strides = array<i32>} : memref<2560xf32, #tpu.memory_space<vmem>>, vector<16xf32>,
    %swap3A_110 = vector.shape_cast %swap3A_109 : vector<16xf32> to vector<16xf32>
    %swap3A_111 = vector.shape_cast %scan3A_70#9 : vector<16xf32> to vector<16xf32>
    tpu.vector_store %arg6[%swap3A_108], %swap3A_111 {strides = array<i32>} : memref<2560xf32, #tpu.memory_space<vmem>>, vector<16xf32>,
    %swap3A_112 = arith.constant 368 : index
    %swap3A_113 = tpu.vector_load %arg6[%swap3A_112] {strides = array<i32>} : memref<2560xf32, #tpu.memory_space<vmem>>, vector<16xf32>,
    %swap3A_114 = vector.shape_cast %swap3A_113 : vector<16xf32> to vector<16xf32>
    %swap3A_115 = vector.shape_cast %scan3A_70#10 : vector<16xf32> to vector<16xf32>
    tpu.vector_store %arg6[%swap3A_112], %swap3A_115 {strides = array<i32>} : memref<2560xf32, #tpu.memory_space<vmem>>, vector<16xf32>,
    %swap3A_116 = arith.constant 384 : index
    %swap3A_117 = tpu.vector_load %arg6[%swap3A_116] {strides = array<i32>} : memref<2560xf32, #tpu.memory_space<vmem>>, vector<16xf32>,
    %swap3A_118 = vector.shape_cast %swap3A_117 : vector<16xf32> to vector<16xf32>
    %swap3A_119 = vector.shape_cast %scan3A_70#11 : vector<16xf32> to vector<16xf32>
    tpu.vector_store %arg6[%swap3A_116], %swap3A_119 {strides = array<i32>} : memref<2560xf32, #tpu.memory_space<vmem>>, vector<16xf32>,
    %swap3A_120 = arith.constant 400 : index
    %swap3A_121 = tpu.vector_load %arg6[%swap3A_120] {strides = array<i32>} : memref<2560xf32, #tpu.memory_space<vmem>>, vector<16xf32>,
    %swap3A_122 = vector.shape_cast %swap3A_121 : vector<16xf32> to vector<16xf32>
    %swap3A_123 = vector.shape_cast %scan3A_70#12 : vector<16xf32> to vector<16xf32>
    tpu.vector_store %arg6[%swap3A_120], %swap3A_123 {strides = array<i32>} : memref<2560xf32, #tpu.memory_space<vmem>>, vector<16xf32>,
    %scan3A_124 = arith.constant 0 : i32
    %scan3A_125 = arith.constant 288 : i32
    %scan3A_126 = arith.addi %scan3A_124, %scan3A_125 : i32
    %scan3A_127 = arith.constant 1 : i32
    %scan3A_128:13 = scf.for %scan3A_717 = %scan3A_124 to %scan3A_126 step %scan3A_127 iter_args(%scan3A_718 = %broadcast_in_dim3A_1, %scan3A_719 = %broadcast_in_dim3A_1, %scan3A_720 = %broadcast_in_dim3A_1, %scan3A_721 = %broadcast_in_dim3A_1, %scan3A_722 = %broadcast_in_dim3A_1, %scan3A_723 = %broadcast_in_dim3A_1, %scan3A_724 = %broadcast_in_dim3A_1, %scan3A_725 = %broadcast_in_dim3A_1, %scan3A_726 = %broadcast_in_dim3A_1, %scan3A_727 = %broadcast_in_dim3A_1, %scan3A_728 = %broadcast_in_dim3A_1, %scan3A_729 = %broadcast_in_dim3A_1, %scan3A_730 = %broadcast_in_dim3A_1) -> (vector<16xf32>, vector<16xf32>, vector<16xf32>, vector<16xf32>, vector<16xf32>, vector<16xf32>, vector<16xf32>, vector<16xf32>, vector<16xf32>, vector<16xf32>, vector<16xf32>, vector<16xf32>, vector<16xf32>)  : i32 {
      %mul3A_731 = arith.constant 16 : i32
      %mul3A_732 = arith.muli %scan3A_717, %mul3A_731 : i32
      %get3A = arith.index_cast %mul3A_732 : i32 to index
      %get3A_733 = tpu.vector_load %arg5[%get3A] {strides = array<i32>} : memref<4608xf32, #tpu.memory_space<vmem>>, vector<16xf32>,
      %get3A_734 = vector.shape_cast %get3A_733 : vector<16xf32> to vector<16xf32>
      %mul3A_735 = arith.constant 0x4E1E1AFD : f32
      %mul3A_736 = vector.broadcast %mul3A_735 : f32 to vector<16xf32>
      %mul3A_737 = arith.mulf %get3A_734, %mul3A_736 : vector<16xf32>
      %mul3A_738 = arith.mulf %mul3A_737, %mul3A_737 : vector<16xf32>
      %add3A_739 = arith.constant 1.000000e+00 : f32
      %add3A_740 = vector.broadcast %add3A_739 : f32 to vector<16xf32>
      %add3A_741 = arith.addf %add3A_740, %mul3A_738 : vector<16xf32>
      %div3A = arith.constant 1.000000e+00 : f32
      %div3A_742 = vector.broadcast %div3A : f32 to vector<16xf32>
      %div3A_743 = arith.divf %div3A_742, %add3A_741 : vector<16xf32>
      %add3A_744 = arith.addf %scan3A_718, %div3A_743 : vector<16xf32>
      %mul3A_745 = arith.constant 1.44843571E+9 : f32
      %mul3A_746 = vector.broadcast %mul3A_745 : f32 to vector<16xf32>
      %mul3A_747 = arith.mulf %get3A_734, %mul3A_746 : vector<16xf32>
      %mul3A_748 = arith.mulf %mul3A_747, %mul3A_747 : vector<16xf32>
      %add3A_749 = arith.constant 1.000000e+00 : f32
      %add3A_750 = vector.broadcast %add3A_749 : f32 to vector<16xf32>
      %add3A_751 = arith.addf %add3A_750, %mul3A_748 : vector<16xf32>
      %div3A_752 = arith.constant 1.000000e+00 : f32
      %div3A_753 = vector.broadcast %div3A_752 : f32 to vector<16xf32>
      %div3A_754 = arith.divf %div3A_753, %add3A_751 : vector<16xf32>
      %add3A_755 = arith.addf %scan3A_719, %div3A_754 : vector<16xf32>
      %mul3A_756 = arith.constant 3.16367437E+9 : f32
      %mul3A_757 = vector.broadcast %mul3A_756 : f32 to vector<16xf32>
      %mul3A_758 = arith.mulf %get3A_734, %mul3A_757 : vector<16xf32>
      %mul3A_759 = arith.mulf %mul3A_758, %mul3A_758 : vector<16xf32>
      %add3A_760 = arith.constant 1.000000e+00 : f32
      %add3A_761 = vector.broadcast %add3A_760 : f32 to vector<16xf32>
      %add3A_762 = arith.addf %add3A_761, %mul3A_759 : vector<16xf32>
      %div3A_763 = arith.constant 1.000000e+00 : f32
      %div3A_764 = vector.broadcast %div3A_763 : f32 to vector<16xf32>
      %div3A_765 = arith.divf %div3A_764, %add3A_762 : vector<16xf32>
      %add3A_766 = arith.addf %scan3A_720, %div3A_765 : vector<16xf32>
      %mul3A_767 = arith.constant 6.91010048E+9 : f32
      %mul3A_768 = vector.broadcast %mul3A_767 : f32 to vector<16xf32>
      %mul3A_769 = arith.mulf %get3A_734, %mul3A_768 : vector<16xf32>
      %mul3A_770 = arith.mulf %mul3A_769, %mul3A_769 : vector<16xf32>
      %add3A_771 = arith.constant 1.000000e+00 : f32
      %add3A_772 = vector.broadcast %add3A_771 : f32 to vector<16xf32>
      %add3A_773 = arith.addf %add3A_772, %mul3A_770 : vector<16xf32>
      %div3A_774 = arith.constant 1.000000e+00 : f32
      %div3A_775 = vector.broadcast %div3A_774 : f32 to vector<16xf32>
      %div3A_776 = arith.divf %div3A_775, %add3A_773 : vector<16xf32>
      %add3A_777 = arith.addf %scan3A_721, %div3A_776 : vector<16xf32>
      %mul3A_778 = arith.constant 1.50930473E+10 : f32
      %mul3A_779 = vector.broadcast %mul3A_778 : f32 to vector<16xf32>
      %mul3A_780 = arith.mulf %get3A_734, %mul3A_779 : vector<16xf32>
      %mul3A_781 = arith.mulf %mul3A_780, %mul3A_780 : vector<16xf32>
      %add3A_782 = arith.constant 1.000000e+00 : f32
      %add3A_783 = vector.broadcast %add3A_782 : f32 to vector<16xf32>
      %add3A_784 = arith.addf %add3A_783, %mul3A_781 : vector<16xf32>
      %div3A_785 = arith.constant 1.000000e+00 : f32
      %div3A_786 = vector.broadcast %div3A_785 : f32 to vector<16xf32>
      %div3A_787 = arith.divf %div3A_786, %add3A_784 : vector<16xf32>
      %add3A_788 = arith.addf %scan3A_722, %div3A_787 : vector<16xf32>
      %mul3A_789 = arith.constant 3.29662444E+10 : f32
      %mul3A_790 = vector.broadcast %mul3A_789 : f32 to vector<16xf32>
      %mul3A_791 = arith.mulf %get3A_734, %mul3A_790 : vector<16xf32>
      %mul3A_792 = arith.mulf %mul3A_791, %mul3A_791 : vector<16xf32>
      %add3A_793 = arith.constant 1.000000e+00 : f32
      %add3A_794 = vector.broadcast %add3A_793 : f32 to vector<16xf32>
      %add3A_795 = arith.addf %add3A_794, %mul3A_792 : vector<16xf32>
      %div3A_796 = arith.constant 1.000000e+00 : f32
      %div3A_797 = vector.broadcast %div3A_796 : f32 to vector<16xf32>
      %div3A_798 = arith.divf %div3A_797, %add3A_795 : vector<16xf32>
      %add3A_799 = arith.addf %scan3A_723, %div3A_798 : vector<16xf32>
      %mul3A_800 = arith.constant 7.200490e+10 : f32
      %mul3A_801 = vector.broadcast %mul3A_800 : f32 to vector<16xf32>
      %mul3A_802 = arith.mulf %get3A_734, %mul3A_801 : vector<16xf32>
      %mul3A_803 = arith.mulf %mul3A_802, %mul3A_802 : vector<16xf32>
      %add3A_804 = arith.constant 1.000000e+00 : f32
      %add3A_805 = vector.broadcast %add3A_804 : f32 to vector<16xf32>
      %add3A_806 = arith.addf %add3A_805, %mul3A_803 : vector<16xf32>
      %div3A_807 = arith.constant 1.000000e+00 : f32
      %div3A_808 = vector.broadcast %div3A_807 : f32 to vector<16xf32>
      %div3A_809 = arith.divf %div3A_808, %add3A_806 : vector<16xf32>
      %add3A_810 = arith.addf %scan3A_724, %div3A_809 : vector<16xf32>
      %mul3A_811 = arith.constant 1.57273162E+11 : f32
      %mul3A_812 = vector.broadcast %mul3A_811 : f32 to vector<16xf32>
      %mul3A_813 = arith.mulf %get3A_734, %mul3A_812 : vector<16xf32>
      %mul3A_814 = arith.mulf %mul3A_813, %mul3A_813 : vector<16xf32>
      %add3A_815 = arith.constant 1.000000e+00 : f32
      %add3A_816 = vector.broadcast %add3A_815 : f32 to vector<16xf32>
      %add3A_817 = arith.addf %add3A_816, %mul3A_814 : vector<16xf32>
      %div3A_818 = arith.constant 1.000000e+00 : f32
      %div3A_819 = vector.broadcast %div3A_818 : f32 to vector<16xf32>
      %div3A_820 = arith.divf %div3A_819, %add3A_817 : vector<16xf32>
      %add3A_821 = arith.addf %scan3A_725, %div3A_820 : vector<16xf32>
      %mul3A_822 = arith.constant 3.43516152E+11 : f32
      %mul3A_823 = vector.broadcast %mul3A_822 : f32 to vector<16xf32>
      %mul3A_824 = arith.mulf %get3A_734, %mul3A_823 : vector<16xf32>
      %mul3A_825 = arith.mulf %mul3A_824, %mul3A_824 : vector<16xf32>
      %add3A_826 = arith.constant 1.000000e+00 : f32
      %add3A_827 = vector.broadcast %add3A_826 : f32 to vector<16xf32>
      %add3A_828 = arith.addf %add3A_827, %mul3A_825 : vector<16xf32>
      %div3A_829 = arith.constant 1.000000e+00 : f32
      %div3A_830 = vector.broadcast %div3A_829 : f32 to vector<16xf32>
      %div3A_831 = arith.divf %div3A_830, %add3A_828 : vector<16xf32>
      %add3A_832 = arith.addf %scan3A_726, %div3A_831 : vector<16xf32>
      %mul3A_833 = arith.constant 7.50308294E+11 : f32
      %mul3A_834 = vector.broadcast %mul3A_833 : f32 to vector<16xf32>
      %mul3A_835 = arith.mulf %get3A_734, %mul3A_834 : vector<16xf32>
      %mul3A_836 = arith.mulf %mul3A_835, %mul3A_835 : vector<16xf32>
      %add3A_837 = arith.constant 1.000000e+00 : f32
      %add3A_838 = vector.broadcast %add3A_837 : f32 to vector<16xf32>
      %add3A_839 = arith.addf %add3A_838, %mul3A_836 : vector<16xf32>
      %div3A_840 = arith.constant 1.000000e+00 : f32
      %div3A_841 = vector.broadcast %div3A_840 : f32 to vector<16xf32>
      %div3A_842 = arith.divf %div3A_841, %add3A_839 : vector<16xf32>
      %add3A_843 = arith.addf %scan3A_727, %div3A_842 : vector<16xf32>
      %mul3A_844 = arith.constant 1.63882402E+12 : f32
      %mul3A_845 = vector.broadcast %mul3A_844 : f32 to vector<16xf32>
      %mul3A_846 = arith.mulf %get3A_734, %mul3A_845 : vector<16xf32>
      %mul3A_847 = arith.mulf %mul3A_846, %mul3A_846 : vector<16xf32>
      %add3A_848 = arith.constant 1.000000e+00 : f32
      %add3A_849 = vector.broadcast %add3A_848 : f32 to vector<16xf32>
      %add3A_850 = arith.addf %add3A_849, %mul3A_847 : vector<16xf32>
      %div3A_851 = arith.constant 1.000000e+00 : f32
      %div3A_852 = vector.broadcast %div3A_851 : f32 to vector<16xf32>
      %div3A_853 = arith.divf %div3A_852, %add3A_850 : vector<16xf32>
      %add3A_854 = arith.addf %scan3A_728, %div3A_853 : vector<16xf32>
      %mul3A_855 = arith.constant 3.57952048E+12 : f32
      %mul3A_856 = vector.broadcast %mul3A_855 : f32 to vector<16xf32>
      %mul3A_857 = arith.mulf %get3A_734, %mul3A_856 : vector<16xf32>
      %mul3A_858 = arith.mulf %mul3A_857, %mul3A_857 : vector<16xf32>
      %add3A_859 = arith.constant 1.000000e+00 : f32
      %add3A_860 = vector.broadcast %add3A_859 : f32 to vector<16xf32>
      %add3A_861 = arith.addf %add3A_860, %mul3A_858 : vector<16xf32>
      %div3A_862 = arith.constant 1.000000e+00 : f32
      %div3A_863 = vector.broadcast %div3A_862 : f32 to vector<16xf32>
      %div3A_864 = arith.divf %div3A_863, %add3A_861 : vector<16xf32>
      %add3A_865 = arith.addf %scan3A_729, %div3A_864 : vector<16xf32>
      %mul3A_866 = arith.constant 7.81839185E+12 : f32
      %mul3A_867 = vector.broadcast %mul3A_866 : f32 to vector<16xf32>
      %mul3A_868 = arith.mulf %get3A_734, %mul3A_867 : vector<16xf32>
      %mul3A_869 = arith.mulf %mul3A_868, %mul3A_868 : vector<16xf32>
      %add3A_870 = arith.constant 1.000000e+00 : f32
      %add3A_871 = vector.broadcast %add3A_870 : f32 to vector<16xf32>
      %add3A_872 = arith.addf %add3A_871, %mul3A_869 : vector<16xf32>
      %div3A_873 = arith.constant 1.000000e+00 : f32
      %div3A_874 = vector.broadcast %div3A_873 : f32 to vector<16xf32>
      %div3A_875 = arith.divf %div3A_874, %add3A_872 : vector<16xf32>
      %add3A_876 = arith.addf %scan3A_730, %div3A_875 : vector<16xf32>
      scf.yield %add3A_744, %add3A_755, %add3A_766, %add3A_777, %add3A_788, %add3A_799, %add3A_810, %add3A_821, %add3A_832, %add3A_843, %add3A_854, %add3A_865, %add3A_876 : vector<16xf32>, vector<16xf32>, vector<16xf32>, vector<16xf32>, vector<16xf32>, vector<16xf32>, vector<16xf32>, vector<16xf32>, vector<16xf32>, vector<16xf32>, vector<16xf32>, vector<16xf32>, vector<16xf32>
    }
    %scan3A_129 = arith.constant 288 : i32
    %swap3A_130 = arith.constant 416 : index
    %swap3A_131 = tpu.vector_load %arg6[%swap3A_130] {strides = array<i32>} : memref<2560xf32, #tpu.memory_space<vmem>>, vector<16xf32>,
    %swap3A_132 = vector.shape_cast %swap3A_131 : vector<16xf32> to vector<16xf32>
    %swap3A_133 = vector.shape_cast %scan3A_128#0 : vector<16xf32> to vector<16xf32>
    tpu.vector_store %arg6[%swap3A_130], %swap3A_133 {strides = array<i32>} : memref<2560xf32, #tpu.memory_space<vmem>>, vector<16xf32>,
    %swap3A_134 = arith.constant 432 : index
    %swap3A_135 = tpu.vector_load %arg6[%swap3A_134] {strides = array<i32>} : memref<2560xf32, #tpu.memory_space<vmem>>, vector<16xf32>,
    %swap3A_136 = vector.shape_cast %swap3A_135 : vector<16xf32> to vector<16xf32>
    %swap3A_137 = vector.shape_cast %scan3A_128#1 : vector<16xf32> to vector<16xf32>
    tpu.vector_store %arg6[%swap3A_134], %swap3A_137 {strides = array<i32>} : memref<2560xf32, #tpu.memory_space<vmem>>, vector<16xf32>,
    %swap3A_138 = arith.constant 448 : index
    %swap3A_139 = tpu.vector_load %arg6[%swap3A_138] {strides = array<i32>} : memref<2560xf32, #tpu.memory_space<vmem>>, vector<16xf32>,
    %swap3A_140 = vector.shape_cast %swap3A_139 : vector<16xf32> to vector<16xf32>
    %swap3A_141 = vector.shape_cast %scan3A_128#2 : vector<16xf32> to vector<16xf32>
    tpu.vector_store %arg6[%swap3A_138], %swap3A_141 {strides = array<i32>} : memref<2560xf32, #tpu.memory_space<vmem>>, vector<16xf32>,
    %swap3A_142 = arith.constant 464 : index
    %swap3A_143 = tpu.vector_load %arg6[%swap3A_142] {strides = array<i32>} : memref<2560xf32, #tpu.memory_space<vmem>>, vector<16xf32>,
    %swap3A_144 = vector.shape_cast %swap3A_143 : vector<16xf32> to vector<16xf32>
    %swap3A_145 = vector.shape_cast %scan3A_128#3 : vector<16xf32> to vector<16xf32>
    tpu.vector_store %arg6[%swap3A_142], %swap3A_145 {strides = array<i32>} : memref<2560xf32, #tpu.memory_space<vmem>>, vector<16xf32>,
    %swap3A_146 = arith.constant 480 : index
    %swap3A_147 = tpu.vector_load %arg6[%swap3A_146] {strides = array<i32>} : memref<2560xf32, #tpu.memory_space<vmem>>, vector<16xf32>,
    %swap3A_148 = vector.shape_cast %swap3A_147 : vector<16xf32> to vector<16xf32>
    %swap3A_149 = vector.shape_cast %scan3A_128#4 : vector<16xf32> to vector<16xf32>
    tpu.vector_store %arg6[%swap3A_146], %swap3A_149 {strides = array<i32>} : memref<2560xf32, #tpu.memory_space<vmem>>, vector<16xf32>,
    %swap3A_150 = arith.constant 496 : index
    %swap3A_151 = tpu.vector_load %arg6[%swap3A_150] {strides = array<i32>} : memref<2560xf32, #tpu.memory_space<vmem>>, vector<16xf32>,
    %swap3A_152 = vector.shape_cast %swap3A_151 : vector<16xf32> to vector<16xf32>
    %swap3A_153 = vector.shape_cast %scan3A_128#5 : vector<16xf32> to vector<16xf32>
    tpu.vector_store %arg6[%swap3A_150], %swap3A_153 {strides = array<i32>} : memref<2560xf32, #tpu.memory_space<vmem>>, vector<16xf32>,
    %swap3A_154 = arith.constant 512 : index
    %swap3A_155 = tpu.vector_load %arg6[%swap3A_154] {strides = array<i32>} : memref<2560xf32, #tpu.memory_space<vmem>>, vector<16xf32>,
    %swap3A_156 = vector.shape_cast %swap3A_155 : vector<16xf32> to vector<16xf32>
    %swap3A_157 = vector.shape_cast %scan3A_128#6 : vector<16xf32> to vector<16xf32>
    tpu.vector_store %arg6[%swap3A_154], %swap3A_157 {strides = array<i32>} : memref<2560xf32, #tpu.memory_space<vmem>>, vector<16xf32>,
    %swap3A_158 = arith.constant 528 : index
    %swap3A_159 = tpu.vector_load %arg6[%swap3A_158] {strides = array<i32>} : memref<2560xf32, #tpu.memory_space<vmem>>, vector<16xf32>,
    %swap3A_160 = vector.shape_cast %swap3A_159 : vector<16xf32> to vector<16xf32>
    %swap3A_161 = vector.shape_cast %scan3A_128#7 : vector<16xf32> to vector<16xf32>
    tpu.vector_store %arg6[%swap3A_158], %swap3A_161 {strides = array<i32>} : memref<2560xf32, #tpu.memory_space<vmem>>, vector<16xf32>,
    %swap3A_162 = arith.constant 544 : index
    %swap3A_163 = tpu.vector_load %arg6[%swap3A_162] {strides = array<i32>} : memref<2560xf32, #tpu.memory_space<vmem>>, vector<16xf32>,
    %swap3A_164 = vector.shape_cast %swap3A_163 : vector<16xf32> to vector<16xf32>
    %swap3A_165 = vector.shape_cast %scan3A_128#8 : vector<16xf32> to vector<16xf32>
    tpu.vector_store %arg6[%swap3A_162], %swap3A_165 {strides = array<i32>} : memref<2560xf32, #tpu.memory_space<vmem>>, vector<16xf32>,
    %swap3A_166 = arith.constant 560 : index
    %swap3A_167 = tpu.vector_load %arg6[%swap3A_166] {strides = array<i32>} : memref<2560xf32, #tpu.memory_space<vmem>>, vector<16xf32>,
    %swap3A_168 = vector.shape_cast %swap3A_167 : vector<16xf32> to vector<16xf32>
    %swap3A_169 = vector.shape_cast %scan3A_128#9 : vector<16xf32> to vector<16xf32>
    tpu.vector_store %arg6[%swap3A_166], %swap3A_169 {strides = array<i32>} : memref<2560xf32, #tpu.memory_space<vmem>>, vector<16xf32>,
    %swap3A_170 = arith.constant 576 : index
    %swap3A_171 = tpu.vector_load %arg6[%swap3A_170] {strides = array<i32>} : memref<2560xf32, #tpu.memory_space<vmem>>, vector<16xf32>,
    %swap3A_172 = vector.shape_cast %swap3A_171 : vector<16xf32> to vector<16xf32>
    %swap3A_173 = vector.shape_cast %scan3A_128#10 : vector<16xf32> to vector<16xf32>
    tpu.vector_store %arg6[%swap3A_170], %swap3A_173 {strides = array<i32>} : memref<2560xf32, #tpu.memory_space<vmem>>, vector<16xf32>,
    %swap3A_174 = arith.constant 592 : index
    %swap3A_175 = tpu.vector_load %arg6[%swap3A_174] {strides = array<i32>} : memref<2560xf32, #tpu.memory_space<vmem>>, vector<16xf32>,
    %swap3A_176 = vector.shape_cast %swap3A_175 : vector<16xf32> to vector<16xf32>
    %swap3A_177 = vector.shape_cast %scan3A_128#11 : vector<16xf32> to vector<16xf32>
    tpu.vector_store %arg6[%swap3A_174], %swap3A_177 {strides = array<i32>} : memref<2560xf32, #tpu.memory_space<vmem>>, vector<16xf32>,
    %swap3A_178 = arith.constant 608 : index
    %swap3A_179 = tpu.vector_load %arg6[%swap3A_178] {strides = array<i32>} : memref<2560xf32, #tpu.memory_space<vmem>>, vector<16xf32>,
    %swap3A_180 = vector.shape_cast %swap3A_179 : vector<16xf32> to vector<16xf32>
    %swap3A_181 = vector.shape_cast %scan3A_128#12 : vector<16xf32> to vector<16xf32>
    tpu.vector_store %arg6[%swap3A_178], %swap3A_181 {strides = array<i32>} : memref<2560xf32, #tpu.memory_space<vmem>>, vector<16xf32>,
    %scan3A_182 = arith.constant 0 : i32
    %scan3A_183 = arith.constant 288 : i32
    %scan3A_184 = arith.addi %scan3A_182, %scan3A_183 : i32
    %scan3A_185 = arith.constant 1 : i32
    %scan3A_186:13 = scf.for %scan3A_717 = %scan3A_182 to %scan3A_184 step %scan3A_185 iter_args(%scan3A_718 = %broadcast_in_dim3A_1, %scan3A_719 = %broadcast_in_dim3A_1, %scan3A_720 = %broadcast_in_dim3A_1, %scan3A_721 = %broadcast_in_dim3A_1, %scan3A_722 = %broadcast_in_dim3A_1, %scan3A_723 = %broadcast_in_dim3A_1, %scan3A_724 = %broadcast_in_dim3A_1, %scan3A_725 = %broadcast_in_dim3A_1, %scan3A_726 = %broadcast_in_dim3A_1, %scan3A_727 = %broadcast_in_dim3A_1, %scan3A_728 = %broadcast_in_dim3A_1, %scan3A_729 = %broadcast_in_dim3A_1, %scan3A_730 = %broadcast_in_dim3A_1) -> (vector<16xf32>, vector<16xf32>, vector<16xf32>, vector<16xf32>, vector<16xf32>, vector<16xf32>, vector<16xf32>, vector<16xf32>, vector<16xf32>, vector<16xf32>, vector<16xf32>, vector<16xf32>, vector<16xf32>)  : i32 {
      %mul3A_731 = arith.constant 16 : i32
      %mul3A_732 = arith.muli %scan3A_717, %mul3A_731 : i32
      %get3A = arith.index_cast %mul3A_732 : i32 to index
      %get3A_733 = tpu.vector_load %arg5[%get3A] {strides = array<i32>} : memref<4608xf32, #tpu.memory_space<vmem>>, vector<16xf32>,
      %get3A_734 = vector.shape_cast %get3A_733 : vector<16xf32> to vector<16xf32>
      %mul3A_735 = arith.constant 1.70769378E+13 : f32
      %mul3A_736 = vector.broadcast %mul3A_735 : f32 to vector<16xf32>
      %mul3A_737 = arith.mulf %get3A_734, %mul3A_736 : vector<16xf32>
      %mul3A_738 = arith.mulf %mul3A_737, %mul3A_737 : vector<16xf32>
      %add3A_739 = arith.constant 1.000000e+00 : f32
      %add3A_740 = vector.broadcast %add3A_739 : f32 to vector<16xf32>
      %add3A_741 = arith.addf %add3A_740, %mul3A_738 : vector<16xf32>
      %div3A = arith.constant 1.000000e+00 : f32
      %div3A_742 = vector.broadcast %div3A : f32 to vector<16xf32>
      %div3A_743 = arith.divf %div3A_742, %add3A_741 : vector<16xf32>
      %add3A_744 = arith.addf %scan3A_718, %div3A_743 : vector<16xf32>
      %mul3A_745 = arith.constant 3.72994631E+13 : f32
      %mul3A_746 = vector.broadcast %mul3A_745 : f32 to vector<16xf32>
      %mul3A_747 = arith.mulf %get3A_734, %mul3A_746 : vector<16xf32>
      %mul3A_748 = arith.mulf %mul3A_747, %mul3A_747 : vector<16xf32>
      %add3A_749 = arith.constant 1.000000e+00 : f32
      %add3A_750 = vector.broadcast %add3A_749 : f32 to vector<16xf32>
      %add3A_751 = arith.addf %add3A_750, %mul3A_748 : vector<16xf32>
      %div3A_752 = arith.constant 1.000000e+00 : f32
      %div3A_753 = vector.broadcast %div3A_752 : f32 to vector<16xf32>
      %div3A_754 = arith.divf %div3A_753, %add3A_751 : vector<16xf32>
      %add3A_755 = arith.addf %scan3A_719, %div3A_754 : vector<16xf32>
      %mul3A_756 = arith.constant 8.14695149E+13 : f32
      %mul3A_757 = vector.broadcast %mul3A_756 : f32 to vector<16xf32>
      %mul3A_758 = arith.mulf %get3A_734, %mul3A_757 : vector<16xf32>
      %mul3A_759 = arith.mulf %mul3A_758, %mul3A_758 : vector<16xf32>
      %add3A_760 = arith.constant 1.000000e+00 : f32
      %add3A_761 = vector.broadcast %add3A_760 : f32 to vector<16xf32>
      %add3A_762 = arith.addf %add3A_761, %mul3A_759 : vector<16xf32>
      %div3A_763 = arith.constant 1.000000e+00 : f32
      %div3A_764 = vector.broadcast %div3A_763 : f32 to vector<16xf32>
      %div3A_765 = arith.divf %div3A_764, %add3A_762 : vector<16xf32>
      %add3A_766 = arith.addf %scan3A_720, %div3A_765 : vector<16xf32>
      %mul3A_767 = arith.constant 1.7794578E+14 : f32
      %mul3A_768 = vector.broadcast %mul3A_767 : f32 to vector<16xf32>
      %mul3A_769 = arith.mulf %get3A_734, %mul3A_768 : vector<16xf32>
      %mul3A_770 = arith.mulf %mul3A_769, %mul3A_769 : vector<16xf32>
      %add3A_771 = arith.constant 1.000000e+00 : f32
      %add3A_772 = vector.broadcast %add3A_771 : f32 to vector<16xf32>
      %add3A_773 = arith.addf %add3A_772, %mul3A_770 : vector<16xf32>
      %div3A_774 = arith.constant 1.000000e+00 : f32
      %div3A_775 = vector.broadcast %div3A_774 : f32 to vector<16xf32>
      %div3A_776 = arith.divf %div3A_775, %add3A_773 : vector<16xf32>
      %add3A_777 = arith.addf %scan3A_721, %div3A_776 : vector<16xf32>
      %mul3A_778 = arith.constant 3.88669307E+14 : f32
      %mul3A_779 = vector.broadcast %mul3A_778 : f32 to vector<16xf32>
      %mul3A_780 = arith.mulf %get3A_734, %mul3A_779 : vector<16xf32>
      %mul3A_781 = arith.mulf %mul3A_780, %mul3A_780 : vector<16xf32>
      %add3A_782 = arith.constant 1.000000e+00 : f32
      %add3A_783 = vector.broadcast %add3A_782 : f32 to vector<16xf32>
      %add3A_784 = arith.addf %add3A_783, %mul3A_781 : vector<16xf32>
      %div3A_785 = arith.constant 1.000000e+00 : f32
      %div3A_786 = vector.broadcast %div3A_785 : f32 to vector<16xf32>
      %div3A_787 = arith.divf %div3A_786, %add3A_784 : vector<16xf32>
      %add3A_788 = arith.addf %scan3A_722, %div3A_787 : vector<16xf32>
      %mul3A_789 = arith.constant 8.48931827E+14 : f32
      %mul3A_790 = vector.broadcast %mul3A_789 : f32 to vector<16xf32>
      %mul3A_791 = arith.mulf %get3A_734, %mul3A_790 : vector<16xf32>
      %mul3A_792 = arith.mulf %mul3A_791, %mul3A_791 : vector<16xf32>
      %add3A_793 = arith.constant 1.000000e+00 : f32
      %add3A_794 = vector.broadcast %add3A_793 : f32 to vector<16xf32>
      %add3A_795 = arith.addf %add3A_794, %mul3A_792 : vector<16xf32>
      %div3A_796 = arith.constant 1.000000e+00 : f32
      %div3A_797 = vector.broadcast %div3A_796 : f32 to vector<16xf32>
      %div3A_798 = arith.divf %div3A_797, %add3A_795 : vector<16xf32>
      %add3A_799 = arith.addf %scan3A_723, %div3A_798 : vector<16xf32>
      %mul3A_800 = arith.constant 1.85423764E+15 : f32
      %mul3A_801 = vector.broadcast %mul3A_800 : f32 to vector<16xf32>
      %mul3A_802 = arith.mulf %get3A_734, %mul3A_801 : vector<16xf32>
      %mul3A_803 = arith.mulf %mul3A_802, %mul3A_802 : vector<16xf32>
      %add3A_804 = arith.constant 1.000000e+00 : f32
      %add3A_805 = vector.broadcast %add3A_804 : f32 to vector<16xf32>
      %add3A_806 = arith.addf %add3A_805, %mul3A_803 : vector<16xf32>
      %div3A_807 = arith.constant 1.000000e+00 : f32
      %div3A_808 = vector.broadcast %div3A_807 : f32 to vector<16xf32>
      %div3A_809 = arith.divf %div3A_808, %add3A_806 : vector<16xf32>
      %add3A_810 = arith.addf %scan3A_724, %div3A_809 : vector<16xf32>
      %mul3A_811 = arith.constant 4.05002719E+15 : f32
      %mul3A_812 = vector.broadcast %mul3A_811 : f32 to vector<16xf32>
      %mul3A_813 = arith.mulf %get3A_734, %mul3A_812 : vector<16xf32>
      %mul3A_814 = arith.mulf %mul3A_813, %mul3A_813 : vector<16xf32>
      %add3A_815 = arith.constant 1.000000e+00 : f32
      %add3A_816 = vector.broadcast %add3A_815 : f32 to vector<16xf32>
      %add3A_817 = arith.addf %add3A_816, %mul3A_814 : vector<16xf32>
      %div3A_818 = arith.constant 1.000000e+00 : f32
      %div3A_819 = vector.broadcast %div3A_818 : f32 to vector<16xf32>
      %div3A_820 = arith.divf %div3A_819, %add3A_817 : vector<16xf32>
      %add3A_821 = arith.addf %scan3A_725, %div3A_820 : vector<16xf32>
      %mul3A_822 = arith.constant 8.84607302E+15 : f32
      %mul3A_823 = vector.broadcast %mul3A_822 : f32 to vector<16xf32>
      %mul3A_824 = arith.mulf %get3A_734, %mul3A_823 : vector<16xf32>
      %mul3A_825 = arith.mulf %mul3A_824, %mul3A_824 : vector<16xf32>
      %add3A_826 = arith.constant 1.000000e+00 : f32
      %add3A_827 = vector.broadcast %add3A_826 : f32 to vector<16xf32>
      %add3A_828 = arith.addf %add3A_827, %mul3A_825 : vector<16xf32>
      %div3A_829 = arith.constant 1.000000e+00 : f32
      %div3A_830 = vector.broadcast %div3A_829 : f32 to vector<16xf32>
      %div3A_831 = arith.divf %div3A_830, %add3A_828 : vector<16xf32>
      %add3A_832 = arith.addf %scan3A_726, %div3A_831 : vector<16xf32>
      %mul3A_833 = arith.constant 1.932160e+16 : f32
      %mul3A_834 = vector.broadcast %mul3A_833 : f32 to vector<16xf32>
      %mul3A_835 = arith.mulf %get3A_734, %mul3A_834 : vector<16xf32>
      %mul3A_836 = arith.mulf %mul3A_835, %mul3A_835 : vector<16xf32>
      %add3A_837 = arith.constant 1.000000e+00 : f32
      %add3A_838 = vector.broadcast %add3A_837 : f32 to vector<16xf32>
      %add3A_839 = arith.addf %add3A_838, %mul3A_836 : vector<16xf32>
      %div3A_840 = arith.constant 1.000000e+00 : f32
      %div3A_841 = vector.broadcast %div3A_840 : f32 to vector<16xf32>
      %div3A_842 = arith.divf %div3A_841, %add3A_839 : vector<16xf32>
      %add3A_843 = arith.addf %scan3A_727, %div3A_842 : vector<16xf32>
      %mul3A_844 = arith.constant 4.22022542E+16 : f32
      %mul3A_845 = vector.broadcast %mul3A_844 : f32 to vector<16xf32>
      %mul3A_846 = arith.mulf %get3A_734, %mul3A_845 : vector<16xf32>
      %mul3A_847 = arith.mulf %mul3A_846, %mul3A_846 : vector<16xf32>
      %add3A_848 = arith.constant 1.000000e+00 : f32
      %add3A_849 = vector.broadcast %add3A_848 : f32 to vector<16xf32>
      %add3A_850 = arith.addf %add3A_849, %mul3A_847 : vector<16xf32>
      %div3A_851 = arith.constant 1.000000e+00 : f32
      %div3A_852 = vector.broadcast %div3A_851 : f32 to vector<16xf32>
      %div3A_853 = arith.divf %div3A_852, %add3A_850 : vector<16xf32>
      %add3A_854 = arith.addf %scan3A_728, %div3A_853 : vector<16xf32>
      %mul3A_855 = arith.constant 9.21781929E+16 : f32
      %mul3A_856 = vector.broadcast %mul3A_855 : f32 to vector<16xf32>
      %mul3A_857 = arith.mulf %get3A_734, %mul3A_856 : vector<16xf32>
      %mul3A_858 = arith.mulf %mul3A_857, %mul3A_857 : vector<16xf32>
      %add3A_859 = arith.constant 1.000000e+00 : f32
      %add3A_860 = vector.broadcast %add3A_859 : f32 to vector<16xf32>
      %add3A_861 = arith.addf %add3A_860, %mul3A_858 : vector<16xf32>
      %div3A_862 = arith.constant 1.000000e+00 : f32
      %div3A_863 = vector.broadcast %div3A_862 : f32 to vector<16xf32>
      %div3A_864 = arith.divf %div3A_863, %add3A_861 : vector<16xf32>
      %add3A_865 = arith.addf %scan3A_729, %div3A_864 : vector<16xf32>
      %mul3A_866 = arith.constant 2.0133568E+17 : f32
      %mul3A_867 = vector.broadcast %mul3A_866 : f32 to vector<16xf32>
      %mul3A_868 = arith.mulf %get3A_734, %mul3A_867 : vector<16xf32>
      %mul3A_869 = arith.mulf %mul3A_868, %mul3A_868 : vector<16xf32>
      %add3A_870 = arith.constant 1.000000e+00 : f32
      %add3A_871 = vector.broadcast %add3A_870 : f32 to vector<16xf32>
      %add3A_872 = arith.addf %add3A_871, %mul3A_869 : vector<16xf32>
      %div3A_873 = arith.constant 1.000000e+00 : f32
      %div3A_874 = vector.broadcast %div3A_873 : f32 to vector<16xf32>
      %div3A_875 = arith.divf %div3A_874, %add3A_872 : vector<16xf32>
      %add3A_876 = arith.addf %scan3A_730, %div3A_875 : vector<16xf32>
      scf.yield %add3A_744, %add3A_755, %add3A_766, %add3A_777, %add3A_788, %add3A_799, %add3A_810, %add3A_821, %add3A_832, %add3A_843, %add3A_854, %add3A_865, %add3A_876 : vector<16xf32>, vector<16xf32>, vector<16xf32>, vector<16xf32>, vector<16xf32>, vector<16xf32>, vector<16xf32>, vector<16xf32>, vector<16xf32>, vector<16xf32>, vector<16xf32>, vector<16xf32>, vector<16xf32>
    }
    %scan3A_187 = arith.constant 288 : i32
    %swap3A_188 = arith.constant 624 : index
    %swap3A_189 = tpu.vector_load %arg6[%swap3A_188] {strides = array<i32>} : memref<2560xf32, #tpu.memory_space<vmem>>, vector<16xf32>,
    %swap3A_190 = vector.shape_cast %swap3A_189 : vector<16xf32> to vector<16xf32>
    %swap3A_191 = vector.shape_cast %scan3A_186#0 : vector<16xf32> to vector<16xf32>
    tpu.vector_store %arg6[%swap3A_188], %swap3A_191 {strides = array<i32>} : memref<2560xf32, #tpu.memory_space<vmem>>, vector<16xf32>,
    %swap3A_192 = arith.constant 640 : index
    %swap3A_193 = tpu.vector_load %arg6[%swap3A_192] {strides = array<i32>} : memref<2560xf32, #tpu.memory_space<vmem>>, vector<16xf32>,
    %swap3A_194 = vector.shape_cast %swap3A_193 : vector<16xf32> to vector<16xf32>
    %swap3A_195 = vector.shape_cast %scan3A_186#1 : vector<16xf32> to vector<16xf32>
    tpu.vector_store %arg6[%swap3A_192], %swap3A_195 {strides = array<i32>} : memref<2560xf32, #tpu.memory_space<vmem>>, vector<16xf32>,
    %swap3A_196 = arith.constant 656 : index
    %swap3A_197 = tpu.vector_load %arg6[%swap3A_196] {strides = array<i32>} : memref<2560xf32, #tpu.memory_space<vmem>>, vector<16xf32>,
    %swap3A_198 = vector.shape_cast %swap3A_197 : vector<16xf32> to vector<16xf32>
    %swap3A_199 = vector.shape_cast %scan3A_186#2 : vector<16xf32> to vector<16xf32>
    tpu.vector_store %arg6[%swap3A_196], %swap3A_199 {strides = array<i32>} : memref<2560xf32, #tpu.memory_space<vmem>>, vector<16xf32>,
    %swap3A_200 = arith.constant 672 : index
    %swap3A_201 = tpu.vector_load %arg6[%swap3A_200] {strides = array<i32>} : memref<2560xf32, #tpu.memory_space<vmem>>, vector<16xf32>,
    %swap3A_202 = vector.shape_cast %swap3A_201 : vector<16xf32> to vector<16xf32>
    %swap3A_203 = vector.shape_cast %scan3A_186#3 : vector<16xf32> to vector<16xf32>
    tpu.vector_store %arg6[%swap3A_200], %swap3A_203 {strides = array<i32>} : memref<2560xf32, #tpu.memory_space<vmem>>, vector<16xf32>,
    %swap3A_204 = arith.constant 688 : index
    %swap3A_205 = tpu.vector_load %arg6[%swap3A_204] {strides = array<i32>} : memref<2560xf32, #tpu.memory_space<vmem>>, vector<16xf32>,
    %swap3A_206 = vector.shape_cast %swap3A_205 : vector<16xf32> to vector<16xf32>
    %swap3A_207 = vector.shape_cast %scan3A_186#4 : vector<16xf32> to vector<16xf32>
    tpu.vector_store %arg6[%swap3A_204], %swap3A_207 {strides = array<i32>} : memref<2560xf32, #tpu.memory_space<vmem>>, vector<16xf32>,
    %swap3A_208 = arith.constant 704 : index
    %swap3A_209 = tpu.vector_load %arg6[%swap3A_208] {strides = array<i32>} : memref<2560xf32, #tpu.memory_space<vmem>>, vector<16xf32>,
    %swap3A_210 = vector.shape_cast %swap3A_209 : vector<16xf32> to vector<16xf32>
    %swap3A_211 = vector.shape_cast %scan3A_186#5 : vector<16xf32> to vector<16xf32>
    tpu.vector_store %arg6[%swap3A_208], %swap3A_211 {strides = array<i32>} : memref<2560xf32, #tpu.memory_space<vmem>>, vector<16xf32>,
    %swap3A_212 = arith.constant 720 : index
    %swap3A_213 = tpu.vector_load %arg6[%swap3A_212] {strides = array<i32>} : memref<2560xf32, #tpu.memory_space<vmem>>, vector<16xf32>,
    %swap3A_214 = vector.shape_cast %swap3A_213 : vector<16xf32> to vector<16xf32>
    %swap3A_215 = vector.shape_cast %scan3A_186#6 : vector<16xf32> to vector<16xf32>
    tpu.vector_store %arg6[%swap3A_212], %swap3A_215 {strides = array<i32>} : memref<2560xf32, #tpu.memory_space<vmem>>, vector<16xf32>,
    %swap3A_216 = arith.constant 736 : index
    %swap3A_217 = tpu.vector_load %arg6[%swap3A_216] {strides = array<i32>} : memref<2560xf32, #tpu.memory_space<vmem>>, vector<16xf32>,
    %swap3A_218 = vector.shape_cast %swap3A_217 : vector<16xf32> to vector<16xf32>
    %swap3A_219 = vector.shape_cast %scan3A_186#7 : vector<16xf32> to vector<16xf32>
    tpu.vector_store %arg6[%swap3A_216], %swap3A_219 {strides = array<i32>} : memref<2560xf32, #tpu.memory_space<vmem>>, vector<16xf32>,
    %swap3A_220 = arith.constant 752 : index
    %swap3A_221 = tpu.vector_load %arg6[%swap3A_220] {strides = array<i32>} : memref<2560xf32, #tpu.memory_space<vmem>>, vector<16xf32>,
    %swap3A_222 = vector.shape_cast %swap3A_221 : vector<16xf32> to vector<16xf32>
    %swap3A_223 = vector.shape_cast %scan3A_186#8 : vector<16xf32> to vector<16xf32>
    tpu.vector_store %arg6[%swap3A_220], %swap3A_223 {strides = array<i32>} : memref<2560xf32, #tpu.memory_space<vmem>>, vector<16xf32>,
    %swap3A_224 = arith.constant 768 : index
    %swap3A_225 = tpu.vector_load %arg6[%swap3A_224] {strides = array<i32>} : memref<2560xf32, #tpu.memory_space<vmem>>, vector<16xf32>,
    %swap3A_226 = vector.shape_cast %swap3A_225 : vector<16xf32> to vector<16xf32>
    %swap3A_227 = vector.shape_cast %scan3A_186#9 : vector<16xf32> to vector<16xf32>
    tpu.vector_store %arg6[%swap3A_224], %swap3A_227 {strides = array<i32>} : memref<2560xf32, #tpu.memory_space<vmem>>, vector<16xf32>,
    %swap3A_228 = arith.constant 784 : index
    %swap3A_229 = tpu.vector_load %arg6[%swap3A_228] {strides = array<i32>} : memref<2560xf32, #tpu.memory_space<vmem>>, vector<16xf32>,
    %swap3A_230 = vector.shape_cast %swap3A_229 : vector<16xf32> to vector<16xf32>
    %swap3A_231 = vector.shape_cast %scan3A_186#10 : vector<16xf32> to vector<16xf32>
    tpu.vector_store %arg6[%swap3A_228], %swap3A_231 {strides = array<i32>} : memref<2560xf32, #tpu.memory_space<vmem>>, vector<16xf32>,
    %swap3A_232 = arith.constant 800 : index
    %swap3A_233 = tpu.vector_load %arg6[%swap3A_232] {strides = array<i32>} : memref<2560xf32, #tpu.memory_space<vmem>>, vector<16xf32>,
    %swap3A_234 = vector.shape_cast %swap3A_233 : vector<16xf32> to vector<16xf32>
    %swap3A_235 = vector.shape_cast %scan3A_186#11 : vector<16xf32> to vector<16xf32>
    tpu.vector_store %arg6[%swap3A_232], %swap3A_235 {strides = array<i32>} : memref<2560xf32, #tpu.memory_space<vmem>>, vector<16xf32>,
    %swap3A_236 = arith.constant 816 : index
    %swap3A_237 = tpu.vector_load %arg6[%swap3A_236] {strides = array<i32>} : memref<2560xf32, #tpu.memory_space<vmem>>, vector<16xf32>,
    %swap3A_238 = vector.shape_cast %swap3A_237 : vector<16xf32> to vector<16xf32>
    %swap3A_239 = vector.shape_cast %scan3A_186#12 : vector<16xf32> to vector<16xf32>
    tpu.vector_store %arg6[%swap3A_236], %swap3A_239 {strides = array<i32>} : memref<2560xf32, #tpu.memory_space<vmem>>, vector<16xf32>,
    %scan3A_240 = arith.constant 0 : i32
    %scan3A_241 = arith.constant 288 : i32
    %scan3A_242 = arith.addi %scan3A_240, %scan3A_241 : i32
    %scan3A_243 = arith.constant 1 : i32
    %scan3A_244:13 = scf.for %scan3A_717 = %scan3A_240 to %scan3A_242 step %scan3A_243 iter_args(%scan3A_718 = %broadcast_in_dim3A_1, %scan3A_719 = %broadcast_in_dim3A_1, %scan3A_720 = %broadcast_in_dim3A_1, %scan3A_721 = %broadcast_in_dim3A_1, %scan3A_722 = %broadcast_in_dim3A_1, %scan3A_723 = %broadcast_in_dim3A_1, %scan3A_724 = %broadcast_in_dim3A_1, %scan3A_725 = %broadcast_in_dim3A_1, %scan3A_726 = %broadcast_in_dim3A_1, %scan3A_727 = %broadcast_in_dim3A_1, %scan3A_728 = %broadcast_in_dim3A_1, %scan3A_729 = %broadcast_in_dim3A_1, %scan3A_730 = %broadcast_in_dim3A_1) -> (vector<16xf32>, vector<16xf32>, vector<16xf32>, vector<16xf32>, vector<16xf32>, vector<16xf32>, vector<16xf32>, vector<16xf32>, vector<16xf32>, vector<16xf32>, vector<16xf32>, vector<16xf32>, vector<16xf32>)  : i32 {
      %mul3A_731 = arith.constant 16 : i32
      %mul3A_732 = arith.muli %scan3A_717, %mul3A_731 : i32
      %get3A = arith.index_cast %mul3A_732 : i32 to index
      %get3A_733 = tpu.vector_load %arg5[%get3A] {strides = array<i32>} : memref<4608xf32, #tpu.memory_space<vmem>>, vector<16xf32>,
      %get3A_734 = vector.shape_cast %get3A_733 : vector<16xf32> to vector<16xf32>
      %mul3A_735 = arith.constant 4.39757578E+17 : f32
      %mul3A_736 = vector.broadcast %mul3A_735 : f32 to vector<16xf32>
      %mul3A_737 = arith.mulf %get3A_734, %mul3A_736 : vector<16xf32>
      %mul3A_738 = arith.mulf %mul3A_737, %mul3A_737 : vector<16xf32>
      %add3A_739 = arith.constant 1.000000e+00 : f32
      %add3A_740 = vector.broadcast %add3A_739 : f32 to vector<16xf32>
      %add3A_741 = arith.addf %add3A_740, %mul3A_738 : vector<16xf32>
      %div3A = arith.constant 1.000000e+00 : f32
      %div3A_742 = vector.broadcast %div3A : f32 to vector<16xf32>
      %div3A_743 = arith.divf %div3A_742, %add3A_741 : vector<16xf32>
      %add3A_744 = arith.addf %scan3A_718, %div3A_743 : vector<16xf32>
      %mul3A_745 = arith.constant 9.60518858E+17 : f32
      %mul3A_746 = vector.broadcast %mul3A_745 : f32 to vector<16xf32>
      %mul3A_747 = arith.mulf %get3A_734, %mul3A_746 : vector<16xf32>
      %mul3A_748 = arith.mulf %mul3A_747, %mul3A_747 : vector<16xf32>
      %add3A_749 = arith.constant 1.000000e+00 : f32
      %add3A_750 = vector.broadcast %add3A_749 : f32 to vector<16xf32>
      %add3A_751 = arith.addf %add3A_750, %mul3A_748 : vector<16xf32>
      %div3A_752 = arith.constant 1.000000e+00 : f32
      %div3A_753 = vector.broadcast %div3A_752 : f32 to vector<16xf32>
      %div3A_754 = arith.divf %div3A_753, %add3A_751 : vector<16xf32>
      %add3A_755 = arith.addf %scan3A_719, %div3A_754 : vector<16xf32>
      %mul3A_756 = arith.constant 2.09796604E+18 : f32
      %mul3A_757 = vector.broadcast %mul3A_756 : f32 to vector<16xf32>
      %mul3A_758 = arith.mulf %get3A_734, %mul3A_757 : vector<16xf32>
      %mul3A_759 = arith.mulf %mul3A_758, %mul3A_758 : vector<16xf32>
      %add3A_760 = arith.constant 1.000000e+00 : f32
      %add3A_761 = vector.broadcast %add3A_760 : f32 to vector<16xf32>
      %add3A_762 = arith.addf %add3A_761, %mul3A_759 : vector<16xf32>
      %div3A_763 = arith.constant 1.000000e+00 : f32
      %div3A_764 = vector.broadcast %div3A_763 : f32 to vector<16xf32>
      %div3A_765 = arith.divf %div3A_764, %add3A_762 : vector<16xf32>
      %add3A_766 = arith.addf %scan3A_720, %div3A_765 : vector<16xf32>
      %mul3A_767 = arith.constant 4.58237909E+18 : f32
      %mul3A_768 = vector.broadcast %mul3A_767 : f32 to vector<16xf32>
      %mul3A_769 = arith.mulf %get3A_734, %mul3A_768 : vector<16xf32>
      %mul3A_770 = arith.mulf %mul3A_769, %mul3A_769 : vector<16xf32>
      %add3A_771 = arith.constant 1.000000e+00 : f32
      %add3A_772 = vector.broadcast %add3A_771 : f32 to vector<16xf32>
      %add3A_773 = arith.addf %add3A_772, %mul3A_770 : vector<16xf32>
      %div3A_774 = arith.constant 1.000000e+00 : f32
      %div3A_775 = vector.broadcast %div3A_774 : f32 to vector<16xf32>
      %div3A_776 = arith.divf %div3A_775, %add3A_773 : vector<16xf32>
      %add3A_777 = arith.addf %scan3A_721, %div3A_776 : vector<16xf32>
      %mul3A_778 = arith.constant 1.00088368E+19 : f32
      %mul3A_779 = vector.broadcast %mul3A_778 : f32 to vector<16xf32>
      %mul3A_780 = arith.mulf %get3A_734, %mul3A_779 : vector<16xf32>
      %mul3A_781 = arith.mulf %mul3A_780, %mul3A_780 : vector<16xf32>
      %add3A_782 = arith.constant 1.000000e+00 : f32
      %add3A_783 = vector.broadcast %add3A_782 : f32 to vector<16xf32>
      %add3A_784 = arith.addf %add3A_783, %mul3A_781 : vector<16xf32>
      %div3A_785 = arith.constant 1.000000e+00 : f32
      %div3A_786 = vector.broadcast %div3A_785 : f32 to vector<16xf32>
      %div3A_787 = arith.divf %div3A_786, %add3A_784 : vector<16xf32>
      %add3A_788 = arith.addf %scan3A_722, %div3A_787 : vector<16xf32>
      %mul3A_789 = arith.constant 2.18613082E+19 : f32
      %mul3A_790 = vector.broadcast %mul3A_789 : f32 to vector<16xf32>
      %mul3A_791 = arith.mulf %get3A_734, %mul3A_790 : vector<16xf32>
      %mul3A_792 = arith.mulf %mul3A_791, %mul3A_791 : vector<16xf32>
      %add3A_793 = arith.constant 1.000000e+00 : f32
      %add3A_794 = vector.broadcast %add3A_793 : f32 to vector<16xf32>
      %add3A_795 = arith.addf %add3A_794, %mul3A_792 : vector<16xf32>
      %div3A_796 = arith.constant 1.000000e+00 : f32
      %div3A_797 = vector.broadcast %div3A_796 : f32 to vector<16xf32>
      %div3A_798 = arith.divf %div3A_797, %add3A_795 : vector<16xf32>
      %add3A_799 = arith.addf %scan3A_723, %div3A_798 : vector<16xf32>
      %mul3A_800 = arith.constant 4.77494854E+19 : f32
      %mul3A_801 = vector.broadcast %mul3A_800 : f32 to vector<16xf32>
      %mul3A_802 = arith.mulf %get3A_734, %mul3A_801 : vector<16xf32>
      %mul3A_803 = arith.mulf %mul3A_802, %mul3A_802 : vector<16xf32>
      %add3A_804 = arith.constant 1.000000e+00 : f32
      %add3A_805 = vector.broadcast %add3A_804 : f32 to vector<16xf32>
      %add3A_806 = arith.addf %add3A_805, %mul3A_803 : vector<16xf32>
      %div3A_807 = arith.constant 1.000000e+00 : f32
      %div3A_808 = vector.broadcast %div3A_807 : f32 to vector<16xf32>
      %div3A_809 = arith.divf %div3A_808, %add3A_806 : vector<16xf32>
      %add3A_810 = arith.addf %scan3A_724, %div3A_809 : vector<16xf32>
      %mul3A_811 = arith.constant 1.04294466E+20 : f32
      %mul3A_812 = vector.broadcast %mul3A_811 : f32 to vector<16xf32>
      %mul3A_813 = arith.mulf %get3A_734, %mul3A_812 : vector<16xf32>
      %mul3A_814 = arith.mulf %mul3A_813, %mul3A_813 : vector<16xf32>
      %add3A_815 = arith.constant 1.000000e+00 : f32
      %add3A_816 = vector.broadcast %add3A_815 : f32 to vector<16xf32>
      %add3A_817 = arith.addf %add3A_816, %mul3A_814 : vector<16xf32>
      %div3A_818 = arith.constant 1.000000e+00 : f32
      %div3A_819 = vector.broadcast %div3A_818 : f32 to vector<16xf32>
      %div3A_820 = arith.divf %div3A_819, %add3A_817 : vector<16xf32>
      %add3A_821 = arith.addf %scan3A_725, %div3A_820 : vector<16xf32>
      %mul3A_822 = arith.constant 2.27800056E+20 : f32
      %mul3A_823 = vector.broadcast %mul3A_822 : f32 to vector<16xf32>
      %mul3A_824 = arith.mulf %get3A_734, %mul3A_823 : vector<16xf32>
      %mul3A_825 = arith.mulf %mul3A_824, %mul3A_824 : vector<16xf32>
      %add3A_826 = arith.constant 1.000000e+00 : f32
      %add3A_827 = vector.broadcast %add3A_826 : f32 to vector<16xf32>
      %add3A_828 = arith.addf %add3A_827, %mul3A_825 : vector<16xf32>
      %div3A_829 = arith.constant 1.000000e+00 : f32
      %div3A_830 = vector.broadcast %div3A_829 : f32 to vector<16xf32>
      %div3A_831 = arith.divf %div3A_830, %add3A_828 : vector<16xf32>
      %add3A_832 = arith.addf %scan3A_726, %div3A_831 : vector<16xf32>
      %mul3A_833 = arith.constant 4.97561065E+20 : f32
      %mul3A_834 = vector.broadcast %mul3A_833 : f32 to vector<16xf32>
      %mul3A_835 = arith.mulf %get3A_734, %mul3A_834 : vector<16xf32>
      %mul3A_836 = arith.mulf %mul3A_835, %mul3A_835 : vector<16xf32>
      %add3A_837 = arith.constant 1.000000e+00 : f32
      %add3A_838 = vector.broadcast %add3A_837 : f32 to vector<16xf32>
      %add3A_839 = arith.addf %add3A_838, %mul3A_836 : vector<16xf32>
      %div3A_840 = arith.constant 1.000000e+00 : f32
      %div3A_841 = vector.broadcast %div3A_840 : f32 to vector<16xf32>
      %div3A_842 = arith.divf %div3A_841, %add3A_839 : vector<16xf32>
      %add3A_843 = arith.addf %scan3A_727, %div3A_842 : vector<16xf32>
      %mul3A_844 = arith.constant 1.08677334E+21 : f32
      %mul3A_845 = vector.broadcast %mul3A_844 : f32 to vector<16xf32>
      %mul3A_846 = arith.mulf %get3A_734, %mul3A_845 : vector<16xf32>
      %mul3A_847 = arith.mulf %mul3A_846, %mul3A_846 : vector<16xf32>
      %add3A_848 = arith.constant 1.000000e+00 : f32
      %add3A_849 = vector.broadcast %add3A_848 : f32 to vector<16xf32>
      %add3A_850 = arith.addf %add3A_849, %mul3A_847 : vector<16xf32>
      %div3A_851 = arith.constant 1.000000e+00 : f32
      %div3A_852 = vector.broadcast %div3A_851 : f32 to vector<16xf32>
      %div3A_853 = arith.divf %div3A_852, %add3A_850 : vector<16xf32>
      %add3A_854 = arith.addf %scan3A_728, %div3A_853 : vector<16xf32>
      %mul3A_855 = arith.constant 2.37373111E+21 : f32
      %mul3A_856 = vector.broadcast %mul3A_855 : f32 to vector<16xf32>
      %mul3A_857 = arith.mulf %get3A_734, %mul3A_856 : vector<16xf32>
      %mul3A_858 = arith.mulf %mul3A_857, %mul3A_857 : vector<16xf32>
      %add3A_859 = arith.constant 1.000000e+00 : f32
      %add3A_860 = vector.broadcast %add3A_859 : f32 to vector<16xf32>
      %add3A_861 = arith.addf %add3A_860, %mul3A_858 : vector<16xf32>
      %div3A_862 = arith.constant 1.000000e+00 : f32
      %div3A_863 = vector.broadcast %div3A_862 : f32 to vector<16xf32>
      %div3A_864 = arith.divf %div3A_863, %add3A_861 : vector<16xf32>
      %add3A_865 = arith.addf %scan3A_729, %div3A_864 : vector<16xf32>
      %mul3A_866 = arith.constant 5.18470546E+21 : f32
      %mul3A_867 = vector.broadcast %mul3A_866 : f32 to vector<16xf32>
      %mul3A_868 = arith.mulf %get3A_734, %mul3A_867 : vector<16xf32>
      %mul3A_869 = arith.mulf %mul3A_868, %mul3A_868 : vector<16xf32>
      %add3A_870 = arith.constant 1.000000e+00 : f32
      %add3A_871 = vector.broadcast %add3A_870 : f32 to vector<16xf32>
      %add3A_872 = arith.addf %add3A_871, %mul3A_869 : vector<16xf32>
      %div3A_873 = arith.constant 1.000000e+00 : f32
      %div3A_874 = vector.broadcast %div3A_873 : f32 to vector<16xf32>
      %div3A_875 = arith.divf %div3A_874, %add3A_872 : vector<16xf32>
      %add3A_876 = arith.addf %scan3A_730, %div3A_875 : vector<16xf32>
      scf.yield %add3A_744, %add3A_755, %add3A_766, %add3A_777, %add3A_788, %add3A_799, %add3A_810, %add3A_821, %add3A_832, %add3A_843, %add3A_854, %add3A_865, %add3A_876 : vector<16xf32>, vector<16xf32>, vector<16xf32>, vector<16xf32>, vector<16xf32>, vector<16xf32>, vector<16xf32>, vector<16xf32>, vector<16xf32>, vector<16xf32>, vector<16xf32>, vector<16xf32>, vector<16xf32>
    }
    %scan3A_245 = arith.constant 288 : i32
    %swap3A_246 = arith.constant 832 : index
    %swap3A_247 = tpu.vector_load %arg6[%swap3A_246] {strides = array<i32>} : memref<2560xf32, #tpu.memory_space<vmem>>, vector<16xf32>,
    %swap3A_248 = vector.shape_cast %swap3A_247 : vector<16xf32> to vector<16xf32>
    %swap3A_249 = vector.shape_cast %scan3A_244#0 : vector<16xf32> to vector<16xf32>
    tpu.vector_store %arg6[%swap3A_246], %swap3A_249 {strides = array<i32>} : memref<2560xf32, #tpu.memory_space<vmem>>, vector<16xf32>,
    %swap3A_250 = arith.constant 848 : index
    %swap3A_251 = tpu.vector_load %arg6[%swap3A_250] {strides = array<i32>} : memref<2560xf32, #tpu.memory_space<vmem>>, vector<16xf32>,
    %swap3A_252 = vector.shape_cast %swap3A_251 : vector<16xf32> to vector<16xf32>
    %swap3A_253 = vector.shape_cast %scan3A_244#1 : vector<16xf32> to vector<16xf32>
    tpu.vector_store %arg6[%swap3A_250], %swap3A_253 {strides = array<i32>} : memref<2560xf32, #tpu.memory_space<vmem>>, vector<16xf32>,
    %swap3A_254 = arith.constant 864 : index
    %swap3A_255 = tpu.vector_load %arg6[%swap3A_254] {strides = array<i32>} : memref<2560xf32, #tpu.memory_space<vmem>>, vector<16xf32>,
    %swap3A_256 = vector.shape_cast %swap3A_255 : vector<16xf32> to vector<16xf32>
    %swap3A_257 = vector.shape_cast %scan3A_244#2 : vector<16xf32> to vector<16xf32>
    tpu.vector_store %arg6[%swap3A_254], %swap3A_257 {strides = array<i32>} : memref<2560xf32, #tpu.memory_space<vmem>>, vector<16xf32>,
    %swap3A_258 = arith.constant 880 : index
    %swap3A_259 = tpu.vector_load %arg6[%swap3A_258] {strides = array<i32>} : memref<2560xf32, #tpu.memory_space<vmem>>, vector<16xf32>,
    %swap3A_260 = vector.shape_cast %swap3A_259 : vector<16xf32> to vector<16xf32>
    %swap3A_261 = vector.shape_cast %scan3A_244#3 : vector<16xf32> to vector<16xf32>
    tpu.vector_store %arg6[%swap3A_258], %swap3A_261 {strides = array<i32>} : memref<2560xf32, #tpu.memory_space<vmem>>, vector<16xf32>,
    %swap3A_262 = arith.constant 896 : index
    %swap3A_263 = tpu.vector_load %arg6[%swap3A_262] {strides = array<i32>} : memref<2560xf32, #tpu.memory_space<vmem>>, vector<16xf32>,
    %swap3A_264 = vector.shape_cast %swap3A_263 : vector<16xf32> to vector<16xf32>
    %swap3A_265 = vector.shape_cast %scan3A_244#4 : vector<16xf32> to vector<16xf32>
    tpu.vector_store %arg6[%swap3A_262], %swap3A_265 {strides = array<i32>} : memref<2560xf32, #tpu.memory_space<vmem>>, vector<16xf32>,
    %swap3A_266 = arith.constant 912 : index
    %swap3A_267 = tpu.vector_load %arg6[%swap3A_266] {strides = array<i32>} : memref<2560xf32, #tpu.memory_space<vmem>>, vector<16xf32>,
    %swap3A_268 = vector.shape_cast %swap3A_267 : vector<16xf32> to vector<16xf32>
    %swap3A_269 = vector.shape_cast %scan3A_244#5 : vector<16xf32> to vector<16xf32>
    tpu.vector_store %arg6[%swap3A_266], %swap3A_269 {strides = array<i32>} : memref<2560xf32, #tpu.memory_space<vmem>>, vector<16xf32>,
    %swap3A_270 = arith.constant 928 : index
    %swap3A_271 = tpu.vector_load %arg6[%swap3A_270] {strides = array<i32>} : memref<2560xf32, #tpu.memory_space<vmem>>, vector<16xf32>,
    %swap3A_272 = vector.shape_cast %swap3A_271 : vector<16xf32> to vector<16xf32>
    %swap3A_273 = vector.shape_cast %scan3A_244#6 : vector<16xf32> to vector<16xf32>
    tpu.vector_store %arg6[%swap3A_270], %swap3A_273 {strides = array<i32>} : memref<2560xf32, #tpu.memory_space<vmem>>, vector<16xf32>,
    %swap3A_274 = arith.constant 944 : index
    %swap3A_275 = tpu.vector_load %arg6[%swap3A_274] {strides = array<i32>} : memref<2560xf32, #tpu.memory_space<vmem>>, vector<16xf32>,
    %swap3A_276 = vector.shape_cast %swap3A_275 : vector<16xf32> to vector<16xf32>
    %swap3A_277 = vector.shape_cast %scan3A_244#7 : vector<16xf32> to vector<16xf32>
    tpu.vector_store %arg6[%swap3A_274], %swap3A_277 {strides = array<i32>} : memref<2560xf32, #tpu.memory_space<vmem>>, vector<16xf32>,
    %swap3A_278 = arith.constant 960 : index
    %swap3A_279 = tpu.vector_load %arg6[%swap3A_278] {strides = array<i32>} : memref<2560xf32, #tpu.memory_space<vmem>>, vector<16xf32>,
    %swap3A_280 = vector.shape_cast %swap3A_279 : vector<16xf32> to vector<16xf32>
    %swap3A_281 = vector.shape_cast %scan3A_244#8 : vector<16xf32> to vector<16xf32>
    tpu.vector_store %arg6[%swap3A_278], %swap3A_281 {strides = array<i32>} : memref<2560xf32, #tpu.memory_space<vmem>>, vector<16xf32>,
    %swap3A_282 = arith.constant 976 : index
    %swap3A_283 = tpu.vector_load %arg6[%swap3A_282] {strides = array<i32>} : memref<2560xf32, #tpu.memory_space<vmem>>, vector<16xf32>,
    %swap3A_284 = vector.shape_cast %swap3A_283 : vector<16xf32> to vector<16xf32>
    %swap3A_285 = vector.shape_cast %scan3A_244#9 : vector<16xf32> to vector<16xf32>
    tpu.vector_store %arg6[%swap3A_282], %swap3A_285 {strides = array<i32>} : memref<2560xf32, #tpu.memory_space<vmem>>, vector<16xf32>,
    %swap3A_286 = arith.constant 992 : index
    %swap3A_287 = tpu.vector_load %arg6[%swap3A_286] {strides = array<i32>} : memref<2560xf32, #tpu.memory_space<vmem>>, vector<16xf32>,
    %swap3A_288 = vector.shape_cast %swap3A_287 : vector<16xf32> to vector<16xf32>
    %swap3A_289 = vector.shape_cast %scan3A_244#10 : vector<16xf32> to vector<16xf32>
    tpu.vector_store %arg6[%swap3A_286], %swap3A_289 {strides = array<i32>} : memref<2560xf32, #tpu.memory_space<vmem>>, vector<16xf32>,
    %swap3A_290 = arith.constant 1008 : index
    %swap3A_291 = tpu.vector_load %arg6[%swap3A_290] {strides = array<i32>} : memref<2560xf32, #tpu.memory_space<vmem>>, vector<16xf32>,
    %swap3A_292 = vector.shape_cast %swap3A_291 : vector<16xf32> to vector<16xf32>
    %swap3A_293 = vector.shape_cast %scan3A_244#11 : vector<16xf32> to vector<16xf32>
    tpu.vector_store %arg6[%swap3A_290], %swap3A_293 {strides = array<i32>} : memref<2560xf32, #tpu.memory_space<vmem>>, vector<16xf32>,
    %swap3A_294 = arith.constant 1024 : index
    %swap3A_295 = tpu.vector_load %arg6[%swap3A_294] {strides = array<i32>} : memref<2560xf32, #tpu.memory_space<vmem>>, vector<16xf32>,
    %swap3A_296 = vector.shape_cast %swap3A_295 : vector<16xf32> to vector<16xf32>
    %swap3A_297 = vector.shape_cast %scan3A_244#12 : vector<16xf32> to vector<16xf32>
    tpu.vector_store %arg6[%swap3A_294], %swap3A_297 {strides = array<i32>} : memref<2560xf32, #tpu.memory_space<vmem>>, vector<16xf32>,
    %swap3A_298 = arith.constant 1040 : index
    %swap3A_299 = tpu.vector_load %arg6[%swap3A_298] {strides = array<i32>} : memref<2560xf32, #tpu.memory_space<vmem>>, vector<16xf32>,
    %swap3A_300 = vector.shape_cast %swap3A_299 : vector<16xf32> to vector<16xf32>
    %swap3A_301 = vector.shape_cast %broadcast_in_dim3A_1 : vector<16xf32> to vector<16xf32>
    tpu.vector_store %arg6[%swap3A_298], %swap3A_301 {strides = array<i32>} : memref<2560xf32, #tpu.memory_space<vmem>>, vector<16xf32>,
    %swap3A_302 = arith.constant 1056 : index
    %swap3A_303 = tpu.vector_load %arg6[%swap3A_302] {strides = array<i32>} : memref<2560xf32, #tpu.memory_space<vmem>>, vector<16xf32>,
    %swap3A_304 = vector.shape_cast %swap3A_303 : vector<16xf32> to vector<16xf32>
    %swap3A_305 = vector.shape_cast %broadcast_in_dim3A_1 : vector<16xf32> to vector<16xf32>
    tpu.vector_store %arg6[%swap3A_302], %swap3A_305 {strides = array<i32>} : memref<2560xf32, #tpu.memory_space<vmem>>, vector<16xf32>,
    %swap3A_306 = arith.constant 1072 : index
    %swap3A_307 = tpu.vector_load %arg6[%swap3A_306] {strides = array<i32>} : memref<2560xf32, #tpu.memory_space<vmem>>, vector<16xf32>,
    %swap3A_308 = vector.shape_cast %swap3A_307 : vector<16xf32> to vector<16xf32>
    %swap3A_309 = vector.shape_cast %broadcast_in_dim3A_1 : vector<16xf32> to vector<16xf32>
    tpu.vector_store %arg6[%swap3A_306], %swap3A_309 {strides = array<i32>} : memref<2560xf32, #tpu.memory_space<vmem>>, vector<16xf32>,
    %swap3A_310 = arith.constant 1088 : index
    %swap3A_311 = tpu.vector_load %arg6[%swap3A_310] {strides = array<i32>} : memref<2560xf32, #tpu.memory_space<vmem>>, vector<16xf32>,
    %swap3A_312 = vector.shape_cast %swap3A_311 : vector<16xf32> to vector<16xf32>
    %swap3A_313 = vector.shape_cast %broadcast_in_dim3A_1 : vector<16xf32> to vector<16xf32>
    tpu.vector_store %arg6[%swap3A_310], %swap3A_313 {strides = array<i32>} : memref<2560xf32, #tpu.memory_space<vmem>>, vector<16xf32>,
    %swap3A_314 = arith.constant 1104 : index
    %swap3A_315 = tpu.vector_load %arg6[%swap3A_314] {strides = array<i32>} : memref<2560xf32, #tpu.memory_space<vmem>>, vector<16xf32>,
    %swap3A_316 = vector.shape_cast %swap3A_315 : vector<16xf32> to vector<16xf32>
    %swap3A_317 = vector.shape_cast %broadcast_in_dim3A_1 : vector<16xf32> to vector<16xf32>
    tpu.vector_store %arg6[%swap3A_314], %swap3A_317 {strides = array<i32>} : memref<2560xf32, #tpu.memory_space<vmem>>, vector<16xf32>,
    %swap3A_318 = arith.constant 1120 : index
    %swap3A_319 = tpu.vector_load %arg6[%swap3A_318] {strides = array<i32>} : memref<2560xf32, #tpu.memory_space<vmem>>, vector<16xf32>,
    %swap3A_320 = vector.shape_cast %swap3A_319 : vector<16xf32> to vector<16xf32>
    %swap3A_321 = vector.shape_cast %broadcast_in_dim3A_1 : vector<16xf32> to vector<16xf32>
    tpu.vector_store %arg6[%swap3A_318], %swap3A_321 {strides = array<i32>} : memref<2560xf32, #tpu.memory_space<vmem>>, vector<16xf32>,
    %swap3A_322 = arith.constant 1136 : index
    %swap3A_323 = tpu.vector_load %arg6[%swap3A_322] {strides = array<i32>} : memref<2560xf32, #tpu.memory_space<vmem>>, vector<16xf32>,
    %swap3A_324 = vector.shape_cast %swap3A_323 : vector<16xf32> to vector<16xf32>
    %swap3A_325 = vector.shape_cast %broadcast_in_dim3A_1 : vector<16xf32> to vector<16xf32>
    tpu.vector_store %arg6[%swap3A_322], %swap3A_325 {strides = array<i32>} : memref<2560xf32, #tpu.memory_space<vmem>>, vector<16xf32>,
    %swap3A_326 = arith.constant 1152 : index
    %swap3A_327 = tpu.vector_load %arg6[%swap3A_326] {strides = array<i32>} : memref<2560xf32, #tpu.memory_space<vmem>>, vector<16xf32>,
    %swap3A_328 = vector.shape_cast %swap3A_327 : vector<16xf32> to vector<16xf32>
    %swap3A_329 = vector.shape_cast %broadcast_in_dim3A_1 : vector<16xf32> to vector<16xf32>
    tpu.vector_store %arg6[%swap3A_326], %swap3A_329 {strides = array<i32>} : memref<2560xf32, #tpu.memory_space<vmem>>, vector<16xf32>,
    %swap3A_330 = arith.constant 1168 : index
    %swap3A_331 = tpu.vector_load %arg6[%swap3A_330] {strides = array<i32>} : memref<2560xf32, #tpu.memory_space<vmem>>, vector<16xf32>,
    %swap3A_332 = vector.shape_cast %swap3A_331 : vector<16xf32> to vector<16xf32>
    %swap3A_333 = vector.shape_cast %broadcast_in_dim3A_1 : vector<16xf32> to vector<16xf32>
    tpu.vector_store %arg6[%swap3A_330], %swap3A_333 {strides = array<i32>} : memref<2560xf32, #tpu.memory_space<vmem>>, vector<16xf32>,
    %swap3A_334 = arith.constant 1184 : index
    %swap3A_335 = tpu.vector_load %arg6[%swap3A_334] {strides = array<i32>} : memref<2560xf32, #tpu.memory_space<vmem>>, vector<16xf32>,
    %swap3A_336 = vector.shape_cast %swap3A_335 : vector<16xf32> to vector<16xf32>
    %swap3A_337 = vector.shape_cast %broadcast_in_dim3A_1 : vector<16xf32> to vector<16xf32>
    tpu.vector_store %arg6[%swap3A_334], %swap3A_337 {strides = array<i32>} : memref<2560xf32, #tpu.memory_space<vmem>>, vector<16xf32>,
    %swap3A_338 = arith.constant 1200 : index
    %swap3A_339 = tpu.vector_load %arg6[%swap3A_338] {strides = array<i32>} : memref<2560xf32, #tpu.memory_space<vmem>>, vector<16xf32>,
    %swap3A_340 = vector.shape_cast %swap3A_339 : vector<16xf32> to vector<16xf32>
    %swap3A_341 = vector.shape_cast %broadcast_in_dim3A_1 : vector<16xf32> to vector<16xf32>
    tpu.vector_store %arg6[%swap3A_338], %swap3A_341 {strides = array<i32>} : memref<2560xf32, #tpu.memory_space<vmem>>, vector<16xf32>,
    %swap3A_342 = arith.constant 1216 : index
    %swap3A_343 = tpu.vector_load %arg6[%swap3A_342] {strides = array<i32>} : memref<2560xf32, #tpu.memory_space<vmem>>, vector<16xf32>,
    %swap3A_344 = vector.shape_cast %swap3A_343 : vector<16xf32> to vector<16xf32>
    %swap3A_345 = vector.shape_cast %broadcast_in_dim3A_1 : vector<16xf32> to vector<16xf32>
    tpu.vector_store %arg6[%swap3A_342], %swap3A_345 {strides = array<i32>} : memref<2560xf32, #tpu.memory_space<vmem>>, vector<16xf32>,
    %swap3A_346 = arith.constant 1232 : index
    %swap3A_347 = tpu.vector_load %arg6[%swap3A_346] {strides = array<i32>} : memref<2560xf32, #tpu.memory_space<vmem>>, vector<16xf32>,
    %swap3A_348 = vector.shape_cast %swap3A_347 : vector<16xf32> to vector<16xf32>
    %swap3A_349 = vector.shape_cast %broadcast_in_dim3A_1 : vector<16xf32> to vector<16xf32>
    tpu.vector_store %arg6[%swap3A_346], %swap3A_349 {strides = array<i32>} : memref<2560xf32, #tpu.memory_space<vmem>>, vector<16xf32>,
    %swap3A_350 = arith.constant 1248 : index
    %swap3A_351 = tpu.vector_load %arg6[%swap3A_350] {strides = array<i32>} : memref<2560xf32, #tpu.memory_space<vmem>>, vector<16xf32>,
    %swap3A_352 = vector.shape_cast %swap3A_351 : vector<16xf32> to vector<16xf32>
    %swap3A_353 = vector.shape_cast %broadcast_in_dim3A_1 : vector<16xf32> to vector<16xf32>
    tpu.vector_store %arg6[%swap3A_350], %swap3A_353 {strides = array<i32>} : memref<2560xf32, #tpu.memory_space<vmem>>, vector<16xf32>,
    %swap3A_354 = arith.constant 1264 : index
    %swap3A_355 = tpu.vector_load %arg6[%swap3A_354] {strides = array<i32>} : memref<2560xf32, #tpu.memory_space<vmem>>, vector<16xf32>,
    %swap3A_356 = vector.shape_cast %swap3A_355 : vector<16xf32> to vector<16xf32>
    %swap3A_357 = vector.shape_cast %broadcast_in_dim3A_1 : vector<16xf32> to vector<16xf32>
    tpu.vector_store %arg6[%swap3A_354], %swap3A_357 {strides = array<i32>} : memref<2560xf32, #tpu.memory_space<vmem>>, vector<16xf32>,
    %mul3A_358 = arith.constant 4608 : i32
    %mul3A_359 = arith.muli %add3A, %mul3A_358 : i32
    %run_scoped3A_360 = arith.constant 1 : i32
    "tpu.region"() ({
      %run_scoped3A_717 = tpu.sem_alloc : memref<!tpu.dma_semaphore, #tpu.memory_space<semaphore_mem>>
      %dma_start3A = tpu.memref_slice %arg2[%run_scoped3A_360, %mul3A_359] : memref<2x147456xf32, #tpu.memory_space<hbm>> -> memref<1x4608xf32, #tpu.memory_space<hbm>>
      %dma_start3A_718 = tpu.memref_squeeze %dma_start3A : memref<1x4608xf32, #tpu.memory_space<hbm>> -> memref<4608xf32, #tpu.memory_space<hbm>>
      %dma_start3A_719 = tpu.memref_slice %arg2[%run_scoped3A_360, %mul3A_359] : memref<2x147456xf32, #tpu.memory_space<hbm>> -> memref<1x4608xf32, #tpu.memory_space<hbm>>
      %dma_start3A_720 = tpu.memref_squeeze %dma_start3A_719 : memref<1x4608xf32, #tpu.memory_space<hbm>> -> memref<4608xf32, #tpu.memory_space<hbm>>
      tpu.enqueue_dma source(%dma_start3A_720 : memref<4608xf32, #tpu.memory_space<hbm>>) target(%arg4 : memref<4608xf32, #tpu.memory_space<vmem>>) target_semaphore(%run_scoped3A_717 : memref<!tpu.dma_semaphore, #tpu.memory_space<semaphore_mem>>)
      %dma_wait3A = tpu.memref_slice %arg2[%run_scoped3A_360, %mul3A_359] : memref<2x147456xf32, #tpu.memory_space<hbm>> -> memref<1x4608xf32, #tpu.memory_space<hbm>>
      %dma_wait3A_721 = tpu.memref_squeeze %dma_wait3A : memref<1x4608xf32, #tpu.memory_space<hbm>> -> memref<4608xf32, #tpu.memory_space<hbm>>
      %dma_wait3A_722 = tpu.memref_slice %arg2[%run_scoped3A_360, %mul3A_359] : memref<2x147456xf32, #tpu.memory_space<hbm>> -> memref<1x4608xf32, #tpu.memory_space<hbm>>
      %dma_wait3A_723 = tpu.memref_squeeze %dma_wait3A_722 : memref<1x4608xf32, #tpu.memory_space<hbm>> -> memref<4608xf32, #tpu.memory_space<hbm>>
      tpu.wait_dma2 semaphore(%run_scoped3A_717 : memref<!tpu.dma_semaphore, #tpu.memory_space<semaphore_mem>>) src(%dma_wait3A_723 : memref<4608xf32, #tpu.memory_space<hbm>>) dst(%arg4 : memref<4608xf32, #tpu.memory_space<vmem>>)
      tpu.yield
    }) : () -> ()
    %scan3A_361 = arith.constant 0 : i32
    %scan3A_362 = arith.constant 0 : i32
    %scan3A_363 = arith.constant 288 : i32
    %scan3A_364 = arith.addi %scan3A_362, %scan3A_363 : i32
    %scan3A_365 = arith.constant 1 : i32
    scf.for %scan3A_717 = %scan3A_362 to %scan3A_364 step %scan3A_365  : i32 {
      %mul3A_718 = arith.constant 16 : i32
      %mul3A_719 = arith.muli %scan3A_717, %mul3A_718 : i32
      %get3A = arith.index_cast %mul3A_719 : i32 to index
      %get3A_720 = tpu.vector_load %arg4[%get3A] {strides = array<i32>} : memref<4608xf32, #tpu.memory_space<vmem>>, vector<16xf32>,
      %get3A_721 = vector.shape_cast %get3A_720 : vector<16xf32> to vector<16xf32>
      %mul3A_722 = arith.constant -5.000000e+01 : f32
      %mul3A_723 = vector.broadcast %mul3A_722 : f32 to vector<16xf32>
      %mul3A_724 = arith.mulf %get3A_721, %mul3A_723 : vector<16xf32>
      %exp3A = math.exp %mul3A_724 : vector<16xf32>
      %mul3A_725 = arith.constant 16 : i32
      %mul3A_726 = arith.muli %scan3A_717, %mul3A_725 : i32
      %swap3A_727 = arith.index_cast %mul3A_726 : i32 to index
      %swap3A_728 = tpu.vector_load %arg5[%swap3A_727] {strides = array<i32>} : memref<4608xf32, #tpu.memory_space<vmem>>, vector<16xf32>,
      %swap3A_729 = vector.shape_cast %swap3A_728 : vector<16xf32> to vector<16xf32>
      %swap3A_730 = vector.shape_cast %exp3A : vector<16xf32> to vector<16xf32>
      tpu.vector_store %arg5[%swap3A_727], %swap3A_730 {strides = array<i32>} : memref<4608xf32, #tpu.memory_space<vmem>>, vector<16xf32>,
    }
    %scan3A_366 = arith.constant 288 : i32
    %scan3A_367 = arith.constant 0 : i32
    %scan3A_368 = arith.constant 288 : i32
    %scan3A_369 = arith.addi %scan3A_367, %scan3A_368 : i32
    %scan3A_370 = arith.constant 1 : i32
    %scan3A_371:13 = scf.for %scan3A_717 = %scan3A_367 to %scan3A_369 step %scan3A_370 iter_args(%scan3A_718 = %broadcast_in_dim3A_1, %scan3A_719 = %broadcast_in_dim3A_1, %scan3A_720 = %broadcast_in_dim3A_1, %scan3A_721 = %broadcast_in_dim3A_1, %scan3A_722 = %broadcast_in_dim3A_1, %scan3A_723 = %broadcast_in_dim3A_1, %scan3A_724 = %broadcast_in_dim3A_1, %scan3A_725 = %broadcast_in_dim3A_1, %scan3A_726 = %broadcast_in_dim3A_1, %scan3A_727 = %broadcast_in_dim3A_1, %scan3A_728 = %broadcast_in_dim3A_1, %scan3A_729 = %broadcast_in_dim3A_1, %scan3A_730 = %broadcast_in_dim3A_1) -> (vector<16xf32>, vector<16xf32>, vector<16xf32>, vector<16xf32>, vector<16xf32>, vector<16xf32>, vector<16xf32>, vector<16xf32>, vector<16xf32>, vector<16xf32>, vector<16xf32>, vector<16xf32>, vector<16xf32>)  : i32 {
      %mul3A_731 = arith.constant 16 : i32
      %mul3A_732 = arith.muli %scan3A_717, %mul3A_731 : i32
      %get3A = arith.index_cast %mul3A_732 : i32 to index
      %get3A_733 = tpu.vector_load %arg5[%get3A] {strides = array<i32>} : memref<4608xf32, #tpu.memory_space<vmem>>, vector<16xf32>,
      %get3A_734 = vector.shape_cast %get3A_733 : vector<16xf32> to vector<16xf32>
      %mul3A_735 = arith.constant 1.000000e+00 : f32
      %mul3A_736 = vector.broadcast %mul3A_735 : f32 to vector<16xf32>
      %mul3A_737 = arith.mulf %get3A_734, %mul3A_736 : vector<16xf32>
      %mul3A_738 = arith.mulf %mul3A_737, %mul3A_737 : vector<16xf32>
      %add3A_739 = arith.constant 1.000000e+00 : f32
      %add3A_740 = vector.broadcast %add3A_739 : f32 to vector<16xf32>
      %add3A_741 = arith.addf %add3A_740, %mul3A_738 : vector<16xf32>
      %div3A = arith.constant 1.000000e+00 : f32
      %div3A_742 = vector.broadcast %div3A : f32 to vector<16xf32>
      %div3A_743 = arith.divf %div3A_742, %add3A_741 : vector<16xf32>
      %add3A_744 = arith.addf %scan3A_718, %div3A_743 : vector<16xf32>
      %mul3A_745 = arith.constant 2.18420076 : f32
      %mul3A_746 = vector.broadcast %mul3A_745 : f32 to vector<16xf32>
      %mul3A_747 = arith.mulf %get3A_734, %mul3A_746 : vector<16xf32>
      %mul3A_748 = arith.mulf %mul3A_747, %mul3A_747 : vector<16xf32>
      %add3A_749 = arith.constant 1.000000e+00 : f32
      %add3A_750 = vector.broadcast %add3A_749 : f32 to vector<16xf32>
      %add3A_751 = arith.addf %add3A_750, %mul3A_748 : vector<16xf32>
      %div3A_752 = arith.constant 1.000000e+00 : f32
      %div3A_753 = vector.broadcast %div3A_752 : f32 to vector<16xf32>
      %div3A_754 = arith.divf %div3A_753, %add3A_751 : vector<16xf32>
      %add3A_755 = arith.addf %scan3A_719, %div3A_754 : vector<16xf32>
      %mul3A_756 = arith.constant 4.77073336 : f32
      %mul3A_757 = vector.broadcast %mul3A_756 : f32 to vector<16xf32>
      %mul3A_758 = arith.mulf %get3A_734, %mul3A_757 : vector<16xf32>
      %mul3A_759 = arith.mulf %mul3A_758, %mul3A_758 : vector<16xf32>
      %add3A_760 = arith.constant 1.000000e+00 : f32
      %add3A_761 = vector.broadcast %add3A_760 : f32 to vector<16xf32>
      %add3A_762 = arith.addf %add3A_761, %mul3A_759 : vector<16xf32>
      %div3A_763 = arith.constant 1.000000e+00 : f32
      %div3A_764 = vector.broadcast %div3A_763 : f32 to vector<16xf32>
      %div3A_765 = arith.divf %div3A_764, %add3A_762 : vector<16xf32>
      %add3A_766 = arith.addf %scan3A_720, %div3A_765 : vector<16xf32>
      %mul3A_767 = arith.constant 10.4202394 : f32
      %mul3A_768 = vector.broadcast %mul3A_767 : f32 to vector<16xf32>
      %mul3A_769 = arith.mulf %get3A_734, %mul3A_768 : vector<16xf32>
      %mul3A_770 = arith.mulf %mul3A_769, %mul3A_769 : vector<16xf32>
      %add3A_771 = arith.constant 1.000000e+00 : f32
      %add3A_772 = vector.broadcast %add3A_771 : f32 to vector<16xf32>
      %add3A_773 = arith.addf %add3A_772, %mul3A_770 : vector<16xf32>
      %div3A_774 = arith.constant 1.000000e+00 : f32
      %div3A_775 = vector.broadcast %div3A_774 : f32 to vector<16xf32>
      %div3A_776 = arith.divf %div3A_775, %add3A_773 : vector<16xf32>
      %add3A_777 = arith.addf %scan3A_721, %div3A_776 : vector<16xf32>
      %mul3A_778 = arith.constant 22.7598953 : f32
      %mul3A_779 = vector.broadcast %mul3A_778 : f32 to vector<16xf32>
      %mul3A_780 = arith.mulf %get3A_734, %mul3A_779 : vector<16xf32>
      %mul3A_781 = arith.mulf %mul3A_780, %mul3A_780 : vector<16xf32>
      %add3A_782 = arith.constant 1.000000e+00 : f32
      %add3A_783 = vector.broadcast %add3A_782 : f32 to vector<16xf32>
      %add3A_784 = arith.addf %add3A_783, %mul3A_781 : vector<16xf32>
      %div3A_785 = arith.constant 1.000000e+00 : f32
      %div3A_786 = vector.broadcast %div3A_785 : f32 to vector<16xf32>
      %div3A_787 = arith.divf %div3A_786, %add3A_784 : vector<16xf32>
      %add3A_788 = arith.addf %scan3A_722, %div3A_787 : vector<16xf32>
      %mul3A_789 = arith.constant 49.7121811 : f32
      %mul3A_790 = vector.broadcast %mul3A_789 : f32 to vector<16xf32>
      %mul3A_791 = arith.mulf %get3A_734, %mul3A_790 : vector<16xf32>
      %mul3A_792 = arith.mulf %mul3A_791, %mul3A_791 : vector<16xf32>
      %add3A_793 = arith.constant 1.000000e+00 : f32
      %add3A_794 = vector.broadcast %add3A_793 : f32 to vector<16xf32>
      %add3A_795 = arith.addf %add3A_794, %mul3A_792 : vector<16xf32>
      %div3A_796 = arith.constant 1.000000e+00 : f32
      %div3A_797 = vector.broadcast %div3A_796 : f32 to vector<16xf32>
      %div3A_798 = arith.divf %div3A_797, %add3A_795 : vector<16xf32>
      %add3A_799 = arith.addf %scan3A_723, %div3A_798 : vector<16xf32>
      %mul3A_800 = arith.constant 108.58139 : f32
      %mul3A_801 = vector.broadcast %mul3A_800 : f32 to vector<16xf32>
      %mul3A_802 = arith.mulf %get3A_734, %mul3A_801 : vector<16xf32>
      %mul3A_803 = arith.mulf %mul3A_802, %mul3A_802 : vector<16xf32>
      %add3A_804 = arith.constant 1.000000e+00 : f32
      %add3A_805 = vector.broadcast %add3A_804 : f32 to vector<16xf32>
      %add3A_806 = arith.addf %add3A_805, %mul3A_803 : vector<16xf32>
      %div3A_807 = arith.constant 1.000000e+00 : f32
      %div3A_808 = vector.broadcast %div3A_807 : f32 to vector<16xf32>
      %div3A_809 = arith.divf %div3A_808, %add3A_806 : vector<16xf32>
      %add3A_810 = arith.addf %scan3A_724, %div3A_809 : vector<16xf32>
      %mul3A_811 = arith.constant 237.163559 : f32
      %mul3A_812 = vector.broadcast %mul3A_811 : f32 to vector<16xf32>
      %mul3A_813 = arith.mulf %get3A_734, %mul3A_812 : vector<16xf32>
      %mul3A_814 = arith.mulf %mul3A_813, %mul3A_813 : vector<16xf32>
      %add3A_815 = arith.constant 1.000000e+00 : f32
      %add3A_816 = vector.broadcast %add3A_815 : f32 to vector<16xf32>
      %add3A_817 = arith.addf %add3A_816, %mul3A_814 : vector<16xf32>
      %div3A_818 = arith.constant 1.000000e+00 : f32
      %div3A_819 = vector.broadcast %div3A_818 : f32 to vector<16xf32>
      %div3A_820 = arith.divf %div3A_819, %add3A_817 : vector<16xf32>
      %add3A_821 = arith.addf %scan3A_725, %div3A_820 : vector<16xf32>
      %mul3A_822 = arith.constant 518.012817 : f32
      %mul3A_823 = vector.broadcast %mul3A_822 : f32 to vector<16xf32>
      %mul3A_824 = arith.mulf %get3A_734, %mul3A_823 : vector<16xf32>
      %mul3A_825 = arith.mulf %mul3A_824, %mul3A_824 : vector<16xf32>
      %add3A_826 = arith.constant 1.000000e+00 : f32
      %add3A_827 = vector.broadcast %add3A_826 : f32 to vector<16xf32>
      %add3A_828 = arith.addf %add3A_827, %mul3A_825 : vector<16xf32>
      %div3A_829 = arith.constant 1.000000e+00 : f32
      %div3A_830 = vector.broadcast %div3A_829 : f32 to vector<16xf32>
      %div3A_831 = arith.divf %div3A_830, %add3A_828 : vector<16xf32>
      %add3A_832 = arith.addf %scan3A_726, %div3A_831 : vector<16xf32>
      %mul3A_833 = arith.constant 1131.44409 : f32
      %mul3A_834 = vector.broadcast %mul3A_833 : f32 to vector<16xf32>
      %mul3A_835 = arith.mulf %get3A_734, %mul3A_834 : vector<16xf32>
      %mul3A_836 = arith.mulf %mul3A_835, %mul3A_835 : vector<16xf32>
      %add3A_837 = arith.constant 1.000000e+00 : f32
      %add3A_838 = vector.broadcast %add3A_837 : f32 to vector<16xf32>
      %add3A_839 = arith.addf %add3A_838, %mul3A_836 : vector<16xf32>
      %div3A_840 = arith.constant 1.000000e+00 : f32
      %div3A_841 = vector.broadcast %div3A_840 : f32 to vector<16xf32>
      %div3A_842 = arith.divf %div3A_841, %add3A_839 : vector<16xf32>
      %add3A_843 = arith.addf %scan3A_727, %div3A_842 : vector<16xf32>
      %mul3A_844 = arith.constant 2471.30103 : f32
      %mul3A_845 = vector.broadcast %mul3A_844 : f32 to vector<16xf32>
      %mul3A_846 = arith.mulf %get3A_734, %mul3A_845 : vector<16xf32>
      %mul3A_847 = arith.mulf %mul3A_846, %mul3A_846 : vector<16xf32>
      %add3A_848 = arith.constant 1.000000e+00 : f32
      %add3A_849 = vector.broadcast %add3A_848 : f32 to vector<16xf32>
      %add3A_850 = arith.addf %add3A_849, %mul3A_847 : vector<16xf32>
      %div3A_851 = arith.constant 1.000000e+00 : f32
      %div3A_852 = vector.broadcast %div3A_851 : f32 to vector<16xf32>
      %div3A_853 = arith.divf %div3A_852, %add3A_850 : vector<16xf32>
      %add3A_854 = arith.addf %scan3A_728, %div3A_853 : vector<16xf32>
      %mul3A_855 = arith.constant 5397.81738 : f32
      %mul3A_856 = vector.broadcast %mul3A_855 : f32 to vector<16xf32>
      %mul3A_857 = arith.mulf %get3A_734, %mul3A_856 : vector<16xf32>
      %mul3A_858 = arith.mulf %mul3A_857, %mul3A_857 : vector<16xf32>
      %add3A_859 = arith.constant 1.000000e+00 : f32
      %add3A_860 = vector.broadcast %add3A_859 : f32 to vector<16xf32>
      %add3A_861 = arith.addf %add3A_860, %mul3A_858 : vector<16xf32>
      %div3A_862 = arith.constant 1.000000e+00 : f32
      %div3A_863 = vector.broadcast %div3A_862 : f32 to vector<16xf32>
      %div3A_864 = arith.divf %div3A_863, %add3A_861 : vector<16xf32>
      %add3A_865 = arith.addf %scan3A_729, %div3A_864 : vector<16xf32>
      %mul3A_866 = arith.constant 11789.918 : f32
      %mul3A_867 = vector.broadcast %mul3A_866 : f32 to vector<16xf32>
      %mul3A_868 = arith.mulf %get3A_734, %mul3A_867 : vector<16xf32>
      %mul3A_869 = arith.mulf %mul3A_868, %mul3A_868 : vector<16xf32>
      %add3A_870 = arith.constant 1.000000e+00 : f32
      %add3A_871 = vector.broadcast %add3A_870 : f32 to vector<16xf32>
      %add3A_872 = arith.addf %add3A_871, %mul3A_869 : vector<16xf32>
      %div3A_873 = arith.constant 1.000000e+00 : f32
      %div3A_874 = vector.broadcast %div3A_873 : f32 to vector<16xf32>
      %div3A_875 = arith.divf %div3A_874, %add3A_872 : vector<16xf32>
      %add3A_876 = arith.addf %scan3A_730, %div3A_875 : vector<16xf32>
      scf.yield %add3A_744, %add3A_755, %add3A_766, %add3A_777, %add3A_788, %add3A_799, %add3A_810, %add3A_821, %add3A_832, %add3A_843, %add3A_854, %add3A_865, %add3A_876 : vector<16xf32>, vector<16xf32>, vector<16xf32>, vector<16xf32>, vector<16xf32>, vector<16xf32>, vector<16xf32>, vector<16xf32>, vector<16xf32>, vector<16xf32>, vector<16xf32>, vector<16xf32>, vector<16xf32>
    }
    %scan3A_372 = arith.constant 288 : i32
    %swap3A_373 = arith.constant 1280 : index
    %swap3A_374 = tpu.vector_load %arg6[%swap3A_373] {strides = array<i32>} : memref<2560xf32, #tpu.memory_space<vmem>>, vector<16xf32>,
    %swap3A_375 = vector.shape_cast %swap3A_374 : vector<16xf32> to vector<16xf32>
    %swap3A_376 = vector.shape_cast %scan3A_371#0 : vector<16xf32> to vector<16xf32>
    tpu.vector_store %arg6[%swap3A_373], %swap3A_376 {strides = array<i32>} : memref<2560xf32, #tpu.memory_space<vmem>>, vector<16xf32>,
    %swap3A_377 = arith.constant 1296 : index
    %swap3A_378 = tpu.vector_load %arg6[%swap3A_377] {strides = array<i32>} : memref<2560xf32, #tpu.memory_space<vmem>>, vector<16xf32>,
    %swap3A_379 = vector.shape_cast %swap3A_378 : vector<16xf32> to vector<16xf32>
    %swap3A_380 = vector.shape_cast %scan3A_371#1 : vector<16xf32> to vector<16xf32>
    tpu.vector_store %arg6[%swap3A_377], %swap3A_380 {strides = array<i32>} : memref<2560xf32, #tpu.memory_space<vmem>>, vector<16xf32>,
    %swap3A_381 = arith.constant 1312 : index
    %swap3A_382 = tpu.vector_load %arg6[%swap3A_381] {strides = array<i32>} : memref<2560xf32, #tpu.memory_space<vmem>>, vector<16xf32>,
    %swap3A_383 = vector.shape_cast %swap3A_382 : vector<16xf32> to vector<16xf32>
    %swap3A_384 = vector.shape_cast %scan3A_371#2 : vector<16xf32> to vector<16xf32>
    tpu.vector_store %arg6[%swap3A_381], %swap3A_384 {strides = array<i32>} : memref<2560xf32, #tpu.memory_space<vmem>>, vector<16xf32>,
    %swap3A_385 = arith.constant 1328 : index
    %swap3A_386 = tpu.vector_load %arg6[%swap3A_385] {strides = array<i32>} : memref<2560xf32, #tpu.memory_space<vmem>>, vector<16xf32>,
    %swap3A_387 = vector.shape_cast %swap3A_386 : vector<16xf32> to vector<16xf32>
    %swap3A_388 = vector.shape_cast %scan3A_371#3 : vector<16xf32> to vector<16xf32>
    tpu.vector_store %arg6[%swap3A_385], %swap3A_388 {strides = array<i32>} : memref<2560xf32, #tpu.memory_space<vmem>>, vector<16xf32>,
    %swap3A_389 = arith.constant 1344 : index
    %swap3A_390 = tpu.vector_load %arg6[%swap3A_389] {strides = array<i32>} : memref<2560xf32, #tpu.memory_space<vmem>>, vector<16xf32>,
    %swap3A_391 = vector.shape_cast %swap3A_390 : vector<16xf32> to vector<16xf32>
    %swap3A_392 = vector.shape_cast %scan3A_371#4 : vector<16xf32> to vector<16xf32>
    tpu.vector_store %arg6[%swap3A_389], %swap3A_392 {strides = array<i32>} : memref<2560xf32, #tpu.memory_space<vmem>>, vector<16xf32>,
    %swap3A_393 = arith.constant 1360 : index
    %swap3A_394 = tpu.vector_load %arg6[%swap3A_393] {strides = array<i32>} : memref<2560xf32, #tpu.memory_space<vmem>>, vector<16xf32>,
    %swap3A_395 = vector.shape_cast %swap3A_394 : vector<16xf32> to vector<16xf32>
    %swap3A_396 = vector.shape_cast %scan3A_371#5 : vector<16xf32> to vector<16xf32>
    tpu.vector_store %arg6[%swap3A_393], %swap3A_396 {strides = array<i32>} : memref<2560xf32, #tpu.memory_space<vmem>>, vector<16xf32>,
    %swap3A_397 = arith.constant 1376 : index
    %swap3A_398 = tpu.vector_load %arg6[%swap3A_397] {strides = array<i32>} : memref<2560xf32, #tpu.memory_space<vmem>>, vector<16xf32>,
    %swap3A_399 = vector.shape_cast %swap3A_398 : vector<16xf32> to vector<16xf32>
    %swap3A_400 = vector.shape_cast %scan3A_371#6 : vector<16xf32> to vector<16xf32>
    tpu.vector_store %arg6[%swap3A_397], %swap3A_400 {strides = array<i32>} : memref<2560xf32, #tpu.memory_space<vmem>>, vector<16xf32>,
    %swap3A_401 = arith.constant 1392 : index
    %swap3A_402 = tpu.vector_load %arg6[%swap3A_401] {strides = array<i32>} : memref<2560xf32, #tpu.memory_space<vmem>>, vector<16xf32>,
    %swap3A_403 = vector.shape_cast %swap3A_402 : vector<16xf32> to vector<16xf32>
    %swap3A_404 = vector.shape_cast %scan3A_371#7 : vector<16xf32> to vector<16xf32>
    tpu.vector_store %arg6[%swap3A_401], %swap3A_404 {strides = array<i32>} : memref<2560xf32, #tpu.memory_space<vmem>>, vector<16xf32>,
    %swap3A_405 = arith.constant 1408 : index
    %swap3A_406 = tpu.vector_load %arg6[%swap3A_405] {strides = array<i32>} : memref<2560xf32, #tpu.memory_space<vmem>>, vector<16xf32>,
    %swap3A_407 = vector.shape_cast %swap3A_406 : vector<16xf32> to vector<16xf32>
    %swap3A_408 = vector.shape_cast %scan3A_371#8 : vector<16xf32> to vector<16xf32>
    tpu.vector_store %arg6[%swap3A_405], %swap3A_408 {strides = array<i32>} : memref<2560xf32, #tpu.memory_space<vmem>>, vector<16xf32>,
    %swap3A_409 = arith.constant 1424 : index
    %swap3A_410 = tpu.vector_load %arg6[%swap3A_409] {strides = array<i32>} : memref<2560xf32, #tpu.memory_space<vmem>>, vector<16xf32>,
    %swap3A_411 = vector.shape_cast %swap3A_410 : vector<16xf32> to vector<16xf32>
    %swap3A_412 = vector.shape_cast %scan3A_371#9 : vector<16xf32> to vector<16xf32>
    tpu.vector_store %arg6[%swap3A_409], %swap3A_412 {strides = array<i32>} : memref<2560xf32, #tpu.memory_space<vmem>>, vector<16xf32>,
    %swap3A_413 = arith.constant 1440 : index
    %swap3A_414 = tpu.vector_load %arg6[%swap3A_413] {strides = array<i32>} : memref<2560xf32, #tpu.memory_space<vmem>>, vector<16xf32>,
    %swap3A_415 = vector.shape_cast %swap3A_414 : vector<16xf32> to vector<16xf32>
    %swap3A_416 = vector.shape_cast %scan3A_371#10 : vector<16xf32> to vector<16xf32>
    tpu.vector_store %arg6[%swap3A_413], %swap3A_416 {strides = array<i32>} : memref<2560xf32, #tpu.memory_space<vmem>>, vector<16xf32>,
    %swap3A_417 = arith.constant 1456 : index
    %swap3A_418 = tpu.vector_load %arg6[%swap3A_417] {strides = array<i32>} : memref<2560xf32, #tpu.memory_space<vmem>>, vector<16xf32>,
    %swap3A_419 = vector.shape_cast %swap3A_418 : vector<16xf32> to vector<16xf32>
    %swap3A_420 = vector.shape_cast %scan3A_371#11 : vector<16xf32> to vector<16xf32>
    tpu.vector_store %arg6[%swap3A_417], %swap3A_420 {strides = array<i32>} : memref<2560xf32, #tpu.memory_space<vmem>>, vector<16xf32>,
    %swap3A_421 = arith.constant 1472 : index
    %swap3A_422 = tpu.vector_load %arg6[%swap3A_421] {strides = array<i32>} : memref<2560xf32, #tpu.memory_space<vmem>>, vector<16xf32>,
    %swap3A_423 = vector.shape_cast %swap3A_422 : vector<16xf32> to vector<16xf32>
    %swap3A_424 = vector.shape_cast %scan3A_371#12 : vector<16xf32> to vector<16xf32>
    tpu.vector_store %arg6[%swap3A_421], %swap3A_424 {strides = array<i32>} : memref<2560xf32, #tpu.memory_space<vmem>>, vector<16xf32>,
    %scan3A_425 = arith.constant 0 : i32
    %scan3A_426 = arith.constant 288 : i32
    %scan3A_427 = arith.addi %scan3A_425, %scan3A_426 : i32
    %scan3A_428 = arith.constant 1 : i32
    %scan3A_429:13 = scf.for %scan3A_717 = %scan3A_425 to %scan3A_427 step %scan3A_428 iter_args(%scan3A_718 = %broadcast_in_dim3A_1, %scan3A_719 = %broadcast_in_dim3A_1, %scan3A_720 = %broadcast_in_dim3A_1, %scan3A_721 = %broadcast_in_dim3A_1, %scan3A_722 = %broadcast_in_dim3A_1, %scan3A_723 = %broadcast_in_dim3A_1, %scan3A_724 = %broadcast_in_dim3A_1, %scan3A_725 = %broadcast_in_dim3A_1, %scan3A_726 = %broadcast_in_dim3A_1, %scan3A_727 = %broadcast_in_dim3A_1, %scan3A_728 = %broadcast_in_dim3A_1, %scan3A_729 = %broadcast_in_dim3A_1, %scan3A_730 = %broadcast_in_dim3A_1) -> (vector<16xf32>, vector<16xf32>, vector<16xf32>, vector<16xf32>, vector<16xf32>, vector<16xf32>, vector<16xf32>, vector<16xf32>, vector<16xf32>, vector<16xf32>, vector<16xf32>, vector<16xf32>, vector<16xf32>)  : i32 {
      %mul3A_731 = arith.constant 16 : i32
      %mul3A_732 = arith.muli %scan3A_717, %mul3A_731 : i32
      %get3A = arith.index_cast %mul3A_732 : i32 to index
      %get3A_733 = tpu.vector_load %arg5[%get3A] {strides = array<i32>} : memref<4608xf32, #tpu.memory_space<vmem>>, vector<16xf32>,
      %get3A_734 = vector.shape_cast %get3A_733 : vector<16xf32> to vector<16xf32>
      %mul3A_735 = arith.constant 25751.5469 : f32
      %mul3A_736 = vector.broadcast %mul3A_735 : f32 to vector<16xf32>
      %mul3A_737 = arith.mulf %get3A_734, %mul3A_736 : vector<16xf32>
      %mul3A_738 = arith.mulf %mul3A_737, %mul3A_737 : vector<16xf32>
      %add3A_739 = arith.constant 1.000000e+00 : f32
      %add3A_740 = vector.broadcast %add3A_739 : f32 to vector<16xf32>
      %add3A_741 = arith.addf %add3A_740, %mul3A_738 : vector<16xf32>
      %div3A = arith.constant 1.000000e+00 : f32
      %div3A_742 = vector.broadcast %div3A : f32 to vector<16xf32>
      %div3A_743 = arith.divf %div3A_742, %add3A_741 : vector<16xf32>
      %add3A_744 = arith.addf %scan3A_718, %div3A_743 : vector<16xf32>
      %mul3A_745 = arith.constant 56246.5508 : f32
      %mul3A_746 = vector.broadcast %mul3A_745 : f32 to vector<16xf32>
      %mul3A_747 = arith.mulf %get3A_734, %mul3A_746 : vector<16xf32>
      %mul3A_748 = arith.mulf %mul3A_747, %mul3A_747 : vector<16xf32>
      %add3A_749 = arith.constant 1.000000e+00 : f32
      %add3A_750 = vector.broadcast %add3A_749 : f32 to vector<16xf32>
      %add3A_751 = arith.addf %add3A_750, %mul3A_748 : vector<16xf32>
      %div3A_752 = arith.constant 1.000000e+00 : f32
      %div3A_753 = vector.broadcast %div3A_752 : f32 to vector<16xf32>
      %div3A_754 = arith.divf %div3A_753, %add3A_751 : vector<16xf32>
      %add3A_755 = arith.addf %scan3A_719, %div3A_754 : vector<16xf32>
      %mul3A_756 = arith.constant 122853.766 : f32
      %mul3A_757 = vector.broadcast %mul3A_756 : f32 to vector<16xf32>
      %mul3A_758 = arith.mulf %get3A_734, %mul3A_757 : vector<16xf32>
      %mul3A_759 = arith.mulf %mul3A_758, %mul3A_758 : vector<16xf32>
      %add3A_760 = arith.constant 1.000000e+00 : f32
      %add3A_761 = vector.broadcast %add3A_760 : f32 to vector<16xf32>
      %add3A_762 = arith.addf %add3A_761, %mul3A_759 : vector<16xf32>
      %div3A_763 = arith.constant 1.000000e+00 : f32
      %div3A_764 = vector.broadcast %div3A_763 : f32 to vector<16xf32>
      %div3A_765 = arith.divf %div3A_764, %add3A_762 : vector<16xf32>
      %add3A_766 = arith.addf %scan3A_720, %div3A_765 : vector<16xf32>
      %mul3A_767 = arith.constant 268337.281 : f32
      %mul3A_768 = vector.broadcast %mul3A_767 : f32 to vector<16xf32>
      %mul3A_769 = arith.mulf %get3A_734, %mul3A_768 : vector<16xf32>
      %mul3A_770 = arith.mulf %mul3A_769, %mul3A_769 : vector<16xf32>
      %add3A_771 = arith.constant 1.000000e+00 : f32
      %add3A_772 = vector.broadcast %add3A_771 : f32 to vector<16xf32>
      %add3A_773 = arith.addf %add3A_772, %mul3A_770 : vector<16xf32>
      %div3A_774 = arith.constant 1.000000e+00 : f32
      %div3A_775 = vector.broadcast %div3A_774 : f32 to vector<16xf32>
      %div3A_776 = arith.divf %div3A_775, %add3A_773 : vector<16xf32>
      %add3A_777 = arith.addf %scan3A_721, %div3A_776 : vector<16xf32>
      %mul3A_778 = arith.constant 586102.5 : f32
      %mul3A_779 = vector.broadcast %mul3A_778 : f32 to vector<16xf32>
      %mul3A_780 = arith.mulf %get3A_734, %mul3A_779 : vector<16xf32>
      %mul3A_781 = arith.mulf %mul3A_780, %mul3A_780 : vector<16xf32>
      %add3A_782 = arith.constant 1.000000e+00 : f32
      %add3A_783 = vector.broadcast %add3A_782 : f32 to vector<16xf32>
      %add3A_784 = arith.addf %add3A_783, %mul3A_781 : vector<16xf32>
      %div3A_785 = arith.constant 1.000000e+00 : f32
      %div3A_786 = vector.broadcast %div3A_785 : f32 to vector<16xf32>
      %div3A_787 = arith.divf %div3A_786, %add3A_784 : vector<16xf32>
      %add3A_788 = arith.addf %scan3A_722, %div3A_787 : vector<16xf32>
      %mul3A_789 = arith.constant 1280165.63 : f32
      %mul3A_790 = vector.broadcast %mul3A_789 : f32 to vector<16xf32>
      %mul3A_791 = arith.mulf %get3A_734, %mul3A_790 : vector<16xf32>
      %mul3A_792 = arith.mulf %mul3A_791, %mul3A_791 : vector<16xf32>
      %add3A_793 = arith.constant 1.000000e+00 : f32
      %add3A_794 = vector.broadcast %add3A_793 : f32 to vector<16xf32>
      %add3A_795 = arith.addf %add3A_794, %mul3A_792 : vector<16xf32>
      %div3A_796 = arith.constant 1.000000e+00 : f32
      %div3A_797 = vector.broadcast %div3A_796 : f32 to vector<16xf32>
      %div3A_798 = arith.divf %div3A_797, %add3A_795 : vector<16xf32>
      %add3A_799 = arith.addf %scan3A_723, %div3A_798 : vector<16xf32>
      %mul3A_800 = arith.constant 2796138.75 : f32
      %mul3A_801 = vector.broadcast %mul3A_800 : f32 to vector<16xf32>
      %mul3A_802 = arith.mulf %get3A_734, %mul3A_801 : vector<16xf32>
      %mul3A_803 = arith.mulf %mul3A_802, %mul3A_802 : vector<16xf32>
      %add3A_804 = arith.constant 1.000000e+00 : f32
      %add3A_805 = vector.broadcast %add3A_804 : f32 to vector<16xf32>
      %add3A_806 = arith.addf %add3A_805, %mul3A_803 : vector<16xf32>
      %div3A_807 = arith.constant 1.000000e+00 : f32
      %div3A_808 = vector.broadcast %div3A_807 : f32 to vector<16xf32>
      %div3A_809 = arith.divf %div3A_808, %add3A_806 : vector<16xf32>
      %add3A_810 = arith.addf %scan3A_724, %div3A_809 : vector<16xf32>
      %mul3A_811 = arith.constant 6107328.5 : f32
      %mul3A_812 = vector.broadcast %mul3A_811 : f32 to vector<16xf32>
      %mul3A_813 = arith.mulf %get3A_734, %mul3A_812 : vector<16xf32>
      %mul3A_814 = arith.mulf %mul3A_813, %mul3A_813 : vector<16xf32>
      %add3A_815 = arith.constant 1.000000e+00 : f32
      %add3A_816 = vector.broadcast %add3A_815 : f32 to vector<16xf32>
      %add3A_817 = arith.addf %add3A_816, %mul3A_814 : vector<16xf32>
      %div3A_818 = arith.constant 1.000000e+00 : f32
      %div3A_819 = vector.broadcast %div3A_818 : f32 to vector<16xf32>
      %div3A_820 = arith.divf %div3A_819, %add3A_817 : vector<16xf32>
      %add3A_821 = arith.addf %scan3A_725, %div3A_820 : vector<16xf32>
      %mul3A_822 = arith.constant 0x4B4B8BF0 : f32
      %mul3A_823 = vector.broadcast %mul3A_822 : f32 to vector<16xf32>
      %mul3A_824 = arith.mulf %get3A_734, %mul3A_823 : vector<16xf32>
      %mul3A_825 = arith.mulf %mul3A_824, %mul3A_824 : vector<16xf32>
      %add3A_826 = arith.constant 1.000000e+00 : f32
      %add3A_827 = vector.broadcast %add3A_826 : f32 to vector<16xf32>
      %add3A_828 = arith.addf %add3A_827, %mul3A_825 : vector<16xf32>
      %div3A_829 = arith.constant 1.000000e+00 : f32
      %div3A_830 = vector.broadcast %div3A_829 : f32 to vector<16xf32>
      %div3A_831 = arith.divf %div3A_830, %add3A_828 : vector<16xf32>
      %add3A_832 = arith.addf %scan3A_726, %div3A_831 : vector<16xf32>
      %mul3A_833 = arith.constant 0x4BDE4B19 : f32
      %mul3A_834 = vector.broadcast %mul3A_833 : f32 to vector<16xf32>
      %mul3A_835 = arith.mulf %get3A_734, %mul3A_834 : vector<16xf32>
      %mul3A_836 = arith.mulf %mul3A_835, %mul3A_835 : vector<16xf32>
      %add3A_837 = arith.constant 1.000000e+00 : f32
      %add3A_838 = vector.broadcast %add3A_837 : f32 to vector<16xf32>
      %add3A_839 = arith.addf %add3A_838, %mul3A_836 : vector<16xf32>
      %div3A_840 = arith.constant 1.000000e+00 : f32
      %div3A_841 = vector.broadcast %div3A_840 : f32 to vector<16xf32>
      %div3A_842 = arith.divf %div3A_841, %add3A_839 : vector<16xf32>
      %add3A_843 = arith.addf %scan3A_727, %div3A_842 : vector<16xf32>
      %mul3A_844 = arith.constant 0x4C72C444 : f32
      %mul3A_845 = vector.broadcast %mul3A_844 : f32 to vector<16xf32>
      %mul3A_846 = arith.mulf %get3A_734, %mul3A_845 : vector<16xf32>
      %mul3A_847 = arith.mulf %mul3A_846, %mul3A_846 : vector<16xf32>
      %add3A_848 = arith.constant 1.000000e+00 : f32
      %add3A_849 = vector.broadcast %add3A_848 : f32 to vector<16xf32>
      %add3A_850 = arith.addf %add3A_849, %mul3A_847 : vector<16xf32>
      %div3A_851 = arith.constant 1.000000e+00 : f32
      %div3A_852 = vector.broadcast %div3A_851 : f32 to vector<16xf32>
      %div3A_853 = arith.divf %div3A_852, %add3A_850 : vector<16xf32>
      %add3A_854 = arith.addf %scan3A_728, %div3A_853 : vector<16xf32>
      %mul3A_855 = arith.constant 0x4D049013 : f32
      %mul3A_856 = vector.broadcast %mul3A_855 : f32 to vector<16xf32>
      %mul3A_857 = arith.mulf %get3A_734, %mul3A_856 : vector<16xf32>
      %mul3A_858 = arith.mulf %mul3A_857, %mul3A_857 : vector<16xf32>
      %add3A_859 = arith.constant 1.000000e+00 : f32
      %add3A_860 = vector.broadcast %add3A_859 : f32 to vector<16xf32>
      %add3A_861 = arith.addf %add3A_860, %mul3A_858 : vector<16xf32>
      %div3A_862 = arith.constant 1.000000e+00 : f32
      %div3A_863 = vector.broadcast %div3A_862 : f32 to vector<16xf32>
      %div3A_864 = arith.divf %div3A_863, %add3A_861 : vector<16xf32>
      %add3A_865 = arith.addf %scan3A_729, %div3A_864 : vector<16xf32>
      %mul3A_866 = arith.constant 0x4D90C599 : f32
      %mul3A_867 = vector.broadcast %mul3A_866 : f32 to vector<16xf32>
      %mul3A_868 = arith.mulf %get3A_734, %mul3A_867 : vector<16xf32>
      %mul3A_869 = arith.mulf %mul3A_868, %mul3A_868 : vector<16xf32>
      %add3A_870 = arith.constant 1.000000e+00 : f32
      %add3A_871 = vector.broadcast %add3A_870 : f32 to vector<16xf32>
      %add3A_872 = arith.addf %add3A_871, %mul3A_869 : vector<16xf32>
      %div3A_873 = arith.constant 1.000000e+00 : f32
      %div3A_874 = vector.broadcast %div3A_873 : f32 to vector<16xf32>
      %div3A_875 = arith.divf %div3A_874, %add3A_872 : vector<16xf32>
      %add3A_876 = arith.addf %scan3A_730, %div3A_875 : vector<16xf32>
      scf.yield %add3A_744, %add3A_755, %add3A_766, %add3A_777, %add3A_788, %add3A_799, %add3A_810, %add3A_821, %add3A_832, %add3A_843, %add3A_854, %add3A_865, %add3A_876 : vector<16xf32>, vector<16xf32>, vector<16xf32>, vector<16xf32>, vector<16xf32>, vector<16xf32>, vector<16xf32>, vector<16xf32>, vector<16xf32>, vector<16xf32>, vector<16xf32>, vector<16xf32>, vector<16xf32>
    }
    %scan3A_430 = arith.constant 288 : i32
    %swap3A_431 = arith.constant 1488 : index
    %swap3A_432 = tpu.vector_load %arg6[%swap3A_431] {strides = array<i32>} : memref<2560xf32, #tpu.memory_space<vmem>>, vector<16xf32>,
    %swap3A_433 = vector.shape_cast %swap3A_432 : vector<16xf32> to vector<16xf32>
    %swap3A_434 = vector.shape_cast %scan3A_429#0 : vector<16xf32> to vector<16xf32>
    tpu.vector_store %arg6[%swap3A_431], %swap3A_434 {strides = array<i32>} : memref<2560xf32, #tpu.memory_space<vmem>>, vector<16xf32>,
    %swap3A_435 = arith.constant 1504 : index
    %swap3A_436 = tpu.vector_load %arg6[%swap3A_435] {strides = array<i32>} : memref<2560xf32, #tpu.memory_space<vmem>>, vector<16xf32>,
    %swap3A_437 = vector.shape_cast %swap3A_436 : vector<16xf32> to vector<16xf32>
    %swap3A_438 = vector.shape_cast %scan3A_429#1 : vector<16xf32> to vector<16xf32>
    tpu.vector_store %arg6[%swap3A_435], %swap3A_438 {strides = array<i32>} : memref<2560xf32, #tpu.memory_space<vmem>>, vector<16xf32>,
    %swap3A_439 = arith.constant 1520 : index
    %swap3A_440 = tpu.vector_load %arg6[%swap3A_439] {strides = array<i32>} : memref<2560xf32, #tpu.memory_space<vmem>>, vector<16xf32>,
    %swap3A_441 = vector.shape_cast %swap3A_440 : vector<16xf32> to vector<16xf32>
    %swap3A_442 = vector.shape_cast %scan3A_429#2 : vector<16xf32> to vector<16xf32>
    tpu.vector_store %arg6[%swap3A_439], %swap3A_442 {strides = array<i32>} : memref<2560xf32, #tpu.memory_space<vmem>>, vector<16xf32>,
    %swap3A_443 = arith.constant 1536 : index
    %swap3A_444 = tpu.vector_load %arg6[%swap3A_443] {strides = array<i32>} : memref<2560xf32, #tpu.memory_space<vmem>>, vector<16xf32>,
    %swap3A_445 = vector.shape_cast %swap3A_444 : vector<16xf32> to vector<16xf32>
    %swap3A_446 = vector.shape_cast %scan3A_429#3 : vector<16xf32> to vector<16xf32>
    tpu.vector_store %arg6[%swap3A_443], %swap3A_446 {strides = array<i32>} : memref<2560xf32, #tpu.memory_space<vmem>>, vector<16xf32>,
    %swap3A_447 = arith.constant 1552 : index
    %swap3A_448 = tpu.vector_load %arg6[%swap3A_447] {strides = array<i32>} : memref<2560xf32, #tpu.memory_space<vmem>>, vector<16xf32>,
    %swap3A_449 = vector.shape_cast %swap3A_448 : vector<16xf32> to vector<16xf32>
    %swap3A_450 = vector.shape_cast %scan3A_429#4 : vector<16xf32> to vector<16xf32>
    tpu.vector_store %arg6[%swap3A_447], %swap3A_450 {strides = array<i32>} : memref<2560xf32, #tpu.memory_space<vmem>>, vector<16xf32>,
    %swap3A_451 = arith.constant 1568 : index
    %swap3A_452 = tpu.vector_load %arg6[%swap3A_451] {strides = array<i32>} : memref<2560xf32, #tpu.memory_space<vmem>>, vector<16xf32>,
    %swap3A_453 = vector.shape_cast %swap3A_452 : vector<16xf32> to vector<16xf32>
    %swap3A_454 = vector.shape_cast %scan3A_429#5 : vector<16xf32> to vector<16xf32>
    tpu.vector_store %arg6[%swap3A_451], %swap3A_454 {strides = array<i32>} : memref<2560xf32, #tpu.memory_space<vmem>>, vector<16xf32>,
    %swap3A_455 = arith.constant 1584 : index
    %swap3A_456 = tpu.vector_load %arg6[%swap3A_455] {strides = array<i32>} : memref<2560xf32, #tpu.memory_space<vmem>>, vector<16xf32>,
    %swap3A_457 = vector.shape_cast %swap3A_456 : vector<16xf32> to vector<16xf32>
    %swap3A_458 = vector.shape_cast %scan3A_429#6 : vector<16xf32> to vector<16xf32>
    tpu.vector_store %arg6[%swap3A_455], %swap3A_458 {strides = array<i32>} : memref<2560xf32, #tpu.memory_space<vmem>>, vector<16xf32>,
    %swap3A_459 = arith.constant 1600 : index
    %swap3A_460 = tpu.vector_load %arg6[%swap3A_459] {strides = array<i32>} : memref<2560xf32, #tpu.memory_space<vmem>>, vector<16xf32>,
    %swap3A_461 = vector.shape_cast %swap3A_460 : vector<16xf32> to vector<16xf32>
    %swap3A_462 = vector.shape_cast %scan3A_429#7 : vector<16xf32> to vector<16xf32>
    tpu.vector_store %arg6[%swap3A_459], %swap3A_462 {strides = array<i32>} : memref<2560xf32, #tpu.memory_space<vmem>>, vector<16xf32>,
    %swap3A_463 = arith.constant 1616 : index
    %swap3A_464 = tpu.vector_load %arg6[%swap3A_463] {strides = array<i32>} : memref<2560xf32, #tpu.memory_space<vmem>>, vector<16xf32>,
    %swap3A_465 = vector.shape_cast %swap3A_464 : vector<16xf32> to vector<16xf32>
    %swap3A_466 = vector.shape_cast %scan3A_429#8 : vector<16xf32> to vector<16xf32>
    tpu.vector_store %arg6[%swap3A_463], %swap3A_466 {strides = array<i32>} : memref<2560xf32, #tpu.memory_space<vmem>>, vector<16xf32>,
    %swap3A_467 = arith.constant 1632 : index
    %swap3A_468 = tpu.vector_load %arg6[%swap3A_467] {strides = array<i32>} : memref<2560xf32, #tpu.memory_space<vmem>>, vector<16xf32>,
    %swap3A_469 = vector.shape_cast %swap3A_468 : vector<16xf32> to vector<16xf32>
    %swap3A_470 = vector.shape_cast %scan3A_429#9 : vector<16xf32> to vector<16xf32>
    tpu.vector_store %arg6[%swap3A_467], %swap3A_470 {strides = array<i32>} : memref<2560xf32, #tpu.memory_space<vmem>>, vector<16xf32>,
    %swap3A_471 = arith.constant 1648 : index
    %swap3A_472 = tpu.vector_load %arg6[%swap3A_471] {strides = array<i32>} : memref<2560xf32, #tpu.memory_space<vmem>>, vector<16xf32>,
    %swap3A_473 = vector.shape_cast %swap3A_472 : vector<16xf32> to vector<16xf32>
    %swap3A_474 = vector.shape_cast %scan3A_429#10 : vector<16xf32> to vector<16xf32>
    tpu.vector_store %arg6[%swap3A_471], %swap3A_474 {strides = array<i32>} : memref<2560xf32, #tpu.memory_space<vmem>>, vector<16xf32>,
    %swap3A_475 = arith.constant 1664 : index
    %swap3A_476 = tpu.vector_load %arg6[%swap3A_475] {strides = array<i32>} : memref<2560xf32, #tpu.memory_space<vmem>>, vector<16xf32>,
    %swap3A_477 = vector.shape_cast %swap3A_476 : vector<16xf32> to vector<16xf32>
    %swap3A_478 = vector.shape_cast %scan3A_429#11 : vector<16xf32> to vector<16xf32>
    tpu.vector_store %arg6[%swap3A_475], %swap3A_478 {strides = array<i32>} : memref<2560xf32, #tpu.memory_space<vmem>>, vector<16xf32>,
    %swap3A_479 = arith.constant 1680 : index
    %swap3A_480 = tpu.vector_load %arg6[%swap3A_479] {strides = array<i32>} : memref<2560xf32, #tpu.memory_space<vmem>>, vector<16xf32>,
    %swap3A_481 = vector.shape_cast %swap3A_480 : vector<16xf32> to vector<16xf32>
    %swap3A_482 = vector.shape_cast %scan3A_429#12 : vector<16xf32> to vector<16xf32>
    tpu.vector_store %arg6[%swap3A_479], %swap3A_482 {strides = array<i32>} : memref<2560xf32, #tpu.memory_space<vmem>>, vector<16xf32>,
    %scan3A_483 = arith.constant 0 : i32
    %scan3A_484 = arith.constant 288 : i32
    %scan3A_485 = arith.addi %scan3A_483, %scan3A_484 : i32
    %scan3A_486 = arith.constant 1 : i32
    %scan3A_487:13 = scf.for %scan3A_717 = %scan3A_483 to %scan3A_485 step %scan3A_486 iter_args(%scan3A_718 = %broadcast_in_dim3A_1, %scan3A_719 = %broadcast_in_dim3A_1, %scan3A_720 = %broadcast_in_dim3A_1, %scan3A_721 = %broadcast_in_dim3A_1, %scan3A_722 = %broadcast_in_dim3A_1, %scan3A_723 = %broadcast_in_dim3A_1, %scan3A_724 = %broadcast_in_dim3A_1, %scan3A_725 = %broadcast_in_dim3A_1, %scan3A_726 = %broadcast_in_dim3A_1, %scan3A_727 = %broadcast_in_dim3A_1, %scan3A_728 = %broadcast_in_dim3A_1, %scan3A_729 = %broadcast_in_dim3A_1, %scan3A_730 = %broadcast_in_dim3A_1) -> (vector<16xf32>, vector<16xf32>, vector<16xf32>, vector<16xf32>, vector<16xf32>, vector<16xf32>, vector<16xf32>, vector<16xf32>, vector<16xf32>, vector<16xf32>, vector<16xf32>, vector<16xf32>, vector<16xf32>)  : i32 {
      %mul3A_731 = arith.constant 16 : i32
      %mul3A_732 = arith.muli %scan3A_717, %mul3A_731 : i32
      %get3A = arith.index_cast %mul3A_732 : i32 to index
      %get3A_733 = tpu.vector_load %arg5[%get3A] {strides = array<i32>} : memref<4608xf32, #tpu.memory_space<vmem>>, vector<16xf32>,
      %get3A_734 = vector.shape_cast %get3A_733 : vector<16xf32> to vector<16xf32>
      %mul3A_735 = arith.constant 0x4E1E1AFD : f32
      %mul3A_736 = vector.broadcast %mul3A_735 : f32 to vector<16xf32>
      %mul3A_737 = arith.mulf %get3A_734, %mul3A_736 : vector<16xf32>
      %mul3A_738 = arith.mulf %mul3A_737, %mul3A_737 : vector<16xf32>
      %add3A_739 = arith.constant 1.000000e+00 : f32
      %add3A_740 = vector.broadcast %add3A_739 : f32 to vector<16xf32>
      %add3A_741 = arith.addf %add3A_740, %mul3A_738 : vector<16xf32>
      %div3A = arith.constant 1.000000e+00 : f32
      %div3A_742 = vector.broadcast %div3A : f32 to vector<16xf32>
      %div3A_743 = arith.divf %div3A_742, %add3A_741 : vector<16xf32>
      %add3A_744 = arith.addf %scan3A_718, %div3A_743 : vector<16xf32>
      %mul3A_745 = arith.constant 1.44843571E+9 : f32
      %mul3A_746 = vector.broadcast %mul3A_745 : f32 to vector<16xf32>
      %mul3A_747 = arith.mulf %get3A_734, %mul3A_746 : vector<16xf32>
      %mul3A_748 = arith.mulf %mul3A_747, %mul3A_747 : vector<16xf32>
      %add3A_749 = arith.constant 1.000000e+00 : f32
      %add3A_750 = vector.broadcast %add3A_749 : f32 to vector<16xf32>
      %add3A_751 = arith.addf %add3A_750, %mul3A_748 : vector<16xf32>
      %div3A_752 = arith.constant 1.000000e+00 : f32
      %div3A_753 = vector.broadcast %div3A_752 : f32 to vector<16xf32>
      %div3A_754 = arith.divf %div3A_753, %add3A_751 : vector<16xf32>
      %add3A_755 = arith.addf %scan3A_719, %div3A_754 : vector<16xf32>
      %mul3A_756 = arith.constant 3.16367437E+9 : f32
      %mul3A_757 = vector.broadcast %mul3A_756 : f32 to vector<16xf32>
      %mul3A_758 = arith.mulf %get3A_734, %mul3A_757 : vector<16xf32>
      %mul3A_759 = arith.mulf %mul3A_758, %mul3A_758 : vector<16xf32>
      %add3A_760 = arith.constant 1.000000e+00 : f32
      %add3A_761 = vector.broadcast %add3A_760 : f32 to vector<16xf32>
      %add3A_762 = arith.addf %add3A_761, %mul3A_759 : vector<16xf32>
      %div3A_763 = arith.constant 1.000000e+00 : f32
      %div3A_764 = vector.broadcast %div3A_763 : f32 to vector<16xf32>
      %div3A_765 = arith.divf %div3A_764, %add3A_762 : vector<16xf32>
      %add3A_766 = arith.addf %scan3A_720, %div3A_765 : vector<16xf32>
      %mul3A_767 = arith.constant 6.91010048E+9 : f32
      %mul3A_768 = vector.broadcast %mul3A_767 : f32 to vector<16xf32>
      %mul3A_769 = arith.mulf %get3A_734, %mul3A_768 : vector<16xf32>
      %mul3A_770 = arith.mulf %mul3A_769, %mul3A_769 : vector<16xf32>
      %add3A_771 = arith.constant 1.000000e+00 : f32
      %add3A_772 = vector.broadcast %add3A_771 : f32 to vector<16xf32>
      %add3A_773 = arith.addf %add3A_772, %mul3A_770 : vector<16xf32>
      %div3A_774 = arith.constant 1.000000e+00 : f32
      %div3A_775 = vector.broadcast %div3A_774 : f32 to vector<16xf32>
      %div3A_776 = arith.divf %div3A_775, %add3A_773 : vector<16xf32>
      %add3A_777 = arith.addf %scan3A_721, %div3A_776 : vector<16xf32>
      %mul3A_778 = arith.constant 1.50930473E+10 : f32
      %mul3A_779 = vector.broadcast %mul3A_778 : f32 to vector<16xf32>
      %mul3A_780 = arith.mulf %get3A_734, %mul3A_779 : vector<16xf32>
      %mul3A_781 = arith.mulf %mul3A_780, %mul3A_780 : vector<16xf32>
      %add3A_782 = arith.constant 1.000000e+00 : f32
      %add3A_783 = vector.broadcast %add3A_782 : f32 to vector<16xf32>
      %add3A_784 = arith.addf %add3A_783, %mul3A_781 : vector<16xf32>
      %div3A_785 = arith.constant 1.000000e+00 : f32
      %div3A_786 = vector.broadcast %div3A_785 : f32 to vector<16xf32>
      %div3A_787 = arith.divf %div3A_786, %add3A_784 : vector<16xf32>
      %add3A_788 = arith.addf %scan3A_722, %div3A_787 : vector<16xf32>
      %mul3A_789 = arith.constant 3.29662444E+10 : f32
      %mul3A_790 = vector.broadcast %mul3A_789 : f32 to vector<16xf32>
      %mul3A_791 = arith.mulf %get3A_734, %mul3A_790 : vector<16xf32>
      %mul3A_792 = arith.mulf %mul3A_791, %mul3A_791 : vector<16xf32>
      %add3A_793 = arith.constant 1.000000e+00 : f32
      %add3A_794 = vector.broadcast %add3A_793 : f32 to vector<16xf32>
      %add3A_795 = arith.addf %add3A_794, %mul3A_792 : vector<16xf32>
      %div3A_796 = arith.constant 1.000000e+00 : f32
      %div3A_797 = vector.broadcast %div3A_796 : f32 to vector<16xf32>
      %div3A_798 = arith.divf %div3A_797, %add3A_795 : vector<16xf32>
      %add3A_799 = arith.addf %scan3A_723, %div3A_798 : vector<16xf32>
      %mul3A_800 = arith.constant 7.200490e+10 : f32
      %mul3A_801 = vector.broadcast %mul3A_800 : f32 to vector<16xf32>
      %mul3A_802 = arith.mulf %get3A_734, %mul3A_801 : vector<16xf32>
      %mul3A_803 = arith.mulf %mul3A_802, %mul3A_802 : vector<16xf32>
      %add3A_804 = arith.constant 1.000000e+00 : f32
      %add3A_805 = vector.broadcast %add3A_804 : f32 to vector<16xf32>
      %add3A_806 = arith.addf %add3A_805, %mul3A_803 : vector<16xf32>
      %div3A_807 = arith.constant 1.000000e+00 : f32
      %div3A_808 = vector.broadcast %div3A_807 : f32 to vector<16xf32>
      %div3A_809 = arith.divf %div3A_808, %add3A_806 : vector<16xf32>
      %add3A_810 = arith.addf %scan3A_724, %div3A_809 : vector<16xf32>
      %mul3A_811 = arith.constant 1.57273162E+11 : f32
      %mul3A_812 = vector.broadcast %mul3A_811 : f32 to vector<16xf32>
      %mul3A_813 = arith.mulf %get3A_734, %mul3A_812 : vector<16xf32>
      %mul3A_814 = arith.mulf %mul3A_813, %mul3A_813 : vector<16xf32>
      %add3A_815 = arith.constant 1.000000e+00 : f32
      %add3A_816 = vector.broadcast %add3A_815 : f32 to vector<16xf32>
      %add3A_817 = arith.addf %add3A_816, %mul3A_814 : vector<16xf32>
      %div3A_818 = arith.constant 1.000000e+00 : f32
      %div3A_819 = vector.broadcast %div3A_818 : f32 to vector<16xf32>
      %div3A_820 = arith.divf %div3A_819, %add3A_817 : vector<16xf32>
      %add3A_821 = arith.addf %scan3A_725, %div3A_820 : vector<16xf32>
      %mul3A_822 = arith.constant 3.43516152E+11 : f32
      %mul3A_823 = vector.broadcast %mul3A_822 : f32 to vector<16xf32>
      %mul3A_824 = arith.mulf %get3A_734, %mul3A_823 : vector<16xf32>
      %mul3A_825 = arith.mulf %mul3A_824, %mul3A_824 : vector<16xf32>
      %add3A_826 = arith.constant 1.000000e+00 : f32
      %add3A_827 = vector.broadcast %add3A_826 : f32 to vector<16xf32>
      %add3A_828 = arith.addf %add3A_827, %mul3A_825 : vector<16xf32>
      %div3A_829 = arith.constant 1.000000e+00 : f32
      %div3A_830 = vector.broadcast %div3A_829 : f32 to vector<16xf32>
      %div3A_831 = arith.divf %div3A_830, %add3A_828 : vector<16xf32>
      %add3A_832 = arith.addf %scan3A_726, %div3A_831 : vector<16xf32>
      %mul3A_833 = arith.constant 7.50308294E+11 : f32
      %mul3A_834 = vector.broadcast %mul3A_833 : f32 to vector<16xf32>
      %mul3A_835 = arith.mulf %get3A_734, %mul3A_834 : vector<16xf32>
      %mul3A_836 = arith.mulf %mul3A_835, %mul3A_835 : vector<16xf32>
      %add3A_837 = arith.constant 1.000000e+00 : f32
      %add3A_838 = vector.broadcast %add3A_837 : f32 to vector<16xf32>
      %add3A_839 = arith.addf %add3A_838, %mul3A_836 : vector<16xf32>
      %div3A_840 = arith.constant 1.000000e+00 : f32
      %div3A_841 = vector.broadcast %div3A_840 : f32 to vector<16xf32>
      %div3A_842 = arith.divf %div3A_841, %add3A_839 : vector<16xf32>
      %add3A_843 = arith.addf %scan3A_727, %div3A_842 : vector<16xf32>
      %mul3A_844 = arith.constant 1.63882402E+12 : f32
      %mul3A_845 = vector.broadcast %mul3A_844 : f32 to vector<16xf32>
      %mul3A_846 = arith.mulf %get3A_734, %mul3A_845 : vector<16xf32>
      %mul3A_847 = arith.mulf %mul3A_846, %mul3A_846 : vector<16xf32>
      %add3A_848 = arith.constant 1.000000e+00 : f32
      %add3A_849 = vector.broadcast %add3A_848 : f32 to vector<16xf32>
      %add3A_850 = arith.addf %add3A_849, %mul3A_847 : vector<16xf32>
      %div3A_851 = arith.constant 1.000000e+00 : f32
      %div3A_852 = vector.broadcast %div3A_851 : f32 to vector<16xf32>
      %div3A_853 = arith.divf %div3A_852, %add3A_850 : vector<16xf32>
      %add3A_854 = arith.addf %scan3A_728, %div3A_853 : vector<16xf32>
      %mul3A_855 = arith.constant 3.57952048E+12 : f32
      %mul3A_856 = vector.broadcast %mul3A_855 : f32 to vector<16xf32>
      %mul3A_857 = arith.mulf %get3A_734, %mul3A_856 : vector<16xf32>
      %mul3A_858 = arith.mulf %mul3A_857, %mul3A_857 : vector<16xf32>
      %add3A_859 = arith.constant 1.000000e+00 : f32
      %add3A_860 = vector.broadcast %add3A_859 : f32 to vector<16xf32>
      %add3A_861 = arith.addf %add3A_860, %mul3A_858 : vector<16xf32>
      %div3A_862 = arith.constant 1.000000e+00 : f32
      %div3A_863 = vector.broadcast %div3A_862 : f32 to vector<16xf32>
      %div3A_864 = arith.divf %div3A_863, %add3A_861 : vector<16xf32>
      %add3A_865 = arith.addf %scan3A_729, %div3A_864 : vector<16xf32>
      %mul3A_866 = arith.constant 7.81839185E+12 : f32
      %mul3A_867 = vector.broadcast %mul3A_866 : f32 to vector<16xf32>
      %mul3A_868 = arith.mulf %get3A_734, %mul3A_867 : vector<16xf32>
      %mul3A_869 = arith.mulf %mul3A_868, %mul3A_868 : vector<16xf32>
      %add3A_870 = arith.constant 1.000000e+00 : f32
      %add3A_871 = vector.broadcast %add3A_870 : f32 to vector<16xf32>
      %add3A_872 = arith.addf %add3A_871, %mul3A_869 : vector<16xf32>
      %div3A_873 = arith.constant 1.000000e+00 : f32
      %div3A_874 = vector.broadcast %div3A_873 : f32 to vector<16xf32>
      %div3A_875 = arith.divf %div3A_874, %add3A_872 : vector<16xf32>
      %add3A_876 = arith.addf %scan3A_730, %div3A_875 : vector<16xf32>
      scf.yield %add3A_744, %add3A_755, %add3A_766, %add3A_777, %add3A_788, %add3A_799, %add3A_810, %add3A_821, %add3A_832, %add3A_843, %add3A_854, %add3A_865, %add3A_876 : vector<16xf32>, vector<16xf32>, vector<16xf32>, vector<16xf32>, vector<16xf32>, vector<16xf32>, vector<16xf32>, vector<16xf32>, vector<16xf32>, vector<16xf32>, vector<16xf32>, vector<16xf32>, vector<16xf32>
    }
    %scan3A_488 = arith.constant 288 : i32
    %swap3A_489 = arith.constant 1696 : index
    %swap3A_490 = tpu.vector_load %arg6[%swap3A_489] {strides = array<i32>} : memref<2560xf32, #tpu.memory_space<vmem>>, vector<16xf32>,
    %swap3A_491 = vector.shape_cast %swap3A_490 : vector<16xf32> to vector<16xf32>
    %swap3A_492 = vector.shape_cast %scan3A_487#0 : vector<16xf32> to vector<16xf32>
    tpu.vector_store %arg6[%swap3A_489], %swap3A_492 {strides = array<i32>} : memref<2560xf32, #tpu.memory_space<vmem>>, vector<16xf32>,
    %swap3A_493 = arith.constant 1712 : index
    %swap3A_494 = tpu.vector_load %arg6[%swap3A_493] {strides = array<i32>} : memref<2560xf32, #tpu.memory_space<vmem>>, vector<16xf32>,
    %swap3A_495 = vector.shape_cast %swap3A_494 : vector<16xf32> to vector<16xf32>
    %swap3A_496 = vector.shape_cast %scan3A_487#1 : vector<16xf32> to vector<16xf32>
    tpu.vector_store %arg6[%swap3A_493], %swap3A_496 {strides = array<i32>} : memref<2560xf32, #tpu.memory_space<vmem>>, vector<16xf32>,
    %swap3A_497 = arith.constant 1728 : index
    %swap3A_498 = tpu.vector_load %arg6[%swap3A_497] {strides = array<i32>} : memref<2560xf32, #tpu.memory_space<vmem>>, vector<16xf32>,
    %swap3A_499 = vector.shape_cast %swap3A_498 : vector<16xf32> to vector<16xf32>
    %swap3A_500 = vector.shape_cast %scan3A_487#2 : vector<16xf32> to vector<16xf32>
    tpu.vector_store %arg6[%swap3A_497], %swap3A_500 {strides = array<i32>} : memref<2560xf32, #tpu.memory_space<vmem>>, vector<16xf32>,
    %swap3A_501 = arith.constant 1744 : index
    %swap3A_502 = tpu.vector_load %arg6[%swap3A_501] {strides = array<i32>} : memref<2560xf32, #tpu.memory_space<vmem>>, vector<16xf32>,
    %swap3A_503 = vector.shape_cast %swap3A_502 : vector<16xf32> to vector<16xf32>
    %swap3A_504 = vector.shape_cast %scan3A_487#3 : vector<16xf32> to vector<16xf32>
    tpu.vector_store %arg6[%swap3A_501], %swap3A_504 {strides = array<i32>} : memref<2560xf32, #tpu.memory_space<vmem>>, vector<16xf32>,
    %swap3A_505 = arith.constant 1760 : index
    %swap3A_506 = tpu.vector_load %arg6[%swap3A_505] {strides = array<i32>} : memref<2560xf32, #tpu.memory_space<vmem>>, vector<16xf32>,
    %swap3A_507 = vector.shape_cast %swap3A_506 : vector<16xf32> to vector<16xf32>
    %swap3A_508 = vector.shape_cast %scan3A_487#4 : vector<16xf32> to vector<16xf32>
    tpu.vector_store %arg6[%swap3A_505], %swap3A_508 {strides = array<i32>} : memref<2560xf32, #tpu.memory_space<vmem>>, vector<16xf32>,
    %swap3A_509 = arith.constant 1776 : index
    %swap3A_510 = tpu.vector_load %arg6[%swap3A_509] {strides = array<i32>} : memref<2560xf32, #tpu.memory_space<vmem>>, vector<16xf32>,
    %swap3A_511 = vector.shape_cast %swap3A_510 : vector<16xf32> to vector<16xf32>
    %swap3A_512 = vector.shape_cast %scan3A_487#5 : vector<16xf32> to vector<16xf32>
    tpu.vector_store %arg6[%swap3A_509], %swap3A_512 {strides = array<i32>} : memref<2560xf32, #tpu.memory_space<vmem>>, vector<16xf32>,
    %swap3A_513 = arith.constant 1792 : index
    %swap3A_514 = tpu.vector_load %arg6[%swap3A_513] {strides = array<i32>} : memref<2560xf32, #tpu.memory_space<vmem>>, vector<16xf32>,
    %swap3A_515 = vector.shape_cast %swap3A_514 : vector<16xf32> to vector<16xf32>
    %swap3A_516 = vector.shape_cast %scan3A_487#6 : vector<16xf32> to vector<16xf32>
    tpu.vector_store %arg6[%swap3A_513], %swap3A_516 {strides = array<i32>} : memref<2560xf32, #tpu.memory_space<vmem>>, vector<16xf32>,
    %swap3A_517 = arith.constant 1808 : index
    %swap3A_518 = tpu.vector_load %arg6[%swap3A_517] {strides = array<i32>} : memref<2560xf32, #tpu.memory_space<vmem>>, vector<16xf32>,
    %swap3A_519 = vector.shape_cast %swap3A_518 : vector<16xf32> to vector<16xf32>
    %swap3A_520 = vector.shape_cast %scan3A_487#7 : vector<16xf32> to vector<16xf32>
    tpu.vector_store %arg6[%swap3A_517], %swap3A_520 {strides = array<i32>} : memref<2560xf32, #tpu.memory_space<vmem>>, vector<16xf32>,
    %swap3A_521 = arith.constant 1824 : index
    %swap3A_522 = tpu.vector_load %arg6[%swap3A_521] {strides = array<i32>} : memref<2560xf32, #tpu.memory_space<vmem>>, vector<16xf32>,
    %swap3A_523 = vector.shape_cast %swap3A_522 : vector<16xf32> to vector<16xf32>
    %swap3A_524 = vector.shape_cast %scan3A_487#8 : vector<16xf32> to vector<16xf32>
    tpu.vector_store %arg6[%swap3A_521], %swap3A_524 {strides = array<i32>} : memref<2560xf32, #tpu.memory_space<vmem>>, vector<16xf32>,
    %swap3A_525 = arith.constant 1840 : index
    %swap3A_526 = tpu.vector_load %arg6[%swap3A_525] {strides = array<i32>} : memref<2560xf32, #tpu.memory_space<vmem>>, vector<16xf32>,
    %swap3A_527 = vector.shape_cast %swap3A_526 : vector<16xf32> to vector<16xf32>
    %swap3A_528 = vector.shape_cast %scan3A_487#9 : vector<16xf32> to vector<16xf32>
    tpu.vector_store %arg6[%swap3A_525], %swap3A_528 {strides = array<i32>} : memref<2560xf32, #tpu.memory_space<vmem>>, vector<16xf32>,
    %swap3A_529 = arith.constant 1856 : index
    %swap3A_530 = tpu.vector_load %arg6[%swap3A_529] {strides = array<i32>} : memref<2560xf32, #tpu.memory_space<vmem>>, vector<16xf32>,
    %swap3A_531 = vector.shape_cast %swap3A_530 : vector<16xf32> to vector<16xf32>
    %swap3A_532 = vector.shape_cast %scan3A_487#10 : vector<16xf32> to vector<16xf32>
    tpu.vector_store %arg6[%swap3A_529], %swap3A_532 {strides = array<i32>} : memref<2560xf32, #tpu.memory_space<vmem>>, vector<16xf32>,
    %swap3A_533 = arith.constant 1872 : index
    %swap3A_534 = tpu.vector_load %arg6[%swap3A_533] {strides = array<i32>} : memref<2560xf32, #tpu.memory_space<vmem>>, vector<16xf32>,
    %swap3A_535 = vector.shape_cast %swap3A_534 : vector<16xf32> to vector<16xf32>
    %swap3A_536 = vector.shape_cast %scan3A_487#11 : vector<16xf32> to vector<16xf32>
    tpu.vector_store %arg6[%swap3A_533], %swap3A_536 {strides = array<i32>} : memref<2560xf32, #tpu.memory_space<vmem>>, vector<16xf32>,
    %swap3A_537 = arith.constant 1888 : index
    %swap3A_538 = tpu.vector_load %arg6[%swap3A_537] {strides = array<i32>} : memref<2560xf32, #tpu.memory_space<vmem>>, vector<16xf32>,
    %swap3A_539 = vector.shape_cast %swap3A_538 : vector<16xf32> to vector<16xf32>
    %swap3A_540 = vector.shape_cast %scan3A_487#12 : vector<16xf32> to vector<16xf32>
    tpu.vector_store %arg6[%swap3A_537], %swap3A_540 {strides = array<i32>} : memref<2560xf32, #tpu.memory_space<vmem>>, vector<16xf32>,
    %scan3A_541 = arith.constant 0 : i32
    %scan3A_542 = arith.constant 288 : i32
    %scan3A_543 = arith.addi %scan3A_541, %scan3A_542 : i32
    %scan3A_544 = arith.constant 1 : i32
    %scan3A_545:13 = scf.for %scan3A_717 = %scan3A_541 to %scan3A_543 step %scan3A_544 iter_args(%scan3A_718 = %broadcast_in_dim3A_1, %scan3A_719 = %broadcast_in_dim3A_1, %scan3A_720 = %broadcast_in_dim3A_1, %scan3A_721 = %broadcast_in_dim3A_1, %scan3A_722 = %broadcast_in_dim3A_1, %scan3A_723 = %broadcast_in_dim3A_1, %scan3A_724 = %broadcast_in_dim3A_1, %scan3A_725 = %broadcast_in_dim3A_1, %scan3A_726 = %broadcast_in_dim3A_1, %scan3A_727 = %broadcast_in_dim3A_1, %scan3A_728 = %broadcast_in_dim3A_1, %scan3A_729 = %broadcast_in_dim3A_1, %scan3A_730 = %broadcast_in_dim3A_1) -> (vector<16xf32>, vector<16xf32>, vector<16xf32>, vector<16xf32>, vector<16xf32>, vector<16xf32>, vector<16xf32>, vector<16xf32>, vector<16xf32>, vector<16xf32>, vector<16xf32>, vector<16xf32>, vector<16xf32>)  : i32 {
      %mul3A_731 = arith.constant 16 : i32
      %mul3A_732 = arith.muli %scan3A_717, %mul3A_731 : i32
      %get3A = arith.index_cast %mul3A_732 : i32 to index
      %get3A_733 = tpu.vector_load %arg5[%get3A] {strides = array<i32>} : memref<4608xf32, #tpu.memory_space<vmem>>, vector<16xf32>,
      %get3A_734 = vector.shape_cast %get3A_733 : vector<16xf32> to vector<16xf32>
      %mul3A_735 = arith.constant 1.70769378E+13 : f32
      %mul3A_736 = vector.broadcast %mul3A_735 : f32 to vector<16xf32>
      %mul3A_737 = arith.mulf %get3A_734, %mul3A_736 : vector<16xf32>
      %mul3A_738 = arith.mulf %mul3A_737, %mul3A_737 : vector<16xf32>
      %add3A_739 = arith.constant 1.000000e+00 : f32
      %add3A_740 = vector.broadcast %add3A_739 : f32 to vector<16xf32>
      %add3A_741 = arith.addf %add3A_740, %mul3A_738 : vector<16xf32>
      %div3A = arith.constant 1.000000e+00 : f32
      %div3A_742 = vector.broadcast %div3A : f32 to vector<16xf32>
      %div3A_743 = arith.divf %div3A_742, %add3A_741 : vector<16xf32>
      %add3A_744 = arith.addf %scan3A_718, %div3A_743 : vector<16xf32>
      %mul3A_745 = arith.constant 3.72994631E+13 : f32
      %mul3A_746 = vector.broadcast %mul3A_745 : f32 to vector<16xf32>
      %mul3A_747 = arith.mulf %get3A_734, %mul3A_746 : vector<16xf32>
      %mul3A_748 = arith.mulf %mul3A_747, %mul3A_747 : vector<16xf32>
      %add3A_749 = arith.constant 1.000000e+00 : f32
      %add3A_750 = vector.broadcast %add3A_749 : f32 to vector<16xf32>
      %add3A_751 = arith.addf %add3A_750, %mul3A_748 : vector<16xf32>
      %div3A_752 = arith.constant 1.000000e+00 : f32
      %div3A_753 = vector.broadcast %div3A_752 : f32 to vector<16xf32>
      %div3A_754 = arith.divf %div3A_753, %add3A_751 : vector<16xf32>
      %add3A_755 = arith.addf %scan3A_719, %div3A_754 : vector<16xf32>
      %mul3A_756 = arith.constant 8.14695149E+13 : f32
      %mul3A_757 = vector.broadcast %mul3A_756 : f32 to vector<16xf32>
      %mul3A_758 = arith.mulf %get3A_734, %mul3A_757 : vector<16xf32>
      %mul3A_759 = arith.mulf %mul3A_758, %mul3A_758 : vector<16xf32>
      %add3A_760 = arith.constant 1.000000e+00 : f32
      %add3A_761 = vector.broadcast %add3A_760 : f32 to vector<16xf32>
      %add3A_762 = arith.addf %add3A_761, %mul3A_759 : vector<16xf32>
      %div3A_763 = arith.constant 1.000000e+00 : f32
      %div3A_764 = vector.broadcast %div3A_763 : f32 to vector<16xf32>
      %div3A_765 = arith.divf %div3A_764, %add3A_762 : vector<16xf32>
      %add3A_766 = arith.addf %scan3A_720, %div3A_765 : vector<16xf32>
      %mul3A_767 = arith.constant 1.7794578E+14 : f32
      %mul3A_768 = vector.broadcast %mul3A_767 : f32 to vector<16xf32>
      %mul3A_769 = arith.mulf %get3A_734, %mul3A_768 : vector<16xf32>
      %mul3A_770 = arith.mulf %mul3A_769, %mul3A_769 : vector<16xf32>
      %add3A_771 = arith.constant 1.000000e+00 : f32
      %add3A_772 = vector.broadcast %add3A_771 : f32 to vector<16xf32>
      %add3A_773 = arith.addf %add3A_772, %mul3A_770 : vector<16xf32>
      %div3A_774 = arith.constant 1.000000e+00 : f32
      %div3A_775 = vector.broadcast %div3A_774 : f32 to vector<16xf32>
      %div3A_776 = arith.divf %div3A_775, %add3A_773 : vector<16xf32>
      %add3A_777 = arith.addf %scan3A_721, %div3A_776 : vector<16xf32>
      %mul3A_778 = arith.constant 3.88669307E+14 : f32
      %mul3A_779 = vector.broadcast %mul3A_778 : f32 to vector<16xf32>
      %mul3A_780 = arith.mulf %get3A_734, %mul3A_779 : vector<16xf32>
      %mul3A_781 = arith.mulf %mul3A_780, %mul3A_780 : vector<16xf32>
      %add3A_782 = arith.constant 1.000000e+00 : f32
      %add3A_783 = vector.broadcast %add3A_782 : f32 to vector<16xf32>
      %add3A_784 = arith.addf %add3A_783, %mul3A_781 : vector<16xf32>
      %div3A_785 = arith.constant 1.000000e+00 : f32
      %div3A_786 = vector.broadcast %div3A_785 : f32 to vector<16xf32>
      %div3A_787 = arith.divf %div3A_786, %add3A_784 : vector<16xf32>
      %add3A_788 = arith.addf %scan3A_722, %div3A_787 : vector<16xf32>
      %mul3A_789 = arith.constant 8.48931827E+14 : f32
      %mul3A_790 = vector.broadcast %mul3A_789 : f32 to vector<16xf32>
      %mul3A_791 = arith.mulf %get3A_734, %mul3A_790 : vector<16xf32>
      %mul3A_792 = arith.mulf %mul3A_791, %mul3A_791 : vector<16xf32>
      %add3A_793 = arith.constant 1.000000e+00 : f32
      %add3A_794 = vector.broadcast %add3A_793 : f32 to vector<16xf32>
      %add3A_795 = arith.addf %add3A_794, %mul3A_792 : vector<16xf32>
      %div3A_796 = arith.constant 1.000000e+00 : f32
      %div3A_797 = vector.broadcast %div3A_796 : f32 to vector<16xf32>
      %div3A_798 = arith.divf %div3A_797, %add3A_795 : vector<16xf32>
      %add3A_799 = arith.addf %scan3A_723, %div3A_798 : vector<16xf32>
      %mul3A_800 = arith.constant 1.85423764E+15 : f32
      %mul3A_801 = vector.broadcast %mul3A_800 : f32 to vector<16xf32>
      %mul3A_802 = arith.mulf %get3A_734, %mul3A_801 : vector<16xf32>
      %mul3A_803 = arith.mulf %mul3A_802, %mul3A_802 : vector<16xf32>
      %add3A_804 = arith.constant 1.000000e+00 : f32
      %add3A_805 = vector.broadcast %add3A_804 : f32 to vector<16xf32>
      %add3A_806 = arith.addf %add3A_805, %mul3A_803 : vector<16xf32>
      %div3A_807 = arith.constant 1.000000e+00 : f32
      %div3A_808 = vector.broadcast %div3A_807 : f32 to vector<16xf32>
      %div3A_809 = arith.divf %div3A_808, %add3A_806 : vector<16xf32>
      %add3A_810 = arith.addf %scan3A_724, %div3A_809 : vector<16xf32>
      %mul3A_811 = arith.constant 4.05002719E+15 : f32
      %mul3A_812 = vector.broadcast %mul3A_811 : f32 to vector<16xf32>
      %mul3A_813 = arith.mulf %get3A_734, %mul3A_812 : vector<16xf32>
      %mul3A_814 = arith.mulf %mul3A_813, %mul3A_813 : vector<16xf32>
      %add3A_815 = arith.constant 1.000000e+00 : f32
      %add3A_816 = vector.broadcast %add3A_815 : f32 to vector<16xf32>
      %add3A_817 = arith.addf %add3A_816, %mul3A_814 : vector<16xf32>
      %div3A_818 = arith.constant 1.000000e+00 : f32
      %div3A_819 = vector.broadcast %div3A_818 : f32 to vector<16xf32>
      %div3A_820 = arith.divf %div3A_819, %add3A_817 : vector<16xf32>
      %add3A_821 = arith.addf %scan3A_725, %div3A_820 : vector<16xf32>
      %mul3A_822 = arith.constant 8.84607302E+15 : f32
      %mul3A_823 = vector.broadcast %mul3A_822 : f32 to vector<16xf32>
      %mul3A_824 = arith.mulf %get3A_734, %mul3A_823 : vector<16xf32>
      %mul3A_825 = arith.mulf %mul3A_824, %mul3A_824 : vector<16xf32>
      %add3A_826 = arith.constant 1.000000e+00 : f32
      %add3A_827 = vector.broadcast %add3A_826 : f32 to vector<16xf32>
      %add3A_828 = arith.addf %add3A_827, %mul3A_825 : vector<16xf32>
      %div3A_829 = arith.constant 1.000000e+00 : f32
      %div3A_830 = vector.broadcast %div3A_829 : f32 to vector<16xf32>
      %div3A_831 = arith.divf %div3A_830, %add3A_828 : vector<16xf32>
      %add3A_832 = arith.addf %scan3A_726, %div3A_831 : vector<16xf32>
      %mul3A_833 = arith.constant 1.932160e+16 : f32
      %mul3A_834 = vector.broadcast %mul3A_833 : f32 to vector<16xf32>
      %mul3A_835 = arith.mulf %get3A_734, %mul3A_834 : vector<16xf32>
      %mul3A_836 = arith.mulf %mul3A_835, %mul3A_835 : vector<16xf32>
      %add3A_837 = arith.constant 1.000000e+00 : f32
      %add3A_838 = vector.broadcast %add3A_837 : f32 to vector<16xf32>
      %add3A_839 = arith.addf %add3A_838, %mul3A_836 : vector<16xf32>
      %div3A_840 = arith.constant 1.000000e+00 : f32
      %div3A_841 = vector.broadcast %div3A_840 : f32 to vector<16xf32>
      %div3A_842 = arith.divf %div3A_841, %add3A_839 : vector<16xf32>
      %add3A_843 = arith.addf %scan3A_727, %div3A_842 : vector<16xf32>
      %mul3A_844 = arith.constant 4.22022542E+16 : f32
      %mul3A_845 = vector.broadcast %mul3A_844 : f32 to vector<16xf32>
      %mul3A_846 = arith.mulf %get3A_734, %mul3A_845 : vector<16xf32>
      %mul3A_847 = arith.mulf %mul3A_846, %mul3A_846 : vector<16xf32>
      %add3A_848 = arith.constant 1.000000e+00 : f32
      %add3A_849 = vector.broadcast %add3A_848 : f32 to vector<16xf32>
      %add3A_850 = arith.addf %add3A_849, %mul3A_847 : vector<16xf32>
      %div3A_851 = arith.constant 1.000000e+00 : f32
      %div3A_852 = vector.broadcast %div3A_851 : f32 to vector<16xf32>
      %div3A_853 = arith.divf %div3A_852, %add3A_850 : vector<16xf32>
      %add3A_854 = arith.addf %scan3A_728, %div3A_853 : vector<16xf32>
      %mul3A_855 = arith.constant 9.21781929E+16 : f32
      %mul3A_856 = vector.broadcast %mul3A_855 : f32 to vector<16xf32>
      %mul3A_857 = arith.mulf %get3A_734, %mul3A_856 : vector<16xf32>
      %mul3A_858 = arith.mulf %mul3A_857, %mul3A_857 : vector<16xf32>
      %add3A_859 = arith.constant 1.000000e+00 : f32
      %add3A_860 = vector.broadcast %add3A_859 : f32 to vector<16xf32>
      %add3A_861 = arith.addf %add3A_860, %mul3A_858 : vector<16xf32>
      %div3A_862 = arith.constant 1.000000e+00 : f32
      %div3A_863 = vector.broadcast %div3A_862 : f32 to vector<16xf32>
      %div3A_864 = arith.divf %div3A_863, %add3A_861 : vector<16xf32>
      %add3A_865 = arith.addf %scan3A_729, %div3A_864 : vector<16xf32>
      %mul3A_866 = arith.constant 2.0133568E+17 : f32
      %mul3A_867 = vector.broadcast %mul3A_866 : f32 to vector<16xf32>
      %mul3A_868 = arith.mulf %get3A_734, %mul3A_867 : vector<16xf32>
      %mul3A_869 = arith.mulf %mul3A_868, %mul3A_868 : vector<16xf32>
      %add3A_870 = arith.constant 1.000000e+00 : f32
      %add3A_871 = vector.broadcast %add3A_870 : f32 to vector<16xf32>
      %add3A_872 = arith.addf %add3A_871, %mul3A_869 : vector<16xf32>
      %div3A_873 = arith.constant 1.000000e+00 : f32
      %div3A_874 = vector.broadcast %div3A_873 : f32 to vector<16xf32>
      %div3A_875 = arith.divf %div3A_874, %add3A_872 : vector<16xf32>
      %add3A_876 = arith.addf %scan3A_730, %div3A_875 : vector<16xf32>
      scf.yield %add3A_744, %add3A_755, %add3A_766, %add3A_777, %add3A_788, %add3A_799, %add3A_810, %add3A_821, %add3A_832, %add3A_843, %add3A_854, %add3A_865, %add3A_876 : vector<16xf32>, vector<16xf32>, vector<16xf32>, vector<16xf32>, vector<16xf32>, vector<16xf32>, vector<16xf32>, vector<16xf32>, vector<16xf32>, vector<16xf32>, vector<16xf32>, vector<16xf32>, vector<16xf32>
    }
    %scan3A_546 = arith.constant 288 : i32
    %swap3A_547 = arith.constant 1904 : index
    %swap3A_548 = tpu.vector_load %arg6[%swap3A_547] {strides = array<i32>} : memref<2560xf32, #tpu.memory_space<vmem>>, vector<16xf32>,
    %swap3A_549 = vector.shape_cast %swap3A_548 : vector<16xf32> to vector<16xf32>
    %swap3A_550 = vector.shape_cast %scan3A_545#0 : vector<16xf32> to vector<16xf32>
    tpu.vector_store %arg6[%swap3A_547], %swap3A_550 {strides = array<i32>} : memref<2560xf32, #tpu.memory_space<vmem>>, vector<16xf32>,
    %swap3A_551 = arith.constant 1920 : index
    %swap3A_552 = tpu.vector_load %arg6[%swap3A_551] {strides = array<i32>} : memref<2560xf32, #tpu.memory_space<vmem>>, vector<16xf32>,
    %swap3A_553 = vector.shape_cast %swap3A_552 : vector<16xf32> to vector<16xf32>
    %swap3A_554 = vector.shape_cast %scan3A_545#1 : vector<16xf32> to vector<16xf32>
    tpu.vector_store %arg6[%swap3A_551], %swap3A_554 {strides = array<i32>} : memref<2560xf32, #tpu.memory_space<vmem>>, vector<16xf32>,
    %swap3A_555 = arith.constant 1936 : index
    %swap3A_556 = tpu.vector_load %arg6[%swap3A_555] {strides = array<i32>} : memref<2560xf32, #tpu.memory_space<vmem>>, vector<16xf32>,
    %swap3A_557 = vector.shape_cast %swap3A_556 : vector<16xf32> to vector<16xf32>
    %swap3A_558 = vector.shape_cast %scan3A_545#2 : vector<16xf32> to vector<16xf32>
    tpu.vector_store %arg6[%swap3A_555], %swap3A_558 {strides = array<i32>} : memref<2560xf32, #tpu.memory_space<vmem>>, vector<16xf32>,
    %swap3A_559 = arith.constant 1952 : index
    %swap3A_560 = tpu.vector_load %arg6[%swap3A_559] {strides = array<i32>} : memref<2560xf32, #tpu.memory_space<vmem>>, vector<16xf32>,
    %swap3A_561 = vector.shape_cast %swap3A_560 : vector<16xf32> to vector<16xf32>
    %swap3A_562 = vector.shape_cast %scan3A_545#3 : vector<16xf32> to vector<16xf32>
    tpu.vector_store %arg6[%swap3A_559], %swap3A_562 {strides = array<i32>} : memref<2560xf32, #tpu.memory_space<vmem>>, vector<16xf32>,
    %swap3A_563 = arith.constant 1968 : index
    %swap3A_564 = tpu.vector_load %arg6[%swap3A_563] {strides = array<i32>} : memref<2560xf32, #tpu.memory_space<vmem>>, vector<16xf32>,
    %swap3A_565 = vector.shape_cast %swap3A_564 : vector<16xf32> to vector<16xf32>
    %swap3A_566 = vector.shape_cast %scan3A_545#4 : vector<16xf32> to vector<16xf32>
    tpu.vector_store %arg6[%swap3A_563], %swap3A_566 {strides = array<i32>} : memref<2560xf32, #tpu.memory_space<vmem>>, vector<16xf32>,
    %swap3A_567 = arith.constant 1984 : index
    %swap3A_568 = tpu.vector_load %arg6[%swap3A_567] {strides = array<i32>} : memref<2560xf32, #tpu.memory_space<vmem>>, vector<16xf32>,
    %swap3A_569 = vector.shape_cast %swap3A_568 : vector<16xf32> to vector<16xf32>
    %swap3A_570 = vector.shape_cast %scan3A_545#5 : vector<16xf32> to vector<16xf32>
    tpu.vector_store %arg6[%swap3A_567], %swap3A_570 {strides = array<i32>} : memref<2560xf32, #tpu.memory_space<vmem>>, vector<16xf32>,
    %swap3A_571 = arith.constant 2000 : index
    %swap3A_572 = tpu.vector_load %arg6[%swap3A_571] {strides = array<i32>} : memref<2560xf32, #tpu.memory_space<vmem>>, vector<16xf32>,
    %swap3A_573 = vector.shape_cast %swap3A_572 : vector<16xf32> to vector<16xf32>
    %swap3A_574 = vector.shape_cast %scan3A_545#6 : vector<16xf32> to vector<16xf32>
    tpu.vector_store %arg6[%swap3A_571], %swap3A_574 {strides = array<i32>} : memref<2560xf32, #tpu.memory_space<vmem>>, vector<16xf32>,
    %swap3A_575 = arith.constant 2016 : index
    %swap3A_576 = tpu.vector_load %arg6[%swap3A_575] {strides = array<i32>} : memref<2560xf32, #tpu.memory_space<vmem>>, vector<16xf32>,
    %swap3A_577 = vector.shape_cast %swap3A_576 : vector<16xf32> to vector<16xf32>
    %swap3A_578 = vector.shape_cast %scan3A_545#7 : vector<16xf32> to vector<16xf32>
    tpu.vector_store %arg6[%swap3A_575], %swap3A_578 {strides = array<i32>} : memref<2560xf32, #tpu.memory_space<vmem>>, vector<16xf32>,
    %swap3A_579 = arith.constant 2032 : index
    %swap3A_580 = tpu.vector_load %arg6[%swap3A_579] {strides = array<i32>} : memref<2560xf32, #tpu.memory_space<vmem>>, vector<16xf32>,
    %swap3A_581 = vector.shape_cast %swap3A_580 : vector<16xf32> to vector<16xf32>
    %swap3A_582 = vector.shape_cast %scan3A_545#8 : vector<16xf32> to vector<16xf32>
    tpu.vector_store %arg6[%swap3A_579], %swap3A_582 {strides = array<i32>} : memref<2560xf32, #tpu.memory_space<vmem>>, vector<16xf32>,
    %swap3A_583 = arith.constant 2048 : index
    %swap3A_584 = tpu.vector_load %arg6[%swap3A_583] {strides = array<i32>} : memref<2560xf32, #tpu.memory_space<vmem>>, vector<16xf32>,
    %swap3A_585 = vector.shape_cast %swap3A_584 : vector<16xf32> to vector<16xf32>
    %swap3A_586 = vector.shape_cast %scan3A_545#9 : vector<16xf32> to vector<16xf32>
    tpu.vector_store %arg6[%swap3A_583], %swap3A_586 {strides = array<i32>} : memref<2560xf32, #tpu.memory_space<vmem>>, vector<16xf32>,
    %swap3A_587 = arith.constant 2064 : index
    %swap3A_588 = tpu.vector_load %arg6[%swap3A_587] {strides = array<i32>} : memref<2560xf32, #tpu.memory_space<vmem>>, vector<16xf32>,
    %swap3A_589 = vector.shape_cast %swap3A_588 : vector<16xf32> to vector<16xf32>
    %swap3A_590 = vector.shape_cast %scan3A_545#10 : vector<16xf32> to vector<16xf32>
    tpu.vector_store %arg6[%swap3A_587], %swap3A_590 {strides = array<i32>} : memref<2560xf32, #tpu.memory_space<vmem>>, vector<16xf32>,
    %swap3A_591 = arith.constant 2080 : index
    %swap3A_592 = tpu.vector_load %arg6[%swap3A_591] {strides = array<i32>} : memref<2560xf32, #tpu.memory_space<vmem>>, vector<16xf32>,
    %swap3A_593 = vector.shape_cast %swap3A_592 : vector<16xf32> to vector<16xf32>
    %swap3A_594 = vector.shape_cast %scan3A_545#11 : vector<16xf32> to vector<16xf32>
    tpu.vector_store %arg6[%swap3A_591], %swap3A_594 {strides = array<i32>} : memref<2560xf32, #tpu.memory_space<vmem>>, vector<16xf32>,
    %swap3A_595 = arith.constant 2096 : index
    %swap3A_596 = tpu.vector_load %arg6[%swap3A_595] {strides = array<i32>} : memref<2560xf32, #tpu.memory_space<vmem>>, vector<16xf32>,
    %swap3A_597 = vector.shape_cast %swap3A_596 : vector<16xf32> to vector<16xf32>
    %swap3A_598 = vector.shape_cast %scan3A_545#12 : vector<16xf32> to vector<16xf32>
    tpu.vector_store %arg6[%swap3A_595], %swap3A_598 {strides = array<i32>} : memref<2560xf32, #tpu.memory_space<vmem>>, vector<16xf32>,
    %scan3A_599 = arith.constant 0 : i32
    %scan3A_600 = arith.constant 288 : i32
    %scan3A_601 = arith.addi %scan3A_599, %scan3A_600 : i32
    %scan3A_602 = arith.constant 1 : i32
    %scan3A_603:13 = scf.for %scan3A_717 = %scan3A_599 to %scan3A_601 step %scan3A_602 iter_args(%scan3A_718 = %broadcast_in_dim3A_1, %scan3A_719 = %broadcast_in_dim3A_1, %scan3A_720 = %broadcast_in_dim3A_1, %scan3A_721 = %broadcast_in_dim3A_1, %scan3A_722 = %broadcast_in_dim3A_1, %scan3A_723 = %broadcast_in_dim3A_1, %scan3A_724 = %broadcast_in_dim3A_1, %scan3A_725 = %broadcast_in_dim3A_1, %scan3A_726 = %broadcast_in_dim3A_1, %scan3A_727 = %broadcast_in_dim3A_1, %scan3A_728 = %broadcast_in_dim3A_1, %scan3A_729 = %broadcast_in_dim3A_1, %scan3A_730 = %broadcast_in_dim3A_1) -> (vector<16xf32>, vector<16xf32>, vector<16xf32>, vector<16xf32>, vector<16xf32>, vector<16xf32>, vector<16xf32>, vector<16xf32>, vector<16xf32>, vector<16xf32>, vector<16xf32>, vector<16xf32>, vector<16xf32>)  : i32 {
      %mul3A_731 = arith.constant 16 : i32
      %mul3A_732 = arith.muli %scan3A_717, %mul3A_731 : i32
      %get3A = arith.index_cast %mul3A_732 : i32 to index
      %get3A_733 = tpu.vector_load %arg5[%get3A] {strides = array<i32>} : memref<4608xf32, #tpu.memory_space<vmem>>, vector<16xf32>,
      %get3A_734 = vector.shape_cast %get3A_733 : vector<16xf32> to vector<16xf32>
      %mul3A_735 = arith.constant 4.39757578E+17 : f32
      %mul3A_736 = vector.broadcast %mul3A_735 : f32 to vector<16xf32>
      %mul3A_737 = arith.mulf %get3A_734, %mul3A_736 : vector<16xf32>
      %mul3A_738 = arith.mulf %mul3A_737, %mul3A_737 : vector<16xf32>
      %add3A_739 = arith.constant 1.000000e+00 : f32
      %add3A_740 = vector.broadcast %add3A_739 : f32 to vector<16xf32>
      %add3A_741 = arith.addf %add3A_740, %mul3A_738 : vector<16xf32>
      %div3A = arith.constant 1.000000e+00 : f32
      %div3A_742 = vector.broadcast %div3A : f32 to vector<16xf32>
      %div3A_743 = arith.divf %div3A_742, %add3A_741 : vector<16xf32>
      %add3A_744 = arith.addf %scan3A_718, %div3A_743 : vector<16xf32>
      %mul3A_745 = arith.constant 9.60518858E+17 : f32
      %mul3A_746 = vector.broadcast %mul3A_745 : f32 to vector<16xf32>
      %mul3A_747 = arith.mulf %get3A_734, %mul3A_746 : vector<16xf32>
      %mul3A_748 = arith.mulf %mul3A_747, %mul3A_747 : vector<16xf32>
      %add3A_749 = arith.constant 1.000000e+00 : f32
      %add3A_750 = vector.broadcast %add3A_749 : f32 to vector<16xf32>
      %add3A_751 = arith.addf %add3A_750, %mul3A_748 : vector<16xf32>
      %div3A_752 = arith.constant 1.000000e+00 : f32
      %div3A_753 = vector.broadcast %div3A_752 : f32 to vector<16xf32>
      %div3A_754 = arith.divf %div3A_753, %add3A_751 : vector<16xf32>
      %add3A_755 = arith.addf %scan3A_719, %div3A_754 : vector<16xf32>
      %mul3A_756 = arith.constant 2.09796604E+18 : f32
      %mul3A_757 = vector.broadcast %mul3A_756 : f32 to vector<16xf32>
      %mul3A_758 = arith.mulf %get3A_734, %mul3A_757 : vector<16xf32>
      %mul3A_759 = arith.mulf %mul3A_758, %mul3A_758 : vector<16xf32>
      %add3A_760 = arith.constant 1.000000e+00 : f32
      %add3A_761 = vector.broadcast %add3A_760 : f32 to vector<16xf32>
      %add3A_762 = arith.addf %add3A_761, %mul3A_759 : vector<16xf32>
      %div3A_763 = arith.constant 1.000000e+00 : f32
      %div3A_764 = vector.broadcast %div3A_763 : f32 to vector<16xf32>
      %div3A_765 = arith.divf %div3A_764, %add3A_762 : vector<16xf32>
      %add3A_766 = arith.addf %scan3A_720, %div3A_765 : vector<16xf32>
      %mul3A_767 = arith.constant 4.58237909E+18 : f32
      %mul3A_768 = vector.broadcast %mul3A_767 : f32 to vector<16xf32>
      %mul3A_769 = arith.mulf %get3A_734, %mul3A_768 : vector<16xf32>
      %mul3A_770 = arith.mulf %mul3A_769, %mul3A_769 : vector<16xf32>
      %add3A_771 = arith.constant 1.000000e+00 : f32
      %add3A_772 = vector.broadcast %add3A_771 : f32 to vector<16xf32>
      %add3A_773 = arith.addf %add3A_772, %mul3A_770 : vector<16xf32>
      %div3A_774 = arith.constant 1.000000e+00 : f32
      %div3A_775 = vector.broadcast %div3A_774 : f32 to vector<16xf32>
      %div3A_776 = arith.divf %div3A_775, %add3A_773 : vector<16xf32>
      %add3A_777 = arith.addf %scan3A_721, %div3A_776 : vector<16xf32>
      %mul3A_778 = arith.constant 1.00088368E+19 : f32
      %mul3A_779 = vector.broadcast %mul3A_778 : f32 to vector<16xf32>
      %mul3A_780 = arith.mulf %get3A_734, %mul3A_779 : vector<16xf32>
      %mul3A_781 = arith.mulf %mul3A_780, %mul3A_780 : vector<16xf32>
      %add3A_782 = arith.constant 1.000000e+00 : f32
      %add3A_783 = vector.broadcast %add3A_782 : f32 to vector<16xf32>
      %add3A_784 = arith.addf %add3A_783, %mul3A_781 : vector<16xf32>
      %div3A_785 = arith.constant 1.000000e+00 : f32
      %div3A_786 = vector.broadcast %div3A_785 : f32 to vector<16xf32>
      %div3A_787 = arith.divf %div3A_786, %add3A_784 : vector<16xf32>
      %add3A_788 = arith.addf %scan3A_722, %div3A_787 : vector<16xf32>
      %mul3A_789 = arith.constant 2.18613082E+19 : f32
      %mul3A_790 = vector.broadcast %mul3A_789 : f32 to vector<16xf32>
      %mul3A_791 = arith.mulf %get3A_734, %mul3A_790 : vector<16xf32>
      %mul3A_792 = arith.mulf %mul3A_791, %mul3A_791 : vector<16xf32>
      %add3A_793 = arith.constant 1.000000e+00 : f32
      %add3A_794 = vector.broadcast %add3A_793 : f32 to vector<16xf32>
      %add3A_795 = arith.addf %add3A_794, %mul3A_792 : vector<16xf32>
      %div3A_796 = arith.constant 1.000000e+00 : f32
      %div3A_797 = vector.broadcast %div3A_796 : f32 to vector<16xf32>
      %div3A_798 = arith.divf %div3A_797, %add3A_795 : vector<16xf32>
      %add3A_799 = arith.addf %scan3A_723, %div3A_798 : vector<16xf32>
      %mul3A_800 = arith.constant 4.77494854E+19 : f32
      %mul3A_801 = vector.broadcast %mul3A_800 : f32 to vector<16xf32>
      %mul3A_802 = arith.mulf %get3A_734, %mul3A_801 : vector<16xf32>
      %mul3A_803 = arith.mulf %mul3A_802, %mul3A_802 : vector<16xf32>
      %add3A_804 = arith.constant 1.000000e+00 : f32
      %add3A_805 = vector.broadcast %add3A_804 : f32 to vector<16xf32>
      %add3A_806 = arith.addf %add3A_805, %mul3A_803 : vector<16xf32>
      %div3A_807 = arith.constant 1.000000e+00 : f32
      %div3A_808 = vector.broadcast %div3A_807 : f32 to vector<16xf32>
      %div3A_809 = arith.divf %div3A_808, %add3A_806 : vector<16xf32>
      %add3A_810 = arith.addf %scan3A_724, %div3A_809 : vector<16xf32>
      %mul3A_811 = arith.constant 1.04294466E+20 : f32
      %mul3A_812 = vector.broadcast %mul3A_811 : f32 to vector<16xf32>
      %mul3A_813 = arith.mulf %get3A_734, %mul3A_812 : vector<16xf32>
      %mul3A_814 = arith.mulf %mul3A_813, %mul3A_813 : vector<16xf32>
      %add3A_815 = arith.constant 1.000000e+00 : f32
      %add3A_816 = vector.broadcast %add3A_815 : f32 to vector<16xf32>
      %add3A_817 = arith.addf %add3A_816, %mul3A_814 : vector<16xf32>
      %div3A_818 = arith.constant 1.000000e+00 : f32
      %div3A_819 = vector.broadcast %div3A_818 : f32 to vector<16xf32>
      %div3A_820 = arith.divf %div3A_819, %add3A_817 : vector<16xf32>
      %add3A_821 = arith.addf %scan3A_725, %div3A_820 : vector<16xf32>
      %mul3A_822 = arith.constant 2.27800056E+20 : f32
      %mul3A_823 = vector.broadcast %mul3A_822 : f32 to vector<16xf32>
      %mul3A_824 = arith.mulf %get3A_734, %mul3A_823 : vector<16xf32>
      %mul3A_825 = arith.mulf %mul3A_824, %mul3A_824 : vector<16xf32>
      %add3A_826 = arith.constant 1.000000e+00 : f32
      %add3A_827 = vector.broadcast %add3A_826 : f32 to vector<16xf32>
      %add3A_828 = arith.addf %add3A_827, %mul3A_825 : vector<16xf32>
      %div3A_829 = arith.constant 1.000000e+00 : f32
      %div3A_830 = vector.broadcast %div3A_829 : f32 to vector<16xf32>
      %div3A_831 = arith.divf %div3A_830, %add3A_828 : vector<16xf32>
      %add3A_832 = arith.addf %scan3A_726, %div3A_831 : vector<16xf32>
      %mul3A_833 = arith.constant 4.97561065E+20 : f32
      %mul3A_834 = vector.broadcast %mul3A_833 : f32 to vector<16xf32>
      %mul3A_835 = arith.mulf %get3A_734, %mul3A_834 : vector<16xf32>
      %mul3A_836 = arith.mulf %mul3A_835, %mul3A_835 : vector<16xf32>
      %add3A_837 = arith.constant 1.000000e+00 : f32
      %add3A_838 = vector.broadcast %add3A_837 : f32 to vector<16xf32>
      %add3A_839 = arith.addf %add3A_838, %mul3A_836 : vector<16xf32>
      %div3A_840 = arith.constant 1.000000e+00 : f32
      %div3A_841 = vector.broadcast %div3A_840 : f32 to vector<16xf32>
      %div3A_842 = arith.divf %div3A_841, %add3A_839 : vector<16xf32>
      %add3A_843 = arith.addf %scan3A_727, %div3A_842 : vector<16xf32>
      %mul3A_844 = arith.constant 1.08677334E+21 : f32
      %mul3A_845 = vector.broadcast %mul3A_844 : f32 to vector<16xf32>
      %mul3A_846 = arith.mulf %get3A_734, %mul3A_845 : vector<16xf32>
      %mul3A_847 = arith.mulf %mul3A_846, %mul3A_846 : vector<16xf32>
      %add3A_848 = arith.constant 1.000000e+00 : f32
      %add3A_849 = vector.broadcast %add3A_848 : f32 to vector<16xf32>
      %add3A_850 = arith.addf %add3A_849, %mul3A_847 : vector<16xf32>
      %div3A_851 = arith.constant 1.000000e+00 : f32
      %div3A_852 = vector.broadcast %div3A_851 : f32 to vector<16xf32>
      %div3A_853 = arith.divf %div3A_852, %add3A_850 : vector<16xf32>
      %add3A_854 = arith.addf %scan3A_728, %div3A_853 : vector<16xf32>
      %mul3A_855 = arith.constant 2.37373111E+21 : f32
      %mul3A_856 = vector.broadcast %mul3A_855 : f32 to vector<16xf32>
      %mul3A_857 = arith.mulf %get3A_734, %mul3A_856 : vector<16xf32>
      %mul3A_858 = arith.mulf %mul3A_857, %mul3A_857 : vector<16xf32>
      %add3A_859 = arith.constant 1.000000e+00 : f32
      %add3A_860 = vector.broadcast %add3A_859 : f32 to vector<16xf32>
      %add3A_861 = arith.addf %add3A_860, %mul3A_858 : vector<16xf32>
      %div3A_862 = arith.constant 1.000000e+00 : f32
      %div3A_863 = vector.broadcast %div3A_862 : f32 to vector<16xf32>
      %div3A_864 = arith.divf %div3A_863, %add3A_861 : vector<16xf32>
      %add3A_865 = arith.addf %scan3A_729, %div3A_864 : vector<16xf32>
      %mul3A_866 = arith.constant 5.18470546E+21 : f32
      %mul3A_867 = vector.broadcast %mul3A_866 : f32 to vector<16xf32>
      %mul3A_868 = arith.mulf %get3A_734, %mul3A_867 : vector<16xf32>
      %mul3A_869 = arith.mulf %mul3A_868, %mul3A_868 : vector<16xf32>
      %add3A_870 = arith.constant 1.000000e+00 : f32
      %add3A_871 = vector.broadcast %add3A_870 : f32 to vector<16xf32>
      %add3A_872 = arith.addf %add3A_871, %mul3A_869 : vector<16xf32>
      %div3A_873 = arith.constant 1.000000e+00 : f32
      %div3A_874 = vector.broadcast %div3A_873 : f32 to vector<16xf32>
      %div3A_875 = arith.divf %div3A_874, %add3A_872 : vector<16xf32>
      %add3A_876 = arith.addf %scan3A_730, %div3A_875 : vector<16xf32>
      scf.yield %add3A_744, %add3A_755, %add3A_766, %add3A_777, %add3A_788, %add3A_799, %add3A_810, %add3A_821, %add3A_832, %add3A_843, %add3A_854, %add3A_865, %add3A_876 : vector<16xf32>, vector<16xf32>, vector<16xf32>, vector<16xf32>, vector<16xf32>, vector<16xf32>, vector<16xf32>, vector<16xf32>, vector<16xf32>, vector<16xf32>, vector<16xf32>, vector<16xf32>, vector<16xf32>
    }
    %scan3A_604 = arith.constant 288 : i32
    %swap3A_605 = arith.constant 2112 : index
    %swap3A_606 = tpu.vector_load %arg6[%swap3A_605] {strides = array<i32>} : memref<2560xf32, #tpu.memory_space<vmem>>, vector<16xf32>,
    %swap3A_607 = vector.shape_cast %swap3A_606 : vector<16xf32> to vector<16xf32>
    %swap3A_608 = vector.shape_cast %scan3A_603#0 : vector<16xf32> to vector<16xf32>
    tpu.vector_store %arg6[%swap3A_605], %swap3A_608 {strides = array<i32>} : memref<2560xf32, #tpu.memory_space<vmem>>, vector<16xf32>,
    %swap3A_609 = arith.constant 2128 : index
    %swap3A_610 = tpu.vector_load %arg6[%swap3A_609] {strides = array<i32>} : memref<2560xf32, #tpu.memory_space<vmem>>, vector<16xf32>,
    %swap3A_611 = vector.shape_cast %swap3A_610 : vector<16xf32> to vector<16xf32>
    %swap3A_612 = vector.shape_cast %scan3A_603#1 : vector<16xf32> to vector<16xf32>
    tpu.vector_store %arg6[%swap3A_609], %swap3A_612 {strides = array<i32>} : memref<2560xf32, #tpu.memory_space<vmem>>, vector<16xf32>,
    %swap3A_613 = arith.constant 2144 : index
    %swap3A_614 = tpu.vector_load %arg6[%swap3A_613] {strides = array<i32>} : memref<2560xf32, #tpu.memory_space<vmem>>, vector<16xf32>,
    %swap3A_615 = vector.shape_cast %swap3A_614 : vector<16xf32> to vector<16xf32>
    %swap3A_616 = vector.shape_cast %scan3A_603#2 : vector<16xf32> to vector<16xf32>
    tpu.vector_store %arg6[%swap3A_613], %swap3A_616 {strides = array<i32>} : memref<2560xf32, #tpu.memory_space<vmem>>, vector<16xf32>,
    %swap3A_617 = arith.constant 2160 : index
    %swap3A_618 = tpu.vector_load %arg6[%swap3A_617] {strides = array<i32>} : memref<2560xf32, #tpu.memory_space<vmem>>, vector<16xf32>,
    %swap3A_619 = vector.shape_cast %swap3A_618 : vector<16xf32> to vector<16xf32>
    %swap3A_620 = vector.shape_cast %scan3A_603#3 : vector<16xf32> to vector<16xf32>
    tpu.vector_store %arg6[%swap3A_617], %swap3A_620 {strides = array<i32>} : memref<2560xf32, #tpu.memory_space<vmem>>, vector<16xf32>,
    %swap3A_621 = arith.constant 2176 : index
    %swap3A_622 = tpu.vector_load %arg6[%swap3A_621] {strides = array<i32>} : memref<2560xf32, #tpu.memory_space<vmem>>, vector<16xf32>,
    %swap3A_623 = vector.shape_cast %swap3A_622 : vector<16xf32> to vector<16xf32>
    %swap3A_624 = vector.shape_cast %scan3A_603#4 : vector<16xf32> to vector<16xf32>
    tpu.vector_store %arg6[%swap3A_621], %swap3A_624 {strides = array<i32>} : memref<2560xf32, #tpu.memory_space<vmem>>, vector<16xf32>,
    %swap3A_625 = arith.constant 2192 : index
    %swap3A_626 = tpu.vector_load %arg6[%swap3A_625] {strides = array<i32>} : memref<2560xf32, #tpu.memory_space<vmem>>, vector<16xf32>,
    %swap3A_627 = vector.shape_cast %swap3A_626 : vector<16xf32> to vector<16xf32>
    %swap3A_628 = vector.shape_cast %scan3A_603#5 : vector<16xf32> to vector<16xf32>
    tpu.vector_store %arg6[%swap3A_625], %swap3A_628 {strides = array<i32>} : memref<2560xf32, #tpu.memory_space<vmem>>, vector<16xf32>,
    %swap3A_629 = arith.constant 2208 : index
    %swap3A_630 = tpu.vector_load %arg6[%swap3A_629] {strides = array<i32>} : memref<2560xf32, #tpu.memory_space<vmem>>, vector<16xf32>,
    %swap3A_631 = vector.shape_cast %swap3A_630 : vector<16xf32> to vector<16xf32>
    %swap3A_632 = vector.shape_cast %scan3A_603#6 : vector<16xf32> to vector<16xf32>
    tpu.vector_store %arg6[%swap3A_629], %swap3A_632 {strides = array<i32>} : memref<2560xf32, #tpu.memory_space<vmem>>, vector<16xf32>,
    %swap3A_633 = arith.constant 2224 : index
    %swap3A_634 = tpu.vector_load %arg6[%swap3A_633] {strides = array<i32>} : memref<2560xf32, #tpu.memory_space<vmem>>, vector<16xf32>,
    %swap3A_635 = vector.shape_cast %swap3A_634 : vector<16xf32> to vector<16xf32>
    %swap3A_636 = vector.shape_cast %scan3A_603#7 : vector<16xf32> to vector<16xf32>
    tpu.vector_store %arg6[%swap3A_633], %swap3A_636 {strides = array<i32>} : memref<2560xf32, #tpu.memory_space<vmem>>, vector<16xf32>,
    %swap3A_637 = arith.constant 2240 : index
    %swap3A_638 = tpu.vector_load %arg6[%swap3A_637] {strides = array<i32>} : memref<2560xf32, #tpu.memory_space<vmem>>, vector<16xf32>,
    %swap3A_639 = vector.shape_cast %swap3A_638 : vector<16xf32> to vector<16xf32>
    %swap3A_640 = vector.shape_cast %scan3A_603#8 : vector<16xf32> to vector<16xf32>
    tpu.vector_store %arg6[%swap3A_637], %swap3A_640 {strides = array<i32>} : memref<2560xf32, #tpu.memory_space<vmem>>, vector<16xf32>,
    %swap3A_641 = arith.constant 2256 : index
    %swap3A_642 = tpu.vector_load %arg6[%swap3A_641] {strides = array<i32>} : memref<2560xf32, #tpu.memory_space<vmem>>, vector<16xf32>,
    %swap3A_643 = vector.shape_cast %swap3A_642 : vector<16xf32> to vector<16xf32>
    %swap3A_644 = vector.shape_cast %scan3A_603#9 : vector<16xf32> to vector<16xf32>
    tpu.vector_store %arg6[%swap3A_641], %swap3A_644 {strides = array<i32>} : memref<2560xf32, #tpu.memory_space<vmem>>, vector<16xf32>,
    %swap3A_645 = arith.constant 2272 : index
    %swap3A_646 = tpu.vector_load %arg6[%swap3A_645] {strides = array<i32>} : memref<2560xf32, #tpu.memory_space<vmem>>, vector<16xf32>,
    %swap3A_647 = vector.shape_cast %swap3A_646 : vector<16xf32> to vector<16xf32>
    %swap3A_648 = vector.shape_cast %scan3A_603#10 : vector<16xf32> to vector<16xf32>
    tpu.vector_store %arg6[%swap3A_645], %swap3A_648 {strides = array<i32>} : memref<2560xf32, #tpu.memory_space<vmem>>, vector<16xf32>,
    %swap3A_649 = arith.constant 2288 : index
    %swap3A_650 = tpu.vector_load %arg6[%swap3A_649] {strides = array<i32>} : memref<2560xf32, #tpu.memory_space<vmem>>, vector<16xf32>,
    %swap3A_651 = vector.shape_cast %swap3A_650 : vector<16xf32> to vector<16xf32>
    %swap3A_652 = vector.shape_cast %scan3A_603#11 : vector<16xf32> to vector<16xf32>
    tpu.vector_store %arg6[%swap3A_649], %swap3A_652 {strides = array<i32>} : memref<2560xf32, #tpu.memory_space<vmem>>, vector<16xf32>,
    %swap3A_653 = arith.constant 2304 : index
    %swap3A_654 = tpu.vector_load %arg6[%swap3A_653] {strides = array<i32>} : memref<2560xf32, #tpu.memory_space<vmem>>, vector<16xf32>,
    %swap3A_655 = vector.shape_cast %swap3A_654 : vector<16xf32> to vector<16xf32>
    %swap3A_656 = vector.shape_cast %scan3A_603#12 : vector<16xf32> to vector<16xf32>
    tpu.vector_store %arg6[%swap3A_653], %swap3A_656 {strides = array<i32>} : memref<2560xf32, #tpu.memory_space<vmem>>, vector<16xf32>,
    %swap3A_657 = arith.constant 2320 : index
    %swap3A_658 = tpu.vector_load %arg6[%swap3A_657] {strides = array<i32>} : memref<2560xf32, #tpu.memory_space<vmem>>, vector<16xf32>,
    %swap3A_659 = vector.shape_cast %swap3A_658 : vector<16xf32> to vector<16xf32>
    %swap3A_660 = vector.shape_cast %broadcast_in_dim3A_1 : vector<16xf32> to vector<16xf32>
    tpu.vector_store %arg6[%swap3A_657], %swap3A_660 {strides = array<i32>} : memref<2560xf32, #tpu.memory_space<vmem>>, vector<16xf32>,
    %swap3A_661 = arith.constant 2336 : index
    %swap3A_662 = tpu.vector_load %arg6[%swap3A_661] {strides = array<i32>} : memref<2560xf32, #tpu.memory_space<vmem>>, vector<16xf32>,
    %swap3A_663 = vector.shape_cast %swap3A_662 : vector<16xf32> to vector<16xf32>
    %swap3A_664 = vector.shape_cast %broadcast_in_dim3A_1 : vector<16xf32> to vector<16xf32>
    tpu.vector_store %arg6[%swap3A_661], %swap3A_664 {strides = array<i32>} : memref<2560xf32, #tpu.memory_space<vmem>>, vector<16xf32>,
    %swap3A_665 = arith.constant 2352 : index
    %swap3A_666 = tpu.vector_load %arg6[%swap3A_665] {strides = array<i32>} : memref<2560xf32, #tpu.memory_space<vmem>>, vector<16xf32>,
    %swap3A_667 = vector.shape_cast %swap3A_666 : vector<16xf32> to vector<16xf32>
    %swap3A_668 = vector.shape_cast %broadcast_in_dim3A_1 : vector<16xf32> to vector<16xf32>
    tpu.vector_store %arg6[%swap3A_665], %swap3A_668 {strides = array<i32>} : memref<2560xf32, #tpu.memory_space<vmem>>, vector<16xf32>,
    %swap3A_669 = arith.constant 2368 : index
    %swap3A_670 = tpu.vector_load %arg6[%swap3A_669] {strides = array<i32>} : memref<2560xf32, #tpu.memory_space<vmem>>, vector<16xf32>,
    %swap3A_671 = vector.shape_cast %swap3A_670 : vector<16xf32> to vector<16xf32>
    %swap3A_672 = vector.shape_cast %broadcast_in_dim3A_1 : vector<16xf32> to vector<16xf32>
    tpu.vector_store %arg6[%swap3A_669], %swap3A_672 {strides = array<i32>} : memref<2560xf32, #tpu.memory_space<vmem>>, vector<16xf32>,
    %swap3A_673 = arith.constant 2384 : index
    %swap3A_674 = tpu.vector_load %arg6[%swap3A_673] {strides = array<i32>} : memref<2560xf32, #tpu.memory_space<vmem>>, vector<16xf32>,
    %swap3A_675 = vector.shape_cast %swap3A_674 : vector<16xf32> to vector<16xf32>
    %swap3A_676 = vector.shape_cast %broadcast_in_dim3A_1 : vector<16xf32> to vector<16xf32>
    tpu.vector_store %arg6[%swap3A_673], %swap3A_676 {strides = array<i32>} : memref<2560xf32, #tpu.memory_space<vmem>>, vector<16xf32>,
    %swap3A_677 = arith.constant 2400 : index
    %swap3A_678 = tpu.vector_load %arg6[%swap3A_677] {strides = array<i32>} : memref<2560xf32, #tpu.memory_space<vmem>>, vector<16xf32>,
    %swap3A_679 = vector.shape_cast %swap3A_678 : vector<16xf32> to vector<16xf32>
    %swap3A_680 = vector.shape_cast %broadcast_in_dim3A_1 : vector<16xf32> to vector<16xf32>
    tpu.vector_store %arg6[%swap3A_677], %swap3A_680 {strides = array<i32>} : memref<2560xf32, #tpu.memory_space<vmem>>, vector<16xf32>,
    %swap3A_681 = arith.constant 2416 : index
    %swap3A_682 = tpu.vector_load %arg6[%swap3A_681] {strides = array<i32>} : memref<2560xf32, #tpu.memory_space<vmem>>, vector<16xf32>,
    %swap3A_683 = vector.shape_cast %swap3A_682 : vector<16xf32> to vector<16xf32>
    %swap3A_684 = vector.shape_cast %broadcast_in_dim3A_1 : vector<16xf32> to vector<16xf32>
    tpu.vector_store %arg6[%swap3A_681], %swap3A_684 {strides = array<i32>} : memref<2560xf32, #tpu.memory_space<vmem>>, vector<16xf32>,
    %swap3A_685 = arith.constant 2432 : index
    %swap3A_686 = tpu.vector_load %arg6[%swap3A_685] {strides = array<i32>} : memref<2560xf32, #tpu.memory_space<vmem>>, vector<16xf32>,
    %swap3A_687 = vector.shape_cast %swap3A_686 : vector<16xf32> to vector<16xf32>
    %swap3A_688 = vector.shape_cast %broadcast_in_dim3A_1 : vector<16xf32> to vector<16xf32>
    tpu.vector_store %arg6[%swap3A_685], %swap3A_688 {strides = array<i32>} : memref<2560xf32, #tpu.memory_space<vmem>>, vector<16xf32>,
    %swap3A_689 = arith.constant 2448 : index
    %swap3A_690 = tpu.vector_load %arg6[%swap3A_689] {strides = array<i32>} : memref<2560xf32, #tpu.memory_space<vmem>>, vector<16xf32>,
    %swap3A_691 = vector.shape_cast %swap3A_690 : vector<16xf32> to vector<16xf32>
    %swap3A_692 = vector.shape_cast %broadcast_in_dim3A_1 : vector<16xf32> to vector<16xf32>
    tpu.vector_store %arg6[%swap3A_689], %swap3A_692 {strides = array<i32>} : memref<2560xf32, #tpu.memory_space<vmem>>, vector<16xf32>,
    %swap3A_693 = arith.constant 2464 : index
    %swap3A_694 = tpu.vector_load %arg6[%swap3A_693] {strides = array<i32>} : memref<2560xf32, #tpu.memory_space<vmem>>, vector<16xf32>,
    %swap3A_695 = vector.shape_cast %swap3A_694 : vector<16xf32> to vector<16xf32>
    %swap3A_696 = vector.shape_cast %broadcast_in_dim3A_1 : vector<16xf32> to vector<16xf32>
    tpu.vector_store %arg6[%swap3A_693], %swap3A_696 {strides = array<i32>} : memref<2560xf32, #tpu.memory_space<vmem>>, vector<16xf32>,
    %swap3A_697 = arith.constant 2480 : index
    %swap3A_698 = tpu.vector_load %arg6[%swap3A_697] {strides = array<i32>} : memref<2560xf32, #tpu.memory_space<vmem>>, vector<16xf32>,
    %swap3A_699 = vector.shape_cast %swap3A_698 : vector<16xf32> to vector<16xf32>
    %swap3A_700 = vector.shape_cast %broadcast_in_dim3A_1 : vector<16xf32> to vector<16xf32>
    tpu.vector_store %arg6[%swap3A_697], %swap3A_700 {strides = array<i32>} : memref<2560xf32, #tpu.memory_space<vmem>>, vector<16xf32>,
    %swap3A_701 = arith.constant 2496 : index
    %swap3A_702 = tpu.vector_load %arg6[%swap3A_701] {strides = array<i32>} : memref<2560xf32, #tpu.memory_space<vmem>>, vector<16xf32>,
    %swap3A_703 = vector.shape_cast %swap3A_702 : vector<16xf32> to vector<16xf32>
    %swap3A_704 = vector.shape_cast %broadcast_in_dim3A_1 : vector<16xf32> to vector<16xf32>
    tpu.vector_store %arg6[%swap3A_701], %swap3A_704 {strides = array<i32>} : memref<2560xf32, #tpu.memory_space<vmem>>, vector<16xf32>,
    %swap3A_705 = arith.constant 2512 : index
    %swap3A_706 = tpu.vector_load %arg6[%swap3A_705] {strides = array<i32>} : memref<2560xf32, #tpu.memory_space<vmem>>, vector<16xf32>,
    %swap3A_707 = vector.shape_cast %swap3A_706 : vector<16xf32> to vector<16xf32>
    %swap3A_708 = vector.shape_cast %broadcast_in_dim3A_1 : vector<16xf32> to vector<16xf32>
    tpu.vector_store %arg6[%swap3A_705], %swap3A_708 {strides = array<i32>} : memref<2560xf32, #tpu.memory_space<vmem>>, vector<16xf32>,
    %swap3A_709 = arith.constant 2528 : index
    %swap3A_710 = tpu.vector_load %arg6[%swap3A_709] {strides = array<i32>} : memref<2560xf32, #tpu.memory_space<vmem>>, vector<16xf32>,
    %swap3A_711 = vector.shape_cast %swap3A_710 : vector<16xf32> to vector<16xf32>
    %swap3A_712 = vector.shape_cast %broadcast_in_dim3A_1 : vector<16xf32> to vector<16xf32>
    tpu.vector_store %arg6[%swap3A_709], %swap3A_712 {strides = array<i32>} : memref<2560xf32, #tpu.memory_space<vmem>>, vector<16xf32>,
    %swap3A_713 = arith.constant 2544 : index
    %swap3A_714 = tpu.vector_load %arg6[%swap3A_713] {strides = array<i32>} : memref<2560xf32, #tpu.memory_space<vmem>>, vector<16xf32>,
    %swap3A_715 = vector.shape_cast %swap3A_714 : vector<16xf32> to vector<16xf32>
    %swap3A_716 = vector.shape_cast %broadcast_in_dim3A_1 : vector<16xf32> to vector<16xf32>
    tpu.vector_store %arg6[%swap3A_713], %swap3A_716 {strides = array<i32>} : memref<2560xf32, #tpu.memory_space<vmem>>, vector<16xf32>,
    "tpu.region"() ({
      %run_scoped3A_717 = tpu.sem_alloc : memref<!tpu.dma_semaphore, #tpu.memory_space<semaphore_mem>>
      %dma_start3A = arith.constant 0 : i32
      %dma_start3A_718 = tpu.memref_slice %arg3[%add3A, %dma_start3A] : memref<32x2560xf32, #tpu.memory_space<hbm>> -> memref<1x2560xf32, #tpu.memory_space<hbm>>
      %dma_start3A_719 = tpu.memref_squeeze %dma_start3A_718 : memref<1x2560xf32, #tpu.memory_space<hbm>> -> memref<2560xf32, #tpu.memory_space<hbm>>
      %dma_start3A_720 = arith.constant 0 : i32
      %dma_start3A_721 = tpu.memref_slice %arg3[%add3A, %dma_start3A_720] : memref<32x2560xf32, #tpu.memory_space<hbm>> -> memref<1x2560xf32, #tpu.memory_space<hbm>>
      %dma_start3A_722 = tpu.memref_squeeze %dma_start3A_721 : memref<1x2560xf32, #tpu.memory_space<hbm>> -> memref<2560xf32, #tpu.memory_space<hbm>>
      tpu.enqueue_dma source(%arg6 : memref<2560xf32, #tpu.memory_space<vmem>>) target(%dma_start3A_722 : memref<2560xf32, #tpu.memory_space<hbm>>) target_semaphore(%run_scoped3A_717 : memref<!tpu.dma_semaphore, #tpu.memory_space<semaphore_mem>>)
      %dma_wait3A = arith.constant 0 : i32
      %dma_wait3A_723 = tpu.memref_slice %arg3[%add3A, %dma_wait3A] : memref<32x2560xf32, #tpu.memory_space<hbm>> -> memref<1x2560xf32, #tpu.memory_space<hbm>>
      %dma_wait3A_724 = tpu.memref_squeeze %dma_wait3A_723 : memref<1x2560xf32, #tpu.memory_space<hbm>> -> memref<2560xf32, #tpu.memory_space<hbm>>
      %dma_wait3A_725 = arith.constant 0 : i32
      %dma_wait3A_726 = tpu.memref_slice %arg3[%add3A, %dma_wait3A_725] : memref<32x2560xf32, #tpu.memory_space<hbm>> -> memref<1x2560xf32, #tpu.memory_space<hbm>>
      %dma_wait3A_727 = tpu.memref_squeeze %dma_wait3A_726 : memref<1x2560xf32, #tpu.memory_space<hbm>> -> memref<2560xf32, #tpu.memory_space<hbm>>
      tpu.wait_dma2 semaphore(%run_scoped3A_717 : memref<!tpu.dma_semaphore, #tpu.memory_space<semaphore_mem>>) src(%arg6 : memref<2560xf32, #tpu.memory_space<vmem>>) dst(%dma_wait3A_727 : memref<2560xf32, #tpu.memory_space<hbm>>)
      tpu.yield
    }) : () -> ()
    return
  }
}

module attributes {stable_mosaic.version = 14 : i64} {
  func.func @_tc_acc_kernel(%arg0: i32, %arg1: memref<1x1152x128xf32, #tpu.memory_space<vmem>>, %arg2: memref<1x72x128xf32, #tpu.memory_space<vmem>>) attributes {dimension_semantics = [#tpu.dimension_semantics<arbitrary>], iteration_bounds = array<i64: 10>, scalar_prefetch = 0 : i64, scratch_operands = 0 : i64, tpu.core_type = #tpu.core_type<tc>, window_params = [{transform_indices = @transform_0, window_bounds = array<i64: 1, 1152, 128>}, {transform_indices = @transform_1, window_bounds = array<i64: 1, 72, 128>}]} {
    %iota3A = tpu.iota {dimensions = array<i32: 0>} : vector<72x1xi32>
    %convert_element_type3A = arith.sitofp %iota3A : vector<72x1xi32> to vector<72x1xf32>
    %mul3A = arith.constant 7.812500e-01 : f32
    %mul3A_0 = vector.broadcast %mul3A : f32 to vector<72x1xf32>
    %mul3A_1 = arith.mulf %mul3A_0, %convert_element_type3A : vector<72x1xf32>
    %broadcast_in_dim3A = arith.constant 0.000000e+00 : f32
    %broadcast_in_dim3A_2 = vector.broadcast %broadcast_in_dim3A : f32 to vector<72x128xf32>
    %scan3A = arith.constant 0 : i32
    %scan3A_3 = arith.constant 144 : i32
    %scan3A_4 = arith.addi %scan3A, %scan3A_3 : i32
    %scan3A_5 = arith.constant 1 : i32
    %scan3A_6:2 = scf.for %scan3A_13 = %scan3A to %scan3A_4 step %scan3A_5 iter_args(%scan3A_14 = %broadcast_in_dim3A_2, %scan3A_15 = %broadcast_in_dim3A_2) -> (vector<72x128xf32>, vector<72x128xf32>)  : i32 {
      %mul3A_16 = arith.constant 8 : i32
      %mul3A_17 = arith.muli %scan3A_13, %mul3A_16 : i32
      %get3A = arith.constant 0 : index
      %get3A_18 = arith.index_cast %mul3A_17 : i32 to index
      %get3A_19 = arith.constant 0 : index
      %get3A_20 = vector.load %arg1[%get3A, %get3A_18, %get3A_19] : memref<1x1152x128xf32, #tpu.memory_space<vmem>>, vector<1x8x128xf32>
      %get3A_21 = vector.shape_cast %get3A_20 : vector<1x8x128xf32> to vector<8x128xf32>
      %mul3A_22 = arith.constant 5.000000e+01 : f32
      %mul3A_23 = vector.broadcast %mul3A_22 : f32 to vector<8x128xf32>
      %mul3A_24 = arith.mulf %get3A_21, %mul3A_23 : vector<8x128xf32>
      %slice3A = vector.extract_strided_slice %mul3A_24 {offsets = [0, 0], sizes = [1, 128], strides = [1, 1]} : vector<8x128xf32> to vector<1x128xf32>
      %broadcast_in_dim3A_25 = vector.shape_cast %slice3A : vector<1x128xf32> to vector<1x128xf32>
      %broadcast_in_dim3A_26 = vector.broadcast %broadcast_in_dim3A_25 : vector<1x128xf32> to vector<72x128xf32>
      %sub3A = vector.broadcast %mul3A_1 : vector<72x1xf32> to vector<72x128xf32>
      %sub3A_27 = arith.subf %broadcast_in_dim3A_26, %sub3A : vector<72x128xf32>
      %tanh3A = math.tanh %sub3A_27 : vector<72x128xf32>
      %add3A_28 = arith.addf %scan3A_14, %tanh3A : vector<72x128xf32>
      %slice3A_29 = vector.extract_strided_slice %mul3A_24 {offsets = [1, 0], sizes = [1, 128], strides = [1, 1]} : vector<8x128xf32> to vector<1x128xf32>
      %broadcast_in_dim3A_30 = vector.shape_cast %slice3A_29 : vector<1x128xf32> to vector<1x128xf32>
      %broadcast_in_dim3A_31 = vector.broadcast %broadcast_in_dim3A_30 : vector<1x128xf32> to vector<72x128xf32>
      %sub3A_32 = vector.broadcast %mul3A_1 : vector<72x1xf32> to vector<72x128xf32>
      %sub3A_33 = arith.subf %broadcast_in_dim3A_31, %sub3A_32 : vector<72x128xf32>
      %tanh3A_34 = math.tanh %sub3A_33 : vector<72x128xf32>
      %add3A_35 = arith.addf %scan3A_15, %tanh3A_34 : vector<72x128xf32>
      %slice3A_36 = vector.extract_strided_slice %mul3A_24 {offsets = [2, 0], sizes = [1, 128], strides = [1, 1]} : vector<8x128xf32> to vector<1x128xf32>
      %broadcast_in_dim3A_37 = vector.shape_cast %slice3A_36 : vector<1x128xf32> to vector<1x128xf32>
      %broadcast_in_dim3A_38 = vector.broadcast %broadcast_in_dim3A_37 : vector<1x128xf32> to vector<72x128xf32>
      %sub3A_39 = vector.broadcast %mul3A_1 : vector<72x1xf32> to vector<72x128xf32>
      %sub3A_40 = arith.subf %broadcast_in_dim3A_38, %sub3A_39 : vector<72x128xf32>
      %tanh3A_41 = math.tanh %sub3A_40 : vector<72x128xf32>
      %add3A_42 = arith.addf %add3A_28, %tanh3A_41 : vector<72x128xf32>
      %slice3A_43 = vector.extract_strided_slice %mul3A_24 {offsets = [3, 0], sizes = [1, 128], strides = [1, 1]} : vector<8x128xf32> to vector<1x128xf32>
      %broadcast_in_dim3A_44 = vector.shape_cast %slice3A_43 : vector<1x128xf32> to vector<1x128xf32>
      %broadcast_in_dim3A_45 = vector.broadcast %broadcast_in_dim3A_44 : vector<1x128xf32> to vector<72x128xf32>
      %sub3A_46 = vector.broadcast %mul3A_1 : vector<72x1xf32> to vector<72x128xf32>
      %sub3A_47 = arith.subf %broadcast_in_dim3A_45, %sub3A_46 : vector<72x128xf32>
      %tanh3A_48 = math.tanh %sub3A_47 : vector<72x128xf32>
      %add3A_49 = arith.addf %add3A_35, %tanh3A_48 : vector<72x128xf32>
      %slice3A_50 = vector.extract_strided_slice %mul3A_24 {offsets = [4, 0], sizes = [1, 128], strides = [1, 1]} : vector<8x128xf32> to vector<1x128xf32>
      %broadcast_in_dim3A_51 = vector.shape_cast %slice3A_50 : vector<1x128xf32> to vector<1x128xf32>
      %broadcast_in_dim3A_52 = vector.broadcast %broadcast_in_dim3A_51 : vector<1x128xf32> to vector<72x128xf32>
      %sub3A_53 = vector.broadcast %mul3A_1 : vector<72x1xf32> to vector<72x128xf32>
      %sub3A_54 = arith.subf %broadcast_in_dim3A_52, %sub3A_53 : vector<72x128xf32>
      %tanh3A_55 = math.tanh %sub3A_54 : vector<72x128xf32>
      %add3A_56 = arith.addf %add3A_42, %tanh3A_55 : vector<72x128xf32>
      %slice3A_57 = vector.extract_strided_slice %mul3A_24 {offsets = [5, 0], sizes = [1, 128], strides = [1, 1]} : vector<8x128xf32> to vector<1x128xf32>
      %broadcast_in_dim3A_58 = vector.shape_cast %slice3A_57 : vector<1x128xf32> to vector<1x128xf32>
      %broadcast_in_dim3A_59 = vector.broadcast %broadcast_in_dim3A_58 : vector<1x128xf32> to vector<72x128xf32>
      %sub3A_60 = vector.broadcast %mul3A_1 : vector<72x1xf32> to vector<72x128xf32>
      %sub3A_61 = arith.subf %broadcast_in_dim3A_59, %sub3A_60 : vector<72x128xf32>
      %tanh3A_62 = math.tanh %sub3A_61 : vector<72x128xf32>
      %add3A_63 = arith.addf %add3A_49, %tanh3A_62 : vector<72x128xf32>
      %slice3A_64 = vector.extract_strided_slice %mul3A_24 {offsets = [6, 0], sizes = [1, 128], strides = [1, 1]} : vector<8x128xf32> to vector<1x128xf32>
      %broadcast_in_dim3A_65 = vector.shape_cast %slice3A_64 : vector<1x128xf32> to vector<1x128xf32>
      %broadcast_in_dim3A_66 = vector.broadcast %broadcast_in_dim3A_65 : vector<1x128xf32> to vector<72x128xf32>
      %sub3A_67 = vector.broadcast %mul3A_1 : vector<72x1xf32> to vector<72x128xf32>
      %sub3A_68 = arith.subf %broadcast_in_dim3A_66, %sub3A_67 : vector<72x128xf32>
      %tanh3A_69 = math.tanh %sub3A_68 : vector<72x128xf32>
      %add3A_70 = arith.addf %add3A_56, %tanh3A_69 : vector<72x128xf32>
      %slice3A_71 = vector.extract_strided_slice %mul3A_24 {offsets = [7, 0], sizes = [1, 128], strides = [1, 1]} : vector<8x128xf32> to vector<1x128xf32>
      %broadcast_in_dim3A_72 = vector.shape_cast %slice3A_71 : vector<1x128xf32> to vector<1x128xf32>
      %broadcast_in_dim3A_73 = vector.broadcast %broadcast_in_dim3A_72 : vector<1x128xf32> to vector<72x128xf32>
      %sub3A_74 = vector.broadcast %mul3A_1 : vector<72x1xf32> to vector<72x128xf32>
      %sub3A_75 = arith.subf %broadcast_in_dim3A_73, %sub3A_74 : vector<72x128xf32>
      %tanh3A_76 = math.tanh %sub3A_75 : vector<72x128xf32>
      %add3A_77 = arith.addf %add3A_63, %tanh3A_76 : vector<72x128xf32>
      scf.yield %add3A_70, %add3A_77 : vector<72x128xf32>, vector<72x128xf32>
    }
    %scan3A_7 = arith.constant 144 : i32
    %add3A = arith.addf %scan3A_6#0, %scan3A_6#1 : vector<72x128xf32>
    %swap3A = arith.constant 0 : index
    %swap3A_8 = arith.constant 0 : index
    %swap3A_9 = arith.constant 0 : index
    %swap3A_10 = vector.load %arg2[%swap3A, %swap3A_8, %swap3A_9] : memref<1x72x128xf32, #tpu.memory_space<vmem>>, vector<1x72x128xf32>
    %swap3A_11 = vector.shape_cast %swap3A_10 : vector<1x72x128xf32> to vector<72x128xf32>
    %swap3A_12 = vector.shape_cast %add3A : vector<72x128xf32> to vector<1x72x128xf32>
    tpu.vector_store %arg2[%swap3A, %swap3A_8, %swap3A_9], %swap3A_12 {strides = array<i32>} : memref<1x72x128xf32, #tpu.memory_space<vmem>>, vector<1x72x128xf32>,
    return
  }
  func.func @transform_0(%arg0: i32) -> (i32, i32, i32) {
    %c0_i32 = arith.constant 0 : i32
    %c0_i32_0 = arith.constant 0 : i32
    %c0_i32_1 = arith.constant 0 : i32
    return %arg0, %c0_i32, %c0_i32_0 : i32, i32, i32
  }
  func.func @transform_1(%arg0: i32) -> (i32, i32, i32) {
    %c0_i32 = arith.constant 0 : i32
    %c0_i32_0 = arith.constant 0 : i32
    %c0_i32_1 = arith.constant 0 : i32
    return %arg0, %c0_i32, %c0_i32_0 : i32, i32, i32
  }
}

module attributes {stable_mosaic.version = 14 : i64} {
  func.func @_loss_kernel(%arg0: memref<160x512xf32, #tpu.memory_space<vmem>>, %arg1: memref<720x128xf32, #tpu.memory_space<vmem>>, %arg2: memref<1x1xf32, #tpu.memory_space<vmem>>) attributes {dimension_semantics = [], scalar_prefetch = 0 : i64, scratch_operands = 0 : i64, tpu.core_type = #tpu.core_type<tc>} {
    %broadcast_in_dim3A = arith.constant 0.000000e+00 : f32
    %broadcast_in_dim3A_0 = vector.broadcast %broadcast_in_dim3A : f32 to vector<1x1xf32>
    %get3A = arith.constant 0 : index
    %get3A_1 = arith.constant 0 : index
    %get3A_2 = vector.load %arg0[%get3A, %get3A_1] : memref<160x512xf32, #tpu.memory_space<vmem>>, vector<80x512xf32>
    %reduce_sum3A = arith.constant dense<0.000000e+00> : vector<80xf32>
    %reduce_sum3A_3 = vector.multi_reduction <add>, %get3A_2, %reduce_sum3A [1] : vector<80x512xf32> to vector<80xf32>
    %broadcast_in_dim3A_4 = vector.shape_cast %reduce_sum3A_3 : vector<80xf32> to vector<80x1xf32>
    %get3A_5 = arith.constant 288 : index
    %get3A_6 = arith.constant 0 : index
    %get3A_7 = vector.load %arg1[%get3A_5, %get3A_6] : memref<720x128xf32, #tpu.memory_space<vmem>>, vector<72x128xf32>
    %reduce_sum3A_8 = arith.constant dense<0.000000e+00> : vector<72xf32>
    %reduce_sum3A_9 = vector.multi_reduction <add>, %get3A_7, %reduce_sum3A_8 [1] : vector<72x128xf32> to vector<72xf32>
    %broadcast_in_dim3A_10 = vector.shape_cast %reduce_sum3A_9 : vector<72xf32> to vector<72x1xf32>
    %mul3A = arith.constant 5.000000e-01 : f32
    %mul3A_11 = vector.broadcast %mul3A : f32 to vector<72x1xf32>
    %mul3A_12 = arith.mulf %mul3A_11, %broadcast_in_dim3A_10 : vector<72x1xf32>
    %slice3A = vector.extract_strided_slice %broadcast_in_dim3A_4 {offsets = [0, 0], sizes = [64, 1], strides = [1, 1]} : vector<80x1xf32> to vector<64x1xf32>
    %slice3A_13 = vector.extract_strided_slice %broadcast_in_dim3A_4 {offsets = [1, 0], sizes = [64, 1], strides = [1, 1]} : vector<80x1xf32> to vector<64x1xf32>
    %sub3A = arith.subf %slice3A, %slice3A_13 : vector<64x1xf32>
    %slice3A_14 = vector.extract_strided_slice %mul3A_12 {offsets = [0, 0], sizes = [64, 1], strides = [1, 1]} : vector<72x1xf32> to vector<64x1xf32>
    %slice3A_15 = vector.extract_strided_slice %mul3A_12 {offsets = [1, 0], sizes = [64, 1], strides = [1, 1]} : vector<72x1xf32> to vector<64x1xf32>
    %sub3A_16 = arith.subf %slice3A_14, %slice3A_15 : vector<64x1xf32>
    %sub3A_17 = arith.subf %sub3A, %sub3A_16 : vector<64x1xf32>
    %abs3A = math.absf %sub3A_17 : vector<64x1xf32>
    %reduce_sum3A_18 = vector.shape_cast %abs3A : vector<64x1xf32> to vector<1x64x1xf32>
    %reduce_sum3A_19 = arith.constant dense<0.000000e+00> : vector<1xf32>
    %reduce_sum3A_20 = vector.multi_reduction <add>, %reduce_sum3A_18, %reduce_sum3A_19 [1, 2] : vector<1x64x1xf32> to vector<1xf32>
    %reduce_sum3A_21 = vector.shape_cast %reduce_sum3A_20 : vector<1xf32> to vector<1x1x1xf32>
    %reduce_sum3A_22 = vector.extract %reduce_sum3A_21[0, 0, 0] : f32 from vector<1x1x1xf32>
    %broadcast_in_dim3A_23 = vector.broadcast %reduce_sum3A_22 : f32 to vector<1x1xf32>
    %add3A = arith.addf %broadcast_in_dim3A_0, %broadcast_in_dim3A_23 : vector<1x1xf32>
    %get3A_24 = arith.constant 80 : index
    %get3A_25 = arith.constant 0 : index
    %get3A_26 = vector.load %arg0[%get3A_24, %get3A_25] : memref<160x512xf32, #tpu.memory_space<vmem>>, vector<80x512xf32>
    %reduce_sum3A_27 = arith.constant dense<0.000000e+00> : vector<80xf32>
    %reduce_sum3A_28 = vector.multi_reduction <add>, %get3A_26, %reduce_sum3A_27 [1] : vector<80x512xf32> to vector<80xf32>
    %broadcast_in_dim3A_29 = vector.shape_cast %reduce_sum3A_28 : vector<80xf32> to vector<80x1xf32>
    %get3A_30 = arith.constant 360 : index
    %get3A_31 = arith.constant 0 : index
    %get3A_32 = vector.load %arg1[%get3A_30, %get3A_31] : memref<720x128xf32, #tpu.memory_space<vmem>>, vector<72x128xf32>
    %reduce_sum3A_33 = arith.constant dense<0.000000e+00> : vector<72xf32>
    %reduce_sum3A_34 = vector.multi_reduction <add>, %get3A_32, %reduce_sum3A_33 [1] : vector<72x128xf32> to vector<72xf32>
    %broadcast_in_dim3A_35 = vector.shape_cast %reduce_sum3A_34 : vector<72xf32> to vector<72x1xf32>
    %mul3A_36 = arith.constant 5.000000e-01 : f32
    %mul3A_37 = vector.broadcast %mul3A_36 : f32 to vector<72x1xf32>
    %mul3A_38 = arith.mulf %mul3A_37, %broadcast_in_dim3A_35 : vector<72x1xf32>
    %slice3A_39 = vector.extract_strided_slice %broadcast_in_dim3A_29 {offsets = [0, 0], sizes = [64, 1], strides = [1, 1]} : vector<80x1xf32> to vector<64x1xf32>
    %slice3A_40 = vector.extract_strided_slice %broadcast_in_dim3A_29 {offsets = [1, 0], sizes = [64, 1], strides = [1, 1]} : vector<80x1xf32> to vector<64x1xf32>
    %sub3A_41 = arith.subf %slice3A_39, %slice3A_40 : vector<64x1xf32>
    %slice3A_42 = vector.extract_strided_slice %mul3A_38 {offsets = [0, 0], sizes = [64, 1], strides = [1, 1]} : vector<72x1xf32> to vector<64x1xf32>
    %slice3A_43 = vector.extract_strided_slice %mul3A_38 {offsets = [1, 0], sizes = [64, 1], strides = [1, 1]} : vector<72x1xf32> to vector<64x1xf32>
    %sub3A_44 = arith.subf %slice3A_42, %slice3A_43 : vector<64x1xf32>
    %sub3A_45 = arith.subf %sub3A_41, %sub3A_44 : vector<64x1xf32>
    %abs3A_46 = math.absf %sub3A_45 : vector<64x1xf32>
    %reduce_sum3A_47 = vector.shape_cast %abs3A_46 : vector<64x1xf32> to vector<1x64x1xf32>
    %reduce_sum3A_48 = arith.constant dense<0.000000e+00> : vector<1xf32>
    %reduce_sum3A_49 = vector.multi_reduction <add>, %reduce_sum3A_47, %reduce_sum3A_48 [1, 2] : vector<1x64x1xf32> to vector<1xf32>
    %reduce_sum3A_50 = vector.shape_cast %reduce_sum3A_49 : vector<1xf32> to vector<1x1x1xf32>
    %reduce_sum3A_51 = vector.extract %reduce_sum3A_50[0, 0, 0] : f32 from vector<1x1x1xf32>
    %broadcast_in_dim3A_52 = vector.broadcast %reduce_sum3A_51 : f32 to vector<1x1xf32>
    %add3A_53 = arith.addf %add3A, %broadcast_in_dim3A_52 : vector<1x1xf32>
    %get3A_54 = arith.constant 0 : index
    %get3A_55 = arith.constant 0 : index
    %get3A_56 = vector.load %arg1[%get3A_54, %get3A_55] : memref<720x128xf32, #tpu.memory_space<vmem>>, vector<72x128xf32>
    %reduce_sum3A_57 = arith.constant dense<0.000000e+00> : vector<72xf32>
    %reduce_sum3A_58 = vector.multi_reduction <add>, %get3A_56, %reduce_sum3A_57 [1] : vector<72x128xf32> to vector<72xf32>
    %broadcast_in_dim3A_59 = vector.shape_cast %reduce_sum3A_58 : vector<72xf32> to vector<72x1xf32>
    %mul3A_60 = arith.constant 5.000000e-01 : f32
    %mul3A_61 = vector.broadcast %mul3A_60 : f32 to vector<72x1xf32>
    %mul3A_62 = arith.mulf %mul3A_61, %broadcast_in_dim3A_59 : vector<72x1xf32>
    %get3A_63 = arith.constant 432 : index
    %get3A_64 = arith.constant 0 : index
    %get3A_65 = vector.load %arg1[%get3A_63, %get3A_64] : memref<720x128xf32, #tpu.memory_space<vmem>>, vector<72x128xf32>
    %reduce_sum3A_66 = arith.constant dense<0.000000e+00> : vector<72xf32>
    %reduce_sum3A_67 = vector.multi_reduction <add>, %get3A_65, %reduce_sum3A_66 [1] : vector<72x128xf32> to vector<72xf32>
    %broadcast_in_dim3A_68 = vector.shape_cast %reduce_sum3A_67 : vector<72xf32> to vector<72x1xf32>
    %mul3A_69 = arith.constant 5.000000e-01 : f32
    %mul3A_70 = vector.broadcast %mul3A_69 : f32 to vector<72x1xf32>
    %mul3A_71 = arith.mulf %mul3A_70, %broadcast_in_dim3A_68 : vector<72x1xf32>
    %slice3A_72 = vector.extract_strided_slice %mul3A_62 {offsets = [0, 0], sizes = [64, 1], strides = [1, 1]} : vector<72x1xf32> to vector<64x1xf32>
    %slice3A_73 = vector.extract_strided_slice %mul3A_62 {offsets = [1, 0], sizes = [64, 1], strides = [1, 1]} : vector<72x1xf32> to vector<64x1xf32>
    %sub3A_74 = arith.subf %slice3A_72, %slice3A_73 : vector<64x1xf32>
    %slice3A_75 = vector.extract_strided_slice %mul3A_71 {offsets = [0, 0], sizes = [64, 1], strides = [1, 1]} : vector<72x1xf32> to vector<64x1xf32>
    %slice3A_76 = vector.extract_strided_slice %mul3A_71 {offsets = [1, 0], sizes = [64, 1], strides = [1, 1]} : vector<72x1xf32> to vector<64x1xf32>
    %sub3A_77 = arith.subf %slice3A_75, %slice3A_76 : vector<64x1xf32>
    %sub3A_78 = arith.subf %sub3A_74, %sub3A_77 : vector<64x1xf32>
    %abs3A_79 = math.absf %sub3A_78 : vector<64x1xf32>
    %reduce_sum3A_80 = vector.shape_cast %abs3A_79 : vector<64x1xf32> to vector<1x64x1xf32>
    %reduce_sum3A_81 = arith.constant dense<0.000000e+00> : vector<1xf32>
    %reduce_sum3A_82 = vector.multi_reduction <add>, %reduce_sum3A_80, %reduce_sum3A_81 [1, 2] : vector<1x64x1xf32> to vector<1xf32>
    %reduce_sum3A_83 = vector.shape_cast %reduce_sum3A_82 : vector<1xf32> to vector<1x1x1xf32>
    %reduce_sum3A_84 = vector.extract %reduce_sum3A_83[0, 0, 0] : f32 from vector<1x1x1xf32>
    %broadcast_in_dim3A_85 = vector.broadcast %reduce_sum3A_84 : f32 to vector<1x1xf32>
    %add3A_86 = arith.addf %add3A_53, %broadcast_in_dim3A_85 : vector<1x1xf32>
    %get3A_87 = arith.constant 72 : index
    %get3A_88 = arith.constant 0 : index
    %get3A_89 = vector.load %arg1[%get3A_87, %get3A_88] : memref<720x128xf32, #tpu.memory_space<vmem>>, vector<72x128xf32>
    %reduce_sum3A_90 = arith.constant dense<0.000000e+00> : vector<72xf32>
    %reduce_sum3A_91 = vector.multi_reduction <add>, %get3A_89, %reduce_sum3A_90 [1] : vector<72x128xf32> to vector<72xf32>
    %broadcast_in_dim3A_92 = vector.shape_cast %reduce_sum3A_91 : vector<72xf32> to vector<72x1xf32>
    %mul3A_93 = arith.constant 5.000000e-01 : f32
    %mul3A_94 = vector.broadcast %mul3A_93 : f32 to vector<72x1xf32>
    %mul3A_95 = arith.mulf %mul3A_94, %broadcast_in_dim3A_92 : vector<72x1xf32>
    %get3A_96 = arith.constant 504 : index
    %get3A_97 = arith.constant 0 : index
    %get3A_98 = vector.load %arg1[%get3A_96, %get3A_97] : memref<720x128xf32, #tpu.memory_space<vmem>>, vector<72x128xf32>
    %reduce_sum3A_99 = arith.constant dense<0.000000e+00> : vector<72xf32>
    %reduce_sum3A_100 = vector.multi_reduction <add>, %get3A_98, %reduce_sum3A_99 [1] : vector<72x128xf32> to vector<72xf32>
    %broadcast_in_dim3A_101 = vector.shape_cast %reduce_sum3A_100 : vector<72xf32> to vector<72x1xf32>
    %mul3A_102 = arith.constant 5.000000e-01 : f32
    %mul3A_103 = vector.broadcast %mul3A_102 : f32 to vector<72x1xf32>
    %mul3A_104 = arith.mulf %mul3A_103, %broadcast_in_dim3A_101 : vector<72x1xf32>
    %slice3A_105 = vector.extract_strided_slice %mul3A_95 {offsets = [0, 0], sizes = [64, 1], strides = [1, 1]} : vector<72x1xf32> to vector<64x1xf32>
    %slice3A_106 = vector.extract_strided_slice %mul3A_95 {offsets = [1, 0], sizes = [64, 1], strides = [1, 1]} : vector<72x1xf32> to vector<64x1xf32>
    %sub3A_107 = arith.subf %slice3A_105, %slice3A_106 : vector<64x1xf32>
    %slice3A_108 = vector.extract_strided_slice %mul3A_104 {offsets = [0, 0], sizes = [64, 1], strides = [1, 1]} : vector<72x1xf32> to vector<64x1xf32>
    %slice3A_109 = vector.extract_strided_slice %mul3A_104 {offsets = [1, 0], sizes = [64, 1], strides = [1, 1]} : vector<72x1xf32> to vector<64x1xf32>
    %sub3A_110 = arith.subf %slice3A_108, %slice3A_109 : vector<64x1xf32>
    %sub3A_111 = arith.subf %sub3A_107, %sub3A_110 : vector<64x1xf32>
    %abs3A_112 = math.absf %sub3A_111 : vector<64x1xf32>
    %reduce_sum3A_113 = vector.shape_cast %abs3A_112 : vector<64x1xf32> to vector<1x64x1xf32>
    %reduce_sum3A_114 = arith.constant dense<0.000000e+00> : vector<1xf32>
    %reduce_sum3A_115 = vector.multi_reduction <add>, %reduce_sum3A_113, %reduce_sum3A_114 [1, 2] : vector<1x64x1xf32> to vector<1xf32>
    %reduce_sum3A_116 = vector.shape_cast %reduce_sum3A_115 : vector<1xf32> to vector<1x1x1xf32>
    %reduce_sum3A_117 = vector.extract %reduce_sum3A_116[0, 0, 0] : f32 from vector<1x1x1xf32>
    %broadcast_in_dim3A_118 = vector.broadcast %reduce_sum3A_117 : f32 to vector<1x1xf32>
    %add3A_119 = arith.addf %add3A_86, %broadcast_in_dim3A_118 : vector<1x1xf32>
    %get3A_120 = arith.constant 144 : index
    %get3A_121 = arith.constant 0 : index
    %get3A_122 = vector.load %arg1[%get3A_120, %get3A_121] : memref<720x128xf32, #tpu.memory_space<vmem>>, vector<72x128xf32>
    %reduce_sum3A_123 = arith.constant dense<0.000000e+00> : vector<72xf32>
    %reduce_sum3A_124 = vector.multi_reduction <add>, %get3A_122, %reduce_sum3A_123 [1] : vector<72x128xf32> to vector<72xf32>
    %broadcast_in_dim3A_125 = vector.shape_cast %reduce_sum3A_124 : vector<72xf32> to vector<72x1xf32>
    %mul3A_126 = arith.constant 5.000000e-01 : f32
    %mul3A_127 = vector.broadcast %mul3A_126 : f32 to vector<72x1xf32>
    %mul3A_128 = arith.mulf %mul3A_127, %broadcast_in_dim3A_125 : vector<72x1xf32>
    %get3A_129 = arith.constant 576 : index
    %get3A_130 = arith.constant 0 : index
    %get3A_131 = vector.load %arg1[%get3A_129, %get3A_130] : memref<720x128xf32, #tpu.memory_space<vmem>>, vector<72x128xf32>
    %reduce_sum3A_132 = arith.constant dense<0.000000e+00> : vector<72xf32>
    %reduce_sum3A_133 = vector.multi_reduction <add>, %get3A_131, %reduce_sum3A_132 [1] : vector<72x128xf32> to vector<72xf32>
    %broadcast_in_dim3A_134 = vector.shape_cast %reduce_sum3A_133 : vector<72xf32> to vector<72x1xf32>
    %mul3A_135 = arith.constant 5.000000e-01 : f32
    %mul3A_136 = vector.broadcast %mul3A_135 : f32 to vector<72x1xf32>
    %mul3A_137 = arith.mulf %mul3A_136, %broadcast_in_dim3A_134 : vector<72x1xf32>
    %slice3A_138 = vector.extract_strided_slice %mul3A_128 {offsets = [0, 0], sizes = [64, 1], strides = [1, 1]} : vector<72x1xf32> to vector<64x1xf32>
    %slice3A_139 = vector.extract_strided_slice %mul3A_128 {offsets = [1, 0], sizes = [64, 1], strides = [1, 1]} : vector<72x1xf32> to vector<64x1xf32>
    %sub3A_140 = arith.subf %slice3A_138, %slice3A_139 : vector<64x1xf32>
    %slice3A_141 = vector.extract_strided_slice %mul3A_137 {offsets = [0, 0], sizes = [64, 1], strides = [1, 1]} : vector<72x1xf32> to vector<64x1xf32>
    %slice3A_142 = vector.extract_strided_slice %mul3A_137 {offsets = [1, 0], sizes = [64, 1], strides = [1, 1]} : vector<72x1xf32> to vector<64x1xf32>
    %sub3A_143 = arith.subf %slice3A_141, %slice3A_142 : vector<64x1xf32>
    %sub3A_144 = arith.subf %sub3A_140, %sub3A_143 : vector<64x1xf32>
    %abs3A_145 = math.absf %sub3A_144 : vector<64x1xf32>
    %reduce_sum3A_146 = vector.shape_cast %abs3A_145 : vector<64x1xf32> to vector<1x64x1xf32>
    %reduce_sum3A_147 = arith.constant dense<0.000000e+00> : vector<1xf32>
    %reduce_sum3A_148 = vector.multi_reduction <add>, %reduce_sum3A_146, %reduce_sum3A_147 [1, 2] : vector<1x64x1xf32> to vector<1xf32>
    %reduce_sum3A_149 = vector.shape_cast %reduce_sum3A_148 : vector<1xf32> to vector<1x1x1xf32>
    %reduce_sum3A_150 = vector.extract %reduce_sum3A_149[0, 0, 0] : f32 from vector<1x1x1xf32>
    %broadcast_in_dim3A_151 = vector.broadcast %reduce_sum3A_150 : f32 to vector<1x1xf32>
    %add3A_152 = arith.addf %add3A_119, %broadcast_in_dim3A_151 : vector<1x1xf32>
    %get3A_153 = arith.constant 216 : index
    %get3A_154 = arith.constant 0 : index
    %get3A_155 = vector.load %arg1[%get3A_153, %get3A_154] : memref<720x128xf32, #tpu.memory_space<vmem>>, vector<72x128xf32>
    %reduce_sum3A_156 = arith.constant dense<0.000000e+00> : vector<72xf32>
    %reduce_sum3A_157 = vector.multi_reduction <add>, %get3A_155, %reduce_sum3A_156 [1] : vector<72x128xf32> to vector<72xf32>
    %broadcast_in_dim3A_158 = vector.shape_cast %reduce_sum3A_157 : vector<72xf32> to vector<72x1xf32>
    %mul3A_159 = arith.constant 5.000000e-01 : f32
    %mul3A_160 = vector.broadcast %mul3A_159 : f32 to vector<72x1xf32>
    %mul3A_161 = arith.mulf %mul3A_160, %broadcast_in_dim3A_158 : vector<72x1xf32>
    %get3A_162 = arith.constant 648 : index
    %get3A_163 = arith.constant 0 : index
    %get3A_164 = vector.load %arg1[%get3A_162, %get3A_163] : memref<720x128xf32, #tpu.memory_space<vmem>>, vector<72x128xf32>
    %reduce_sum3A_165 = arith.constant dense<0.000000e+00> : vector<72xf32>
    %reduce_sum3A_166 = vector.multi_reduction <add>, %get3A_164, %reduce_sum3A_165 [1] : vector<72x128xf32> to vector<72xf32>
    %broadcast_in_dim3A_167 = vector.shape_cast %reduce_sum3A_166 : vector<72xf32> to vector<72x1xf32>
    %mul3A_168 = arith.constant 5.000000e-01 : f32
    %mul3A_169 = vector.broadcast %mul3A_168 : f32 to vector<72x1xf32>
    %mul3A_170 = arith.mulf %mul3A_169, %broadcast_in_dim3A_167 : vector<72x1xf32>
    %slice3A_171 = vector.extract_strided_slice %mul3A_161 {offsets = [0, 0], sizes = [64, 1], strides = [1, 1]} : vector<72x1xf32> to vector<64x1xf32>
    %slice3A_172 = vector.extract_strided_slice %mul3A_161 {offsets = [1, 0], sizes = [64, 1], strides = [1, 1]} : vector<72x1xf32> to vector<64x1xf32>
    %sub3A_173 = arith.subf %slice3A_171, %slice3A_172 : vector<64x1xf32>
    %slice3A_174 = vector.extract_strided_slice %mul3A_170 {offsets = [0, 0], sizes = [64, 1], strides = [1, 1]} : vector<72x1xf32> to vector<64x1xf32>
    %slice3A_175 = vector.extract_strided_slice %mul3A_170 {offsets = [1, 0], sizes = [64, 1], strides = [1, 1]} : vector<72x1xf32> to vector<64x1xf32>
    %sub3A_176 = arith.subf %slice3A_174, %slice3A_175 : vector<64x1xf32>
    %sub3A_177 = arith.subf %sub3A_173, %sub3A_176 : vector<64x1xf32>
    %abs3A_178 = math.absf %sub3A_177 : vector<64x1xf32>
    %reduce_sum3A_179 = vector.shape_cast %abs3A_178 : vector<64x1xf32> to vector<1x64x1xf32>
    %reduce_sum3A_180 = arith.constant dense<0.000000e+00> : vector<1xf32>
    %reduce_sum3A_181 = vector.multi_reduction <add>, %reduce_sum3A_179, %reduce_sum3A_180 [1, 2] : vector<1x64x1xf32> to vector<1xf32>
    %reduce_sum3A_182 = vector.shape_cast %reduce_sum3A_181 : vector<1xf32> to vector<1x1x1xf32>
    %reduce_sum3A_183 = vector.extract %reduce_sum3A_182[0, 0, 0] : f32 from vector<1x1x1xf32>
    %broadcast_in_dim3A_184 = vector.broadcast %reduce_sum3A_183 : f32 to vector<1x1xf32>
    %add3A_185 = arith.addf %add3A_152, %broadcast_in_dim3A_184 : vector<1x1xf32>
    %mul3A_186 = arith.constant 1.76606356E-8 : f32
    %mul3A_187 = vector.broadcast %mul3A_186 : f32 to vector<1x1xf32>
    %mul3A_188 = arith.mulf %add3A_185, %mul3A_187 : vector<1x1xf32>
    %swap3A = arith.constant 0 : index
    %swap3A_189 = arith.constant 0 : index
    %swap3A_190 = vector.load %arg2[%swap3A, %swap3A_189] : memref<1x1xf32, #tpu.memory_space<vmem>>, vector<1x1xf32>
    tpu.vector_store %arg2[%swap3A, %swap3A_189], %mul3A_188 {strides = array<i32>} : memref<1x1xf32, #tpu.memory_space<vmem>>, vector<1x1xf32>,
    return
  }
}

</mosaic_0001>

<sc_bundles>
// kernel: kernel.5.cloned.1.call-start
scs
__scs_entry_jumppad:
0x0: {  	(pc) =	sbr.rel $0x88, $3  }
0x1: {  	(tag) =	ssettag $0x0;
	lr =	simm.s32 $0x1  }
0x2: {  	[smem:$0x3F9F] =	sst lr;
	_ =	strace $0xD0000000  }
0x3: {  	_ = 	snop  }
0x4: {  	_ = 	snop  }
0x5: {  	_ = 	snop  }
0x6: {  	_ = 	snop  }
0x7: {  	_ = 	snop  }
__scs_overlays_trampoline_lowered:
0x8: {  	[smem:$0x3FAE] =	sst s0  }
0x9: {  	[smem:$0x3FAF] =	sst s1  }
0xa: {  	[smem:$0x3FB0] =	sst s2  }
0xb: {  	[smem:$0x3FB1] =	sst s3  }
0xc: {  	[smem:$0x3FB2] =	sst s4  }
0xd: {  	[smem:$0x3FB3] =	sst s5  }
0xe: {  	[smem:$0x3FB4] =	sst s6  }
0xf: {  	[smem:$0x3FB5] =	sst s7  }
0x10: {  	[smem:$0x3FB6] =	sst s8  }
0x11: {  	[smem:$0x3FB7] =	sst s9;
	s0 =	simm.s32 @!p0 $0x0  }
0x12: {  	s1 =	sld [smem:$0x3F9D];
	s0 =	simm.s32 @p0 $0x1  }
0x13: {  	[smem:$0x3FB8] =	sst s0;
	s0 =	simm.s32 @!p1 $0x0  }
0x14: {  	s2 =	sld [smem:$0x3F9C];
	s0 =	simm.s32 @p1 $0x1  }
0x15: {  	[smem:$0x3FB9] =	sst s0;
	s0 =	simm.s32 @!p2 $0x0  }
0x16: {  	s3 =	sld [smem:$0x3FDB];
	s0 =	simm.s32 @p2 $0x1  }
0x17: {  	s4 =	simm.s32 $0x1BF5;
	[smem:$0x3FBB] =	sst s0  }
0x18: {  	s0 =	sld [smem:$0x3F9E];
	_ =	swait.ge [sflag:s4], $0x0  }
0x19: {  	s7 =	sld [smem:$0x3F9F]  }
0x1a: {  	s8 =	sadd.s32 $0xFFFFE003, lr  }
0x1b: {  	s9 =	sadd.s32 $0xFFFFFEF7, lr;
	s5 =	simm.s32 $0xFFFFFFFF;
	p2 =	slt.u32 s8, $0xFFFFF086  }
0x1c: {  	p1 =	slt.u32 s9, $0xF7A;
	s5 =	simm.s32 @!p2 $0x0  }
0x1d: {  	s5 =	simm.s32 @p1 $0x1;
	p0 =	seq.s32 s7, s2  }
0x1e: {  	s7 =	smul.u32 @!p0 $0xF7A, s2;
	p2 =	seq.s32 @!p0 s5, $0x0  }
0x1f: {  	s9 =	smul.u32 $0xF7A, s1;
	s8 =	simm.s32 @!p0 $0x1BF5;
	p2 =	por !p2, p0  }
0x20: {  	[sflag:s8] =	ssyncset.s32 @!p0 $0xFFFFF086;
	s6 =	sadd.s32 @!p0 s3, s7;
	s7 =	simm.s32 @!p0 $0x108  }
0x21: {  	s3 =	sadd.s32 s3, s9;
	s6 =	sadd.s32 @!p0 $0x88, s6;
	s7 =	simm.s32 @p2 $0x1082  }
0x22: {  	[simem:s7], [sflag:s8] =	dma.local @!p0 [hbm:s6], $0xF7A  }
0x23: {  	s9 =	sor.u32 $0xD0000000, s2;
	s6 =	simm.s32 $0x108;
	_ =	swait.ge @!p0 [sflag:s8], $0x0  }
0x24: {  	s3 =	sadd.s32 $0x88, s3;
	s6 =	simm.s32 @!p1 $0x1082;
	[sflag:s4] =	ssyncset.s32 $0xFFFFF086  }
0x25: {  	[simem:s6], [sflag:s4] =	dma.local [hbm:s3], $0xF7A  }
0x26: {  	[smem:$0x3F9F] =	sst s1;
	(tag) =	ssettag s2;
	_ =	strace s9  }
0x27: {  	s1 =	sld [smem:$0x3FAF]  }
0x28: {  	s2 =	sld [smem:$0x3FB0]  }
0x29: {  	s4 =	sld [smem:$0x3FB2]  }
0x2a: {  	p0 =	seq.s32 s5, $0x0;
	s5 =	sld [smem:$0x3FB3]  }
0x2b: {  	s6 =	sld [smem:$0x3FB4]  }
0x2c: {  	s7 =	sld [smem:$0x3FB5]  }
0x2d: {  	s3 =	simm.s32 $0x108;
	s8 =	sld [smem:$0x3FB6]  }
0x2e: {  	s3 =	simm.s32 @!p0 $0x1082;
	s9 =	sld [smem:$0x3FB7]  }
0x2f: {  	lr =	sadd.s32 s0, s3;
	s0 =	sld [smem:$0x3FAE]  }
0x30: {  	s3 =	sld [smem:$0x3FB1]  }
0x31: {  	[smem:$0x3FBA] =	sst s10  }
0x32: {  	s10 =	sld [smem:$0x3FB8];
	_ =	sdelay $0x3  }
0x33: {  	p0 =	seq.s32 s10, $0x1;
	s10 =	sld [smem:$0x3FBA];
	_ =	sdelay $0x3  }
0x34: {  	[smem:$0x3FBA] =	sst s10  }
0x35: {  	s10 =	sld [smem:$0x3FB9];
	_ =	sdelay $0x3  }
0x36: {  	p1 =	seq.s32 s10, $0x1;
	s10 =	sld [smem:$0x3FBA];
	_ =	sdelay $0x3  }
0x37: {  	[smem:$0x3FBA] =	sst s10  }
0x38: {  	s10 =	sld [smem:$0x3FBB]  }
0x39: {  	_ = 	snop;
	(pc) =	sbr.ind lr, $3  }
0x3a: {  	_ = 	snop  }
0x3b: {  	_ = 	snop  }
0x3c: {  	p2 =	seq.s32 s10, $0x1;
	s10 =	sld [smem:$0x3FBA]  }
0x3d: {  	_ =	shalt  }
0x3e: {  	_ =	shalt  }
0x3f: {  	_ =	shalt  }
0x40: {  	_ =	shalt  }
0x41: {  	_ =	shalt  }
0x42: {  	_ =	shalt  }
0x43: {  	_ =	shalt  }
0x44: {  	_ =	shalt  }
0x45: {  	_ =	shalt  }
0x46: {  	_ =	shalt  }
0x47: {  	_ =	shalt  }
0x48: {  	_ =	shalt  }
0x49: {  	_ =	shalt  }
0x4a: {  	_ =	shalt  }
0x4b: {  	_ =	shalt  }
0x4c: {  	_ =	shalt  }
0x4d: {  	_ =	shalt  }
0x4e: {  	_ =	shalt  }
0x4f: {  	_ =	shalt  }
0x50: {  	_ =	shalt  }
0x51: {  	_ =	shalt  }
0x52: {  	_ =	shalt  }
0x53: {  	_ =	shalt  }
0x54: {  	_ =	shalt  }
0x55: {  	_ =	shalt  }
0x56: {  	_ =	shalt  }
0x57: {  	_ =	shalt  }
0x58: {  	_ =	shalt  }
0x59: {  	_ =	shalt  }
0x5a: {  	_ =	shalt  }
0x5b: {  	_ =	shalt  }
0x5c: {  	_ =	shalt  }
0x5d: {  	_ =	shalt  }
0x5e: {  	_ =	shalt  }
0x5f: {  	_ =	shalt  }
0x60: {  	_ =	shalt  }
0x61: {  	_ =	shalt  }
0x62: {  	_ =	shalt  }
0x63: {  	_ =	shalt  }
0x64: {  	_ =	shalt  }
0x65: {  	_ =	shalt  }
0x66: {  	_ =	shalt  }
0x67: {  	_ =	shalt  }
0x68: {  	_ =	shalt  }
0x69: {  	_ =	shalt  }
0x6a: {  	_ =	shalt  }
0x6b: {  	_ =	shalt  }
0x6c: {  	_ =	shalt  }
0x6d: {  	_ =	shalt  }
0x6e: {  	_ =	shalt  }
0x6f: {  	_ =	shalt  }
0x70: {  	_ =	shalt  }
0x71: {  	_ =	shalt  }
0x72: {  	_ =	shalt  }
0x73: {  	_ =	shalt  }
0x74: {  	_ =	shalt  }
0x75: {  	_ =	shalt  }
0x76: {  	_ =	shalt  }
0x77: {  	_ =	shalt  }
0x78: {  	_ =	shalt  }
0x79: {  	_ =	shalt  }
0x7a: {  	_ =	shalt  }
0x7b: {  	_ =	shalt  }
0x7c: {  	_ =	shalt  }
0x7d: {  	_ =	shalt  }
0x7e: {  	_ =	shalt  }
0x7f: {  	_ =	shalt  }
0x80: {  	_ =	shalt  }
0x81: {  	_ =	shalt  }
0x82: {  	_ =	shalt  }
0x83: {  	_ =	shalt  }
0x84: {  	_ =	shalt  }
0x85: {  	_ =	shalt  }
0x86: {  	_ =	shalt  }
0x87: {  	_ =	shalt  }
.Lfunc_end0:
.L_simem_size_0:
called_computation_lowered:
.L_overlay_start_0:
0x88: {  	s2 =	sld [smem:$0x3FD9]  }
0x89: {  	s3 =	sld [smem:$0x3FFE];
	_ =	sdelay $0x1  }
0x8a: {  	s1 =	srdreg.scid  }
0x8b: {  	s0 =	sand.u32 $0x1, s1  }
0x8c: {  	s16 =	sshll.u32 s0, $0xA;
	s2 =	sadd.s32 s3, s2  }
0x8d: {  	s2 =	sadd.s32 s2, s16  }
0x8e: {  	[smem:$0x3FC6] =	sst s2  }
0x8f: {  	_ = 	snop  }
0x90: {  	(tm) =	ssettm $0x1  }
0x91: {  	s17 =	sld [smem:$0x3FFB];
	_ =	sdelay $0x3  }
0x92: {  	_ =	strace s17  }
0x93: {  	s2 =	sld [smem:$0x3FFC];
	_ =	sdelay $0x3  }
0x94: {  	_ =	strace s2  }
0x95: {  	s2 =	sld [smem:$0x3FFD];
	_ =	sdelay $0x3  }
0x96: {  	_ =	strace s2  }
0x97: {  	_ =	strace $0x8FFFFFFF  }
0x98: {  	s18 =	sld [smem:$0x3FDB];
	_ =	sdelay $0x1  }
0x99: {  	s19 =	simm.s32 $_scs_section_size  }
0x9a: {  	s4 =	simm.s32 $_size__tile_overlayer_lowered;
	s5 =	simm.s32 $_tile_overlayer_lowered  }
0x9b: {  	s22 =	simm.s32 $0x1BFF;
	s21 =	sshll.u32 s5, $0x1;
	s2 =	sadd.s32 s19, s18  }
0x9c: {  	s6 =	simm.s32 $0x0;
	s20 =	sshll.u32 s4, $0x1;
	s4 =	sadd.s32 s21, s2  }
0x9d: {  	[timem:s6], [sflag:s22] =	dma.local [hbm:s4], s20  }
0x9e: {  	_ =	swait.ge [sflag:s22], s20  }
0x9f: {  	s3 =	ssub.s32 $0x0, s20;
	[sflag:s22] =	ssyncset.done $0x0  }
0xa0: {  	[sflag:s22] =	ssyncadd.s32 s3;
	_ =	sdelay $0x1  }
0xa1: {  	s23 =	simm.s32 $0x1B8B  }
0xa2: {  	_ =	swait.ge [sflag:s23], $0x1  }
0xa3: {  	[sflag:s23] =	ssyncset.done $0x0  }
0xa4: {  	s25 =	simm.s32 $0x1B8E;
	s24 =	sld [smem:$0x3FFE];
	[sflag:s23] =	ssyncadd.s32 $0xFFFFFFFF  }
0xa5: {  	s26 =	simm.s32 $execute0_lowered;
	[smem:$0x3FD2] =	sst s25  }
0xa6: {  	s4 =	sshll.u32 s26, $0x1;
	_ =	strace $0x80000046;
	[dreg:$0x1] =	wrdreg $0xFFFFFFFF  }
0xa7: {  	s28 =	simm.s32 $_size_execute0_lowered;
	s2 =	sadd.s32 s2, s4;
	[dreg:$0x0] =	wrdreg $0x0  }
0xa8: {  	s4 =	sshll.u32 s28, $0x1;
	[dreg:$0x2] =	wrdreg s2  }
0xa9: {  	[dreg:$0x3] =	wrdreg s4  }
0xaa: {  	[dreg:$0x4] =	wrdreg $0xC0  }
0xab: {  	_ =	task [dreg:s6], $0x5FFFF  }
0xac: {  	[dreg:$0x1] =	wrdreg $0xFFFFFFFF  }
0xad: {  	[dreg:$0x0] =	wrdreg $0x60  }
0xae: {  	[dreg:$0x2] =	wrdreg s24  }
0xaf: {  	[dreg:$0x3] =	wrdreg $0x9  }
0xb0: {  	_ =	task.clear_ibuf [dreg:s6], $0x4FFFF;
	_ =	strace $0x90000046  }
0xb1: {  	s29 =	simm.s32 $0x9;
	_ =	strace $0x80000048  }
0xb2: {  	_ =	swait.ge [sflag:s29], $0x1  }
0xb3: {  	[sflag:s29] =	ssyncadd.s32 $0xFFFFFFFF  }
0xb4: {  	_ =	strace $0x90000048  }
0xb5: {  	_ =	sfence  }
0xb6: {  	s30 =	sld [smem:$0x0];
	_ =	sdelay $0x2  }
0xb7: {  	s31 =	sshll.u32 s1, $0xD;
	s1 =	sshrl.u32 s1, $0x2  }
0xb8: {  	s3 =	sand.u32 $0x4000, s31;
	s1 =	sadd.s32 s1, s30  }
0xb9: {  	s0 =	sor.u32 s3, s0;
	s1 =	sshll.u32 s1, $0x11  }
0xba: {  	s0 =	sor.u32 s1, s0  }
0xbb: {  	s0 =	sadd.s32 $0x8F2B, s0  }
0xbc: {  	[sflag:s0] =	ssyncadd.remote.s32 $0x1  }
0xbd: {  	_ =	sfence.sel $0xFFFF  }
0xbe: {  	[dreg:$0x0] =	wrdreg $0xFFFFFFFF;
	(pc) =	sbr.abs _section_cstart, $3  }
0xbf: {  	[dreg:$0x1] =	wrdreg $0xFFFFFFFF  }
0xc0: {  	_ =	task.clear_ibuf [dreg:s6], $0x2FFFF;
	_ =	strace $0x9FFFFFFF  }
0xc1: {  	(tm) =	ssettm $0x7FFFFFFF  }
tec
execute0_lowered:
.L_overlay_start_1:
0x0: {  	(tag) =	ssettag $0x1  }
0x1: {  	s1 =	srdreg.scid;
	s0 =	stileid.u32  }
0x2: {  	s3 =	rddreg [dreg:$0x0];
	s8 =	simm.s32 $0x100;
	s9 =	simm.s32 $0x1  }
0x3: {  	s10 =	simm.s32 $0x400;
	s11 =	simm.s32 $0x2400;
	s12 =	simm.s32 $0x0  }
0x4: {  	s4 =	sand.u32 $0x1, s1;
	s2 =	sshll.u32 s0, $0x1;
	s1 =	rddreg [dreg:$0x1]  }
0x5: {  	s6 =	sshrl.u32 s0, $0x2;
	s5 =	sor.u32 s4, s2;
	s2 =	simm.s32 $0x0  }
0x6: {  	s6 =	smul.u32 $0x5000, s6;
	s4 =	ssub.s32 $0x2, s4;
	s7 =	sshll.u32 s5, $0x7  }
0x7: {  	[smem:$0x7FF] =	sst s2;
	s5 =	smul.u32 $0x480, s5;
	s7 =	sand.u32 $0x380, s7  }
0x8: {  	s31 =	sshrl.u32 s4, $0x1;
	_ =	strace $0x80000047;
	s6 =	sor.u32 s6, s7  }
0x9: {  	s5 =	sadd.s32 s5, s3;
	s7 =	ssub.s32 s4, s31;
	s6 =	sshrl.u32 s6, $0x3  }
0xa: {  	s4 =	sadd.s32 $0x810, s5;
	s6 =	sadd.s32 s6, s3;
	s3 =	sadd.s32 $0x800, s5  }
0xb: {  	v0 =	vimm.f32 $0.0e+00;
	s5 =	sadd.s32 $0x9800, s6;
	s6 =	smax.u32 s7, $0x1;
	s7 =	simm.s32 $0x80  }
.LBB2_1:
0xc: {  	[tilespmem:s2], [sflag:$0x1] =	stream.strided.gather [hbm4b:s3+s7], $0x1200, s8, s7, $0x38;
	[tilespmem:$0x2E00] =	vst v63  }
0xd: {  	_ =	swait.ge [sflag:s9], $0x1200  }
0xe: {  	[sflag:s9] =	ssyncset.done $0x0  }
0xf: {  	s13 =	simm.s32 $0x0;
	[sflag:s9] =	ssyncadd.s32 $0xFFFFEE00  }
0x10: {  	v1 =	vld [tilespmem:s13+$0x0];
	_ =	sdelay $0x1  }
0x11: {  	s14 =	simm.s32 $0x10  }
0x12: {  	v2 =	vld [tilespmem:s14+$0x0];
	_ =	sdelay $0x1  }
0x13: {  	v1 =	vmul.f32 $-5.000000000e+01, v1;
	_ =	sdelay $0x1  }
0x14: {  	v1 =	vmul.f32 $1.442695020e+00, v1  }
0x15: {  	v2 =	vmul.f32 $-5.000000000e+01, v2  }
0x16: {  	(erf) = vpow2.f32 v1  }
0x17: {  	v2 =	vmul.f32 $1.442695020e+00, v2  }
0x18: {  	s15 =	simm.s32 $0x20  }
0x19: {  	v1 =	vld [tilespmem:s15+$0x0];
	(erf) = vpow2.f32 v2;
	_ =	sdelay $0x2  }
0x1a: {  	s16 =	simm.s32 $0xC0  }
.LBB2_2:
0x1b: {  	p0 =	sne.s32 s16, $0x47C0  }
.Ltmp0:
0x1c: {  	s17 =	sshra.s32 s16, $0x2;
	s16 =	sadd.s32 $0x40, s16;
	v2 =	vmul.f32 $-5.000000000e+01, v1;
	(pc) =	sbr.rel @p0 .LBB2_2-.Ltmp0, $4  }
0x1d: {  	v1 =	vld [tilespmem:s17+$0x0];
	v3 =	vpop (erf)  }
0x1e: {  	v2 =	vmul.f32 $1.442695020e+00, v2;
	[tilespmem:s13+$0x1200] =	vst v3;
	s13 =	smov.u32 s14;
	s14 =	smov.u32 s15;
	s15 =	smov.u32 s17  }
0x1f: {  	_ = 	snop  }
0x20: {  	(erf) = vpow2.f32 v2  }
0x21: {  	_ = 	snop  }
0x22: {  	v1 =	vmul.f32 $-5.000000000e+01, v1;
	_ =	sdelay $0x1  }
0x23: {  	v1 =	vmul.f32 $1.442695020e+00, v1;
	_ =	sdelay $0x1  }
0x24: {  	(erf) = vpow2.f32 v1;
	_ =	sdelay $0x6  }
0x25: {  	v1 =	vpop (erf)  }
0x26: {  	[tilespmem:s13+$0x1200] =	vst v1;
	v1 =	vpop (erf)  }
0x27: {  	[tilespmem:s14+$0x1200] =	vst v1;
	v1 =	vpop (erf)  }
0x28: {  	s30 =	simm.s32 $0x0;
	[tilespmem:s15+$0x1200] =	vst v1  }
0x29: {  	v2 =	vld [tilespmem:s30+$0x1200];
	_ =	sdelay $0x4  }
0x2a: {  	v1 =	vmul.f32 $2.184200760e+00, v2  }
0x2b: {  	v3 =	vmul.f32 $1.042023940e+01, v2;
	v4 =	vmul.f32 $4.971218110e+01, v2  }
0x2c: {  	v5 =	vmul.f32 $5.180128170e+02, v2;
	v6 =	vmul.f32 $2.371635590e+02, v2  }
0x2d: {  	v7 =	vmul.f32 $1.085813900e+02, v2;
	v8 =	vmul.f32 $2.275989530e+01, v2  }
0x2e: {  	v9 =	vmul.f32 $1.131444090e+03, v2;
	v10 =	vmul.f32 $2.471301030e+03, v2  }
0x2f: {  	v11 =	vmul.f32 $5.397817380e+03, v2;
	v5 =	vmul.f32 v5, v5  }
0x30: {  	v4 =	vmul.f32 v4, v4;
	v7 =	vmul.f32 v7, v7  }
0x31: {  	v12 =	vmul.f32 v1, v1;
	v10 =	vmul.f32 v10, v10  }
0x32: {  	s31 =	simm.s32 $0x10;
	v11 =	vmul.f32 v11, v11;
	v3 =	vmul.f32 v3, v3;
	v5 =	vadd.f32 $1.000000000e+00, v5  }
0x33: {  	v6 =	vmul.f32 v6, v6;
	v4 =	vadd.f32 $1.000000000e+00, v4;
	v13 =	vadd.f32 $1.000000000e+00, v12;
	v12 =	vld [tilespmem:s31+$0x1200]  }
0x34: {  	v9 =	vmul.f32 v9, v9;
	(erf) = vrcp.f32 v5  }
0x35: {  	v5 =	vadd.f32 $1.000000000e+00, v7;
	v7 =	vmul.f32 $1.178991800e+04, v2;
	(erf) = vrcp.f32 v4  }
0x36: {  	v4 =	vmul.f32 $4.770733360e+00, v2;
	v2 =	vmul.f32 v2, v2  }
0x37: {  	(erf) = vrcp.f32 v5;
	v7 =	vmul.f32 v7, v7  }
0x38: {  	v5 =	vadd.f32 $1.000000000e+00, v10;
	v4 =	vmul.f32 v4, v4;
	v15 =	vmul.f32 $1.042023940e+01, v12  }
0x39: {  	v10 =	vadd.f32 $1.000000000e+00, v11;
	v16 =	vmul.f32 $2.371635590e+02, v12;
	v17 =	vmul.f32 $2.275989530e+01, v12  }
0x3a: {  	v19 =	vmul.f32 $1.131444090e+03, v12;
	(erf) = vrcp.f32 v5;
	v4 =	vadd.f32 $1.000000000e+00, v4  }
0x3b: {  	v3 =	vadd.f32 $1.000000000e+00, v3;
	v20 =	vmul.f32 $1.178991800e+04, v12;
	(erf) = vrcp.f32 v10  }
0x3c: {  	v5 =	vmul.f32 v8, v8;
	v8 =	vadd.f32 $1.000000000e+00, v2;
	(erf) = vrcp.f32 v4  }
0x3d: {  	v25 =	vmul.f32 $4.770733360e+00, v12;
	v4 =	vadd.f32 $1.000000000e+00, v6;
	(erf) = vrcp.f32 v13  }
0x3e: {  	v1 =	vimm.f32 $0.0e+00;
	v10 =	vmul.f32 $2.184200760e+00, v12;
	(erf) = vrcp.f32 v8  }
0x3f: {  	v7 =	vadd.f32 $1.000000000e+00, v7;
	v13 =	vmul.f32 $1.085813900e+02, v12;
	(erf) = vrcp.f32 v4  }
0x40: {  	v9 =	vadd.f32 $1.000000000e+00, v9;
	v2 =	vpop (erf);
	v8 =	vmul.f32 $5.180128170e+02, v12;
	(erf) = vrcp.f32 v3  }
0x41: {  	v11 =	vadd.f32 $1.000000000e+00, v5;
	v6 =	vmul.f32 $4.971218110e+01, v12;
	v3 =	vpop (erf);
	(erf) = vrcp.f32 v7  }
0x42: {  	v4 =	vadd.f32 v3, v1;
	v3 =	vpop (erf);
	v7 =	vmul.f32 v8, v8;
	(erf) = vrcp.f32 v9  }
0x43: {  	v21 =	vmul.f32 v10, v10;
	v6 =	vmul.f32 v6, v6;
	v5 =	vadd.f32 v3, v1;
	v3 =	vpop (erf)  }
0x44: {  	v8 =	vmul.f32 v13, v13;
	v7 =	vadd.f32 $1.000000000e+00, v7;
	v13 =	vpop (erf);
	(erf) = vrcp.f32 v11  }
0x45: {  	v21 =	vadd.f32 $1.000000000e+00, v21;
	v11 =	vadd.f32 $1.000000000e+00, v6;
	v6 =	vmul.f32 $2.471301030e+03, v12;
	v9 =	vpop (erf)  }
0x46: {  	v2 =	vadd.f32 v2, v1;
	v14 =	vadd.f32 $1.000000000e+00, v8;
	v8 =	vmul.f32 $5.397817380e+03, v12;
	v18 =	vpop (erf)  }
0x47: {  	v3 =	vadd.f32 v3, v1;
	v22 =	vmul.f32 v6, v6;
	v10 =	vadd.f32 v18, v1;
	v18 =	vpop (erf)  }
0x48: {  	(erf) = vrcp.f32 v7;
	v6 =	vadd.f32 v13, v1;
	v23 =	vmul.f32 v8, v8;
	v7 =	vpop (erf)  }
0x49: {  	v13 =	vimm.f32 $0.0e+00;
	(erf) = vrcp.f32 v11;
	v8 =	vadd.f32 v7, v1;
	v7 =	vpop (erf)  }
0x4a: {  	v9 =	vadd.f32 v9, v1;
	(erf) = vrcp.f32 v14;
	v11 =	vadd.f32 v7, v1;
	v7 =	vpop (erf)  }
0x4b: {  	s13 =	simm.s32 $0x80;
	v24 =	vadd.f32 $1.000000000e+00, v22;
	v14 =	vimm.f32 $0.0e+00;
	v7 =	vadd.f32 v7, v1;
	v22 =	vpop (erf)  }
.LBB2_4:
0x4c: {  	s14 =	sshra.s32 s13, $0x2;
	p0 =	sne.s32 s13, $0x47C0;
	s13 =	sadd.s32 $0x40, s13;
	v15 =	vmul.f32 v15, v15;
	v16 =	vmul.f32 v16, v16;
	v1 =	vadd.f32 v22, v1  }
0x4d: {  	v19 =	vmul.f32 v19, v19;
	v23 =	vadd.f32 $1.000000000e+00, v23;
	v22 =	vld [tilespmem:s14+$0x1200];
	v25 =	vmul.f32 v25, v25;
	v26 =	vpop (erf)  }
0x4e: {  	v12 =	vmul.f32 v12, v12;
	v27 =	vadd.f32 $1.000000000e+00, v15;
	v13 =	vadd.f32 v26, v13  }
0x4f: {  	v14 =	vadd.f32 v18, v14;
	v25 =	vadd.f32 $1.000000000e+00, v25;
	(erf) = vrcp.f32 v24  }
0x50: {  	v17 =	vmul.f32 v17, v17;
	v12 =	vadd.f32 $1.000000000e+00, v12;
	(erf) = vrcp.f32 v23  }
0x51: {  	v20 =	vmul.f32 v20, v20;
	v18 =	vadd.f32 $1.000000000e+00, v16;
	(erf) = vrcp.f32 v25;
	v15 =	vpop (erf)  }
0x52: {  	v23 =	vmul.f32 $2.184200760e+00, v22;
	v2 =	vadd.f32 v15, v2;
	(erf) = vrcp.f32 v21;
	v16 =	vpop (erf)  }
0x53: {  	v15 =	vmul.f32 $1.042023940e+01, v22;
	v21 =	vadd.f32 $1.000000000e+00, v17;
	v4 =	vadd.f32 v16, v4;
	v16 =	vpop (erf)  }
0x54: {  	v24 =	vmul.f32 $4.971218110e+01, v22;
	v5 =	vadd.f32 v16, v5;
	(erf) = vrcp.f32 v12;
	v12 =	vmovc v22  }
0x55: {  	v17 =	vadd.f32 $1.000000000e+00, v20;
	v16 =	vmul.f32 $2.371635590e+02, v12;
	(erf) = vrcp.f32 v18  }
0x56: {  	v22 =	vadd.f32 $1.000000000e+00, v19;
	v18 =	vmul.f32 $5.180128170e+02, v12;
	(erf) = vrcp.f32 v27  }
0x57: {  	v20 =	vmul.f32 $1.085813900e+02, v12;
	(erf) = vrcp.f32 v17  }
0x58: {  	v27 =	vmul.f32 v18, v18;
	(erf) = vrcp.f32 v22;
	v19 =	vpop (erf)  }
0x59: {  	v17 =	vmul.f32 $2.275989530e+01, v12;
	v22 =	vmul.f32 v24, v24;
	v3 =	vadd.f32 v19, v3;
	v24 =	vpop (erf)  }
0x5a: {  	v20 =	vmul.f32 v20, v20;
	v25 =	vadd.f32 $1.000000000e+00, v27;
	v18 =	vpop (erf);
	(erf) = vrcp.f32 v21  }
0x5b: {  	v19 =	vmul.f32 $1.131444090e+03, v12;
	v21 =	vadd.f32 $1.000000000e+00, v22;
	v22 =	vmul.f32 $2.471301030e+03, v12;
	v26 =	vpop (erf)  }
0x5c: {  	v28 =	vmul.f32 $5.397817380e+03, v12;
	v27 =	vadd.f32 $1.000000000e+00, v20;
	v9 =	vadd.f32 v18, v9  }
.Ltmp1:
0x5d: {  	v29 =	vmul.f32 v23, v23;
	v22 =	vmul.f32 v22, v22;
	v10 =	vadd.f32 v26, v10;
	v18 =	vpop (erf);
	(pc) =	sbr.rel @p0 .LBB2_4-.Ltmp1, $4  }
0x5e: {  	v20 =	vmul.f32 $1.178991800e+04, v12;
	v6 =	vadd.f32 v24, v6;
	(erf) = vrcp.f32 v25;
	v24 =	vpop (erf)  }
0x5f: {  	v23 =	vmul.f32 v28, v28;
	(erf) = vrcp.f32 v21;
	v8 =	vadd.f32 v24, v8;
	v24 =	vpop (erf)  }
0x60: {  	v21 =	vadd.f32 $1.000000000e+00, v29;
	(erf) = vrcp.f32 v27;
	v11 =	vadd.f32 v24, v11;
	v26 =	vpop (erf)  }
0x61: {  	v25 =	vmul.f32 $4.770733360e+00, v12;
	v24 =	vadd.f32 $1.000000000e+00, v22;
	v7 =	vadd.f32 v26, v7;
	v22 =	vpop (erf)  }
0x62: {  	_ = 	snop  }
0x63: {  	v25 =	vmul.f32 v25, v25  }
0x64: {  	v23 =	vadd.f32 $1.000000000e+00, v23;
	v12 =	vmul.f32 v12, v12  }
0x65: {  	v16 =	vmul.f32 v16, v16;
	(erf) = vrcp.f32 v24;
	v25 =	vadd.f32 $1.000000000e+00, v25  }
0x66: {  	v15 =	vmul.f32 v15, v15;
	(erf) = vrcp.f32 v23;
	v12 =	vadd.f32 $1.000000000e+00, v12  }
0x67: {  	v20 =	vmul.f32 v20, v20;
	v16 =	vadd.f32 $1.000000000e+00, v16;
	(erf) = vrcp.f32 v25  }
0x68: {  	v19 =	vmul.f32 v19, v19;
	v15 =	vadd.f32 $1.000000000e+00, v15;
	(erf) = vrcp.f32 v21  }
0x69: {  	v17 =	vmul.f32 v17, v17;
	v20 =	vadd.f32 $1.000000000e+00, v20;
	(erf) = vrcp.f32 v12  }
0x6a: {  	v19 =	vadd.f32 $1.000000000e+00, v19;
	v12 =	vpop (erf);
	(erf) = vrcp.f32 v16  }
0x6b: {  	v17 =	vadd.f32 $1.000000000e+00, v17;
	v16 =	vpop (erf);
	(erf) = vrcp.f32 v15  }
0x6c: {  	v15 =	vpop (erf);
	(erf) = vrcp.f32 v20  }
0x6d: {  	v2 =	vadd.f32 v16, v2;
	v20 =	vpop (erf);
	(erf) = vrcp.f32 v19  }
0x6e: {  	v4 =	vadd.f32 v15, v4;
	v19 =	vpop (erf);
	(erf) = vrcp.f32 v17  }
0x6f: {  	v5 =	vadd.f32 v20, v5;
	[tilespmem:$0x2480] =	vst v2;
	v17 =	vpop (erf)  }
0x70: {  	[tilespmem:$0x2450] =	vst v4;
	v3 =	vadd.f32 v19, v3;
	v21 =	vpop (erf)  }
0x71: {  	v14 =	vadd.f32 v18, v14;
	[tilespmem:$0x2460] =	vst v5;
	v2 =	vadd.f32 v17, v6;
	v23 =	vpop (erf)  }
0x72: {  	[tilespmem:$0x24A0] =	vst v3;
	v9 =	vadd.f32 v21, v9;
	v18 =	vpop (erf)  }
0x73: {  	[tilespmem:$0x24B0] =	vst v2;
	v10 =	vadd.f32 v23, v10;
	v62 =	vpop (erf);
	v14 =	vadd.f32 v18, v14  }
0x74: {  	[tilespmem:$0x2420] =	vst v9;
	v63 =	vpop (erf)  }
0x75: {  	v1 =	vadd.f32 v22, v1;
	[tilespmem:$0x2410] =	vst v10;
	v8 =	vadd.f32 v62, v8;
	v18 =	vpop (erf)  }
0x76: {  	v12 =	vadd.f32 v12, v13;
	[tilespmem:$0x2400] =	vst v14;
	v11 =	vadd.f32 v63, v11;
	v13 =	vpop (erf)  }
0x77: {  	[tilespmem:$0x2470] =	vst v8;
	v14 =	vpop (erf);
	v1 =	vadd.f32 v13, v1  }
0x78: {  	[tilespmem:$0x2430] =	vst v11;
	v10 =	vadd.f32 v14, v12  }
0x79: {  	[tilespmem:$0x2490] =	vst v1;
	v1 =	vadd.f32 v18, v7  }
0x7a: {  	[tilespmem:$0x2440] =	vst v10  }
0x7b: {  	s13 =	simm.s32 $0x0;
	[tilespmem:$0x24C0] =	vst v1  }
0x7c: {  	v1 =	vld [tilespmem:s13+$0x1200];
	_ =	sdelay $0x4  }
0x7d: {  	v3 =	vmul.f32 $2.575154690e+04, v1  }
0x7e: {  	v2 =	vmul.f32 $5.861025000e+05, v1;
	v4 =	vmul.f32 $3.036086080e+08, v1  }
0x7f: {  	v5 =	vmul.f32 $2.913643400e+07, v1;
	v6 =	vmul.f32 $1.228537660e+05, v1  }
0x80: {  	v7 =	vmul.f32 $6.363982400e+07, v1;
	v8 =	vmul.f32 $1.390021600e+08, v1  }
0x81: {  	v9 =	vmul.f32 $2.796138750e+06, v1;
	v2 =	vmul.f32 v2, v2  }
0x82: {  	v10 =	vmul.f32 $1.333963200e+07, v1;
	v5 =	vmul.f32 v5, v5  }
0x83: {  	v7 =	vmul.f32 v7, v7;
	v9 =	vmul.f32 v9, v9;
	v2 =	vadd.f32 $1.000000000e+00, v2  }
0x84: {  	v6 =	vmul.f32 v6, v6;
	v8 =	vmul.f32 v8, v8;
	v5 =	vadd.f32 $1.000000000e+00, v5  }
0x85: {  	v7 =	vadd.f32 $1.000000000e+00, v7;
	(erf) = vrcp.f32 v2;
	v2 =	vmul.f32 v10, v10  }
0x86: {  	v3 =	vmul.f32 v3, v3;
	v9 =	vadd.f32 $1.000000000e+00, v9;
	(erf) = vrcp.f32 v5  }
0x87: {  	s31 =	simm.s32 $0x10;
	v5 =	vmul.f32 $1.280165630e+06, v1;
	v10 =	vadd.f32 $1.000000000e+00, v2;
	(erf) = vrcp.f32 v7  }
0x88: {  	v6 =	vadd.f32 $1.000000000e+00, v6;
	v7 =	vmul.f32 $6.107328500e+06, v1;
	(erf) = vrcp.f32 v9;
	v9 =	vld [tilespmem:s31+$0x1200]  }
0x89: {  	v5 =	vmul.f32 v5, v5;
	(erf) = vrcp.f32 v10  }
0x8a: {  	v8 =	vadd.f32 $1.000000000e+00, v8;
	v7 =	vmul.f32 v7, v7;
	(erf) = vrcp.f32 v6  }
0x8b: {  	v6 =	vmul.f32 $2.683372810e+05, v1;
	v1 =	vmul.f32 $5.624655080e+04, v1  }
0x8c: {  	(erf) = vrcp.f32 v8;
	v8 =	vmul.f32 v4, v4  }
0x8d: {  	v6 =	vmul.f32 v6, v6;
	v16 =	vmul.f32 $2.575154690e+04, v9  }
0x8e: {  	v3 =	vadd.f32 $1.000000000e+00, v3;
	v10 =	vmul.f32 $3.036086080e+08, v9;
	v12 =	vmul.f32 $1.228537660e+05, v9  }
0x8f: {  	v7 =	vadd.f32 $1.000000000e+00, v7;
	v13 =	vmul.f32 $1.390021600e+08, v9;
	v15 =	vmul.f32 $5.861025000e+05, v9  }
0x90: {  	v2 =	vimm.f32 $0.0e+00;
	v18 =	vmul.f32 $1.280165630e+06, v9;
	v17 =	vmul.f32 $2.796138750e+06, v9  }
0x91: {  	v5 =	vadd.f32 $1.000000000e+00, v5;
	v4 =	vpop (erf);
	(erf) = vrcp.f32 v7;
	v7 =	vmul.f32 v1, v1  }
0x92: {  	v14 =	vadd.f32 $1.000000000e+00, v8;
	v19 =	vmul.f32 $6.363982400e+07, v9;
	v20 =	vmul.f32 $1.333963200e+07, v9  }
0x93: {  	v21 =	vmul.f32 $2.913643400e+07, v9;
	v6 =	vadd.f32 $1.000000000e+00, v6;
	v1 =	vpop (erf);
	(erf) = vrcp.f32 v3  }
0x94: {  	v4 =	vadd.f32 v4, v2;
	v15 =	vmul.f32 v15, v15;
	(erf) = vrcp.f32 v5;
	v3 =	vpop (erf)  }
0x95: {  	v22 =	vmul.f32 v17, v17;
	v20 =	vmul.f32 v20, v20;
	v11 =	vadd.f32 $1.000000000e+00, v7;
	v7 =	vpop (erf)  }
0x96: {  	v17 =	vmul.f32 v21, v21;
	v19 =	vmul.f32 v19, v19;
	v1 =	vadd.f32 v1, v2;
	v5 =	vpop (erf)  }
0x97: {  	v12 =	vmul.f32 v12, v12;
	v3 =	vadd.f32 v3, v2;
	v15 =	vadd.f32 $1.000000000e+00, v15;
	v8 =	vpop (erf)  }
0x98: {  	v7 =	vadd.f32 v7, v2;
	v5 =	vadd.f32 v5, v2;
	(erf) = vrcp.f32 v6;
	v21 =	vpop (erf)  }
0x99: {  	(erf) = vrcp.f32 v11;
	v6 =	vadd.f32 v21, v2;
	v21 =	vadd.f32 $1.000000000e+00, v17  }
0x9a: {  	v11 =	vmul.f32 v13, v13;
	v13 =	vadd.f32 $1.000000000e+00, v19;
	(erf) = vrcp.f32 v15  }
0x9b: {  	v8 =	vadd.f32 v8, v2;
	v15 =	vadd.f32 $1.000000000e+00, v22;
	v23 =	vpop (erf);
	(erf) = vrcp.f32 v21  }
0x9c: {  	v22 =	vadd.f32 $1.000000000e+00, v20;
	v19 =	vadd.f32 $1.000000000e+00, v11;
	v17 =	vpop (erf);
	(erf) = vrcp.f32 v13  }
0x9d: {  	v13 =	vmul.f32 v18, v18;
	v21 =	vpop (erf);
	(erf) = vrcp.f32 v14;
	v14 =	vadd.f32 $1.000000000e+00, v12  }
0x9e: {  	v20 =	vmul.f32 $2.683372810e+05, v9;
	v12 =	vadd.f32 v23, v2;
	v11 =	vadd.f32 v21, v2  }
0x9f: {  	v21 =	vmul.f32 $6.107328500e+06, v9;
	(erf) = vrcp.f32 v15;
	v18 =	vadd.f32 $1.000000000e+00, v13  }
0xa0: {  	v15 =	vimm.f32 $0.0e+00;
	v13 =	vimm.f32 $0.0e+00;
	(erf) = vrcp.f32 v22  }
0xa1: {  	s13 =	simm.s32 $0x80;
	v21 =	vmul.f32 v21, v21;
	(erf) = vrcp.f32 v14;
	v14 =	vimm.f32 $0.0e+00  }
.LBB2_6:
0xa2: {  	s14 =	sshra.s32 s13, $0x2;
	p0 =	sne.s32 s13, $0x47C0;
	s13 =	sadd.s32 $0x40, s13;
	v16 =	vmul.f32 v16, v16;
	(erf) = vrcp.f32 v19;
	v2 =	vadd.f32 v17, v2;
	v17 =	vpop (erf)  }
0xa3: {  	v19 =	vmul.f32 $5.624655080e+04, v9;
	v9 =	vld [tilespmem:s14+$0x1200];
	v21 =	vadd.f32 $1.000000000e+00, v21;
	v14 =	vadd.f32 v17, v14;
	v17 =	vpop (erf)  }
0xa4: {  	v22 =	vmul.f32 v10, v10;
	v16 =	vadd.f32 $1.000000000e+00, v16;
	v10 =	vpop (erf);
	v15 =	vadd.f32 v17, v15  }
0xa5: {  	v23 =	vmul.f32 v19, v19;
	v4 =	vadd.f32 v10, v4;
	(erf) = vrcp.f32 v21;
	v10 =	vpop (erf)  }
0xa6: {  	v19 =	vmul.f32 v20, v20;
	v1 =	vadd.f32 v10, v1;
	(erf) = vrcp.f32 v16;
	v10 =	vpop (erf)  }
0xa7: {  	v20 =	vadd.f32 $1.000000000e+00, v23;
	v3 =	vadd.f32 v10, v3;
	(erf) = vrcp.f32 v18;
	v17 =	vpop (erf)  }
0xa8: {  	v16 =	vmul.f32 $2.575154690e+04, v9;
	v10 =	vmul.f32 $3.036086080e+08, v9;
	v18 =	vpop (erf);
	v13 =	vadd.f32 v17, v13  }
0xa9: {  	v22 =	vadd.f32 $1.000000000e+00, v22;
	v21 =	vmul.f32 $1.228537660e+05, v9;
	v23 =	vmul.f32 $1.390021600e+08, v9;
	v17 =	vpop (erf)  }
0xaa: {  	v24 =	vmul.f32 $5.861025000e+05, v9;
	v25 =	vmul.f32 $1.280165630e+06, v9;
	v5 =	vadd.f32 v17, v5;
	v17 =	vpop (erf)  }
0xab: {  	v26 =	vmul.f32 $2.796138750e+06, v9;
	v27 =	vmul.f32 $6.363982400e+07, v9;
	v8 =	vadd.f32 v17, v8;
	v17 =	vpop (erf)  }
0xac: {  	v28 =	vmul.f32 $1.333963200e+07, v9;
	v30 =	vmul.f32 $2.913643400e+07, v9;
	v7 =	vadd.f32 v18, v7  }
0xad: {  	v19 =	vadd.f32 $1.000000000e+00, v19;
	v18 =	vmul.f32 v24, v24;
	v24 =	vmul.f32 v26, v26  }
0xae: {  	v26 =	vmul.f32 v28, v28;
	v28 =	vmul.f32 v30, v30;
	v6 =	vadd.f32 v17, v6;
	v29 =	vpop (erf)  }
0xaf: {  	v27 =	vmul.f32 v27, v27;
	v18 =	vadd.f32 $1.000000000e+00, v18;
	v17 =	vpop (erf);
	(erf) = vrcp.f32 v19  }
0xb0: {  	v28 =	vadd.f32 $1.000000000e+00, v28;
	v19 =	vmul.f32 v23, v23;
	(erf) = vrcp.f32 v20;
	v20 =	vpop (erf)  }
0xb1: {  	v21 =	vmul.f32 v21, v21;
	v23 =	vadd.f32 $1.000000000e+00, v27;
	(erf) = vrcp.f32 v18  }
0xb2: {  	v18 =	vadd.f32 $1.000000000e+00, v24;
	v19 =	vadd.f32 $1.000000000e+00, v19;
	(erf) = vrcp.f32 v28  }
.Ltmp2:
0xb3: {  	v24 =	vadd.f32 $1.000000000e+00, v26;
	v11 =	vadd.f32 v20, v11;
	(erf) = vrcp.f32 v23;
	(pc) =	sbr.rel @p0 .LBB2_6-.Ltmp2, $4  }
0xb4: {  	v23 =	vadd.f32 $1.000000000e+00, v21;
	v21 =	vmul.f32 v25, v25;
	(erf) = vrcp.f32 v22  }
0xb5: {  	v12 =	vadd.f32 v29, v12;
	v22 =	vmul.f32 $6.107328500e+06, v9;
	(erf) = vrcp.f32 v18  }
0xb6: {  	v20 =	vmul.f32 $2.683372810e+05, v9;
	v18 =	vadd.f32 $1.000000000e+00, v21;
	(erf) = vrcp.f32 v24  }
0xb7: {  	v21 =	vmul.f32 v22, v22;
	(erf) = vrcp.f32 v23  }
0xb8: {  	v16 =	vmul.f32 v16, v16  }
0xb9: {  	v9 =	vmul.f32 $5.624655080e+04, v9;
	v21 =	vadd.f32 $1.000000000e+00, v21  }
0xba: {  	(erf) = vrcp.f32 v19;
	v19 =	vpop (erf);
	v20 =	vmul.f32 v20, v20;
	v16 =	vadd.f32 $1.000000000e+00, v16  }
0xbb: {  	v22 =	vpop (erf);
	v9 =	vmul.f32 v9, v9;
	(erf) = vrcp.f32 v21  }
0xbc: {  	(erf) = vrcp.f32 v16;
	v16 =	vadd.f32 $1.000000000e+00, v20  }
0xbd: {  	v9 =	vadd.f32 $1.000000000e+00, v9;
	v21 =	vpop (erf)  }
0xbe: {  	v20 =	vpop (erf);
	(erf) = vrcp.f32 v18  }
0xbf: {  	v18 =	vpop (erf);
	(erf) = vrcp.f32 v16  }
0xc0: {  	v16 =	vpop (erf);
	(erf) = vrcp.f32 v9  }
0xc1: {  	v9 =	vpop (erf)  }
0xc2: {  	v23 =	vpop (erf)  }
0xc3: {  	v24 =	vpop (erf)  }
0xc4: {  	v25 =	vpop (erf)  }
0xc5: {  	v10 =	vmul.f32 v10, v10;
	v26 =	vpop (erf)  }
0xc6: {  	v2 =	vadd.f32 v17, v2;
	v27 =	vpop (erf)  }
0xc7: {  	v10 =	vadd.f32 $1.000000000e+00, v10;
	v4 =	vadd.f32 v21, v4;
	v17 =	vpop (erf)  }
0xc8: {  	v15 =	vadd.f32 v22, v15;
	v1 =	vadd.f32 v20, v1;
	v22 =	vpop (erf)  }
0xc9: {  	[tilespmem:$0x2510] =	vst v4;
	v5 =	vadd.f32 v23, v5;
	v63 =	vpop (erf);
	(erf) = vrcp.f32 v10  }
0xca: {  	[tilespmem:$0x2560] =	vst v1;
	v8 =	vadd.f32 v24, v8  }
0xcb: {  	v14 =	vadd.f32 v19, v14;
	[tilespmem:$0x2550] =	vst v5;
	v2 =	vadd.f32 v27, v2  }
0xcc: {  	[tilespmem:$0x24F0] =	vst v8;
	v4 =	vadd.f32 v26, v12  }
0xcd: {  	[tilespmem:$0x24D0] =	vst v2;
	v2 =	vadd.f32 v22, v14  }
0xce: {  	v8 =	vadd.f32 v17, v11;
	[tilespmem:$0x2540] =	vst v4  }
0xcf: {  	[tilespmem:$0x2500] =	vst v2;
	v2 =	vadd.f32 v9, v7  }
0xd0: {  	v4 =	vadd.f32 v25, v6;
	v15 =	vadd.f32 v63, v15;
	[tilespmem:$0x2520] =	vst v8  }
0xd1: {  	[tilespmem:$0x2530] =	vst v2;
	v2 =	vadd.f32 v18, v3;
	v3 =	vadd.f32 v16, v13  }
0xd2: {  	[tilespmem:$0x2580] =	vst v4;
	v5 =	vpop (erf)  }
0xd3: {  	[tilespmem:$0x24E0] =	vst v15;
	v1 =	vadd.f32 v5, v3  }
0xd4: {  	[tilespmem:$0x2570] =	vst v2  }
0xd5: {  	s13 =	simm.s32 $0x0;
	[tilespmem:$0x2590] =	vst v1  }
0xd6: {  	v1 =	vld [tilespmem:s13+$0x1200];
	_ =	sdelay $0x4  }
0xd7: {  	v3 =	vmul.f32 $6.631422080e+08, v1  }
0xd8: {  	v2 =	vmul.f32 $1.509304730e+10, v1;
	v4 =	vmul.f32 $7.818391850e+12, v1  }
0xd9: {  	v5 =	vmul.f32 $7.503082940e+11, v1;
	v6 =	vmul.f32 $3.163674370e+09, v1  }
0xda: {  	v7 =	vmul.f32 $1.638824020e+12, v1;
	v8 =	vmul.f32 $3.579520480e+12, v1  }
0xdb: {  	v9 =	vmul.f32 $7.200490290e+10, v1;
	v2 =	vmul.f32 v2, v2  }
0xdc: {  	v10 =	vmul.f32 $3.435161520e+11, v1;
	v5 =	vmul.f32 v5, v5  }
0xdd: {  	v7 =	vmul.f32 v7, v7;
	v9 =	vmul.f32 v9, v9;
	v2 =	vadd.f32 $1.000000000e+00, v2  }
0xde: {  	v6 =	vmul.f32 v6, v6;
	v8 =	vmul.f32 v8, v8;
	v5 =	vadd.f32 $1.000000000e+00, v5  }
0xdf: {  	v7 =	vadd.f32 $1.000000000e+00, v7;
	(erf) = vrcp.f32 v2;
	v2 =	vmul.f32 v10, v10  }
0xe0: {  	v3 =	vmul.f32 v3, v3;
	v9 =	vadd.f32 $1.000000000e+00, v9;
	(erf) = vrcp.f32 v5  }
0xe1: {  	s31 =	simm.s32 $0x10;
	v5 =	vmul.f32 $3.296624440e+10, v1;
	v10 =	vadd.f32 $1.000000000e+00, v2;
	(erf) = vrcp.f32 v7  }
0xe2: {  	v6 =	vadd.f32 $1.000000000e+00, v6;
	v7 =	vmul.f32 $1.572731620e+11, v1;
	(erf) = vrcp.f32 v9;
	v9 =	vld [tilespmem:s31+$0x1200]  }
0xe3: {  	v5 =	vmul.f32 v5, v5;
	(erf) = vrcp.f32 v10  }
0xe4: {  	v8 =	vadd.f32 $1.000000000e+00, v8;
	v7 =	vmul.f32 v7, v7;
	(erf) = vrcp.f32 v6  }
0xe5: {  	v6 =	vmul.f32 $6.910100480e+09, v1;
	v1 =	vmul.f32 $1.448435710e+09, v1  }
0xe6: {  	(erf) = vrcp.f32 v8;
	v8 =	vmul.f32 v4, v4  }
0xe7: {  	v6 =	vmul.f32 v6, v6;
	v16 =	vmul.f32 $6.631422080e+08, v9  }
0xe8: {  	v3 =	vadd.f32 $1.000000000e+00, v3;
	v10 =	vmul.f32 $7.818391850e+12, v9;
	v12 =	vmul.f32 $3.163674370e+09, v9  }
0xe9: {  	v7 =	vadd.f32 $1.000000000e+00, v7;
	v13 =	vmul.f32 $3.579520480e+12, v9;
	v15 =	vmul.f32 $1.509304730e+10, v9  }
0xea: {  	v2 =	vimm.f32 $0.0e+00;
	v18 =	vmul.f32 $3.296624440e+10, v9;
	v17 =	vmul.f32 $7.200490290e+10, v9  }
0xeb: {  	v5 =	vadd.f32 $1.000000000e+00, v5;
	v4 =	vpop (erf);
	(erf) = vrcp.f32 v7;
	v7 =	vmul.f32 v1, v1  }
0xec: {  	v14 =	vadd.f32 $1.000000000e+00, v8;
	v19 =	vmul.f32 $1.638824020e+12, v9;
	v20 =	vmul.f32 $3.435161520e+11, v9  }
0xed: {  	v21 =	vmul.f32 $7.503082940e+11, v9;
	v6 =	vadd.f32 $1.000000000e+00, v6;
	v1 =	vpop (erf);
	(erf) = vrcp.f32 v3  }
0xee: {  	v4 =	vadd.f32 v4, v2;
	v15 =	vmul.f32 v15, v15;
	(erf) = vrcp.f32 v5;
	v3 =	vpop (erf)  }
0xef: {  	v22 =	vmul.f32 v17, v17;
	v20 =	vmul.f32 v20, v20;
	v11 =	vadd.f32 $1.000000000e+00, v7;
	v7 =	vpop (erf)  }
0xf0: {  	v17 =	vmul.f32 v21, v21;
	v19 =	vmul.f32 v19, v19;
	v1 =	vadd.f32 v1, v2;
	v5 =	vpop (erf)  }
0xf1: {  	v12 =	vmul.f32 v12, v12;
	v3 =	vadd.f32 v3, v2;
	v15 =	vadd.f32 $1.000000000e+00, v15;
	v8 =	vpop (erf)  }
0xf2: {  	v7 =	vadd.f32 v7, v2;
	v5 =	vadd.f32 v5, v2;
	(erf) = vrcp.f32 v6;
	v21 =	vpop (erf)  }
0xf3: {  	(erf) = vrcp.f32 v11;
	v6 =	vadd.f32 v21, v2;
	v21 =	vadd.f32 $1.000000000e+00, v17  }
0xf4: {  	v11 =	vmul.f32 v13, v13;
	v13 =	vadd.f32 $1.000000000e+00, v19;
	(erf) = vrcp.f32 v15  }
0xf5: {  	v8 =	vadd.f32 v8, v2;
	v15 =	vadd.f32 $1.000000000e+00, v22;
	v23 =	vpop (erf);
	(erf) = vrcp.f32 v21  }
0xf6: {  	v22 =	vadd.f32 $1.000000000e+00, v20;
	v19 =	vadd.f32 $1.000000000e+00, v11;
	v17 =	vpop (erf);
	(erf) = vrcp.f32 v13  }
0xf7: {  	v13 =	vmul.f32 v18, v18;
	v21 =	vpop (erf);
	(erf) = vrcp.f32 v14;
	v14 =	vadd.f32 $1.000000000e+00, v12  }
0xf8: {  	v20 =	vmul.f32 $6.910100480e+09, v9;
	v12 =	vadd.f32 v23, v2;
	v11 =	vadd.f32 v21, v2  }
0xf9: {  	v21 =	vmul.f32 $1.572731620e+11, v9;
	(erf) = vrcp.f32 v15;
	v18 =	vadd.f32 $1.000000000e+00, v13  }
0xfa: {  	v15 =	vimm.f32 $0.0e+00;
	v13 =	vimm.f32 $0.0e+00;
	(erf) = vrcp.f32 v22  }
0xfb: {  	s13 =	simm.s32 $0x80;
	v21 =	vmul.f32 v21, v21;
	(erf) = vrcp.f32 v14;
	v14 =	vimm.f32 $0.0e+00  }
.LBB2_8:
0xfc: {  	s14 =	sshra.s32 s13, $0x2;
	p0 =	sne.s32 s13, $0x47C0;
	s13 =	sadd.s32 $0x40, s13;
	v16 =	vmul.f32 v16, v16;
	(erf) = vrcp.f32 v19;
	v2 =	vadd.f32 v17, v2;
	v17 =	vpop (erf)  }
0xfd: {  	v19 =	vmul.f32 $1.448435710e+09, v9;
	v9 =	vld [tilespmem:s14+$0x1200];
	v21 =	vadd.f32 $1.000000000e+00, v21;
	v14 =	vadd.f32 v17, v14;
	v17 =	vpop (erf)  }
0xfe: {  	v22 =	vmul.f32 v10, v10;
	v16 =	vadd.f32 $1.000000000e+00, v16;
	v10 =	vpop (erf);
	v15 =	vadd.f32 v17, v15  }
0xff: {  	v23 =	vmul.f32 v19, v19;
	v4 =	vadd.f32 v10, v4;
	(erf) = vrcp.f32 v21;
	v10 =	vpop (erf)  }
0x100: {  	v19 =	vmul.f32 v20, v20;
	v1 =	vadd.f32 v10, v1;
	(erf) = vrcp.f32 v16;
	v10 =	vpop (erf)  }
0x101: {  	v20 =	vadd.f32 $1.000000000e+00, v23;
	v3 =	vadd.f32 v10, v3;
	(erf) = vrcp.f32 v18;
	v17 =	vpop (erf)  }
0x102: {  	v16 =	vmul.f32 $6.631422080e+08, v9;
	v10 =	vmul.f32 $7.818391850e+12, v9;
	v18 =	vpop (erf);
	v13 =	vadd.f32 v17, v13  }
0x103: {  	v22 =	vadd.f32 $1.000000000e+00, v22;
	v21 =	vmul.f32 $3.163674370e+09, v9;
	v23 =	vmul.f32 $3.579520480e+12, v9;
	v17 =	vpop (erf)  }
0x104: {  	v24 =	vmul.f32 $1.509304730e+10, v9;
	v25 =	vmul.f32 $3.296624440e+10, v9;
	v5 =	vadd.f32 v17, v5;
	v17 =	vpop (erf)  }
0x105: {  	v26 =	vmul.f32 $7.200490290e+10, v9;
	v27 =	vmul.f32 $1.638824020e+12, v9;
	v8 =	vadd.f32 v17, v8;
	v17 =	vpop (erf)  }
0x106: {  	v28 =	vmul.f32 $3.435161520e+11, v9;
	v30 =	vmul.f32 $7.503082940e+11, v9;
	v7 =	vadd.f32 v18, v7  }
0x107: {  	v19 =	vadd.f32 $1.000000000e+00, v19;
	v18 =	vmul.f32 v24, v24;
	v24 =	vmul.f32 v26, v26  }
0x108: {  	v26 =	vmul.f32 v28, v28;
	v28 =	vmul.f32 v30, v30;
	v6 =	vadd.f32 v17, v6;
	v29 =	vpop (erf)  }
0x109: {  	v27 =	vmul.f32 v27, v27;
	v18 =	vadd.f32 $1.000000000e+00, v18;
	v17 =	vpop (erf);
	(erf) = vrcp.f32 v19  }
0x10a: {  	v28 =	vadd.f32 $1.000000000e+00, v28;
	v19 =	vmul.f32 v23, v23;
	(erf) = vrcp.f32 v20;
	v20 =	vpop (erf)  }
0x10b: {  	v21 =	vmul.f32 v21, v21;
	v23 =	vadd.f32 $1.000000000e+00, v27;
	(erf) = vrcp.f32 v18  }
0x10c: {  	v18 =	vadd.f32 $1.000000000e+00, v24;
	v19 =	vadd.f32 $1.000000000e+00, v19;
	(erf) = vrcp.f32 v28  }
.Ltmp3:
0x10d: {  	v24 =	vadd.f32 $1.000000000e+00, v26;
	v11 =	vadd.f32 v20, v11;
	(erf) = vrcp.f32 v23;
	(pc) =	sbr.rel @p0 .LBB2_8-.Ltmp3, $4  }
0x10e: {  	v23 =	vadd.f32 $1.000000000e+00, v21;
	v21 =	vmul.f32 v25, v25;
	(erf) = vrcp.f32 v22  }
0x10f: {  	v12 =	vadd.f32 v29, v12;
	v22 =	vmul.f32 $1.572731620e+11, v9;
	(erf) = vrcp.f32 v18  }
0x110: {  	v20 =	vmul.f32 $6.910100480e+09, v9;
	v18 =	vadd.f32 $1.000000000e+00, v21;
	(erf) = vrcp.f32 v24  }
0x111: {  	v21 =	vmul.f32 v22, v22;
	(erf) = vrcp.f32 v23  }
0x112: {  	v16 =	vmul.f32 v16, v16  }
0x113: {  	v9 =	vmul.f32 $1.448435710e+09, v9;
	v21 =	vadd.f32 $1.000000000e+00, v21  }
0x114: {  	(erf) = vrcp.f32 v19;
	v19 =	vpop (erf);
	v20 =	vmul.f32 v20, v20;
	v16 =	vadd.f32 $1.000000000e+00, v16  }
0x115: {  	v22 =	vpop (erf);
	v9 =	vmul.f32 v9, v9;
	(erf) = vrcp.f32 v21  }
0x116: {  	(erf) = vrcp.f32 v16;
	v16 =	vadd.f32 $1.000000000e+00, v20  }
0x117: {  	v9 =	vadd.f32 $1.000000000e+00, v9;
	v21 =	vpop (erf)  }
0x118: {  	v20 =	vpop (erf);
	(erf) = vrcp.f32 v18  }
0x119: {  	v18 =	vpop (erf);
	(erf) = vrcp.f32 v16  }
0x11a: {  	v16 =	vpop (erf);
	(erf) = vrcp.f32 v9  }
0x11b: {  	v9 =	vpop (erf)  }
0x11c: {  	v23 =	vpop (erf)  }
0x11d: {  	v24 =	vpop (erf)  }
0x11e: {  	v25 =	vpop (erf)  }
0x11f: {  	v10 =	vmul.f32 v10, v10;
	v26 =	vpop (erf)  }
0x120: {  	v2 =	vadd.f32 v17, v2;
	v27 =	vpop (erf)  }
0x121: {  	v10 =	vadd.f32 $1.000000000e+00, v10;
	v4 =	vadd.f32 v21, v4;
	v17 =	vpop (erf)  }
0x122: {  	v15 =	vadd.f32 v22, v15;
	v1 =	vadd.f32 v20, v1;
	v22 =	vpop (erf)  }
0x123: {  	[tilespmem:$0x25E0] =	vst v4;
	v5 =	vadd.f32 v23, v5;
	v63 =	vpop (erf);
	(erf) = vrcp.f32 v10  }
0x124: {  	[tilespmem:$0x2630] =	vst v1;
	v8 =	vadd.f32 v24, v8  }
0x125: {  	v14 =	vadd.f32 v19, v14;
	[tilespmem:$0x2620] =	vst v5;
	v2 =	vadd.f32 v27, v2  }
0x126: {  	[tilespmem:$0x25C0] =	vst v8;
	v4 =	vadd.f32 v26, v12  }
0x127: {  	[tilespmem:$0x25A0] =	vst v2;
	v2 =	vadd.f32 v22, v14  }
0x128: {  	v8 =	vadd.f32 v17, v11;
	[tilespmem:$0x2610] =	vst v4  }
0x129: {  	[tilespmem:$0x25D0] =	vst v2;
	v2 =	vadd.f32 v9, v7  }
0x12a: {  	v4 =	vadd.f32 v25, v6;
	v15 =	vadd.f32 v63, v15;
	[tilespmem:$0x25F0] =	vst v8  }
0x12b: {  	[tilespmem:$0x2600] =	vst v2;
	v2 =	vadd.f32 v18, v3;
	v3 =	vadd.f32 v16, v13  }
0x12c: {  	[tilespmem:$0x2650] =	vst v4;
	v5 =	vpop (erf)  }
0x12d: {  	[tilespmem:$0x25B0] =	vst v15;
	v1 =	vadd.f32 v5, v3  }
0x12e: {  	[tilespmem:$0x2640] =	vst v2  }
0x12f: {  	s13 =	simm.s32 $0x0;
	[tilespmem:$0x2660] =	vst v1  }
0x130: {  	v1 =	vld [tilespmem:s13+$0x1200];
	_ =	sdelay $0x4  }
0x131: {  	v3 =	vmul.f32 $1.707693780e+13, v1  }
0x132: {  	v2 =	vmul.f32 $3.886693070e+14, v1;
	v4 =	vmul.f32 $2.013356800e+17, v1  }
0x133: {  	v5 =	vmul.f32 $1.932159970e+16, v1;
	v6 =	vmul.f32 $8.146951490e+13, v1  }
0x134: {  	v7 =	vmul.f32 $4.220225420e+16, v1;
	v8 =	vmul.f32 $9.217819290e+16, v1  }
0x135: {  	v9 =	vmul.f32 $1.854237640e+15, v1;
	v2 =	vmul.f32 v2, v2  }
0x136: {  	v10 =	vmul.f32 $8.846073020e+15, v1;
	v5 =	vmul.f32 v5, v5  }
0x137: {  	v7 =	vmul.f32 v7, v7;
	v9 =	vmul.f32 v9, v9;
	v2 =	vadd.f32 $1.000000000e+00, v2  }
0x138: {  	v6 =	vmul.f32 v6, v6;
	v8 =	vmul.f32 v8, v8;
	v5 =	vadd.f32 $1.000000000e+00, v5  }
0x139: {  	v7 =	vadd.f32 $1.000000000e+00, v7;
	(erf) = vrcp.f32 v2;
	v2 =	vmul.f32 v10, v10  }
0x13a: {  	v3 =	vmul.f32 v3, v3;
	v9 =	vadd.f32 $1.000000000e+00, v9;
	(erf) = vrcp.f32 v5  }
0x13b: {  	s31 =	simm.s32 $0x10;
	v5 =	vmul.f32 $8.489318270e+14, v1;
	v10 =	vadd.f32 $1.000000000e+00, v2;
	(erf) = vrcp.f32 v7  }
0x13c: {  	v6 =	vadd.f32 $1.000000000e+00, v6;
	v7 =	vmul.f32 $4.050027190e+15, v1;
	(erf) = vrcp.f32 v9;
	v9 =	vld [tilespmem:s31+$0x1200]  }
0x13d: {  	v5 =	vmul.f32 v5, v5;
	(erf) = vrcp.f32 v10  }
0x13e: {  	v8 =	vadd.f32 $1.000000000e+00, v8;
	v7 =	vmul.f32 v7, v7;
	(erf) = vrcp.f32 v6  }
0x13f: {  	v6 =	vmul.f32 $1.779457800e+14, v1;
	v1 =	vmul.f32 $3.729946310e+13, v1  }
0x140: {  	(erf) = vrcp.f32 v8;
	v8 =	vmul.f32 v4, v4  }
0x141: {  	v6 =	vmul.f32 v6, v6;
	v16 =	vmul.f32 $1.707693780e+13, v9  }
0x142: {  	v3 =	vadd.f32 $1.000000000e+00, v3;
	v10 =	vmul.f32 $2.013356800e+17, v9;
	v12 =	vmul.f32 $8.146951490e+13, v9  }
0x143: {  	v7 =	vadd.f32 $1.000000000e+00, v7;
	v13 =	vmul.f32 $9.217819290e+16, v9;
	v15 =	vmul.f32 $3.886693070e+14, v9  }
0x144: {  	v2 =	vimm.f32 $0.0e+00;
	v18 =	vmul.f32 $8.489318270e+14, v9;
	v17 =	vmul.f32 $1.854237640e+15, v9  }
0x145: {  	v5 =	vadd.f32 $1.000000000e+00, v5;
	v4 =	vpop (erf);
	(erf) = vrcp.f32 v7;
	v7 =	vmul.f32 v1, v1  }
0x146: {  	v14 =	vadd.f32 $1.000000000e+00, v8;
	v19 =	vmul.f32 $4.220225420e+16, v9;
	v20 =	vmul.f32 $8.846073020e+15, v9  }
0x147: {  	v21 =	vmul.f32 $1.932159970e+16, v9;
	v6 =	vadd.f32 $1.000000000e+00, v6;
	v1 =	vpop (erf);
	(erf) = vrcp.f32 v3  }
0x148: {  	v4 =	vadd.f32 v4, v2;
	v15 =	vmul.f32 v15, v15;
	(erf) = vrcp.f32 v5;
	v3 =	vpop (erf)  }
0x149: {  	v22 =	vmul.f32 v17, v17;
	v20 =	vmul.f32 v20, v20;
	v11 =	vadd.f32 $1.000000000e+00, v7;
	v7 =	vpop (erf)  }
0x14a: {  	v17 =	vmul.f32 v21, v21;
	v19 =	vmul.f32 v19, v19;
	v1 =	vadd.f32 v1, v2;
	v5 =	vpop (erf)  }
0x14b: {  	v12 =	vmul.f32 v12, v12;
	v3 =	vadd.f32 v3, v2;
	v15 =	vadd.f32 $1.000000000e+00, v15;
	v8 =	vpop (erf)  }
0x14c: {  	v7 =	vadd.f32 v7, v2;
	v5 =	vadd.f32 v5, v2;
	(erf) = vrcp.f32 v6;
	v21 =	vpop (erf)  }
0x14d: {  	(erf) = vrcp.f32 v11;
	v6 =	vadd.f32 v21, v2;
	v21 =	vadd.f32 $1.000000000e+00, v17  }
0x14e: {  	v11 =	vmul.f32 v13, v13;
	v13 =	vadd.f32 $1.000000000e+00, v19;
	(erf) = vrcp.f32 v15  }
0x14f: {  	v8 =	vadd.f32 v8, v2;
	v15 =	vadd.f32 $1.000000000e+00, v22;
	v23 =	vpop (erf);
	(erf) = vrcp.f32 v21  }
0x150: {  	v22 =	vadd.f32 $1.000000000e+00, v20;
	v19 =	vadd.f32 $1.000000000e+00, v11;
	v17 =	vpop (erf);
	(erf) = vrcp.f32 v13  }
0x151: {  	v13 =	vmul.f32 v18, v18;
	v21 =	vpop (erf);
	(erf) = vrcp.f32 v14;
	v14 =	vadd.f32 $1.000000000e+00, v12  }
0x152: {  	v20 =	vmul.f32 $1.779457800e+14, v9;
	v12 =	vadd.f32 v23, v2;
	v11 =	vadd.f32 v21, v2  }
0x153: {  	v21 =	vmul.f32 $4.050027190e+15, v9;
	(erf) = vrcp.f32 v15;
	v18 =	vadd.f32 $1.000000000e+00, v13  }
0x154: {  	v15 =	vimm.f32 $0.0e+00;
	v13 =	vimm.f32 $0.0e+00;
	(erf) = vrcp.f32 v22  }
0x155: {  	s13 =	simm.s32 $0x80;
	v21 =	vmul.f32 v21, v21;
	(erf) = vrcp.f32 v14;
	v14 =	vimm.f32 $0.0e+00  }
.LBB2_10:
0x156: {  	s14 =	sshra.s32 s13, $0x2;
	p0 =	sne.s32 s13, $0x47C0;
	s13 =	sadd.s32 $0x40, s13;
	v16 =	vmul.f32 v16, v16;
	(erf) = vrcp.f32 v19;
	v2 =	vadd.f32 v17, v2;
	v17 =	vpop (erf)  }
0x157: {  	v19 =	vmul.f32 $3.729946310e+13, v9;
	v9 =	vld [tilespmem:s14+$0x1200];
	v21 =	vadd.f32 $1.000000000e+00, v21;
	v14 =	vadd.f32 v17, v14;
	v17 =	vpop (erf)  }
0x158: {  	v22 =	vmul.f32 v10, v10;
	v16 =	vadd.f32 $1.000000000e+00, v16;
	v10 =	vpop (erf);
	v15 =	vadd.f32 v17, v15  }
0x159: {  	v23 =	vmul.f32 v19, v19;
	v4 =	vadd.f32 v10, v4;
	(erf) = vrcp.f32 v21;
	v10 =	vpop (erf)  }
0x15a: {  	v19 =	vmul.f32 v20, v20;
	v1 =	vadd.f32 v10, v1;
	(erf) = vrcp.f32 v16;
	v10 =	vpop (erf)  }
0x15b: {  	v20 =	vadd.f32 $1.000000000e+00, v23;
	v3 =	vadd.f32 v10, v3;
	(erf) = vrcp.f32 v18;
	v17 =	vpop (erf)  }
0x15c: {  	v16 =	vmul.f32 $1.707693780e+13, v9;
	v10 =	vmul.f32 $2.013356800e+17, v9;
	v18 =	vpop (erf);
	v13 =	vadd.f32 v17, v13  }
0x15d: {  	v22 =	vadd.f32 $1.000000000e+00, v22;
	v21 =	vmul.f32 $8.146951490e+13, v9;
	v23 =	vmul.f32 $9.217819290e+16, v9;
	v17 =	vpop (erf)  }
0x15e: {  	v24 =	vmul.f32 $3.886693070e+14, v9;
	v25 =	vmul.f32 $8.489318270e+14, v9;
	v5 =	vadd.f32 v17, v5;
	v17 =	vpop (erf)  }
0x15f: {  	v26 =	vmul.f32 $1.854237640e+15, v9;
	v27 =	vmul.f32 $4.220225420e+16, v9;
	v8 =	vadd.f32 v17, v8;
	v17 =	vpop (erf)  }
0x160: {  	v28 =	vmul.f32 $8.846073020e+15, v9;
	v30 =	vmul.f32 $1.932159970e+16, v9;
	v7 =	vadd.f32 v18, v7  }
0x161: {  	v19 =	vadd.f32 $1.000000000e+00, v19;
	v18 =	vmul.f32 v24, v24;
	v24 =	vmul.f32 v26, v26  }
0x162: {  	v26 =	vmul.f32 v28, v28;
	v28 =	vmul.f32 v30, v30;
	v6 =	vadd.f32 v17, v6;
	v29 =	vpop (erf)  }
0x163: {  	v27 =	vmul.f32 v27, v27;
	v18 =	vadd.f32 $1.000000000e+00, v18;
	v17 =	vpop (erf);
	(erf) = vrcp.f32 v19  }
0x164: {  	v28 =	vadd.f32 $1.000000000e+00, v28;
	v19 =	vmul.f32 v23, v23;
	(erf) = vrcp.f32 v20;
	v20 =	vpop (erf)  }
0x165: {  	v21 =	vmul.f32 v21, v21;
	v23 =	vadd.f32 $1.000000000e+00, v27;
	(erf) = vrcp.f32 v18  }
0x166: {  	v18 =	vadd.f32 $1.000000000e+00, v24;
	v19 =	vadd.f32 $1.000000000e+00, v19;
	(erf) = vrcp.f32 v28  }
.Ltmp4:
0x167: {  	v24 =	vadd.f32 $1.000000000e+00, v26;
	v11 =	vadd.f32 v20, v11;
	(erf) = vrcp.f32 v23;
	(pc) =	sbr.rel @p0 .LBB2_10-.Ltmp4, $4  }
0x168: {  	v23 =	vadd.f32 $1.000000000e+00, v21;
	v21 =	vmul.f32 v25, v25;
	(erf) = vrcp.f32 v22  }
0x169: {  	v12 =	vadd.f32 v29, v12;
	v22 =	vmul.f32 $4.050027190e+15, v9;
	(erf) = vrcp.f32 v18  }
0x16a: {  	v20 =	vmul.f32 $1.779457800e+14, v9;
	v18 =	vadd.f32 $1.000000000e+00, v21;
	(erf) = vrcp.f32 v24  }
0x16b: {  	v21 =	vmul.f32 v22, v22;
	(erf) = vrcp.f32 v23  }
0x16c: {  	v16 =	vmul.f32 v16, v16  }
0x16d: {  	v9 =	vmul.f32 $3.729946310e+13, v9;
	v21 =	vadd.f32 $1.000000000e+00, v21  }
0x16e: {  	(erf) = vrcp.f32 v19;
	v19 =	vpop (erf);
	v20 =	vmul.f32 v20, v20;
	v16 =	vadd.f32 $1.000000000e+00, v16  }
0x16f: {  	v22 =	vpop (erf);
	v9 =	vmul.f32 v9, v9;
	(erf) = vrcp.f32 v21  }
0x170: {  	(erf) = vrcp.f32 v16;
	v16 =	vadd.f32 $1.000000000e+00, v20  }
0x171: {  	v9 =	vadd.f32 $1.000000000e+00, v9;
	v21 =	vpop (erf)  }
0x172: {  	v20 =	vpop (erf);
	(erf) = vrcp.f32 v18  }
0x173: {  	v18 =	vpop (erf);
	(erf) = vrcp.f32 v16  }
0x174: {  	v16 =	vpop (erf);
	(erf) = vrcp.f32 v9  }
0x175: {  	v9 =	vpop (erf)  }
0x176: {  	v23 =	vpop (erf)  }
0x177: {  	v24 =	vpop (erf)  }
0x178: {  	v25 =	vpop (erf)  }
0x179: {  	v10 =	vmul.f32 v10, v10;
	v26 =	vpop (erf)  }
0x17a: {  	v2 =	vadd.f32 v17, v2;
	v27 =	vpop (erf)  }
0x17b: {  	v10 =	vadd.f32 $1.000000000e+00, v10;
	v4 =	vadd.f32 v21, v4;
	v17 =	vpop (erf)  }
0x17c: {  	v15 =	vadd.f32 v22, v15;
	v1 =	vadd.f32 v20, v1;
	v22 =	vpop (erf)  }
0x17d: {  	[tilespmem:$0x26B0] =	vst v4;
	v5 =	vadd.f32 v23, v5;
	v63 =	vpop (erf);
	(erf) = vrcp.f32 v10  }
0x17e: {  	[tilespmem:$0x2700] =	vst v1;
	v8 =	vadd.f32 v24, v8  }
0x17f: {  	v14 =	vadd.f32 v19, v14;
	[tilespmem:$0x26F0] =	vst v5;
	v2 =	vadd.f32 v27, v2  }
0x180: {  	[tilespmem:$0x2690] =	vst v8;
	v4 =	vadd.f32 v26, v12  }
0x181: {  	[tilespmem:$0x2670] =	vst v2;
	v2 =	vadd.f32 v22, v14  }
0x182: {  	v8 =	vadd.f32 v17, v11;
	[tilespmem:$0x26E0] =	vst v4  }
0x183: {  	[tilespmem:$0x26A0] =	vst v2;
	v2 =	vadd.f32 v9, v7  }
0x184: {  	v4 =	vadd.f32 v25, v6;
	v15 =	vadd.f32 v63, v15;
	[tilespmem:$0x26C0] =	vst v8  }
0x185: {  	[tilespmem:$0x26D0] =	vst v2;
	v2 =	vadd.f32 v18, v3;
	v3 =	vadd.f32 v16, v13  }
0x186: {  	[tilespmem:$0x2720] =	vst v4;
	v5 =	vpop (erf)  }
0x187: {  	[tilespmem:$0x2680] =	vst v15;
	v1 =	vadd.f32 v5, v3  }
0x188: {  	[tilespmem:$0x2710] =	vst v2  }
0x189: {  	s13 =	simm.s32 $0x0;
	[tilespmem:$0x2730] =	vst v1  }
0x18a: {  	v1 =	vld [tilespmem:s13+$0x1200];
	_ =	sdelay $0x4  }
0x18b: {  	v3 =	vmul.f32 $4.397575780e+17, v1  }
0x18c: {  	v2 =	vmul.f32 $1.000883680e+19, v1;
	v4 =	vmul.f32 $5.184705460e+21, v1  }
0x18d: {  	v5 =	vmul.f32 $4.975610650e+20, v1;
	v6 =	vmul.f32 $2.097966040e+18, v1  }
0x18e: {  	v7 =	vmul.f32 $1.086773340e+21, v1;
	v8 =	vmul.f32 $2.373731110e+21, v1  }
0x18f: {  	v9 =	vmul.f32 $4.774948540e+19, v1;
	v2 =	vmul.f32 v2, v2  }
0x190: {  	v10 =	vmul.f32 $2.278000560e+20, v1;
	v5 =	vmul.f32 v5, v5  }
0x191: {  	v7 =	vmul.f32 v7, v7;
	v9 =	vmul.f32 v9, v9;
	v2 =	vadd.f32 $1.000000000e+00, v2  }
0x192: {  	v6 =	vmul.f32 v6, v6;
	v8 =	vmul.f32 v8, v8;
	v5 =	vadd.f32 $1.000000000e+00, v5  }
0x193: {  	v7 =	vadd.f32 $1.000000000e+00, v7;
	(erf) = vrcp.f32 v2;
	v2 =	vmul.f32 v10, v10  }
0x194: {  	v3 =	vmul.f32 v3, v3;
	v9 =	vadd.f32 $1.000000000e+00, v9;
	(erf) = vrcp.f32 v5  }
0x195: {  	s31 =	simm.s32 $0x10;
	v5 =	vmul.f32 $2.186130820e+19, v1;
	v10 =	vadd.f32 $1.000000000e+00, v2;
	(erf) = vrcp.f32 v7  }
0x196: {  	v6 =	vadd.f32 $1.000000000e+00, v6;
	v7 =	vmul.f32 $1.042944660e+20, v1;
	(erf) = vrcp.f32 v9;
	v9 =	vld [tilespmem:s31+$0x1200]  }
0x197: {  	v5 =	vmul.f32 v5, v5;
	(erf) = vrcp.f32 v10  }
0x198: {  	v8 =	vadd.f32 $1.000000000e+00, v8;
	v7 =	vmul.f32 v7, v7;
	(erf) = vrcp.f32 v6  }
0x199: {  	v6 =	vmul.f32 $4.582379090e+18, v1;
	v1 =	vmul.f32 $9.605188580e+17, v1  }
0x19a: {  	(erf) = vrcp.f32 v8;
	v8 =	vmul.f32 v4, v4  }
0x19b: {  	v6 =	vmul.f32 v6, v6;
	v16 =	vmul.f32 $4.397575780e+17, v9  }
0x19c: {  	v3 =	vadd.f32 $1.000000000e+00, v3;
	v10 =	vmul.f32 $5.184705460e+21, v9;
	v12 =	vmul.f32 $2.097966040e+18, v9  }
0x19d: {  	v7 =	vadd.f32 $1.000000000e+00, v7;
	v13 =	vmul.f32 $2.373731110e+21, v9;
	v15 =	vmul.f32 $1.000883680e+19, v9  }
0x19e: {  	v2 =	vimm.f32 $0.0e+00;
	v18 =	vmul.f32 $2.186130820e+19, v9;
	v17 =	vmul.f32 $4.774948540e+19, v9  }
0x19f: {  	v5 =	vadd.f32 $1.000000000e+00, v5;
	v4 =	vpop (erf);
	(erf) = vrcp.f32 v7;
	v7 =	vmul.f32 v1, v1  }
0x1a0: {  	v14 =	vadd.f32 $1.000000000e+00, v8;
	v19 =	vmul.f32 $1.086773340e+21, v9;
	v20 =	vmul.f32 $2.278000560e+20, v9  }
0x1a1: {  	v21 =	vmul.f32 $4.975610650e+20, v9;
	v6 =	vadd.f32 $1.000000000e+00, v6;
	v1 =	vpop (erf);
	(erf) = vrcp.f32 v3  }
0x1a2: {  	v4 =	vadd.f32 v4, v2;
	v15 =	vmul.f32 v15, v15;
	(erf) = vrcp.f32 v5;
	v3 =	vpop (erf)  }
0x1a3: {  	v22 =	vmul.f32 v17, v17;
	v20 =	vmul.f32 v20, v20;
	v11 =	vadd.f32 $1.000000000e+00, v7;
	v7 =	vpop (erf)  }
0x1a4: {  	v17 =	vmul.f32 v21, v21;
	v19 =	vmul.f32 v19, v19;
	v1 =	vadd.f32 v1, v2;
	v5 =	vpop (erf)  }
0x1a5: {  	v12 =	vmul.f32 v12, v12;
	v3 =	vadd.f32 v3, v2;
	v15 =	vadd.f32 $1.000000000e+00, v15;
	v8 =	vpop (erf)  }
0x1a6: {  	v7 =	vadd.f32 v7, v2;
	v5 =	vadd.f32 v5, v2;
	(erf) = vrcp.f32 v6;
	v21 =	vpop (erf)  }
0x1a7: {  	(erf) = vrcp.f32 v11;
	v6 =	vadd.f32 v21, v2;
	v21 =	vadd.f32 $1.000000000e+00, v17  }
0x1a8: {  	v11 =	vmul.f32 v13, v13;
	v13 =	vadd.f32 $1.000000000e+00, v19;
	(erf) = vrcp.f32 v15  }
0x1a9: {  	v8 =	vadd.f32 v8, v2;
	v15 =	vadd.f32 $1.000000000e+00, v22;
	v23 =	vpop (erf);
	(erf) = vrcp.f32 v21  }
0x1aa: {  	v22 =	vadd.f32 $1.000000000e+00, v20;
	v19 =	vadd.f32 $1.000000000e+00, v11;
	v17 =	vpop (erf);
	(erf) = vrcp.f32 v13  }
0x1ab: {  	v13 =	vmul.f32 v18, v18;
	v21 =	vpop (erf);
	(erf) = vrcp.f32 v14;
	v14 =	vadd.f32 $1.000000000e+00, v12  }
0x1ac: {  	v20 =	vmul.f32 $4.582379090e+18, v9;
	v12 =	vadd.f32 v23, v2;
	v11 =	vadd.f32 v21, v2  }
0x1ad: {  	v21 =	vmul.f32 $1.042944660e+20, v9;
	(erf) = vrcp.f32 v15;
	v18 =	vadd.f32 $1.000000000e+00, v13  }
0x1ae: {  	v15 =	vimm.f32 $0.0e+00;
	v13 =	vimm.f32 $0.0e+00;
	(erf) = vrcp.f32 v22  }
0x1af: {  	s13 =	simm.s32 $0x80;
	v21 =	vmul.f32 v21, v21;
	(erf) = vrcp.f32 v14;
	v14 =	vimm.f32 $0.0e+00  }
.LBB2_12:
0x1b0: {  	s14 =	sshra.s32 s13, $0x2;
	p0 =	sne.s32 s13, $0x47C0;
	s13 =	sadd.s32 $0x40, s13;
	v16 =	vmul.f32 v16, v16;
	(erf) = vrcp.f32 v19;
	v2 =	vadd.f32 v17, v2;
	v17 =	vpop (erf)  }
0x1b1: {  	v19 =	vmul.f32 $9.605188580e+17, v9;
	v9 =	vld [tilespmem:s14+$0x1200];
	v21 =	vadd.f32 $1.000000000e+00, v21;
	v14 =	vadd.f32 v17, v14;
	v17 =	vpop (erf)  }
0x1b2: {  	v22 =	vmul.f32 v10, v10;
	v16 =	vadd.f32 $1.000000000e+00, v16;
	v10 =	vpop (erf);
	v15 =	vadd.f32 v17, v15  }
0x1b3: {  	v23 =	vmul.f32 v19, v19;
	v4 =	vadd.f32 v10, v4;
	(erf) = vrcp.f32 v21;
	v10 =	vpop (erf)  }
0x1b4: {  	v19 =	vmul.f32 v20, v20;
	v1 =	vadd.f32 v10, v1;
	(erf) = vrcp.f32 v16;
	v10 =	vpop (erf)  }
0x1b5: {  	v20 =	vadd.f32 $1.000000000e+00, v23;
	v3 =	vadd.f32 v10, v3;
	(erf) = vrcp.f32 v18;
	v17 =	vpop (erf)  }
0x1b6: {  	v16 =	vmul.f32 $4.397575780e+17, v9;
	v10 =	vmul.f32 $5.184705460e+21, v9;
	v18 =	vpop (erf);
	v13 =	vadd.f32 v17, v13  }
0x1b7: {  	v22 =	vadd.f32 $1.000000000e+00, v22;
	v21 =	vmul.f32 $2.097966040e+18, v9;
	v23 =	vmul.f32 $2.373731110e+21, v9;
	v17 =	vpop (erf)  }
0x1b8: {  	v24 =	vmul.f32 $1.000883680e+19, v9;
	v25 =	vmul.f32 $2.186130820e+19, v9;
	v5 =	vadd.f32 v17, v5;
	v17 =	vpop (erf)  }
0x1b9: {  	v26 =	vmul.f32 $4.774948540e+19, v9;
	v27 =	vmul.f32 $1.086773340e+21, v9;
	v8 =	vadd.f32 v17, v8;
	v17 =	vpop (erf)  }
0x1ba: {  	v28 =	vmul.f32 $2.278000560e+20, v9;
	v30 =	vmul.f32 $4.975610650e+20, v9;
	v7 =	vadd.f32 v18, v7  }
0x1bb: {  	v19 =	vadd.f32 $1.000000000e+00, v19;
	v18 =	vmul.f32 v24, v24;
	v24 =	vmul.f32 v26, v26  }
0x1bc: {  	v26 =	vmul.f32 v28, v28;
	v28 =	vmul.f32 v30, v30;
	v6 =	vadd.f32 v17, v6;
	v29 =	vpop (erf)  }
0x1bd: {  	v27 =	vmul.f32 v27, v27;
	v18 =	vadd.f32 $1.000000000e+00, v18;
	v17 =	vpop (erf);
	(erf) = vrcp.f32 v19  }
0x1be: {  	v28 =	vadd.f32 $1.000000000e+00, v28;
	v19 =	vmul.f32 v23, v23;
	(erf) = vrcp.f32 v20;
	v20 =	vpop (erf)  }
0x1bf: {  	v21 =	vmul.f32 v21, v21;
	v23 =	vadd.f32 $1.000000000e+00, v27;
	(erf) = vrcp.f32 v18  }
0x1c0: {  	v18 =	vadd.f32 $1.000000000e+00, v24;
	v19 =	vadd.f32 $1.000000000e+00, v19;
	(erf) = vrcp.f32 v28  }
.Ltmp5:
0x1c1: {  	v24 =	vadd.f32 $1.000000000e+00, v26;
	v11 =	vadd.f32 v20, v11;
	(erf) = vrcp.f32 v23;
	(pc) =	sbr.rel @p0 .LBB2_12-.Ltmp5, $4  }
0x1c2: {  	v23 =	vadd.f32 $1.000000000e+00, v21;
	v21 =	vmul.f32 v25, v25;
	(erf) = vrcp.f32 v22  }
0x1c3: {  	v12 =	vadd.f32 v29, v12;
	v22 =	vmul.f32 $1.042944660e+20, v9;
	(erf) = vrcp.f32 v18  }
0x1c4: {  	v20 =	vmul.f32 $4.582379090e+18, v9;
	v18 =	vadd.f32 $1.000000000e+00, v21;
	(erf) = vrcp.f32 v24  }
0x1c5: {  	v21 =	vmul.f32 v22, v22;
	(erf) = vrcp.f32 v23  }
0x1c6: {  	v16 =	vmul.f32 v16, v16;
	[tilespmem:$0x2810] =	vst v0  }
0x1c7: {  	[tilespmem:$0x2820] =	vst v0;
	v21 =	vadd.f32 $1.000000000e+00, v21  }
0x1c8: {  	(erf) = vrcp.f32 v19;
	v50 =	vpop (erf);
	v20 =	vmul.f32 v20, v20;
	[tilespmem:$0x2830] =	vst v0;
	v16 =	vadd.f32 $1.000000000e+00, v16  }
0x1c9: {  	[tilespmem:$0x2840] =	vst v0;
	v22 =	vpop (erf);
	(erf) = vrcp.f32 v21  }
0x1ca: {  	[tilespmem:$0x2850] =	vst v0;
	v51 =	vpop (erf);
	v52 =	vadd.f32 $1.000000000e+00, v20;
	(erf) = vrcp.f32 v16  }
0x1cb: {  	[tilespmem:$0x2860] =	vst v0;
	v53 =	vpop (erf);
	(erf) = vrcp.f32 v18  }
0x1cc: {  	v9 =	vmul.f32 $9.605188580e+17, v9;
	[tilespmem:$0x2870] =	vst v0;
	v54 =	vpop (erf);
	(erf) = vrcp.f32 v52  }
0x1cd: {  	[tilespmem:$0x2880] =	vst v0;
	v55 =	vpop (erf)  }
0x1ce: {  	[tilespmem:$0x2890] =	vst v0;
	v9 =	vmul.f32 v9, v9;
	v56 =	vpop (erf)  }
0x1cf: {  	[tilespmem:$0x28A0] =	vst v0;
	v23 =	vpop (erf)  }
0x1d0: {  	[tilespmem:$0x28B0] =	vst v0;
	v9 =	vadd.f32 $1.000000000e+00, v9;
	v24 =	vpop (erf)  }
0x1d1: {  	v10 =	vmul.f32 v10, v10;
	[tilespmem:$0x28C0] =	vst v0;
	v25 =	vpop (erf)  }
0x1d2: {  	[tilespmem:$0x28D0] =	vst v0;
	(erf) = vrcp.f32 v9;
	v26 =	vpop (erf)  }
0x1d3: {  	[tilespmem:$0x28E0] =	vst v0;
	v10 =	vadd.f32 $1.000000000e+00, v10;
	v4 =	vadd.f32 v51, v4;
	v27 =	vpop (erf)  }
0x1d4: {  	[tilespmem:$0x28F0] =	vst v0;
	v1 =	vadd.f32 v53, v1;
	v57 =	vpop (erf)  }
0x1d5: {  	v2 =	vadd.f32 v17, v2;
	[tilespmem:$0x2780] =	vst v4;
	v5 =	vadd.f32 v23, v5;
	v58 =	vpop (erf);
	(erf) = vrcp.f32 v10  }
0x1d6: {  	[tilespmem:$0x27D0] =	vst v1;
	v8 =	vadd.f32 v24, v8  }
0x1d7: {  	v14 =	vadd.f32 v50, v14;
	[tilespmem:$0x27C0] =	vst v5;
	v2 =	vadd.f32 v27, v2  }
0x1d8: {  	v62 =	vadd.f32 v25, v6;
	[tilespmem:$0x2760] =	vst v8  }
0x1d9: {  	[tilespmem:$0x2740] =	vst v2;
	v2 =	vadd.f32 v58, v14  }
0x1da: {  	v15 =	vadd.f32 v22, v15;
	[tilespmem:$0x27F0] =	vst v62;
	v61 =	vadd.f32 v26, v12  }
0x1db: {  	v59 =	vpop (erf);
	[tilespmem:$0x2770] =	vst v2;
	v2 =	vadd.f32 v56, v7  }
0x1dc: {  	v60 =	vadd.f32 v57, v11;
	[tilespmem:$0x27B0] =	vst v61;
	v15 =	vadd.f32 v59, v15  }
0x1dd: {  	[tilespmem:$0x27A0] =	vst v2;
	v2 =	vadd.f32 v54, v3;
	v3 =	vadd.f32 v55, v13  }
0x1de: {  	[tilespmem:$0x2790] =	vst v60;
	v63 =	vpop (erf)  }
0x1df: {  	[tilespmem:$0x2750] =	vst v15;
	v1 =	vadd.f32 v63, v3  }
0x1e0: {  	[tilespmem:$0x27E0] =	vst v2  }
0x1e1: {  	s13 =	simm.s32 $0x0;
	[tilespmem:$0x2800] =	vst v1  }
0x1e2: {  	[tilespmem:s13], [sflag:$0x1] =	stream.strided.gather [hbm4b:s4+s7], $0x1200, s8, s7, $0x38;
	[tilespmem:$0x2E00] =	vst v63  }
0x1e3: {  	_ =	swait.ge [sflag:s9], $0x1200  }
0x1e4: {  	[sflag:s9] =	ssyncset.done $0x0  }
0x1e5: {  	s15 =	simm.s32 $0x0;
	[sflag:s9] =	ssyncadd.s32 $0xFFFFEE00  }
0x1e6: {  	v1 =	vld [tilespmem:s15+$0x0];
	_ =	sdelay $0x1  }
0x1e7: {  	s14 =	simm.s32 $0x10  }
0x1e8: {  	v2 =	vld [tilespmem:s14+$0x0];
	_ =	sdelay $0x1  }
0x1e9: {  	v1 =	vmul.f32 $-5.000000000e+01, v1;
	_ =	sdelay $0x1  }
0x1ea: {  	v1 =	vmul.f32 $1.442695020e+00, v1  }
0x1eb: {  	v2 =	vmul.f32 $-5.000000000e+01, v2  }
0x1ec: {  	(erf) = vpow2.f32 v1  }
0x1ed: {  	v2 =	vmul.f32 $1.442695020e+00, v2  }
0x1ee: {  	s16 =	simm.s32 $0x20  }
0x1ef: {  	v1 =	vld [tilespmem:s16+$0x0];
	(erf) = vpow2.f32 v2;
	_ =	sdelay $0x1  }
0x1f0: {  	s19 =	simm.s32 $0xC0  }
0x1f1: {  	s18 =	simm.s32 $0x0;
	s17 =	simm.s32 $0x10;
	s13 =	simm.s32 $0x80  }
.LBB2_14:
0x1f2: {  	p0 =	sne.s32 s19, $0x47C0  }
.Ltmp6:
0x1f3: {  	s20 =	sshra.s32 s19, $0x2;
	s19 =	sadd.s32 $0x40, s19;
	v2 =	vmul.f32 $-5.000000000e+01, v1;
	(pc) =	sbr.rel @p0 .LBB2_14-.Ltmp6, $4  }
0x1f4: {  	v1 =	vld [tilespmem:s20+$0x0];
	v3 =	vpop (erf)  }
0x1f5: {  	v2 =	vmul.f32 $1.442695020e+00, v2;
	[tilespmem:s18+$0x1200] =	vst v3;
	s18 =	smov.u32 s17;
	s17 =	smov.u32 s16;
	s16 =	smov.u32 s20  }
0x1f6: {  	_ = 	snop  }
0x1f7: {  	(erf) = vpow2.f32 v2  }
0x1f8: {  	_ = 	snop  }
0x1f9: {  	v1 =	vmul.f32 $-5.000000000e+01, v1;
	_ =	sdelay $0x1  }
0x1fa: {  	v1 =	vmul.f32 $1.442695020e+00, v1;
	_ =	sdelay $0x1  }
0x1fb: {  	(erf) = vpow2.f32 v1;
	_ =	sdelay $0x6  }
0x1fc: {  	v1 =	vpop (erf)  }
0x1fd: {  	[tilespmem:s18+$0x1200] =	vst v1;
	v1 =	vpop (erf)  }
0x1fe: {  	[tilespmem:s17+$0x1200] =	vst v1;
	v1 =	vpop (erf)  }
0x1ff: {  	[tilespmem:s16+$0x1200] =	vst v1  }
0x200: {  	v2 =	vld [tilespmem:s15+$0x1200];
	_ =	sdelay $0x4  }
0x201: {  	v1 =	vmul.f32 $2.184200760e+00, v2  }
0x202: {  	v3 =	vmul.f32 $1.042023940e+01, v2;
	v4 =	vmul.f32 $4.971218110e+01, v2  }
0x203: {  	v5 =	vmul.f32 $5.180128170e+02, v2;
	v6 =	vmul.f32 $2.371635590e+02, v2  }
0x204: {  	v7 =	vmul.f32 $1.085813900e+02, v2;
	v8 =	vmul.f32 $2.275989530e+01, v2  }
0x205: {  	v9 =	vmul.f32 $1.131444090e+03, v2;
	v10 =	vmul.f32 $2.471301030e+03, v2  }
0x206: {  	v11 =	vmul.f32 $5.397817380e+03, v2;
	v5 =	vmul.f32 v5, v5  }
0x207: {  	v4 =	vmul.f32 v4, v4;
	v7 =	vmul.f32 v7, v7  }
0x208: {  	v12 =	vmul.f32 v1, v1;
	v10 =	vmul.f32 v10, v10  }
0x209: {  	v11 =	vmul.f32 v11, v11;
	v3 =	vmul.f32 v3, v3;
	v5 =	vadd.f32 $1.000000000e+00, v5  }
0x20a: {  	v6 =	vmul.f32 v6, v6;
	v4 =	vadd.f32 $1.000000000e+00, v4;
	v13 =	vadd.f32 $1.000000000e+00, v12;
	v12 =	vld [tilespmem:s14+$0x1200]  }
0x20b: {  	v9 =	vmul.f32 v9, v9;
	(erf) = vrcp.f32 v5  }
0x20c: {  	v5 =	vadd.f32 $1.000000000e+00, v7;
	v7 =	vmul.f32 $1.178991800e+04, v2;
	(erf) = vrcp.f32 v4  }
0x20d: {  	v4 =	vmul.f32 $4.770733360e+00, v2;
	v2 =	vmul.f32 v2, v2  }
0x20e: {  	(erf) = vrcp.f32 v5;
	v7 =	vmul.f32 v7, v7  }
0x20f: {  	v5 =	vadd.f32 $1.000000000e+00, v10;
	v4 =	vmul.f32 v4, v4;
	v15 =	vmul.f32 $1.042023940e+01, v12  }
0x210: {  	v10 =	vadd.f32 $1.000000000e+00, v11;
	v16 =	vmul.f32 $2.371635590e+02, v12;
	v17 =	vmul.f32 $2.275989530e+01, v12  }
0x211: {  	v19 =	vmul.f32 $1.131444090e+03, v12;
	(erf) = vrcp.f32 v5;
	v4 =	vadd.f32 $1.000000000e+00, v4  }
0x212: {  	v3 =	vadd.f32 $1.000000000e+00, v3;
	v20 =	vmul.f32 $1.178991800e+04, v12;
	(erf) = vrcp.f32 v10  }
0x213: {  	v5 =	vmul.f32 v8, v8;
	v8 =	vadd.f32 $1.000000000e+00, v2;
	(erf) = vrcp.f32 v4  }
0x214: {  	v25 =	vmul.f32 $4.770733360e+00, v12;
	v4 =	vadd.f32 $1.000000000e+00, v6;
	(erf) = vrcp.f32 v13  }
0x215: {  	v1 =	vimm.f32 $0.0e+00;
	v10 =	vmul.f32 $2.184200760e+00, v12;
	(erf) = vrcp.f32 v8  }
0x216: {  	v7 =	vadd.f32 $1.000000000e+00, v7;
	v13 =	vmul.f32 $1.085813900e+02, v12;
	(erf) = vrcp.f32 v4  }
0x217: {  	v9 =	vadd.f32 $1.000000000e+00, v9;
	v2 =	vpop (erf);
	v8 =	vmul.f32 $5.180128170e+02, v12;
	(erf) = vrcp.f32 v3  }
0x218: {  	v11 =	vadd.f32 $1.000000000e+00, v5;
	v6 =	vmul.f32 $4.971218110e+01, v12;
	v3 =	vpop (erf);
	(erf) = vrcp.f32 v7  }
0x219: {  	v4 =	vadd.f32 v3, v1;
	v3 =	vpop (erf);
	v7 =	vmul.f32 v8, v8;
	(erf) = vrcp.f32 v9  }
0x21a: {  	v21 =	vmul.f32 v10, v10;
	v6 =	vmul.f32 v6, v6;
	v5 =	vadd.f32 v3, v1;
	v3 =	vpop (erf)  }
0x21b: {  	v8 =	vmul.f32 v13, v13;
	v7 =	vadd.f32 $1.000000000e+00, v7;
	v13 =	vpop (erf);
	(erf) = vrcp.f32 v11  }
0x21c: {  	v21 =	vadd.f32 $1.000000000e+00, v21;
	v11 =	vadd.f32 $1.000000000e+00, v6;
	v6 =	vmul.f32 $2.471301030e+03, v12;
	v9 =	vpop (erf)  }
0x21d: {  	v2 =	vadd.f32 v2, v1;
	v14 =	vadd.f32 $1.000000000e+00, v8;
	v8 =	vmul.f32 $5.397817380e+03, v12;
	v18 =	vpop (erf)  }
0x21e: {  	v3 =	vadd.f32 v3, v1;
	v22 =	vmul.f32 v6, v6;
	v10 =	vadd.f32 v18, v1;
	v18 =	vpop (erf)  }
0x21f: {  	(erf) = vrcp.f32 v7;
	v6 =	vadd.f32 v13, v1;
	v23 =	vmul.f32 v8, v8;
	v7 =	vpop (erf)  }
0x220: {  	v13 =	vimm.f32 $0.0e+00;
	(erf) = vrcp.f32 v11;
	v8 =	vadd.f32 v7, v1;
	v7 =	vpop (erf)  }
0x221: {  	v9 =	vadd.f32 v9, v1;
	(erf) = vrcp.f32 v14;
	v11 =	vadd.f32 v7, v1;
	v7 =	vpop (erf)  }
0x222: {  	v24 =	vadd.f32 $1.000000000e+00, v22;
	v14 =	vimm.f32 $0.0e+00;
	v7 =	vadd.f32 v7, v1;
	v22 =	vpop (erf)  }
.LBB2_16:
0x223: {  	s14 =	sshra.s32 s13, $0x2;
	p0 =	sne.s32 s13, $0x47C0;
	s13 =	sadd.s32 $0x40, s13;
	v15 =	vmul.f32 v15, v15;
	v16 =	vmul.f32 v16, v16;
	v1 =	vadd.f32 v22, v1  }
0x224: {  	v19 =	vmul.f32 v19, v19;
	v23 =	vadd.f32 $1.000000000e+00, v23;
	v22 =	vld [tilespmem:s14+$0x1200];
	v25 =	vmul.f32 v25, v25;
	v26 =	vpop (erf)  }
0x225: {  	v12 =	vmul.f32 v12, v12;
	v27 =	vadd.f32 $1.000000000e+00, v15;
	v13 =	vadd.f32 v26, v13  }
0x226: {  	v14 =	vadd.f32 v18, v14;
	v25 =	vadd.f32 $1.000000000e+00, v25;
	(erf) = vrcp.f32 v24  }
0x227: {  	v17 =	vmul.f32 v17, v17;
	v12 =	vadd.f32 $1.000000000e+00, v12;
	(erf) = vrcp.f32 v23  }
0x228: {  	v20 =	vmul.f32 v20, v20;
	v18 =	vadd.f32 $1.000000000e+00, v16;
	(erf) = vrcp.f32 v25;
	v15 =	vpop (erf)  }
0x229: {  	v23 =	vmul.f32 $2.184200760e+00, v22;
	v2 =	vadd.f32 v15, v2;
	(erf) = vrcp.f32 v21;
	v16 =	vpop (erf)  }
0x22a: {  	v15 =	vmul.f32 $1.042023940e+01, v22;
	v21 =	vadd.f32 $1.000000000e+00, v17;
	v4 =	vadd.f32 v16, v4;
	v16 =	vpop (erf)  }
0x22b: {  	v24 =	vmul.f32 $4.971218110e+01, v22;
	v5 =	vadd.f32 v16, v5;
	(erf) = vrcp.f32 v12;
	v12 =	vmovc v22  }
0x22c: {  	v17 =	vadd.f32 $1.000000000e+00, v20;
	v16 =	vmul.f32 $2.371635590e+02, v12;
	(erf) = vrcp.f32 v18  }
0x22d: {  	v22 =	vadd.f32 $1.000000000e+00, v19;
	v18 =	vmul.f32 $5.180128170e+02, v12;
	(erf) = vrcp.f32 v27  }
0x22e: {  	v20 =	vmul.f32 $1.085813900e+02, v12;
	(erf) = vrcp.f32 v17  }
0x22f: {  	v27 =	vmul.f32 v18, v18;
	(erf) = vrcp.f32 v22;
	v19 =	vpop (erf)  }
0x230: {  	v17 =	vmul.f32 $2.275989530e+01, v12;
	v22 =	vmul.f32 v24, v24;
	v3 =	vadd.f32 v19, v3;
	v24 =	vpop (erf)  }
0x231: {  	v20 =	vmul.f32 v20, v20;
	v25 =	vadd.f32 $1.000000000e+00, v27;
	v18 =	vpop (erf);
	(erf) = vrcp.f32 v21  }
0x232: {  	v19 =	vmul.f32 $1.131444090e+03, v12;
	v21 =	vadd.f32 $1.000000000e+00, v22;
	v22 =	vmul.f32 $2.471301030e+03, v12;
	v26 =	vpop (erf)  }
0x233: {  	v28 =	vmul.f32 $5.397817380e+03, v12;
	v27 =	vadd.f32 $1.000000000e+00, v20;
	v9 =	vadd.f32 v18, v9  }
.Ltmp7:
0x234: {  	v29 =	vmul.f32 v23, v23;
	v22 =	vmul.f32 v22, v22;
	v10 =	vadd.f32 v26, v10;
	v18 =	vpop (erf);
	(pc) =	sbr.rel @p0 .LBB2_16-.Ltmp7, $4  }
0x235: {  	v20 =	vmul.f32 $1.178991800e+04, v12;
	v6 =	vadd.f32 v24, v6;
	(erf) = vrcp.f32 v25;
	v24 =	vpop (erf)  }
0x236: {  	v23 =	vmul.f32 v28, v28;
	(erf) = vrcp.f32 v21;
	v8 =	vadd.f32 v24, v8;
	v24 =	vpop (erf)  }
0x237: {  	v21 =	vadd.f32 $1.000000000e+00, v29;
	(erf) = vrcp.f32 v27;
	v11 =	vadd.f32 v24, v11;
	v26 =	vpop (erf)  }
0x238: {  	v25 =	vmul.f32 $4.770733360e+00, v12;
	v24 =	vadd.f32 $1.000000000e+00, v22;
	v7 =	vadd.f32 v26, v7;
	v22 =	vpop (erf)  }
0x239: {  	_ = 	snop  }
0x23a: {  	v25 =	vmul.f32 v25, v25  }
0x23b: {  	v23 =	vadd.f32 $1.000000000e+00, v23;
	v12 =	vmul.f32 v12, v12  }
0x23c: {  	v16 =	vmul.f32 v16, v16;
	(erf) = vrcp.f32 v24;
	v25 =	vadd.f32 $1.000000000e+00, v25  }
0x23d: {  	v15 =	vmul.f32 v15, v15;
	(erf) = vrcp.f32 v23;
	v12 =	vadd.f32 $1.000000000e+00, v12  }
0x23e: {  	v20 =	vmul.f32 v20, v20;
	v16 =	vadd.f32 $1.000000000e+00, v16;
	(erf) = vrcp.f32 v25  }
0x23f: {  	v19 =	vmul.f32 v19, v19;
	v15 =	vadd.f32 $1.000000000e+00, v15;
	(erf) = vrcp.f32 v21  }
0x240: {  	v17 =	vmul.f32 v17, v17;
	v20 =	vadd.f32 $1.000000000e+00, v20;
	(erf) = vrcp.f32 v12  }
0x241: {  	v19 =	vadd.f32 $1.000000000e+00, v19;
	v12 =	vpop (erf);
	(erf) = vrcp.f32 v16  }
0x242: {  	v17 =	vadd.f32 $1.000000000e+00, v17;
	v16 =	vpop (erf);
	(erf) = vrcp.f32 v15  }
0x243: {  	v15 =	vpop (erf);
	(erf) = vrcp.f32 v20  }
0x244: {  	v2 =	vadd.f32 v16, v2;
	v20 =	vpop (erf);
	(erf) = vrcp.f32 v19  }
0x245: {  	v4 =	vadd.f32 v15, v4;
	v19 =	vpop (erf);
	(erf) = vrcp.f32 v17  }
0x246: {  	v5 =	vadd.f32 v20, v5;
	[tilespmem:$0x2980] =	vst v2;
	v17 =	vpop (erf)  }
0x247: {  	[tilespmem:$0x2950] =	vst v4;
	v3 =	vadd.f32 v19, v3;
	v21 =	vpop (erf)  }
0x248: {  	v14 =	vadd.f32 v18, v14;
	[tilespmem:$0x2960] =	vst v5;
	v2 =	vadd.f32 v17, v6;
	v23 =	vpop (erf)  }
0x249: {  	[tilespmem:$0x29A0] =	vst v3;
	v9 =	vadd.f32 v21, v9;
	v18 =	vpop (erf)  }
0x24a: {  	[tilespmem:$0x29B0] =	vst v2;
	v10 =	vadd.f32 v23, v10;
	v62 =	vpop (erf);
	v14 =	vadd.f32 v18, v14  }
0x24b: {  	[tilespmem:$0x2920] =	vst v9;
	v63 =	vpop (erf)  }
0x24c: {  	v1 =	vadd.f32 v22, v1;
	[tilespmem:$0x2910] =	vst v10;
	v8 =	vadd.f32 v62, v8;
	v18 =	vpop (erf)  }
0x24d: {  	v12 =	vadd.f32 v12, v13;
	[tilespmem:$0x2900] =	vst v14;
	v11 =	vadd.f32 v63, v11;
	v13 =	vpop (erf)  }
0x24e: {  	[tilespmem:$0x2970] =	vst v8;
	v14 =	vpop (erf);
	v1 =	vadd.f32 v13, v1  }
0x24f: {  	[tilespmem:$0x2930] =	vst v11;
	v10 =	vadd.f32 v14, v12  }
0x250: {  	[tilespmem:$0x2990] =	vst v1;
	v1 =	vadd.f32 v18, v7  }
0x251: {  	[tilespmem:$0x2940] =	vst v10  }
0x252: {  	s13 =	simm.s32 $0x0;
	[tilespmem:$0x29C0] =	vst v1  }
0x253: {  	v1 =	vld [tilespmem:s13+$0x1200];
	_ =	sdelay $0x4  }
0x254: {  	v3 =	vmul.f32 $2.575154690e+04, v1  }
0x255: {  	v2 =	vmul.f32 $5.861025000e+05, v1;
	v4 =	vmul.f32 $3.036086080e+08, v1  }
0x256: {  	v5 =	vmul.f32 $2.913643400e+07, v1;
	v6 =	vmul.f32 $1.228537660e+05, v1  }
0x257: {  	v7 =	vmul.f32 $6.363982400e+07, v1;
	v8 =	vmul.f32 $1.390021600e+08, v1  }
0x258: {  	v9 =	vmul.f32 $2.796138750e+06, v1;
	v2 =	vmul.f32 v2, v2  }
0x259: {  	v10 =	vmul.f32 $1.333963200e+07, v1;
	v5 =	vmul.f32 v5, v5  }
0x25a: {  	v7 =	vmul.f32 v7, v7;
	v9 =	vmul.f32 v9, v9;
	v2 =	vadd.f32 $1.000000000e+00, v2  }
0x25b: {  	v6 =	vmul.f32 v6, v6;
	v8 =	vmul.f32 v8, v8;
	v5 =	vadd.f32 $1.000000000e+00, v5  }
0x25c: {  	v7 =	vadd.f32 $1.000000000e+00, v7;
	(erf) = vrcp.f32 v2;
	v2 =	vmul.f32 v10, v10  }
0x25d: {  	v3 =	vmul.f32 v3, v3;
	v9 =	vadd.f32 $1.000000000e+00, v9;
	(erf) = vrcp.f32 v5  }
0x25e: {  	s31 =	simm.s32 $0x10;
	v5 =	vmul.f32 $1.280165630e+06, v1;
	v10 =	vadd.f32 $1.000000000e+00, v2;
	(erf) = vrcp.f32 v7  }
0x25f: {  	v6 =	vadd.f32 $1.000000000e+00, v6;
	v7 =	vmul.f32 $6.107328500e+06, v1;
	(erf) = vrcp.f32 v9;
	v9 =	vld [tilespmem:s31+$0x1200]  }
0x260: {  	v5 =	vmul.f32 v5, v5;
	(erf) = vrcp.f32 v10  }
0x261: {  	v8 =	vadd.f32 $1.000000000e+00, v8;
	v7 =	vmul.f32 v7, v7;
	(erf) = vrcp.f32 v6  }
0x262: {  	v6 =	vmul.f32 $2.683372810e+05, v1;
	v1 =	vmul.f32 $5.624655080e+04, v1  }
0x263: {  	(erf) = vrcp.f32 v8;
	v8 =	vmul.f32 v4, v4  }
0x264: {  	v6 =	vmul.f32 v6, v6;
	v16 =	vmul.f32 $2.575154690e+04, v9  }
0x265: {  	v3 =	vadd.f32 $1.000000000e+00, v3;
	v10 =	vmul.f32 $3.036086080e+08, v9;
	v12 =	vmul.f32 $1.228537660e+05, v9  }
0x266: {  	v7 =	vadd.f32 $1.000000000e+00, v7;
	v13 =	vmul.f32 $1.390021600e+08, v9;
	v15 =	vmul.f32 $5.861025000e+05, v9  }
0x267: {  	v2 =	vimm.f32 $0.0e+00;
	v18 =	vmul.f32 $1.280165630e+06, v9;
	v17 =	vmul.f32 $2.796138750e+06, v9  }
0x268: {  	v5 =	vadd.f32 $1.000000000e+00, v5;
	v4 =	vpop (erf);
	(erf) = vrcp.f32 v7;
	v7 =	vmul.f32 v1, v1  }
0x269: {  	v14 =	vadd.f32 $1.000000000e+00, v8;
	v19 =	vmul.f32 $6.363982400e+07, v9;
	v20 =	vmul.f32 $1.333963200e+07, v9  }
0x26a: {  	v21 =	vmul.f32 $2.913643400e+07, v9;
	v6 =	vadd.f32 $1.000000000e+00, v6;
	v1 =	vpop (erf);
	(erf) = vrcp.f32 v3  }
0x26b: {  	v4 =	vadd.f32 v4, v2;
	v15 =	vmul.f32 v15, v15;
	(erf) = vrcp.f32 v5;
	v3 =	vpop (erf)  }
0x26c: {  	v22 =	vmul.f32 v17, v17;
	v20 =	vmul.f32 v20, v20;
	v11 =	vadd.f32 $1.000000000e+00, v7;
	v7 =	vpop (erf)  }
0x26d: {  	v17 =	vmul.f32 v21, v21;
	v19 =	vmul.f32 v19, v19;
	v1 =	vadd.f32 v1, v2;
	v5 =	vpop (erf)  }
0x26e: {  	v12 =	vmul.f32 v12, v12;
	v3 =	vadd.f32 v3, v2;
	v15 =	vadd.f32 $1.000000000e+00, v15;
	v8 =	vpop (erf)  }
0x26f: {  	v7 =	vadd.f32 v7, v2;
	v5 =	vadd.f32 v5, v2;
	(erf) = vrcp.f32 v6;
	v21 =	vpop (erf)  }
0x270: {  	(erf) = vrcp.f32 v11;
	v6 =	vadd.f32 v21, v2;
	v21 =	vadd.f32 $1.000000000e+00, v17  }
0x271: {  	v11 =	vmul.f32 v13, v13;
	v13 =	vadd.f32 $1.000000000e+00, v19;
	(erf) = vrcp.f32 v15  }
0x272: {  	v8 =	vadd.f32 v8, v2;
	v15 =	vadd.f32 $1.000000000e+00, v22;
	v23 =	vpop (erf);
	(erf) = vrcp.f32 v21  }
0x273: {  	v22 =	vadd.f32 $1.000000000e+00, v20;
	v19 =	vadd.f32 $1.000000000e+00, v11;
	v17 =	vpop (erf);
	(erf) = vrcp.f32 v13  }
0x274: {  	v13 =	vmul.f32 v18, v18;
	v21 =	vpop (erf);
	(erf) = vrcp.f32 v14;
	v14 =	vadd.f32 $1.000000000e+00, v12  }
0x275: {  	v20 =	vmul.f32 $2.683372810e+05, v9;
	v12 =	vadd.f32 v23, v2;
	v11 =	vadd.f32 v21, v2  }
0x276: {  	v21 =	vmul.f32 $6.107328500e+06, v9;
	(erf) = vrcp.f32 v15;
	v18 =	vadd.f32 $1.000000000e+00, v13  }
0x277: {  	v15 =	vimm.f32 $0.0e+00;
	v13 =	vimm.f32 $0.0e+00;
	(erf) = vrcp.f32 v22  }
0x278: {  	s13 =	simm.s32 $0x80;
	v21 =	vmul.f32 v21, v21;
	(erf) = vrcp.f32 v14;
	v14 =	vimm.f32 $0.0e+00  }
.LBB2_18:
0x279: {  	s14 =	sshra.s32 s13, $0x2;
	p0 =	sne.s32 s13, $0x47C0;
	s13 =	sadd.s32 $0x40, s13;
	v16 =	vmul.f32 v16, v16;
	(erf) = vrcp.f32 v19;
	v2 =	vadd.f32 v17, v2;
	v17 =	vpop (erf)  }
0x27a: {  	v19 =	vmul.f32 $5.624655080e+04, v9;
	v9 =	vld [tilespmem:s14+$0x1200];
	v21 =	vadd.f32 $1.000000000e+00, v21;
	v14 =	vadd.f32 v17, v14;
	v17 =	vpop (erf)  }
0x27b: {  	v22 =	vmul.f32 v10, v10;
	v16 =	vadd.f32 $1.000000000e+00, v16;
	v10 =	vpop (erf);
	v15 =	vadd.f32 v17, v15  }
0x27c: {  	v23 =	vmul.f32 v19, v19;
	v4 =	vadd.f32 v10, v4;
	(erf) = vrcp.f32 v21;
	v10 =	vpop (erf)  }
0x27d: {  	v19 =	vmul.f32 v20, v20;
	v1 =	vadd.f32 v10, v1;
	(erf) = vrcp.f32 v16;
	v10 =	vpop (erf)  }
0x27e: {  	v20 =	vadd.f32 $1.000000000e+00, v23;
	v3 =	vadd.f32 v10, v3;
	(erf) = vrcp.f32 v18;
	v17 =	vpop (erf)  }
0x27f: {  	v16 =	vmul.f32 $2.575154690e+04, v9;
	v10 =	vmul.f32 $3.036086080e+08, v9;
	v18 =	vpop (erf);
	v13 =	vadd.f32 v17, v13  }
0x280: {  	v22 =	vadd.f32 $1.000000000e+00, v22;
	v21 =	vmul.f32 $1.228537660e+05, v9;
	v23 =	vmul.f32 $1.390021600e+08, v9;
	v17 =	vpop (erf)  }
0x281: {  	v24 =	vmul.f32 $5.861025000e+05, v9;
	v25 =	vmul.f32 $1.280165630e+06, v9;
	v5 =	vadd.f32 v17, v5;
	v17 =	vpop (erf)  }
0x282: {  	v26 =	vmul.f32 $2.796138750e+06, v9;
	v27 =	vmul.f32 $6.363982400e+07, v9;
	v8 =	vadd.f32 v17, v8;
	v17 =	vpop (erf)  }
0x283: {  	v28 =	vmul.f32 $1.333963200e+07, v9;
	v30 =	vmul.f32 $2.913643400e+07, v9;
	v7 =	vadd.f32 v18, v7  }
0x284: {  	v19 =	vadd.f32 $1.000000000e+00, v19;
	v18 =	vmul.f32 v24, v24;
	v24 =	vmul.f32 v26, v26  }
0x285: {  	v26 =	vmul.f32 v28, v28;
	v28 =	vmul.f32 v30, v30;
	v6 =	vadd.f32 v17, v6;
	v29 =	vpop (erf)  }
0x286: {  	v27 =	vmul.f32 v27, v27;
	v18 =	vadd.f32 $1.000000000e+00, v18;
	v17 =	vpop (erf);
	(erf) = vrcp.f32 v19  }
0x287: {  	v28 =	vadd.f32 $1.000000000e+00, v28;
	v19 =	vmul.f32 v23, v23;
	(erf) = vrcp.f32 v20;
	v20 =	vpop (erf)  }
0x288: {  	v21 =	vmul.f32 v21, v21;
	v23 =	vadd.f32 $1.000000000e+00, v27;
	(erf) = vrcp.f32 v18  }
0x289: {  	v18 =	vadd.f32 $1.000000000e+00, v24;
	v19 =	vadd.f32 $1.000000000e+00, v19;
	(erf) = vrcp.f32 v28  }
.Ltmp8:
0x28a: {  	v24 =	vadd.f32 $1.000000000e+00, v26;
	v11 =	vadd.f32 v20, v11;
	(erf) = vrcp.f32 v23;
	(pc) =	sbr.rel @p0 .LBB2_18-.Ltmp8, $4  }
0x28b: {  	v23 =	vadd.f32 $1.000000000e+00, v21;
	v21 =	vmul.f32 v25, v25;
	(erf) = vrcp.f32 v22  }
0x28c: {  	v12 =	vadd.f32 v29, v12;
	v22 =	vmul.f32 $6.107328500e+06, v9;
	(erf) = vrcp.f32 v18  }
0x28d: {  	v20 =	vmul.f32 $2.683372810e+05, v9;
	v18 =	vadd.f32 $1.000000000e+00, v21;
	(erf) = vrcp.f32 v24  }
0x28e: {  	v21 =	vmul.f32 v22, v22;
	(erf) = vrcp.f32 v23  }
0x28f: {  	v16 =	vmul.f32 v16, v16  }
0x290: {  	v9 =	vmul.f32 $5.624655080e+04, v9;
	v21 =	vadd.f32 $1.000000000e+00, v21  }
0x291: {  	(erf) = vrcp.f32 v19;
	v19 =	vpop (erf);
	v20 =	vmul.f32 v20, v20;
	v16 =	vadd.f32 $1.000000000e+00, v16  }
0x292: {  	v22 =	vpop (erf);
	v9 =	vmul.f32 v9, v9;
	(erf) = vrcp.f32 v21  }
0x293: {  	(erf) = vrcp.f32 v16;
	v16 =	vadd.f32 $1.000000000e+00, v20  }
0x294: {  	v9 =	vadd.f32 $1.000000000e+00, v9;
	v21 =	vpop (erf)  }
0x295: {  	v20 =	vpop (erf);
	(erf) = vrcp.f32 v18  }
0x296: {  	v18 =	vpop (erf);
	(erf) = vrcp.f32 v16  }
0x297: {  	v16 =	vpop (erf);
	(erf) = vrcp.f32 v9  }
0x298: {  	v9 =	vpop (erf)  }
0x299: {  	v23 =	vpop (erf)  }
0x29a: {  	v24 =	vpop (erf)  }
0x29b: {  	v25 =	vpop (erf)  }
0x29c: {  	v10 =	vmul.f32 v10, v10;
	v26 =	vpop (erf)  }
0x29d: {  	v2 =	vadd.f32 v17, v2;
	v27 =	vpop (erf)  }
0x29e: {  	v10 =	vadd.f32 $1.000000000e+00, v10;
	v4 =	vadd.f32 v21, v4;
	v17 =	vpop (erf)  }
0x29f: {  	v15 =	vadd.f32 v22, v15;
	v1 =	vadd.f32 v20, v1;
	v22 =	vpop (erf)  }
0x2a0: {  	[tilespmem:$0x2A10] =	vst v4;
	v5 =	vadd.f32 v23, v5;
	v63 =	vpop (erf);
	(erf) = vrcp.f32 v10  }
0x2a1: {  	[tilespmem:$0x2A60] =	vst v1;
	v8 =	vadd.f32 v24, v8  }
0x2a2: {  	v14 =	vadd.f32 v19, v14;
	[tilespmem:$0x2A50] =	vst v5;
	v2 =	vadd.f32 v27, v2  }
0x2a3: {  	[tilespmem:$0x29F0] =	vst v8;
	v4 =	vadd.f32 v26, v12  }
0x2a4: {  	[tilespmem:$0x29D0] =	vst v2;
	v2 =	vadd.f32 v22, v14  }
0x2a5: {  	v8 =	vadd.f32 v17, v11;
	[tilespmem:$0x2A40] =	vst v4  }
0x2a6: {  	[tilespmem:$0x2A00] =	vst v2;
	v2 =	vadd.f32 v9, v7  }
0x2a7: {  	v4 =	vadd.f32 v25, v6;
	v15 =	vadd.f32 v63, v15;
	[tilespmem:$0x2A20] =	vst v8  }
0x2a8: {  	[tilespmem:$0x2A30] =	vst v2;
	v2 =	vadd.f32 v18, v3;
	v3 =	vadd.f32 v16, v13  }
0x2a9: {  	[tilespmem:$0x2A80] =	vst v4;
	v5 =	vpop (erf)  }
0x2aa: {  	[tilespmem:$0x29E0] =	vst v15;
	v1 =	vadd.f32 v5, v3  }
0x2ab: {  	[tilespmem:$0x2A70] =	vst v2  }
0x2ac: {  	s13 =	simm.s32 $0x0;
	[tilespmem:$0x2A90] =	vst v1  }
0x2ad: {  	v1 =	vld [tilespmem:s13+$0x1200];
	_ =	sdelay $0x4  }
0x2ae: {  	v3 =	vmul.f32 $6.631422080e+08, v1  }
0x2af: {  	v2 =	vmul.f32 $1.509304730e+10, v1;
	v4 =	vmul.f32 $7.818391850e+12, v1  }
0x2b0: {  	v5 =	vmul.f32 $7.503082940e+11, v1;
	v6 =	vmul.f32 $3.163674370e+09, v1  }
0x2b1: {  	v7 =	vmul.f32 $1.638824020e+12, v1;
	v8 =	vmul.f32 $3.579520480e+12, v1  }
0x2b2: {  	v9 =	vmul.f32 $7.200490290e+10, v1;
	v2 =	vmul.f32 v2, v2  }
0x2b3: {  	v10 =	vmul.f32 $3.435161520e+11, v1;
	v5 =	vmul.f32 v5, v5  }
0x2b4: {  	v7 =	vmul.f32 v7, v7;
	v9 =	vmul.f32 v9, v9;
	v2 =	vadd.f32 $1.000000000e+00, v2  }
0x2b5: {  	v6 =	vmul.f32 v6, v6;
	v8 =	vmul.f32 v8, v8;
	v5 =	vadd.f32 $1.000000000e+00, v5  }
0x2b6: {  	v7 =	vadd.f32 $1.000000000e+00, v7;
	(erf) = vrcp.f32 v2;
	v2 =	vmul.f32 v10, v10  }
0x2b7: {  	v3 =	vmul.f32 v3, v3;
	v9 =	vadd.f32 $1.000000000e+00, v9;
	(erf) = vrcp.f32 v5  }
0x2b8: {  	s31 =	simm.s32 $0x10;
	v5 =	vmul.f32 $3.296624440e+10, v1;
	v10 =	vadd.f32 $1.000000000e+00, v2;
	(erf) = vrcp.f32 v7  }
0x2b9: {  	v6 =	vadd.f32 $1.000000000e+00, v6;
	v7 =	vmul.f32 $1.572731620e+11, v1;
	(erf) = vrcp.f32 v9;
	v9 =	vld [tilespmem:s31+$0x1200]  }
0x2ba: {  	v5 =	vmul.f32 v5, v5;
	(erf) = vrcp.f32 v10  }
0x2bb: {  	v8 =	vadd.f32 $1.000000000e+00, v8;
	v7 =	vmul.f32 v7, v7;
	(erf) = vrcp.f32 v6  }
0x2bc: {  	v6 =	vmul.f32 $6.910100480e+09, v1;
	v1 =	vmul.f32 $1.448435710e+09, v1  }
0x2bd: {  	(erf) = vrcp.f32 v8;
	v8 =	vmul.f32 v4, v4  }
0x2be: {  	v6 =	vmul.f32 v6, v6;
	v16 =	vmul.f32 $6.631422080e+08, v9  }
0x2bf: {  	v3 =	vadd.f32 $1.000000000e+00, v3;
	v10 =	vmul.f32 $7.818391850e+12, v9;
	v12 =	vmul.f32 $3.163674370e+09, v9  }
0x2c0: {  	v7 =	vadd.f32 $1.000000000e+00, v7;
	v13 =	vmul.f32 $3.579520480e+12, v9;
	v15 =	vmul.f32 $1.509304730e+10, v9  }
0x2c1: {  	v2 =	vimm.f32 $0.0e+00;
	v18 =	vmul.f32 $3.296624440e+10, v9;
	v17 =	vmul.f32 $7.200490290e+10, v9  }
0x2c2: {  	v5 =	vadd.f32 $1.000000000e+00, v5;
	v4 =	vpop (erf);
	(erf) = vrcp.f32 v7;
	v7 =	vmul.f32 v1, v1  }
0x2c3: {  	v14 =	vadd.f32 $1.000000000e+00, v8;
	v19 =	vmul.f32 $1.638824020e+12, v9;
	v20 =	vmul.f32 $3.435161520e+11, v9  }
0x2c4: {  	v21 =	vmul.f32 $7.503082940e+11, v9;
	v6 =	vadd.f32 $1.000000000e+00, v6;
	v1 =	vpop (erf);
	(erf) = vrcp.f32 v3  }
0x2c5: {  	v4 =	vadd.f32 v4, v2;
	v15 =	vmul.f32 v15, v15;
	(erf) = vrcp.f32 v5;
	v3 =	vpop (erf)  }
0x2c6: {  	v22 =	vmul.f32 v17, v17;
	v20 =	vmul.f32 v20, v20;
	v11 =	vadd.f32 $1.000000000e+00, v7;
	v7 =	vpop (erf)  }
0x2c7: {  	v17 =	vmul.f32 v21, v21;
	v19 =	vmul.f32 v19, v19;
	v1 =	vadd.f32 v1, v2;
	v5 =	vpop (erf)  }
0x2c8: {  	v12 =	vmul.f32 v12, v12;
	v3 =	vadd.f32 v3, v2;
	v15 =	vadd.f32 $1.000000000e+00, v15;
	v8 =	vpop (erf)  }
0x2c9: {  	v7 =	vadd.f32 v7, v2;
	v5 =	vadd.f32 v5, v2;
	(erf) = vrcp.f32 v6;
	v21 =	vpop (erf)  }
0x2ca: {  	(erf) = vrcp.f32 v11;
	v6 =	vadd.f32 v21, v2;
	v21 =	vadd.f32 $1.000000000e+00, v17  }
0x2cb: {  	v11 =	vmul.f32 v13, v13;
	v13 =	vadd.f32 $1.000000000e+00, v19;
	(erf) = vrcp.f32 v15  }
0x2cc: {  	v8 =	vadd.f32 v8, v2;
	v15 =	vadd.f32 $1.000000000e+00, v22;
	v23 =	vpop (erf);
	(erf) = vrcp.f32 v21  }
0x2cd: {  	v22 =	vadd.f32 $1.000000000e+00, v20;
	v19 =	vadd.f32 $1.000000000e+00, v11;
	v17 =	vpop (erf);
	(erf) = vrcp.f32 v13  }
0x2ce: {  	v13 =	vmul.f32 v18, v18;
	v21 =	vpop (erf);
	(erf) = vrcp.f32 v14;
	v14 =	vadd.f32 $1.000000000e+00, v12  }
0x2cf: {  	v20 =	vmul.f32 $6.910100480e+09, v9;
	v12 =	vadd.f32 v23, v2;
	v11 =	vadd.f32 v21, v2  }
0x2d0: {  	v21 =	vmul.f32 $1.572731620e+11, v9;
	(erf) = vrcp.f32 v15;
	v18 =	vadd.f32 $1.000000000e+00, v13  }
0x2d1: {  	v15 =	vimm.f32 $0.0e+00;
	v13 =	vimm.f32 $0.0e+00;
	(erf) = vrcp.f32 v22  }
0x2d2: {  	s13 =	simm.s32 $0x80;
	v21 =	vmul.f32 v21, v21;
	(erf) = vrcp.f32 v14;
	v14 =	vimm.f32 $0.0e+00  }
.LBB2_20:
0x2d3: {  	s14 =	sshra.s32 s13, $0x2;
	p0 =	sne.s32 s13, $0x47C0;
	s13 =	sadd.s32 $0x40, s13;
	v16 =	vmul.f32 v16, v16;
	(erf) = vrcp.f32 v19;
	v2 =	vadd.f32 v17, v2;
	v17 =	vpop (erf)  }
0x2d4: {  	v19 =	vmul.f32 $1.448435710e+09, v9;
	v9 =	vld [tilespmem:s14+$0x1200];
	v21 =	vadd.f32 $1.000000000e+00, v21;
	v14 =	vadd.f32 v17, v14;
	v17 =	vpop (erf)  }
0x2d5: {  	v22 =	vmul.f32 v10, v10;
	v16 =	vadd.f32 $1.000000000e+00, v16;
	v10 =	vpop (erf);
	v15 =	vadd.f32 v17, v15  }
0x2d6: {  	v23 =	vmul.f32 v19, v19;
	v4 =	vadd.f32 v10, v4;
	(erf) = vrcp.f32 v21;
	v10 =	vpop (erf)  }
0x2d7: {  	v19 =	vmul.f32 v20, v20;
	v1 =	vadd.f32 v10, v1;
	(erf) = vrcp.f32 v16;
	v10 =	vpop (erf)  }
0x2d8: {  	v20 =	vadd.f32 $1.000000000e+00, v23;
	v3 =	vadd.f32 v10, v3;
	(erf) = vrcp.f32 v18;
	v17 =	vpop (erf)  }
0x2d9: {  	v16 =	vmul.f32 $6.631422080e+08, v9;
	v10 =	vmul.f32 $7.818391850e+12, v9;
	v18 =	vpop (erf);
	v13 =	vadd.f32 v17, v13  }
0x2da: {  	v22 =	vadd.f32 $1.000000000e+00, v22;
	v21 =	vmul.f32 $3.163674370e+09, v9;
	v23 =	vmul.f32 $3.579520480e+12, v9;
	v17 =	vpop (erf)  }
0x2db: {  	v24 =	vmul.f32 $1.509304730e+10, v9;
	v25 =	vmul.f32 $3.296624440e+10, v9;
	v5 =	vadd.f32 v17, v5;
	v17 =	vpop (erf)  }
0x2dc: {  	v26 =	vmul.f32 $7.200490290e+10, v9;
	v27 =	vmul.f32 $1.638824020e+12, v9;
	v8 =	vadd.f32 v17, v8;
	v17 =	vpop (erf)  }
0x2dd: {  	v28 =	vmul.f32 $3.435161520e+11, v9;
	v30 =	vmul.f32 $7.503082940e+11, v9;
	v7 =	vadd.f32 v18, v7  }
0x2de: {  	v19 =	vadd.f32 $1.000000000e+00, v19;
	v18 =	vmul.f32 v24, v24;
	v24 =	vmul.f32 v26, v26  }
0x2df: {  	v26 =	vmul.f32 v28, v28;
	v28 =	vmul.f32 v30, v30;
	v6 =	vadd.f32 v17, v6;
	v29 =	vpop (erf)  }
0x2e0: {  	v27 =	vmul.f32 v27, v27;
	v18 =	vadd.f32 $1.000000000e+00, v18;
	v17 =	vpop (erf);
	(erf) = vrcp.f32 v19  }
0x2e1: {  	v28 =	vadd.f32 $1.000000000e+00, v28;
	v19 =	vmul.f32 v23, v23;
	(erf) = vrcp.f32 v20;
	v20 =	vpop (erf)  }
0x2e2: {  	v21 =	vmul.f32 v21, v21;
	v23 =	vadd.f32 $1.000000000e+00, v27;
	(erf) = vrcp.f32 v18  }
0x2e3: {  	v18 =	vadd.f32 $1.000000000e+00, v24;
	v19 =	vadd.f32 $1.000000000e+00, v19;
	(erf) = vrcp.f32 v28  }
.Ltmp9:
0x2e4: {  	v24 =	vadd.f32 $1.000000000e+00, v26;
	v11 =	vadd.f32 v20, v11;
	(erf) = vrcp.f32 v23;
	(pc) =	sbr.rel @p0 .LBB2_20-.Ltmp9, $4  }
0x2e5: {  	v23 =	vadd.f32 $1.000000000e+00, v21;
	v21 =	vmul.f32 v25, v25;
	(erf) = vrcp.f32 v22  }
0x2e6: {  	v12 =	vadd.f32 v29, v12;
	v22 =	vmul.f32 $1.572731620e+11, v9;
	(erf) = vrcp.f32 v18  }
0x2e7: {  	v20 =	vmul.f32 $6.910100480e+09, v9;
	v18 =	vadd.f32 $1.000000000e+00, v21;
	(erf) = vrcp.f32 v24  }
0x2e8: {  	v21 =	vmul.f32 v22, v22;
	(erf) = vrcp.f32 v23  }
0x2e9: {  	v16 =	vmul.f32 v16, v16  }
0x2ea: {  	v9 =	vmul.f32 $1.448435710e+09, v9;
	v21 =	vadd.f32 $1.000000000e+00, v21  }
0x2eb: {  	(erf) = vrcp.f32 v19;
	v19 =	vpop (erf);
	v20 =	vmul.f32 v20, v20;
	v16 =	vadd.f32 $1.000000000e+00, v16  }
0x2ec: {  	v22 =	vpop (erf);
	v9 =	vmul.f32 v9, v9;
	(erf) = vrcp.f32 v21  }
0x2ed: {  	(erf) = vrcp.f32 v16;
	v16 =	vadd.f32 $1.000000000e+00, v20  }
0x2ee: {  	v9 =	vadd.f32 $1.000000000e+00, v9;
	v21 =	vpop (erf)  }
0x2ef: {  	v20 =	vpop (erf);
	(erf) = vrcp.f32 v18  }
0x2f0: {  	v18 =	vpop (erf);
	(erf) = vrcp.f32 v16  }
0x2f1: {  	v16 =	vpop (erf);
	(erf) = vrcp.f32 v9  }
0x2f2: {  	v9 =	vpop (erf)  }
0x2f3: {  	v23 =	vpop (erf)  }
0x2f4: {  	v24 =	vpop (erf)  }
0x2f5: {  	v25 =	vpop (erf)  }
0x2f6: {  	v10 =	vmul.f32 v10, v10;
	v26 =	vpop (erf)  }
0x2f7: {  	v2 =	vadd.f32 v17, v2;
	v27 =	vpop (erf)  }
0x2f8: {  	v10 =	vadd.f32 $1.000000000e+00, v10;
	v4 =	vadd.f32 v21, v4;
	v17 =	vpop (erf)  }
0x2f9: {  	v15 =	vadd.f32 v22, v15;
	v1 =	vadd.f32 v20, v1;
	v22 =	vpop (erf)  }
0x2fa: {  	[tilespmem:$0x2AE0] =	vst v4;
	v5 =	vadd.f32 v23, v5;
	v63 =	vpop (erf);
	(erf) = vrcp.f32 v10  }
0x2fb: {  	[tilespmem:$0x2B30] =	vst v1;
	v8 =	vadd.f32 v24, v8  }
0x2fc: {  	v14 =	vadd.f32 v19, v14;
	[tilespmem:$0x2B20] =	vst v5;
	v2 =	vadd.f32 v27, v2  }
0x2fd: {  	[tilespmem:$0x2AC0] =	vst v8;
	v4 =	vadd.f32 v26, v12  }
0x2fe: {  	[tilespmem:$0x2AA0] =	vst v2;
	v2 =	vadd.f32 v22, v14  }
0x2ff: {  	v8 =	vadd.f32 v17, v11;
	[tilespmem:$0x2B10] =	vst v4  }
0x300: {  	[tilespmem:$0x2AD0] =	vst v2;
	v2 =	vadd.f32 v9, v7  }
0x301: {  	v4 =	vadd.f32 v25, v6;
	v15 =	vadd.f32 v63, v15;
	[tilespmem:$0x2AF0] =	vst v8  }
0x302: {  	[tilespmem:$0x2B00] =	vst v2;
	v2 =	vadd.f32 v18, v3;
	v3 =	vadd.f32 v16, v13  }
0x303: {  	[tilespmem:$0x2B50] =	vst v4;
	v5 =	vpop (erf)  }
0x304: {  	[tilespmem:$0x2AB0] =	vst v15;
	v1 =	vadd.f32 v5, v3  }
0x305: {  	[tilespmem:$0x2B40] =	vst v2  }
0x306: {  	s13 =	simm.s32 $0x0;
	[tilespmem:$0x2B60] =	vst v1  }
0x307: {  	v1 =	vld [tilespmem:s13+$0x1200];
	_ =	sdelay $0x4  }
0x308: {  	v3 =	vmul.f32 $1.707693780e+13, v1  }
0x309: {  	v2 =	vmul.f32 $3.886693070e+14, v1;
	v4 =	vmul.f32 $2.013356800e+17, v1  }
0x30a: {  	v5 =	vmul.f32 $1.932159970e+16, v1;
	v6 =	vmul.f32 $8.146951490e+13, v1  }
0x30b: {  	v7 =	vmul.f32 $4.220225420e+16, v1;
	v8 =	vmul.f32 $9.217819290e+16, v1  }
0x30c: {  	v9 =	vmul.f32 $1.854237640e+15, v1;
	v2 =	vmul.f32 v2, v2  }
0x30d: {  	v10 =	vmul.f32 $8.846073020e+15, v1;
	v5 =	vmul.f32 v5, v5  }
0x30e: {  	v7 =	vmul.f32 v7, v7;
	v9 =	vmul.f32 v9, v9;
	v2 =	vadd.f32 $1.000000000e+00, v2  }
0x30f: {  	v6 =	vmul.f32 v6, v6;
	v8 =	vmul.f32 v8, v8;
	v5 =	vadd.f32 $1.000000000e+00, v5  }
0x310: {  	v7 =	vadd.f32 $1.000000000e+00, v7;
	(erf) = vrcp.f32 v2;
	v2 =	vmul.f32 v10, v10  }
0x311: {  	v3 =	vmul.f32 v3, v3;
	v9 =	vadd.f32 $1.000000000e+00, v9;
	(erf) = vrcp.f32 v5  }
0x312: {  	s31 =	simm.s32 $0x10;
	v5 =	vmul.f32 $8.489318270e+14, v1;
	v10 =	vadd.f32 $1.000000000e+00, v2;
	(erf) = vrcp.f32 v7  }
0x313: {  	v6 =	vadd.f32 $1.000000000e+00, v6;
	v7 =	vmul.f32 $4.050027190e+15, v1;
	(erf) = vrcp.f32 v9;
	v9 =	vld [tilespmem:s31+$0x1200]  }
0x314: {  	v5 =	vmul.f32 v5, v5;
	(erf) = vrcp.f32 v10  }
0x315: {  	v8 =	vadd.f32 $1.000000000e+00, v8;
	v7 =	vmul.f32 v7, v7;
	(erf) = vrcp.f32 v6  }
0x316: {  	v6 =	vmul.f32 $1.779457800e+14, v1;
	v1 =	vmul.f32 $3.729946310e+13, v1  }
0x317: {  	(erf) = vrcp.f32 v8;
	v8 =	vmul.f32 v4, v4  }
0x318: {  	v6 =	vmul.f32 v6, v6;
	v16 =	vmul.f32 $1.707693780e+13, v9  }
0x319: {  	v3 =	vadd.f32 $1.000000000e+00, v3;
	v10 =	vmul.f32 $2.013356800e+17, v9;
	v12 =	vmul.f32 $8.146951490e+13, v9  }
0x31a: {  	v7 =	vadd.f32 $1.000000000e+00, v7;
	v13 =	vmul.f32 $9.217819290e+16, v9;
	v15 =	vmul.f32 $3.886693070e+14, v9  }
0x31b: {  	v2 =	vimm.f32 $0.0e+00;
	v18 =	vmul.f32 $8.489318270e+14, v9;
	v17 =	vmul.f32 $1.854237640e+15, v9  }
0x31c: {  	v5 =	vadd.f32 $1.000000000e+00, v5;
	v4 =	vpop (erf);
	(erf) = vrcp.f32 v7;
	v7 =	vmul.f32 v1, v1  }
0x31d: {  	v14 =	vadd.f32 $1.000000000e+00, v8;
	v19 =	vmul.f32 $4.220225420e+16, v9;
	v20 =	vmul.f32 $8.846073020e+15, v9  }
0x31e: {  	v21 =	vmul.f32 $1.932159970e+16, v9;
	v6 =	vadd.f32 $1.000000000e+00, v6;
	v1 =	vpop (erf);
	(erf) = vrcp.f32 v3  }
0x31f: {  	v4 =	vadd.f32 v4, v2;
	v15 =	vmul.f32 v15, v15;
	(erf) = vrcp.f32 v5;
	v3 =	vpop (erf)  }
0x320: {  	v22 =	vmul.f32 v17, v17;
	v20 =	vmul.f32 v20, v20;
	v11 =	vadd.f32 $1.000000000e+00, v7;
	v7 =	vpop (erf)  }
0x321: {  	v17 =	vmul.f32 v21, v21;
	v19 =	vmul.f32 v19, v19;
	v1 =	vadd.f32 v1, v2;
	v5 =	vpop (erf)  }
0x322: {  	v12 =	vmul.f32 v12, v12;
	v3 =	vadd.f32 v3, v2;
	v15 =	vadd.f32 $1.000000000e+00, v15;
	v8 =	vpop (erf)  }
0x323: {  	v7 =	vadd.f32 v7, v2;
	v5 =	vadd.f32 v5, v2;
	(erf) = vrcp.f32 v6;
	v21 =	vpop (erf)  }
0x324: {  	(erf) = vrcp.f32 v11;
	v6 =	vadd.f32 v21, v2;
	v21 =	vadd.f32 $1.000000000e+00, v17  }
0x325: {  	v11 =	vmul.f32 v13, v13;
	v13 =	vadd.f32 $1.000000000e+00, v19;
	(erf) = vrcp.f32 v15  }
0x326: {  	v8 =	vadd.f32 v8, v2;
	v15 =	vadd.f32 $1.000000000e+00, v22;
	v23 =	vpop (erf);
	(erf) = vrcp.f32 v21  }
0x327: {  	v22 =	vadd.f32 $1.000000000e+00, v20;
	v19 =	vadd.f32 $1.000000000e+00, v11;
	v17 =	vpop (erf);
	(erf) = vrcp.f32 v13  }
0x328: {  	v13 =	vmul.f32 v18, v18;
	v21 =	vpop (erf);
	(erf) = vrcp.f32 v14;
	v14 =	vadd.f32 $1.000000000e+00, v12  }
0x329: {  	v20 =	vmul.f32 $1.779457800e+14, v9;
	v12 =	vadd.f32 v23, v2;
	v11 =	vadd.f32 v21, v2  }
0x32a: {  	v21 =	vmul.f32 $4.050027190e+15, v9;
	(erf) = vrcp.f32 v15;
	v18 =	vadd.f32 $1.000000000e+00, v13  }
0x32b: {  	v15 =	vimm.f32 $0.0e+00;
	v13 =	vimm.f32 $0.0e+00;
	(erf) = vrcp.f32 v22  }
0x32c: {  	s13 =	simm.s32 $0x80;
	v21 =	vmul.f32 v21, v21;
	(erf) = vrcp.f32 v14;
	v14 =	vimm.f32 $0.0e+00  }
.LBB2_22:
0x32d: {  	s14 =	sshra.s32 s13, $0x2;
	p0 =	sne.s32 s13, $0x47C0;
	s13 =	sadd.s32 $0x40, s13;
	v16 =	vmul.f32 v16, v16;
	(erf) = vrcp.f32 v19;
	v2 =	vadd.f32 v17, v2;
	v17 =	vpop (erf)  }
0x32e: {  	v19 =	vmul.f32 $3.729946310e+13, v9;
	v9 =	vld [tilespmem:s14+$0x1200];
	v21 =	vadd.f32 $1.000000000e+00, v21;
	v14 =	vadd.f32 v17, v14;
	v17 =	vpop (erf)  }
0x32f: {  	v22 =	vmul.f32 v10, v10;
	v16 =	vadd.f32 $1.000000000e+00, v16;
	v10 =	vpop (erf);
	v15 =	vadd.f32 v17, v15  }
0x330: {  	v23 =	vmul.f32 v19, v19;
	v4 =	vadd.f32 v10, v4;
	(erf) = vrcp.f32 v21;
	v10 =	vpop (erf)  }
0x331: {  	v19 =	vmul.f32 v20, v20;
	v1 =	vadd.f32 v10, v1;
	(erf) = vrcp.f32 v16;
	v10 =	vpop (erf)  }
0x332: {  	v20 =	vadd.f32 $1.000000000e+00, v23;
	v3 =	vadd.f32 v10, v3;
	(erf) = vrcp.f32 v18;
	v17 =	vpop (erf)  }
0x333: {  	v16 =	vmul.f32 $1.707693780e+13, v9;
	v10 =	vmul.f32 $2.013356800e+17, v9;
	v18 =	vpop (erf);
	v13 =	vadd.f32 v17, v13  }
0x334: {  	v22 =	vadd.f32 $1.000000000e+00, v22;
	v21 =	vmul.f32 $8.146951490e+13, v9;
	v23 =	vmul.f32 $9.217819290e+16, v9;
	v17 =	vpop (erf)  }
0x335: {  	v24 =	vmul.f32 $3.886693070e+14, v9;
	v25 =	vmul.f32 $8.489318270e+14, v9;
	v5 =	vadd.f32 v17, v5;
	v17 =	vpop (erf)  }
0x336: {  	v26 =	vmul.f32 $1.854237640e+15, v9;
	v27 =	vmul.f32 $4.220225420e+16, v9;
	v8 =	vadd.f32 v17, v8;
	v17 =	vpop (erf)  }
0x337: {  	v28 =	vmul.f32 $8.846073020e+15, v9;
	v30 =	vmul.f32 $1.932159970e+16, v9;
	v7 =	vadd.f32 v18, v7  }
0x338: {  	v19 =	vadd.f32 $1.000000000e+00, v19;
	v18 =	vmul.f32 v24, v24;
	v24 =	vmul.f32 v26, v26  }
0x339: {  	v26 =	vmul.f32 v28, v28;
	v28 =	vmul.f32 v30, v30;
	v6 =	vadd.f32 v17, v6;
	v29 =	vpop (erf)  }
0x33a: {  	v27 =	vmul.f32 v27, v27;
	v18 =	vadd.f32 $1.000000000e+00, v18;
	v17 =	vpop (erf);
	(erf) = vrcp.f32 v19  }
0x33b: {  	v28 =	vadd.f32 $1.000000000e+00, v28;
	v19 =	vmul.f32 v23, v23;
	(erf) = vrcp.f32 v20;
	v20 =	vpop (erf)  }
0x33c: {  	v21 =	vmul.f32 v21, v21;
	v23 =	vadd.f32 $1.000000000e+00, v27;
	(erf) = vrcp.f32 v18  }
0x33d: {  	v18 =	vadd.f32 $1.000000000e+00, v24;
	v19 =	vadd.f32 $1.000000000e+00, v19;
	(erf) = vrcp.f32 v28  }
.Ltmp10:
0x33e: {  	v24 =	vadd.f32 $1.000000000e+00, v26;
	v11 =	vadd.f32 v20, v11;
	(erf) = vrcp.f32 v23;
	(pc) =	sbr.rel @p0 .LBB2_22-.Ltmp10, $4  }
0x33f: {  	v23 =	vadd.f32 $1.000000000e+00, v21;
	v21 =	vmul.f32 v25, v25;
	(erf) = vrcp.f32 v22  }
0x340: {  	v12 =	vadd.f32 v29, v12;
	v22 =	vmul.f32 $4.050027190e+15, v9;
	(erf) = vrcp.f32 v18  }
0x341: {  	v20 =	vmul.f32 $1.779457800e+14, v9;
	v18 =	vadd.f32 $1.000000000e+00, v21;
	(erf) = vrcp.f32 v24  }
0x342: {  	v21 =	vmul.f32 v22, v22;
	(erf) = vrcp.f32 v23  }
0x343: {  	v16 =	vmul.f32 v16, v16  }
0x344: {  	v9 =	vmul.f32 $3.729946310e+13, v9;
	v21 =	vadd.f32 $1.000000000e+00, v21  }
0x345: {  	(erf) = vrcp.f32 v19;
	v19 =	vpop (erf);
	v20 =	vmul.f32 v20, v20;
	v16 =	vadd.f32 $1.000000000e+00, v16  }
0x346: {  	v22 =	vpop (erf);
	v9 =	vmul.f32 v9, v9;
	(erf) = vrcp.f32 v21  }
0x347: {  	(erf) = vrcp.f32 v16;
	v16 =	vadd.f32 $1.000000000e+00, v20  }
0x348: {  	v9 =	vadd.f32 $1.000000000e+00, v9;
	v21 =	vpop (erf)  }
0x349: {  	v20 =	vpop (erf);
	(erf) = vrcp.f32 v18  }
0x34a: {  	v18 =	vpop (erf);
	(erf) = vrcp.f32 v16  }
0x34b: {  	v16 =	vpop (erf);
	(erf) = vrcp.f32 v9  }
0x34c: {  	v9 =	vpop (erf)  }
0x34d: {  	v23 =	vpop (erf)  }
0x34e: {  	v24 =	vpop (erf)  }
0x34f: {  	v25 =	vpop (erf)  }
0x350: {  	v10 =	vmul.f32 v10, v10;
	v26 =	vpop (erf)  }
0x351: {  	v2 =	vadd.f32 v17, v2;
	v27 =	vpop (erf)  }
0x352: {  	v10 =	vadd.f32 $1.000000000e+00, v10;
	v4 =	vadd.f32 v21, v4;
	v17 =	vpop (erf)  }
0x353: {  	v15 =	vadd.f32 v22, v15;
	v1 =	vadd.f32 v20, v1;
	v22 =	vpop (erf)  }
0x354: {  	[tilespmem:$0x2BB0] =	vst v4;
	v5 =	vadd.f32 v23, v5;
	v63 =	vpop (erf);
	(erf) = vrcp.f32 v10  }
0x355: {  	[tilespmem:$0x2C00] =	vst v1;
	v8 =	vadd.f32 v24, v8  }
0x356: {  	v14 =	vadd.f32 v19, v14;
	[tilespmem:$0x2BF0] =	vst v5;
	v2 =	vadd.f32 v27, v2  }
0x357: {  	[tilespmem:$0x2B90] =	vst v8;
	v4 =	vadd.f32 v26, v12  }
0x358: {  	[tilespmem:$0x2B70] =	vst v2;
	v2 =	vadd.f32 v22, v14  }
0x359: {  	v8 =	vadd.f32 v17, v11;
	[tilespmem:$0x2BE0] =	vst v4  }
0x35a: {  	[tilespmem:$0x2BA0] =	vst v2;
	v2 =	vadd.f32 v9, v7  }
0x35b: {  	v4 =	vadd.f32 v25, v6;
	v15 =	vadd.f32 v63, v15;
	[tilespmem:$0x2BC0] =	vst v8  }
0x35c: {  	[tilespmem:$0x2BD0] =	vst v2;
	v2 =	vadd.f32 v18, v3;
	v3 =	vadd.f32 v16, v13  }
0x35d: {  	[tilespmem:$0x2C20] =	vst v4;
	v5 =	vpop (erf)  }
0x35e: {  	[tilespmem:$0x2B80] =	vst v15;
	v1 =	vadd.f32 v5, v3  }
0x35f: {  	[tilespmem:$0x2C10] =	vst v2  }
0x360: {  	s13 =	simm.s32 $0x0;
	[tilespmem:$0x2C30] =	vst v1  }
0x361: {  	v1 =	vld [tilespmem:s13+$0x1200];
	_ =	sdelay $0x4  }
0x362: {  	v3 =	vmul.f32 $4.397575780e+17, v1  }
0x363: {  	v2 =	vmul.f32 $1.000883680e+19, v1;
	v4 =	vmul.f32 $5.184705460e+21, v1  }
0x364: {  	v5 =	vmul.f32 $4.975610650e+20, v1;
	v6 =	vmul.f32 $2.097966040e+18, v1  }
0x365: {  	v7 =	vmul.f32 $1.086773340e+21, v1;
	v8 =	vmul.f32 $2.373731110e+21, v1  }
0x366: {  	v9 =	vmul.f32 $4.774948540e+19, v1;
	v2 =	vmul.f32 v2, v2  }
0x367: {  	v10 =	vmul.f32 $2.278000560e+20, v1;
	v5 =	vmul.f32 v5, v5  }
0x368: {  	v7 =	vmul.f32 v7, v7;
	v9 =	vmul.f32 v9, v9;
	v2 =	vadd.f32 $1.000000000e+00, v2  }
0x369: {  	v6 =	vmul.f32 v6, v6;
	v8 =	vmul.f32 v8, v8;
	v5 =	vadd.f32 $1.000000000e+00, v5  }
0x36a: {  	v7 =	vadd.f32 $1.000000000e+00, v7;
	(erf) = vrcp.f32 v2;
	v2 =	vmul.f32 v10, v10  }
0x36b: {  	v3 =	vmul.f32 v3, v3;
	v9 =	vadd.f32 $1.000000000e+00, v9;
	(erf) = vrcp.f32 v5  }
0x36c: {  	s31 =	simm.s32 $0x10;
	v5 =	vmul.f32 $2.186130820e+19, v1;
	v10 =	vadd.f32 $1.000000000e+00, v2;
	(erf) = vrcp.f32 v7  }
0x36d: {  	v6 =	vadd.f32 $1.000000000e+00, v6;
	v7 =	vmul.f32 $1.042944660e+20, v1;
	(erf) = vrcp.f32 v9;
	v9 =	vld [tilespmem:s31+$0x1200]  }
0x36e: {  	v5 =	vmul.f32 v5, v5;
	(erf) = vrcp.f32 v10  }
0x36f: {  	v8 =	vadd.f32 $1.000000000e+00, v8;
	v7 =	vmul.f32 v7, v7;
	(erf) = vrcp.f32 v6  }
0x370: {  	v6 =	vmul.f32 $4.582379090e+18, v1;
	v1 =	vmul.f32 $9.605188580e+17, v1  }
0x371: {  	(erf) = vrcp.f32 v8;
	v8 =	vmul.f32 v4, v4  }
0x372: {  	v6 =	vmul.f32 v6, v6;
	v16 =	vmul.f32 $4.397575780e+17, v9  }
0x373: {  	v3 =	vadd.f32 $1.000000000e+00, v3;
	v10 =	vmul.f32 $5.184705460e+21, v9;
	v12 =	vmul.f32 $2.097966040e+18, v9  }
0x374: {  	v7 =	vadd.f32 $1.000000000e+00, v7;
	v13 =	vmul.f32 $2.373731110e+21, v9;
	v15 =	vmul.f32 $1.000883680e+19, v9  }
0x375: {  	v2 =	vimm.f32 $0.0e+00;
	v18 =	vmul.f32 $2.186130820e+19, v9;
	v17 =	vmul.f32 $4.774948540e+19, v9  }
0x376: {  	v5 =	vadd.f32 $1.000000000e+00, v5;
	v4 =	vpop (erf);
	(erf) = vrcp.f32 v7;
	v7 =	vmul.f32 v1, v1  }
0x377: {  	v14 =	vadd.f32 $1.000000000e+00, v8;
	v19 =	vmul.f32 $1.086773340e+21, v9;
	v20 =	vmul.f32 $2.278000560e+20, v9  }
0x378: {  	v21 =	vmul.f32 $4.975610650e+20, v9;
	v6 =	vadd.f32 $1.000000000e+00, v6;
	v1 =	vpop (erf);
	(erf) = vrcp.f32 v3  }
0x379: {  	v4 =	vadd.f32 v4, v2;
	v15 =	vmul.f32 v15, v15;
	(erf) = vrcp.f32 v5;
	v3 =	vpop (erf)  }
0x37a: {  	v22 =	vmul.f32 v17, v17;
	v20 =	vmul.f32 v20, v20;
	v11 =	vadd.f32 $1.000000000e+00, v7;
	v7 =	vpop (erf)  }
0x37b: {  	v17 =	vmul.f32 v21, v21;
	v19 =	vmul.f32 v19, v19;
	v1 =	vadd.f32 v1, v2;
	v5 =	vpop (erf)  }
0x37c: {  	v12 =	vmul.f32 v12, v12;
	v3 =	vadd.f32 v3, v2;
	v15 =	vadd.f32 $1.000000000e+00, v15;
	v8 =	vpop (erf)  }
0x37d: {  	v7 =	vadd.f32 v7, v2;
	v5 =	vadd.f32 v5, v2;
	(erf) = vrcp.f32 v6;
	v21 =	vpop (erf)  }
0x37e: {  	(erf) = vrcp.f32 v11;
	v6 =	vadd.f32 v21, v2;
	v21 =	vadd.f32 $1.000000000e+00, v17  }
0x37f: {  	v11 =	vmul.f32 v13, v13;
	v13 =	vadd.f32 $1.000000000e+00, v19;
	(erf) = vrcp.f32 v15  }
0x380: {  	v8 =	vadd.f32 v8, v2;
	v15 =	vadd.f32 $1.000000000e+00, v22;
	v23 =	vpop (erf);
	(erf) = vrcp.f32 v21  }
0x381: {  	v22 =	vadd.f32 $1.000000000e+00, v20;
	v19 =	vadd.f32 $1.000000000e+00, v11;
	v17 =	vpop (erf);
	(erf) = vrcp.f32 v13  }
0x382: {  	v13 =	vmul.f32 v18, v18;
	v21 =	vpop (erf);
	(erf) = vrcp.f32 v14;
	v14 =	vadd.f32 $1.000000000e+00, v12  }
0x383: {  	v20 =	vmul.f32 $4.582379090e+18, v9;
	v12 =	vadd.f32 v23, v2;
	v11 =	vadd.f32 v21, v2  }
0x384: {  	v21 =	vmul.f32 $1.042944660e+20, v9;
	(erf) = vrcp.f32 v15;
	v18 =	vadd.f32 $1.000000000e+00, v13  }
0x385: {  	v15 =	vimm.f32 $0.0e+00;
	v13 =	vimm.f32 $0.0e+00;
	(erf) = vrcp.f32 v22  }
0x386: {  	s13 =	simm.s32 $0x80;
	v21 =	vmul.f32 v21, v21;
	(erf) = vrcp.f32 v14;
	v14 =	vimm.f32 $0.0e+00  }
.LBB2_24:
0x387: {  	s14 =	sshra.s32 s13, $0x2;
	p0 =	sne.s32 s13, $0x47C0;
	s13 =	sadd.s32 $0x40, s13;
	v16 =	vmul.f32 v16, v16;
	(erf) = vrcp.f32 v19;
	v2 =	vadd.f32 v17, v2;
	v17 =	vpop (erf)  }
0x388: {  	v19 =	vmul.f32 $9.605188580e+17, v9;
	v9 =	vld [tilespmem:s14+$0x1200];
	v21 =	vadd.f32 $1.000000000e+00, v21;
	v14 =	vadd.f32 v17, v14;
	v17 =	vpop (erf)  }
0x389: {  	v22 =	vmul.f32 v10, v10;
	v16 =	vadd.f32 $1.000000000e+00, v16;
	v10 =	vpop (erf);
	v15 =	vadd.f32 v17, v15  }
0x38a: {  	v23 =	vmul.f32 v19, v19;
	v4 =	vadd.f32 v10, v4;
	(erf) = vrcp.f32 v21;
	v10 =	vpop (erf)  }
0x38b: {  	v19 =	vmul.f32 v20, v20;
	v1 =	vadd.f32 v10, v1;
	(erf) = vrcp.f32 v16;
	v10 =	vpop (erf)  }
0x38c: {  	v20 =	vadd.f32 $1.000000000e+00, v23;
	v3 =	vadd.f32 v10, v3;
	(erf) = vrcp.f32 v18;
	v17 =	vpop (erf)  }
0x38d: {  	v16 =	vmul.f32 $4.397575780e+17, v9;
	v10 =	vmul.f32 $5.184705460e+21, v9;
	v18 =	vpop (erf);
	v13 =	vadd.f32 v17, v13  }
0x38e: {  	v22 =	vadd.f32 $1.000000000e+00, v22;
	v21 =	vmul.f32 $2.097966040e+18, v9;
	v23 =	vmul.f32 $2.373731110e+21, v9;
	v17 =	vpop (erf)  }
0x38f: {  	v24 =	vmul.f32 $1.000883680e+19, v9;
	v25 =	vmul.f32 $2.186130820e+19, v9;
	v5 =	vadd.f32 v17, v5;
	v17 =	vpop (erf)  }
0x390: {  	v26 =	vmul.f32 $4.774948540e+19, v9;
	v27 =	vmul.f32 $1.086773340e+21, v9;
	v8 =	vadd.f32 v17, v8;
	v17 =	vpop (erf)  }
0x391: {  	v28 =	vmul.f32 $2.278000560e+20, v9;
	v30 =	vmul.f32 $4.975610650e+20, v9;
	v7 =	vadd.f32 v18, v7  }
0x392: {  	v19 =	vadd.f32 $1.000000000e+00, v19;
	v18 =	vmul.f32 v24, v24;
	v24 =	vmul.f32 v26, v26  }
0x393: {  	v26 =	vmul.f32 v28, v28;
	v28 =	vmul.f32 v30, v30;
	v6 =	vadd.f32 v17, v6;
	v29 =	vpop (erf)  }
0x394: {  	v27 =	vmul.f32 v27, v27;
	v18 =	vadd.f32 $1.000000000e+00, v18;
	v17 =	vpop (erf);
	(erf) = vrcp.f32 v19  }
0x395: {  	v28 =	vadd.f32 $1.000000000e+00, v28;
	v19 =	vmul.f32 v23, v23;
	(erf) = vrcp.f32 v20;
	v20 =	vpop (erf)  }
0x396: {  	v21 =	vmul.f32 v21, v21;
	v23 =	vadd.f32 $1.000000000e+00, v27;
	(erf) = vrcp.f32 v18  }
0x397: {  	v18 =	vadd.f32 $1.000000000e+00, v24;
	v19 =	vadd.f32 $1.000000000e+00, v19;
	(erf) = vrcp.f32 v28  }
.Ltmp11:
0x398: {  	v24 =	vadd.f32 $1.000000000e+00, v26;
	v11 =	vadd.f32 v20, v11;
	(erf) = vrcp.f32 v23;
	(pc) =	sbr.rel @p0 .LBB2_24-.Ltmp11, $4  }
0x399: {  	v23 =	vadd.f32 $1.000000000e+00, v21;
	v21 =	vmul.f32 v25, v25;
	(erf) = vrcp.f32 v22  }
0x39a: {  	v12 =	vadd.f32 v29, v12;
	v22 =	vmul.f32 $1.042944660e+20, v9;
	(erf) = vrcp.f32 v18  }
0x39b: {  	v20 =	vmul.f32 $4.582379090e+18, v9;
	v18 =	vadd.f32 $1.000000000e+00, v21;
	(erf) = vrcp.f32 v24  }
0x39c: {  	v21 =	vmul.f32 v22, v22;
	(erf) = vrcp.f32 v23  }
0x39d: {  	[tilespmem:$0x2D10] =	vst v0  }
0x39e: {  	[tilespmem:$0x2D20] =	vst v0  }
0x39f: {  	[tilespmem:$0x2D30] =	vst v0  }
0x3a0: {  	v16 =	vmul.f32 v16, v16;
	[tilespmem:$0x2D40] =	vst v0  }
0x3a1: {  	[tilespmem:$0x2D50] =	vst v0;
	v21 =	vadd.f32 $1.000000000e+00, v21  }
0x3a2: {  	(erf) = vrcp.f32 v19;
	v50 =	vpop (erf);
	v20 =	vmul.f32 v20, v20;
	[tilespmem:$0x2D60] =	vst v0;
	v16 =	vadd.f32 $1.000000000e+00, v16  }
0x3a3: {  	v9 =	vmul.f32 $9.605188580e+17, v9;
	[tilespmem:$0x2D70] =	vst v0;
	v22 =	vpop (erf);
	(erf) = vrcp.f32 v21  }
0x3a4: {  	[tilespmem:$0x2D80] =	vst v0;
	v51 =	vpop (erf);
	v52 =	vadd.f32 $1.000000000e+00, v20;
	(erf) = vrcp.f32 v16  }
0x3a5: {  	[tilespmem:$0x2D90] =	vst v0;
	v9 =	vmul.f32 v9, v9;
	v53 =	vpop (erf);
	(erf) = vrcp.f32 v18  }
0x3a6: {  	[tilespmem:$0x2DA0] =	vst v0;
	v54 =	vpop (erf);
	(erf) = vrcp.f32 v52  }
0x3a7: {  	[tilespmem:$0x2DB0] =	vst v0;
	v9 =	vadd.f32 $1.000000000e+00, v9;
	v55 =	vpop (erf)  }
0x3a8: {  	v10 =	vmul.f32 v10, v10;
	[tilespmem:$0x2DC0] =	vst v0;
	v56 =	vpop (erf)  }
0x3a9: {  	[tilespmem:$0x2DD0] =	vst v0;
	(erf) = vrcp.f32 v9;
	v23 =	vpop (erf)  }
0x3aa: {  	[tilespmem:$0x2DE0] =	vst v0;
	v10 =	vadd.f32 $1.000000000e+00, v10;
	v4 =	vadd.f32 v51, v4;
	v24 =	vpop (erf)  }
0x3ab: {  	[tilespmem:$0x2DF0] =	vst v0;
	v1 =	vadd.f32 v53, v1;
	v25 =	vpop (erf)  }
0x3ac: {  	v2 =	vadd.f32 v17, v2;
	[tilespmem:$0x2C80] =	vst v4;
	v5 =	vadd.f32 v23, v5;
	v26 =	vpop (erf);
	(erf) = vrcp.f32 v10  }
0x3ad: {  	[tilespmem:$0x2CD0] =	vst v1;
	v8 =	vadd.f32 v24, v8;
	v27 =	vpop (erf)  }
0x3ae: {  	v14 =	vadd.f32 v50, v14;
	[tilespmem:$0x2CC0] =	vst v5;
	v57 =	vpop (erf);
	v2 =	vadd.f32 v27, v2  }
0x3af: {  	v62 =	vadd.f32 v25, v6;
	[tilespmem:$0x2C60] =	vst v8;
	v58 =	vpop (erf)  }
0x3b0: {  	[tilespmem:$0x2C40] =	vst v2;
	v2 =	vadd.f32 v58, v14  }
0x3b1: {  	v15 =	vadd.f32 v22, v15;
	[tilespmem:$0x2CF0] =	vst v62;
	v61 =	vadd.f32 v26, v12  }
0x3b2: {  	v59 =	vpop (erf);
	[tilespmem:$0x2C70] =	vst v2;
	v2 =	vadd.f32 v56, v7  }
0x3b3: {  	v60 =	vadd.f32 v57, v11;
	[tilespmem:$0x2CB0] =	vst v61;
	v15 =	vadd.f32 v59, v15  }
0x3b4: {  	[tilespmem:$0x2CA0] =	vst v2;
	v2 =	vadd.f32 v54, v3;
	v3 =	vadd.f32 v55, v13  }
0x3b5: {  	[tilespmem:$0x2C90] =	vst v60;
	v63 =	vpop (erf)  }
0x3b6: {  	s12 =	sadd.s32 $0x1, s12;
	[tilespmem:$0x2C50] =	vst v15;
	v1 =	vadd.f32 v63, v3  }
0x3b7: {  	p0 =	sne.s32 s12, s6;
	[tilespmem:$0x2CE0] =	vst v2  }
.Ltmp12:
0x3b8: {  	[tilespmem:$0x2D00] =	vst v1;
	(pc) =	sbr.rel @p0 .LBB2_1-.Ltmp12, $4  }
0x3b9: {  	[hbm4b:s5+s7] =	stream.strided.scatter [tilespmem:s11], [sflag:$0x1], $0xA00, s10, s7, $0x38;
	[tilespmem:$0x2E00] =	vst v63  }
0x3ba: {  	_ =	swait.ge [sflag:s9], $0xA00  }
0x3bb: {  	[sflag:s9] =	ssyncset.done $0x0  }
0x3bc: {  	[sflag:s9] =	ssyncadd.s32 $0xFFFFF600  }
0x3bd: {  	_ =	sfence.sel $0x180000  }
0x3be: {  	[bflag:$0x0] =	sbarrier.arrive $0xFFFF  }
0x3bf: {  	p0 =	sne.s32 s0, $0x0;
	_ =	strace $0x90000047  }
0x3c0: {  	s0 =	sadd.s32 @!p0 $0x100000, s1;
	[bflag:$0x2] =	sbarrier.arrive $0xFFFF  }
0x3c1: {  	[sflag:s0] =	ssyncadd.tile.s32 @!p0 $0x1;
	_ =	shalt  }
.Lfunc_end2:
_tile_overlayer_lowered:
.L_overlay_start_2:
0x3c2: {  	(tag) =	ssettag $0x2  }
0x3c3: {  	s0 =	rddreg [dreg:$0x0];
	s2 =	stileid.u32  }
0x3c4: {  	s1 =	rddreg [dreg:$0x1];
	p0 =	sne.s32 s2, $0x0  }
0x3c5: {  	s3 =	rddreg [dreg:$0x2];
	[bflag:$0x3] =	sbarrier.arrive $0xFFFF;
	s2 =	simm.s32 @!p0 $0x1C01  }
0x3c6: {  	[timem:s3], [sflag:s2] =	dma.local @!p0 [hbm:s0], s1  }
0x3c7: {  	s0 =	simm.s32 @!p0 $0x1  }
0x3c8: {  	_ =	swait.ge @!p0 [sflag:s0], s1  }
0x3c9: {  	s1 =	ssub.s32 @!p0 $0x0, s1;
	[sflag:s0] =	ssyncset.done @!p0 $0x0  }
0x3ca: {  	[sflag:s0] =	ssyncadd.s32 @!p0 s1  }
0x3cb: {  	[bflag:$0x3] =	sbarrier.arrive $0xFFFF  }
0x3cc: {  	_ =	shalt  }

</sc_bundles>
